<compile_context>
chip_gen: v7x
topology: tpu7x:2x2x1
jax: 0.10.2.dev20260603
libtpu: 0.0.44.dev20260713+nightly
codegen_flags: <defaults>
</compile_context>

<pallas_src>
import jax
import jax.numpy as jnp
from jax import lax
from jax.experimental import pallas as pl
from jax.experimental.pallas import tpu as pltpu, tpu_sc as plsc

E = 1_600_000
D = 16
OUT_D = 46
L = 16
C = 512
NW = 32
N_CHUNKS = E // C
CPW = -(-N_CHUNKS // NW)
GRPS = C // L

_DNUMS = lax.GatherDimensionNumbers(
    offset_dims=(), collapsed_slice_dims=(0,), start_index_map=(0,))


def _lut16(table_row, idx):
    return lax.gather(table_row, idx.reshape(L, 1), _DNUMS, (1,),
                      mode=lax.GatherScatterMode.PROMISE_IN_BOUNDS)


def _sc_body(ea_hbm, tc_hbm, out_hbm,
             tc_v, in0, in1, st0, st1, sin0, sin1, sout0, sout1):
    wid = lax.axis_index("s") * 2 + lax.axis_index("c")
    pltpu.sync_copy(tc_hbm, tc_v)

    ins = (sin0, sin1)
    outs = (sout0, sout1)
    inbufs = (in0, in1)
    stages = (st0, st1)

    def in_copy(g, b):
        return pltpu.make_async_copy(
            ea_hbm.at[:, pl.ds(g * C, C)], inbufs[b], ins[b])

    def out_copy(g, b):
        return pltpu.make_async_copy(
            stages[b], out_hbm.at[:, pl.ds(g * C, C)], outs[b])

    def compute(b):
        ib = inbufs[b]
        sb = stages[b]

        @plsc.parallel_loop(0, GRPS, step=1, unroll=2)
        def grp(i):
            goff = i * L
            ti = ib[0, pl.ds(goff, L)].astype(jnp.int32)
            ri = ib[1, pl.ds(goff, L)].astype(jnp.int32)
            for j in range(D):
                sb[j, pl.ds(goff, L)] = _lut16(tc_v[j, :], ti)
            for j in range(D):
                sb[D + j, pl.ds(goff, L)] = _lut16(tc_v[D + j, :], ri)
            for c in range(2, D):
                sb[30 + c, pl.ds(goff, L)] = ib[c, pl.ds(goff, L)]

    def do_chunk(k, b):
        g = k * NW + wid

        @pl.when(g < N_CHUNKS)
        def _():
            in_copy(g, b).wait()

            @pl.when(k >= 2)
            def _():
                out_copy(g, b).wait()

            compute(b)
            out_copy(g, b).start()

            @pl.when(g + 2 * NW < N_CHUNKS)
            def _():
                in_copy(g + 2 * NW, b).start()

    @pl.when(wid < N_CHUNKS)
    def _():
        in_copy(wid, 0).start()

    @pl.when(NW + wid < N_CHUNKS)
    def _():
        in_copy(NW + wid, 1).start()

    def pair_body(i, carry):
        do_chunk(2 * i, 0)
        do_chunk(2 * i + 1, 1)
        return carry

    lax.fori_loop(0, CPW // 2, pair_body, 0)

    out_copy(wid, 0).wait()
    out_copy(wid, 1).wait()


@jax.jit
def _run(ea_t, tcols):
    mesh = plsc.VectorSubcoreMesh(core_axis_name="c", subcore_axis_name="s")
    f = pl.kernel(
        _sc_body,
        out_type=jax.ShapeDtypeStruct((OUT_D, E), jnp.float32),
        mesh=mesh,
        scratch_types=[
            pltpu.VMEM((2 * D, L), jnp.float32),
            pltpu.VMEM((D, C), jnp.float32),
            pltpu.VMEM((D, C), jnp.float32),
            pltpu.VMEM((OUT_D, C), jnp.float32),
            pltpu.VMEM((OUT_D, C), jnp.float32),
            pltpu.SemaphoreType.DMA,
            pltpu.SemaphoreType.DMA,
            pltpu.SemaphoreType.DMA,
            pltpu.SemaphoreType.DMA,
        ],
    )
    return f(ea_t, tcols)


def kernel(edge_attr, W_type, W_ring):
    tcols = jnp.concatenate([
        jnp.pad(W_type.T, ((0, 0), (0, L - 10))),
        jnp.pad(W_ring.T, ((0, 0), (0, L - 10))),
    ], axis=0)
    return _run(edge_attr.T, tcols).T

# --- scband reference (transcript-rebuilt; emitter-appended) ---
"""Pipeline reference for scband-embed-bond-chem-74337293959554 (READ-ONLY COPY).

The authoritative reference and input builder live on the scoring server;
editing this copy changes nothing except your own understanding.
"""

import jax, jax.numpy as jnp
import numpy as np

E = 1600000
D = 16
BOND_TYPE_CH = 16
BOND_RING_CH = 16

def setup_inputs(seed: int = 0) -> dict:
    key = jax.random.key(seed)
    k1, k2, k3 = jax.random.split(key, 3)
    # edge_attr: first two columns are categorical codes in [0, 10), rest are features
    edge_attr = jax.random.randint(k1, (E, D), 0, 10).astype(jnp.float32)
    W_type = jax.random.normal(k2, (10, BOND_TYPE_CH), dtype=jnp.float32)
    W_ring = jax.random.normal(k3, (10, BOND_RING_CH), dtype=jnp.float32)
    return {"edge_attr": edge_attr, "W_type": W_type, "W_ring": W_ring}

def reference(edge_attr, W_type, W_ring):
    idx_t = edge_attr[:, 0].astype(jnp.int32)
    idx_r = edge_attr[:, 1].astype(jnp.int32)
    bond_type_channels_data = jnp.take(W_type, idx_t, axis=0)
    bond_ring_channels_data = jnp.take(W_ring, idx_r, axis=0)
    all_bond_embed = jnp.concatenate([bond_type_channels_data, bond_ring_channels_data, edge_attr[:, 2:]], axis=1)
    return all_bond_embed

if __name__ == "__main__":
    import jax
    _d = setup_inputs()
    print(jax.jit(kernel)(*tuple(_d.values())))

</pallas_src>

<mosaic_0001>
#map = affine_map<(d0, d1) -> (0, 0)>
module attributes {stable_mosaic.version = 14 : i64} {
  func.func @_sc_body(%arg0: i32, %arg1: i32, %arg2: memref<16x1600000xf32, #tpu.memory_space<hbm>>, %arg3: memref<32x16xf32, #tpu.memory_space<hbm>>, %arg4: memref<46x1600000xf32, #tpu.memory_space<hbm>>, %arg5: memref<32x16xf32, #tpu.memory_space<vmem>>, %arg6: memref<16x512xf32, #tpu.memory_space<vmem>>, %arg7: memref<16x512xf32, #tpu.memory_space<vmem>>, %arg8: memref<46x512xf32, #tpu.memory_space<vmem>>, %arg9: memref<46x512xf32, #tpu.memory_space<vmem>>, %arg10: memref<!tpu.dma_semaphore, #tpu.memory_space<semaphore_mem>>, %arg11: memref<!tpu.dma_semaphore, #tpu.memory_space<semaphore_mem>>, %arg12: memref<!tpu.dma_semaphore, #tpu.memory_space<semaphore_mem>>, %arg13: memref<!tpu.dma_semaphore, #tpu.memory_space<semaphore_mem>>) attributes {dimension_semantics = [#tpu.dimension_semantics<core_parallel>, #tpu.dimension_semantics<subcore_parallel>], iteration_bounds = array<i64: 2, 16>, scalar_prefetch = 0 : i64, scratch_operands = 9 : i64, tpu.core_type = #tpu.core_type<sc_vector_subcore>, window_params = [{transform_indices = #map}, {transform_indices = #map}, {transform_indices = #map}]} {
    %mul3A = arith.constant 2 : i32
    %mul3A_0 = arith.muli %arg1, %mul3A : i32
    %add3A = arith.addi %mul3A_0, %arg0 : i32
    "tpu.region"() ({
      %run_scoped3A = tpu.sem_alloc : memref<!tpu.dma_semaphore, #tpu.memory_space<semaphore_mem>>
      tpu.enqueue_dma source(%arg3 : memref<32x16xf32, #tpu.memory_space<hbm>>) target(%arg5 : memref<32x16xf32, #tpu.memory_space<vmem>>) target_semaphore(%run_scoped3A : memref<!tpu.dma_semaphore, #tpu.memory_space<semaphore_mem>>)
      tpu.wait_dma2 semaphore(%run_scoped3A : memref<!tpu.dma_semaphore, #tpu.memory_space<semaphore_mem>>) src(%arg3 : memref<32x16xf32, #tpu.memory_space<hbm>>) dst(%arg5 : memref<32x16xf32, #tpu.memory_space<vmem>>)
      tpu.yield
    }) : () -> ()
    %lt3A = arith.constant 3125 : i32
    %lt3A_1 = arith.cmpi slt, %add3A, %lt3A : i32
    %convert_element_type3A = arith.extui %lt3A_1 : i1 to i32
    %cond3A = arith.constant 0 : i32
    %cond3A_2 = arith.cmpi ne, %convert_element_type3A, %cond3A : i32
    scf.if %cond3A_2 {
      %mul3A_26 = arith.constant 512 : i32
      %mul3A_27 = arith.muli %add3A, %mul3A_26 : i32
      %dma_start3A = arith.constant 0 : i32
      %dma_start3A_28 = tpu.memref_slice %arg2[%dma_start3A, %mul3A_27] : memref<16x1600000xf32, #tpu.memory_space<hbm>> -> memref<16x512xf32, #tpu.memory_space<hbm>>
      %dma_start3A_29 = arith.constant 0 : i32
      %dma_start3A_30 = tpu.memref_slice %arg2[%dma_start3A_29, %mul3A_27] : memref<16x1600000xf32, #tpu.memory_space<hbm>> -> memref<16x512xf32, #tpu.memory_space<hbm>>
      tpu.enqueue_dma source(%dma_start3A_30 : memref<16x512xf32, #tpu.memory_space<hbm>>) target(%arg6 : memref<16x512xf32, #tpu.memory_space<vmem>>) target_semaphore(%arg10 : memref<!tpu.dma_semaphore, #tpu.memory_space<semaphore_mem>>)
    } else {
    }
    %add3A_3 = arith.constant 32 : i32
    %add3A_4 = arith.addi %add3A_3, %add3A : i32
    %lt3A_5 = arith.constant 3125 : i32
    %lt3A_6 = arith.cmpi slt, %add3A_4, %lt3A_5 : i32
    %convert_element_type3A_7 = arith.extui %lt3A_6 : i1 to i32
    %cond3A_8 = arith.constant 0 : i32
    %cond3A_9 = arith.cmpi ne, %convert_element_type3A_7, %cond3A_8 : i32
    scf.if %cond3A_9 {
      %add3A_26 = arith.constant 32 : i32
      %add3A_27 = arith.addi %add3A_26, %add3A : i32
      %mul3A_28 = arith.constant 512 : i32
      %mul3A_29 = arith.muli %add3A_27, %mul3A_28 : i32
      %dma_start3A = arith.constant 0 : i32
      %dma_start3A_30 = tpu.memref_slice %arg2[%dma_start3A, %mul3A_29] : memref<16x1600000xf32, #tpu.memory_space<hbm>> -> memref<16x512xf32, #tpu.memory_space<hbm>>
      %dma_start3A_31 = arith.constant 0 : i32
      %dma_start3A_32 = tpu.memref_slice %arg2[%dma_start3A_31, %mul3A_29] : memref<16x1600000xf32, #tpu.memory_space<hbm>> -> memref<16x512xf32, #tpu.memory_space<hbm>>
      tpu.enqueue_dma source(%dma_start3A_32 : memref<16x512xf32, #tpu.memory_space<hbm>>) target(%arg7 : memref<16x512xf32, #tpu.memory_space<vmem>>) target_semaphore(%arg11 : memref<!tpu.dma_semaphore, #tpu.memory_space<semaphore_mem>>)
    } else {
    }
    %scan3A = arith.constant 0 : i32
    %scan3A_10 = arith.constant 0 : i32
    %scan3A_11 = arith.constant 49 : i32
    %scan3A_12 = arith.addi %scan3A_10, %scan3A_11 : i32
    %scan3A_13 = arith.constant 1 : i32
    scf.for %scan3A_26 = %scan3A_10 to %scan3A_12 step %scan3A_13  : i32 {
      %mul3A_27 = arith.constant 2 : i32
      %mul3A_28 = arith.muli %mul3A_27, %scan3A_26 : i32
      %mul3A_29 = arith.constant 32 : i32
      %mul3A_30 = arith.muli %mul3A_28, %mul3A_29 : i32
      %add3A_31 = arith.addi %mul3A_30, %add3A : i32
      %lt3A_32 = arith.constant 3125 : i32
      %lt3A_33 = arith.cmpi slt, %add3A_31, %lt3A_32 : i32
      %convert_element_type3A_34 = arith.extui %lt3A_33 : i1 to i32
      %cond3A_35 = arith.constant 0 : i32
      %cond3A_36 = arith.cmpi ne, %convert_element_type3A_34, %cond3A_35 : i32
      scf.if %cond3A_36 {
        %mul3A_49 = arith.constant 512 : i32
        %mul3A_50 = arith.muli %add3A_31, %mul3A_49 : i32
        %dma_wait3A_51 = arith.constant 0 : i32
        %dma_wait3A_52 = tpu.memref_slice %arg2[%dma_wait3A_51, %mul3A_50] : memref<16x1600000xf32, #tpu.memory_space<hbm>> -> memref<16x512xf32, #tpu.memory_space<hbm>>
        %dma_wait3A_53 = arith.constant 0 : i32
        %dma_wait3A_54 = tpu.memref_slice %arg2[%dma_wait3A_53, %mul3A_50] : memref<16x1600000xf32, #tpu.memory_space<hbm>> -> memref<16x512xf32, #tpu.memory_space<hbm>>
        tpu.wait_dma2 semaphore(%arg10 : memref<!tpu.dma_semaphore, #tpu.memory_space<semaphore_mem>>) src(%dma_wait3A_54 : memref<16x512xf32, #tpu.memory_space<hbm>>) dst(%arg6 : memref<16x512xf32, #tpu.memory_space<vmem>>)
        %ge3A = arith.constant 2 : i32
        %ge3A_55 = arith.cmpi sge, %mul3A_28, %ge3A : i32
        %convert_element_type3A_56 = arith.extui %ge3A_55 : i1 to i32
        %cond3A_57 = arith.constant 0 : i32
        %cond3A_58 = arith.cmpi ne, %convert_element_type3A_56, %cond3A_57 : i32
        scf.if %cond3A_58 {
          %mul3A_73 = arith.constant 512 : i32
          %mul3A_74 = arith.muli %add3A_31, %mul3A_73 : i32
          %dma_wait3A_75 = arith.constant 0 : i32
          %dma_wait3A_76 = tpu.memref_slice %arg4[%dma_wait3A_75, %mul3A_74] : memref<46x1600000xf32, #tpu.memory_space<hbm>> -> memref<46x512xf32, #tpu.memory_space<hbm>>
          %dma_wait3A_77 = arith.constant 0 : i32
          %dma_wait3A_78 = tpu.memref_slice %arg4[%dma_wait3A_77, %mul3A_74] : memref<46x1600000xf32, #tpu.memory_space<hbm>> -> memref<46x512xf32, #tpu.memory_space<hbm>>
          tpu.wait_dma2 semaphore(%arg12 : memref<!tpu.dma_semaphore, #tpu.memory_space<semaphore_mem>>) src(%arg8 : memref<46x512xf32, #tpu.memory_space<vmem>>) dst(%dma_wait3A_78 : memref<46x512xf32, #tpu.memory_space<hbm>>)
        } else {
        }
        %parallel_loop3A = arith.constant 0 : i32
        %parallel_loop3A_59 = arith.constant 32 : i32
        %parallel_loop3A_60 = arith.constant 1 : i32
        scf.for %parallel_loop3A_73 = %parallel_loop3A to %parallel_loop3A_59 step %parallel_loop3A_60  : i32 {
          %parallel_loop3A_74 = arith.constant 16 : i32
          %parallel_loop3A_75 = arith.muli %parallel_loop3A_73, %parallel_loop3A_74 : i32
          %parallel_loop3A_76 = arith.constant 0 : i32
          %parallel_loop3A_77 = arith.index_cast %parallel_loop3A_76 : i32 to index
          %parallel_loop3A_78 = arith.index_cast %parallel_loop3A_75 : i32 to index
          %parallel_loop3A_79 = tpu.vector_load %arg6[%parallel_loop3A_77, %parallel_loop3A_78] {strides = array<i32>} : memref<16x512xf32, #tpu.memory_space<vmem>>, vector<1x16xf32>,
          %parallel_loop3A_80 = vector.shape_cast %parallel_loop3A_79 : vector<1x16xf32> to vector<16xf32>
          %parallel_loop3A_81 = arith.fptosi %parallel_loop3A_80 : vector<16xf32> to vector<16xi32>
          %parallel_loop3A_82 = arith.constant 1 : i32
          %parallel_loop3A_83 = arith.index_cast %parallel_loop3A_82 : i32 to index
          %parallel_loop3A_84 = arith.index_cast %parallel_loop3A_75 : i32 to index
          %parallel_loop3A_85 = tpu.vector_load %arg6[%parallel_loop3A_83, %parallel_loop3A_84] {strides = array<i32>} : memref<16x512xf32, #tpu.memory_space<vmem>>, vector<1x16xf32>,
          %parallel_loop3A_86 = vector.shape_cast %parallel_loop3A_85 : vector<1x16xf32> to vector<16xf32>
          %parallel_loop3A_87 = arith.fptosi %parallel_loop3A_86 : vector<16xf32> to vector<16xi32>
          %parallel_loop3A_88 = arith.constant 0 : i32
          %parallel_loop3A_89 = arith.index_cast %parallel_loop3A_88 : i32 to index
          %parallel_loop3A_90 = arith.constant 0 : index
          %parallel_loop3A_91 = tpu.vector_load %arg5[%parallel_loop3A_89, %parallel_loop3A_90] {strides = array<i32>} : memref<32x16xf32, #tpu.memory_space<vmem>>, vector<1x16xf32>,
          %parallel_loop3A_92 = vector.shape_cast %parallel_loop3A_91 : vector<1x16xf32> to vector<16xf32>
          %parallel_loop3A_93 = vector.shape_cast %parallel_loop3A_81 : vector<16xi32> to vector<16x1xi32>
          %parallel_loop3A_94 = vector.shape_cast %parallel_loop3A_93 : vector<16x1xi32> to vector<16xi32>
          %parallel_loop3A_95 = tpu.dynamic_gather %parallel_loop3A_92[%parallel_loop3A_94] in [0] : vector<16xf32>, vector<16xi32> -> vector<16xf32>
          %parallel_loop3A_96 = arith.constant 0 : i32
          %parallel_loop3A_97 = arith.index_cast %parallel_loop3A_96 : i32 to index
          %parallel_loop3A_98 = arith.index_cast %parallel_loop3A_75 : i32 to index
          %parallel_loop3A_99 = tpu.vector_load %arg8[%parallel_loop3A_97, %parallel_loop3A_98] {strides = array<i32>} : memref<46x512xf32, #tpu.memory_space<vmem>>, vector<1x16xf32>,
          %parallel_loop3A_100 = vector.shape_cast %parallel_loop3A_99 : vector<1x16xf32> to vector<16xf32>
          %parallel_loop3A_101 = vector.shape_cast %parallel_loop3A_95 : vector<16xf32> to vector<1x16xf32>
          tpu.vector_store %arg8[%parallel_loop3A_97, %parallel_loop3A_98], %parallel_loop3A_101 {strides = array<i32>} : memref<46x512xf32, #tpu.memory_space<vmem>>, vector<1x16xf32>,
          %parallel_loop3A_102 = arith.constant 1 : i32
          %parallel_loop3A_103 = arith.index_cast %parallel_loop3A_102 : i32 to index
          %parallel_loop3A_104 = arith.constant 0 : index
          %parallel_loop3A_105 = tpu.vector_load %arg5[%parallel_loop3A_103, %parallel_loop3A_104] {strides = array<i32>} : memref<32x16xf32, #tpu.memory_space<vmem>>, vector<1x16xf32>,
          %parallel_loop3A_106 = vector.shape_cast %parallel_loop3A_105 : vector<1x16xf32> to vector<16xf32>
          %parallel_loop3A_107 = vector.shape_cast %parallel_loop3A_81 : vector<16xi32> to vector<16x1xi32>
          %parallel_loop3A_108 = vector.shape_cast %parallel_loop3A_107 : vector<16x1xi32> to vector<16xi32>
          %parallel_loop3A_109 = tpu.dynamic_gather %parallel_loop3A_106[%parallel_loop3A_108] in [0] : vector<16xf32>, vector<16xi32> -> vector<16xf32>
          %parallel_loop3A_110 = arith.constant 1 : i32
          %parallel_loop3A_111 = arith.index_cast %parallel_loop3A_110 : i32 to index
          %parallel_loop3A_112 = arith.index_cast %parallel_loop3A_75 : i32 to index
          %parallel_loop3A_113 = tpu.vector_load %arg8[%parallel_loop3A_111, %parallel_loop3A_112] {strides = array<i32>} : memref<46x512xf32, #tpu.memory_space<vmem>>, vector<1x16xf32>,
          %parallel_loop3A_114 = vector.shape_cast %parallel_loop3A_113 : vector<1x16xf32> to vector<16xf32>
          %parallel_loop3A_115 = vector.shape_cast %parallel_loop3A_109 : vector<16xf32> to vector<1x16xf32>
          tpu.vector_store %arg8[%parallel_loop3A_111, %parallel_loop3A_112], %parallel_loop3A_115 {strides = array<i32>} : memref<46x512xf32, #tpu.memory_space<vmem>>, vector<1x16xf32>,
          %parallel_loop3A_116 = arith.constant 2 : i32
          %parallel_loop3A_117 = arith.index_cast %parallel_loop3A_116 : i32 to index
          %parallel_loop3A_118 = arith.constant 0 : index
          %parallel_loop3A_119 = tpu.vector_load %arg5[%parallel_loop3A_117, %parallel_loop3A_118] {strides = array<i32>} : memref<32x16xf32, #tpu.memory_space<vmem>>, vector<1x16xf32>,
          %parallel_loop3A_120 = vector.shape_cast %parallel_loop3A_119 : vector<1x16xf32> to vector<16xf32>
          %parallel_loop3A_121 = vector.shape_cast %parallel_loop3A_81 : vector<16xi32> to vector<16x1xi32>
          %parallel_loop3A_122 = vector.shape_cast %parallel_loop3A_121 : vector<16x1xi32> to vector<16xi32>
          %parallel_loop3A_123 = tpu.dynamic_gather %parallel_loop3A_120[%parallel_loop3A_122] in [0] : vector<16xf32>, vector<16xi32> -> vector<16xf32>
          %parallel_loop3A_124 = arith.constant 2 : i32
          %parallel_loop3A_125 = arith.index_cast %parallel_loop3A_124 : i32 to index
          %parallel_loop3A_126 = arith.index_cast %parallel_loop3A_75 : i32 to index
          %parallel_loop3A_127 = tpu.vector_load %arg8[%parallel_loop3A_125, %parallel_loop3A_126] {strides = array<i32>} : memref<46x512xf32, #tpu.memory_space<vmem>>, vector<1x16xf32>,
          %parallel_loop3A_128 = vector.shape_cast %parallel_loop3A_127 : vector<1x16xf32> to vector<16xf32>
          %parallel_loop3A_129 = vector.shape_cast %parallel_loop3A_123 : vector<16xf32> to vector<1x16xf32>
          tpu.vector_store %arg8[%parallel_loop3A_125, %parallel_loop3A_126], %parallel_loop3A_129 {strides = array<i32>} : memref<46x512xf32, #tpu.memory_space<vmem>>, vector<1x16xf32>,
          %parallel_loop3A_130 = arith.constant 3 : i32
          %parallel_loop3A_131 = arith.index_cast %parallel_loop3A_130 : i32 to index
          %parallel_loop3A_132 = arith.constant 0 : index
          %parallel_loop3A_133 = tpu.vector_load %arg5[%parallel_loop3A_131, %parallel_loop3A_132] {strides = array<i32>} : memref<32x16xf32, #tpu.memory_space<vmem>>, vector<1x16xf32>,
          %parallel_loop3A_134 = vector.shape_cast %parallel_loop3A_133 : vector<1x16xf32> to vector<16xf32>
          %parallel_loop3A_135 = vector.shape_cast %parallel_loop3A_81 : vector<16xi32> to vector<16x1xi32>
          %parallel_loop3A_136 = vector.shape_cast %parallel_loop3A_135 : vector<16x1xi32> to vector<16xi32>
          %parallel_loop3A_137 = tpu.dynamic_gather %parallel_loop3A_134[%parallel_loop3A_136] in [0] : vector<16xf32>, vector<16xi32> -> vector<16xf32>
          %parallel_loop3A_138 = arith.constant 3 : i32
          %parallel_loop3A_139 = arith.index_cast %parallel_loop3A_138 : i32 to index
          %parallel_loop3A_140 = arith.index_cast %parallel_loop3A_75 : i32 to index
          %parallel_loop3A_141 = tpu.vector_load %arg8[%parallel_loop3A_139, %parallel_loop3A_140] {strides = array<i32>} : memref<46x512xf32, #tpu.memory_space<vmem>>, vector<1x16xf32>,
          %parallel_loop3A_142 = vector.shape_cast %parallel_loop3A_141 : vector<1x16xf32> to vector<16xf32>
          %parallel_loop3A_143 = vector.shape_cast %parallel_loop3A_137 : vector<16xf32> to vector<1x16xf32>
          tpu.vector_store %arg8[%parallel_loop3A_139, %parallel_loop3A_140], %parallel_loop3A_143 {strides = array<i32>} : memref<46x512xf32, #tpu.memory_space<vmem>>, vector<1x16xf32>,
          %parallel_loop3A_144 = arith.constant 4 : i32
          %parallel_loop3A_145 = arith.index_cast %parallel_loop3A_144 : i32 to index
          %parallel_loop3A_146 = arith.constant 0 : index
          %parallel_loop3A_147 = tpu.vector_load %arg5[%parallel_loop3A_145, %parallel_loop3A_146] {strides = array<i32>} : memref<32x16xf32, #tpu.memory_space<vmem>>, vector<1x16xf32>,
          %parallel_loop3A_148 = vector.shape_cast %parallel_loop3A_147 : vector<1x16xf32> to vector<16xf32>
          %parallel_loop3A_149 = vector.shape_cast %parallel_loop3A_81 : vector<16xi32> to vector<16x1xi32>
          %parallel_loop3A_150 = vector.shape_cast %parallel_loop3A_149 : vector<16x1xi32> to vector<16xi32>
          %parallel_loop3A_151 = tpu.dynamic_gather %parallel_loop3A_148[%parallel_loop3A_150] in [0] : vector<16xf32>, vector<16xi32> -> vector<16xf32>
          %parallel_loop3A_152 = arith.constant 4 : i32
          %parallel_loop3A_153 = arith.index_cast %parallel_loop3A_152 : i32 to index
          %parallel_loop3A_154 = arith.index_cast %parallel_loop3A_75 : i32 to index
          %parallel_loop3A_155 = tpu.vector_load %arg8[%parallel_loop3A_153, %parallel_loop3A_154] {strides = array<i32>} : memref<46x512xf32, #tpu.memory_space<vmem>>, vector<1x16xf32>,
          %parallel_loop3A_156 = vector.shape_cast %parallel_loop3A_155 : vector<1x16xf32> to vector<16xf32>
          %parallel_loop3A_157 = vector.shape_cast %parallel_loop3A_151 : vector<16xf32> to vector<1x16xf32>
          tpu.vector_store %arg8[%parallel_loop3A_153, %parallel_loop3A_154], %parallel_loop3A_157 {strides = array<i32>} : memref<46x512xf32, #tpu.memory_space<vmem>>, vector<1x16xf32>,
          %parallel_loop3A_158 = arith.constant 5 : i32
          %parallel_loop3A_159 = arith.index_cast %parallel_loop3A_158 : i32 to index
          %parallel_loop3A_160 = arith.constant 0 : index
          %parallel_loop3A_161 = tpu.vector_load %arg5[%parallel_loop3A_159, %parallel_loop3A_160] {strides = array<i32>} : memref<32x16xf32, #tpu.memory_space<vmem>>, vector<1x16xf32>,
          %parallel_loop3A_162 = vector.shape_cast %parallel_loop3A_161 : vector<1x16xf32> to vector<16xf32>
          %parallel_loop3A_163 = vector.shape_cast %parallel_loop3A_81 : vector<16xi32> to vector<16x1xi32>
          %parallel_loop3A_164 = vector.shape_cast %parallel_loop3A_163 : vector<16x1xi32> to vector<16xi32>
          %parallel_loop3A_165 = tpu.dynamic_gather %parallel_loop3A_162[%parallel_loop3A_164] in [0] : vector<16xf32>, vector<16xi32> -> vector<16xf32>
          %parallel_loop3A_166 = arith.constant 5 : i32
          %parallel_loop3A_167 = arith.index_cast %parallel_loop3A_166 : i32 to index
          %parallel_loop3A_168 = arith.index_cast %parallel_loop3A_75 : i32 to index
          %parallel_loop3A_169 = tpu.vector_load %arg8[%parallel_loop3A_167, %parallel_loop3A_168] {strides = array<i32>} : memref<46x512xf32, #tpu.memory_space<vmem>>, vector<1x16xf32>,
          %parallel_loop3A_170 = vector.shape_cast %parallel_loop3A_169 : vector<1x16xf32> to vector<16xf32>
          %parallel_loop3A_171 = vector.shape_cast %parallel_loop3A_165 : vector<16xf32> to vector<1x16xf32>
          tpu.vector_store %arg8[%parallel_loop3A_167, %parallel_loop3A_168], %parallel_loop3A_171 {strides = array<i32>} : memref<46x512xf32, #tpu.memory_space<vmem>>, vector<1x16xf32>,
          %parallel_loop3A_172 = arith.constant 6 : i32
          %parallel_loop3A_173 = arith.index_cast %parallel_loop3A_172 : i32 to index
          %parallel_loop3A_174 = arith.constant 0 : index
          %parallel_loop3A_175 = tpu.vector_load %arg5[%parallel_loop3A_173, %parallel_loop3A_174] {strides = array<i32>} : memref<32x16xf32, #tpu.memory_space<vmem>>, vector<1x16xf32>,
          %parallel_loop3A_176 = vector.shape_cast %parallel_loop3A_175 : vector<1x16xf32> to vector<16xf32>
          %parallel_loop3A_177 = vector.shape_cast %parallel_loop3A_81 : vector<16xi32> to vector<16x1xi32>
          %parallel_loop3A_178 = vector.shape_cast %parallel_loop3A_177 : vector<16x1xi32> to vector<16xi32>
          %parallel_loop3A_179 = tpu.dynamic_gather %parallel_loop3A_176[%parallel_loop3A_178] in [0] : vector<16xf32>, vector<16xi32> -> vector<16xf32>
          %parallel_loop3A_180 = arith.constant 6 : i32
          %parallel_loop3A_181 = arith.index_cast %parallel_loop3A_180 : i32 to index
          %parallel_loop3A_182 = arith.index_cast %parallel_loop3A_75 : i32 to index
          %parallel_loop3A_183 = tpu.vector_load %arg8[%parallel_loop3A_181, %parallel_loop3A_182] {strides = array<i32>} : memref<46x512xf32, #tpu.memory_space<vmem>>, vector<1x16xf32>,
          %parallel_loop3A_184 = vector.shape_cast %parallel_loop3A_183 : vector<1x16xf32> to vector<16xf32>
          %parallel_loop3A_185 = vector.shape_cast %parallel_loop3A_179 : vector<16xf32> to vector<1x16xf32>
          tpu.vector_store %arg8[%parallel_loop3A_181, %parallel_loop3A_182], %parallel_loop3A_185 {strides = array<i32>} : memref<46x512xf32, #tpu.memory_space<vmem>>, vector<1x16xf32>,
          %parallel_loop3A_186 = arith.constant 7 : i32
          %parallel_loop3A_187 = arith.index_cast %parallel_loop3A_186 : i32 to index
          %parallel_loop3A_188 = arith.constant 0 : index
          %parallel_loop3A_189 = tpu.vector_load %arg5[%parallel_loop3A_187, %parallel_loop3A_188] {strides = array<i32>} : memref<32x16xf32, #tpu.memory_space<vmem>>, vector<1x16xf32>,
          %parallel_loop3A_190 = vector.shape_cast %parallel_loop3A_189 : vector<1x16xf32> to vector<16xf32>
          %parallel_loop3A_191 = vector.shape_cast %parallel_loop3A_81 : vector<16xi32> to vector<16x1xi32>
          %parallel_loop3A_192 = vector.shape_cast %parallel_loop3A_191 : vector<16x1xi32> to vector<16xi32>
          %parallel_loop3A_193 = tpu.dynamic_gather %parallel_loop3A_190[%parallel_loop3A_192] in [0] : vector<16xf32>, vector<16xi32> -> vector<16xf32>
          %parallel_loop3A_194 = arith.constant 7 : i32
          %parallel_loop3A_195 = arith.index_cast %parallel_loop3A_194 : i32 to index
          %parallel_loop3A_196 = arith.index_cast %parallel_loop3A_75 : i32 to index
          %parallel_loop3A_197 = tpu.vector_load %arg8[%parallel_loop3A_195, %parallel_loop3A_196] {strides = array<i32>} : memref<46x512xf32, #tpu.memory_space<vmem>>, vector<1x16xf32>,
          %parallel_loop3A_198 = vector.shape_cast %parallel_loop3A_197 : vector<1x16xf32> to vector<16xf32>
          %parallel_loop3A_199 = vector.shape_cast %parallel_loop3A_193 : vector<16xf32> to vector<1x16xf32>
          tpu.vector_store %arg8[%parallel_loop3A_195, %parallel_loop3A_196], %parallel_loop3A_199 {strides = array<i32>} : memref<46x512xf32, #tpu.memory_space<vmem>>, vector<1x16xf32>,
          %parallel_loop3A_200 = arith.constant 8 : i32
          %parallel_loop3A_201 = arith.index_cast %parallel_loop3A_200 : i32 to index
          %parallel_loop3A_202 = arith.constant 0 : index
          %parallel_loop3A_203 = tpu.vector_load %arg5[%parallel_loop3A_201, %parallel_loop3A_202] {strides = array<i32>} : memref<32x16xf32, #tpu.memory_space<vmem>>, vector<1x16xf32>,
          %parallel_loop3A_204 = vector.shape_cast %parallel_loop3A_203 : vector<1x16xf32> to vector<16xf32>
          %parallel_loop3A_205 = vector.shape_cast %parallel_loop3A_81 : vector<16xi32> to vector<16x1xi32>
          %parallel_loop3A_206 = vector.shape_cast %parallel_loop3A_205 : vector<16x1xi32> to vector<16xi32>
          %parallel_loop3A_207 = tpu.dynamic_gather %parallel_loop3A_204[%parallel_loop3A_206] in [0] : vector<16xf32>, vector<16xi32> -> vector<16xf32>
          %parallel_loop3A_208 = arith.constant 8 : i32
          %parallel_loop3A_209 = arith.index_cast %parallel_loop3A_208 : i32 to index
          %parallel_loop3A_210 = arith.index_cast %parallel_loop3A_75 : i32 to index
          %parallel_loop3A_211 = tpu.vector_load %arg8[%parallel_loop3A_209, %parallel_loop3A_210] {strides = array<i32>} : memref<46x512xf32, #tpu.memory_space<vmem>>, vector<1x16xf32>,
          %parallel_loop3A_212 = vector.shape_cast %parallel_loop3A_211 : vector<1x16xf32> to vector<16xf32>
          %parallel_loop3A_213 = vector.shape_cast %parallel_loop3A_207 : vector<16xf32> to vector<1x16xf32>
          tpu.vector_store %arg8[%parallel_loop3A_209, %parallel_loop3A_210], %parallel_loop3A_213 {strides = array<i32>} : memref<46x512xf32, #tpu.memory_space<vmem>>, vector<1x16xf32>,
          %parallel_loop3A_214 = arith.constant 9 : i32
          %parallel_loop3A_215 = arith.index_cast %parallel_loop3A_214 : i32 to index
          %parallel_loop3A_216 = arith.constant 0 : index
          %parallel_loop3A_217 = tpu.vector_load %arg5[%parallel_loop3A_215, %parallel_loop3A_216] {strides = array<i32>} : memref<32x16xf32, #tpu.memory_space<vmem>>, vector<1x16xf32>,
          %parallel_loop3A_218 = vector.shape_cast %parallel_loop3A_217 : vector<1x16xf32> to vector<16xf32>
          %parallel_loop3A_219 = vector.shape_cast %parallel_loop3A_81 : vector<16xi32> to vector<16x1xi32>
          %parallel_loop3A_220 = vector.shape_cast %parallel_loop3A_219 : vector<16x1xi32> to vector<16xi32>
          %parallel_loop3A_221 = tpu.dynamic_gather %parallel_loop3A_218[%parallel_loop3A_220] in [0] : vector<16xf32>, vector<16xi32> -> vector<16xf32>
          %parallel_loop3A_222 = arith.constant 9 : i32
          %parallel_loop3A_223 = arith.index_cast %parallel_loop3A_222 : i32 to index
          %parallel_loop3A_224 = arith.index_cast %parallel_loop3A_75 : i32 to index
          %parallel_loop3A_225 = tpu.vector_load %arg8[%parallel_loop3A_223, %parallel_loop3A_224] {strides = array<i32>} : memref<46x512xf32, #tpu.memory_space<vmem>>, vector<1x16xf32>,
          %parallel_loop3A_226 = vector.shape_cast %parallel_loop3A_225 : vector<1x16xf32> to vector<16xf32>
          %parallel_loop3A_227 = vector.shape_cast %parallel_loop3A_221 : vector<16xf32> to vector<1x16xf32>
          tpu.vector_store %arg8[%parallel_loop3A_223, %parallel_loop3A_224], %parallel_loop3A_227 {strides = array<i32>} : memref<46x512xf32, #tpu.memory_space<vmem>>, vector<1x16xf32>,
          %parallel_loop3A_228 = arith.constant 10 : i32
          %parallel_loop3A_229 = arith.index_cast %parallel_loop3A_228 : i32 to index
          %parallel_loop3A_230 = arith.constant 0 : index
          %parallel_loop3A_231 = tpu.vector_load %arg5[%parallel_loop3A_229, %parallel_loop3A_230] {strides = array<i32>} : memref<32x16xf32, #tpu.memory_space<vmem>>, vector<1x16xf32>,
          %parallel_loop3A_232 = vector.shape_cast %parallel_loop3A_231 : vector<1x16xf32> to vector<16xf32>
          %parallel_loop3A_233 = vector.shape_cast %parallel_loop3A_81 : vector<16xi32> to vector<16x1xi32>
          %parallel_loop3A_234 = vector.shape_cast %parallel_loop3A_233 : vector<16x1xi32> to vector<16xi32>
          %parallel_loop3A_235 = tpu.dynamic_gather %parallel_loop3A_232[%parallel_loop3A_234] in [0] : vector<16xf32>, vector<16xi32> -> vector<16xf32>
          %parallel_loop3A_236 = arith.constant 10 : i32
          %parallel_loop3A_237 = arith.index_cast %parallel_loop3A_236 : i32 to index
          %parallel_loop3A_238 = arith.index_cast %parallel_loop3A_75 : i32 to index
          %parallel_loop3A_239 = tpu.vector_load %arg8[%parallel_loop3A_237, %parallel_loop3A_238] {strides = array<i32>} : memref<46x512xf32, #tpu.memory_space<vmem>>, vector<1x16xf32>,
          %parallel_loop3A_240 = vector.shape_cast %parallel_loop3A_239 : vector<1x16xf32> to vector<16xf32>
          %parallel_loop3A_241 = vector.shape_cast %parallel_loop3A_235 : vector<16xf32> to vector<1x16xf32>
          tpu.vector_store %arg8[%parallel_loop3A_237, %parallel_loop3A_238], %parallel_loop3A_241 {strides = array<i32>} : memref<46x512xf32, #tpu.memory_space<vmem>>, vector<1x16xf32>,
          %parallel_loop3A_242 = arith.constant 11 : i32
          %parallel_loop3A_243 = arith.index_cast %parallel_loop3A_242 : i32 to index
          %parallel_loop3A_244 = arith.constant 0 : index
          %parallel_loop3A_245 = tpu.vector_load %arg5[%parallel_loop3A_243, %parallel_loop3A_244] {strides = array<i32>} : memref<32x16xf32, #tpu.memory_space<vmem>>, vector<1x16xf32>,
          %parallel_loop3A_246 = vector.shape_cast %parallel_loop3A_245 : vector<1x16xf32> to vector<16xf32>
          %parallel_loop3A_247 = vector.shape_cast %parallel_loop3A_81 : vector<16xi32> to vector<16x1xi32>
          %parallel_loop3A_248 = vector.shape_cast %parallel_loop3A_247 : vector<16x1xi32> to vector<16xi32>
          %parallel_loop3A_249 = tpu.dynamic_gather %parallel_loop3A_246[%parallel_loop3A_248] in [0] : vector<16xf32>, vector<16xi32> -> vector<16xf32>
          %parallel_loop3A_250 = arith.constant 11 : i32
          %parallel_loop3A_251 = arith.index_cast %parallel_loop3A_250 : i32 to index
          %parallel_loop3A_252 = arith.index_cast %parallel_loop3A_75 : i32 to index
          %parallel_loop3A_253 = tpu.vector_load %arg8[%parallel_loop3A_251, %parallel_loop3A_252] {strides = array<i32>} : memref<46x512xf32, #tpu.memory_space<vmem>>, vector<1x16xf32>,
          %parallel_loop3A_254 = vector.shape_cast %parallel_loop3A_253 : vector<1x16xf32> to vector<16xf32>
          %parallel_loop3A_255 = vector.shape_cast %parallel_loop3A_249 : vector<16xf32> to vector<1x16xf32>
          tpu.vector_store %arg8[%parallel_loop3A_251, %parallel_loop3A_252], %parallel_loop3A_255 {strides = array<i32>} : memref<46x512xf32, #tpu.memory_space<vmem>>, vector<1x16xf32>,
          %parallel_loop3A_256 = arith.constant 12 : i32
          %parallel_loop3A_257 = arith.index_cast %parallel_loop3A_256 : i32 to index
          %parallel_loop3A_258 = arith.constant 0 : index
          %parallel_loop3A_259 = tpu.vector_load %arg5[%parallel_loop3A_257, %parallel_loop3A_258] {strides = array<i32>} : memref<32x16xf32, #tpu.memory_space<vmem>>, vector<1x16xf32>,
          %parallel_loop3A_260 = vector.shape_cast %parallel_loop3A_259 : vector<1x16xf32> to vector<16xf32>
          %parallel_loop3A_261 = vector.shape_cast %parallel_loop3A_81 : vector<16xi32> to vector<16x1xi32>
          %parallel_loop3A_262 = vector.shape_cast %parallel_loop3A_261 : vector<16x1xi32> to vector<16xi32>
          %parallel_loop3A_263 = tpu.dynamic_gather %parallel_loop3A_260[%parallel_loop3A_262] in [0] : vector<16xf32>, vector<16xi32> -> vector<16xf32>
          %parallel_loop3A_264 = arith.constant 12 : i32
          %parallel_loop3A_265 = arith.index_cast %parallel_loop3A_264 : i32 to index
          %parallel_loop3A_266 = arith.index_cast %parallel_loop3A_75 : i32 to index
          %parallel_loop3A_267 = tpu.vector_load %arg8[%parallel_loop3A_265, %parallel_loop3A_266] {strides = array<i32>} : memref<46x512xf32, #tpu.memory_space<vmem>>, vector<1x16xf32>,
          %parallel_loop3A_268 = vector.shape_cast %parallel_loop3A_267 : vector<1x16xf32> to vector<16xf32>
          %parallel_loop3A_269 = vector.shape_cast %parallel_loop3A_263 : vector<16xf32> to vector<1x16xf32>
          tpu.vector_store %arg8[%parallel_loop3A_265, %parallel_loop3A_266], %parallel_loop3A_269 {strides = array<i32>} : memref<46x512xf32, #tpu.memory_space<vmem>>, vector<1x16xf32>,
          %parallel_loop3A_270 = arith.constant 13 : i32
          %parallel_loop3A_271 = arith.index_cast %parallel_loop3A_270 : i32 to index
          %parallel_loop3A_272 = arith.constant 0 : index
          %parallel_loop3A_273 = tpu.vector_load %arg5[%parallel_loop3A_271, %parallel_loop3A_272] {strides = array<i32>} : memref<32x16xf32, #tpu.memory_space<vmem>>, vector<1x16xf32>,
          %parallel_loop3A_274 = vector.shape_cast %parallel_loop3A_273 : vector<1x16xf32> to vector<16xf32>
          %parallel_loop3A_275 = vector.shape_cast %parallel_loop3A_81 : vector<16xi32> to vector<16x1xi32>
          %parallel_loop3A_276 = vector.shape_cast %parallel_loop3A_275 : vector<16x1xi32> to vector<16xi32>
          %parallel_loop3A_277 = tpu.dynamic_gather %parallel_loop3A_274[%parallel_loop3A_276] in [0] : vector<16xf32>, vector<16xi32> -> vector<16xf32>
          %parallel_loop3A_278 = arith.constant 13 : i32
          %parallel_loop3A_279 = arith.index_cast %parallel_loop3A_278 : i32 to index
          %parallel_loop3A_280 = arith.index_cast %parallel_loop3A_75 : i32 to index
          %parallel_loop3A_281 = tpu.vector_load %arg8[%parallel_loop3A_279, %parallel_loop3A_280] {strides = array<i32>} : memref<46x512xf32, #tpu.memory_space<vmem>>, vector<1x16xf32>,
          %parallel_loop3A_282 = vector.shape_cast %parallel_loop3A_281 : vector<1x16xf32> to vector<16xf32>
          %parallel_loop3A_283 = vector.shape_cast %parallel_loop3A_277 : vector<16xf32> to vector<1x16xf32>
          tpu.vector_store %arg8[%parallel_loop3A_279, %parallel_loop3A_280], %parallel_loop3A_283 {strides = array<i32>} : memref<46x512xf32, #tpu.memory_space<vmem>>, vector<1x16xf32>,
          %parallel_loop3A_284 = arith.constant 14 : i32
          %parallel_loop3A_285 = arith.index_cast %parallel_loop3A_284 : i32 to index
          %parallel_loop3A_286 = arith.constant 0 : index
          %parallel_loop3A_287 = tpu.vector_load %arg5[%parallel_loop3A_285, %parallel_loop3A_286] {strides = array<i32>} : memref<32x16xf32, #tpu.memory_space<vmem>>, vector<1x16xf32>,
          %parallel_loop3A_288 = vector.shape_cast %parallel_loop3A_287 : vector<1x16xf32> to vector<16xf32>
          %parallel_loop3A_289 = vector.shape_cast %parallel_loop3A_81 : vector<16xi32> to vector<16x1xi32>
          %parallel_loop3A_290 = vector.shape_cast %parallel_loop3A_289 : vector<16x1xi32> to vector<16xi32>
          %parallel_loop3A_291 = tpu.dynamic_gather %parallel_loop3A_288[%parallel_loop3A_290] in [0] : vector<16xf32>, vector<16xi32> -> vector<16xf32>
          %parallel_loop3A_292 = arith.constant 14 : i32
          %parallel_loop3A_293 = arith.index_cast %parallel_loop3A_292 : i32 to index
          %parallel_loop3A_294 = arith.index_cast %parallel_loop3A_75 : i32 to index
          %parallel_loop3A_295 = tpu.vector_load %arg8[%parallel_loop3A_293, %parallel_loop3A_294] {strides = array<i32>} : memref<46x512xf32, #tpu.memory_space<vmem>>, vector<1x16xf32>,
          %parallel_loop3A_296 = vector.shape_cast %parallel_loop3A_295 : vector<1x16xf32> to vector<16xf32>
          %parallel_loop3A_297 = vector.shape_cast %parallel_loop3A_291 : vector<16xf32> to vector<1x16xf32>
          tpu.vector_store %arg8[%parallel_loop3A_293, %parallel_loop3A_294], %parallel_loop3A_297 {strides = array<i32>} : memref<46x512xf32, #tpu.memory_space<vmem>>, vector<1x16xf32>,
          %parallel_loop3A_298 = arith.constant 15 : i32
          %parallel_loop3A_299 = arith.index_cast %parallel_loop3A_298 : i32 to index
          %parallel_loop3A_300 = arith.constant 0 : index
          %parallel_loop3A_301 = tpu.vector_load %arg5[%parallel_loop3A_299, %parallel_loop3A_300] {strides = array<i32>} : memref<32x16xf32, #tpu.memory_space<vmem>>, vector<1x16xf32>,
          %parallel_loop3A_302 = vector.shape_cast %parallel_loop3A_301 : vector<1x16xf32> to vector<16xf32>
          %parallel_loop3A_303 = vector.shape_cast %parallel_loop3A_81 : vector<16xi32> to vector<16x1xi32>
          %parallel_loop3A_304 = vector.shape_cast %parallel_loop3A_303 : vector<16x1xi32> to vector<16xi32>
          %parallel_loop3A_305 = tpu.dynamic_gather %parallel_loop3A_302[%parallel_loop3A_304] in [0] : vector<16xf32>, vector<16xi32> -> vector<16xf32>
          %parallel_loop3A_306 = arith.constant 15 : i32
          %parallel_loop3A_307 = arith.index_cast %parallel_loop3A_306 : i32 to index
          %parallel_loop3A_308 = arith.index_cast %parallel_loop3A_75 : i32 to index
          %parallel_loop3A_309 = tpu.vector_load %arg8[%parallel_loop3A_307, %parallel_loop3A_308] {strides = array<i32>} : memref<46x512xf32, #tpu.memory_space<vmem>>, vector<1x16xf32>,
          %parallel_loop3A_310 = vector.shape_cast %parallel_loop3A_309 : vector<1x16xf32> to vector<16xf32>
          %parallel_loop3A_311 = vector.shape_cast %parallel_loop3A_305 : vector<16xf32> to vector<1x16xf32>
          tpu.vector_store %arg8[%parallel_loop3A_307, %parallel_loop3A_308], %parallel_loop3A_311 {strides = array<i32>} : memref<46x512xf32, #tpu.memory_space<vmem>>, vector<1x16xf32>,
          %parallel_loop3A_312 = arith.constant 16 : i32
          %parallel_loop3A_313 = arith.index_cast %parallel_loop3A_312 : i32 to index
          %parallel_loop3A_314 = arith.constant 0 : index
          %parallel_loop3A_315 = tpu.vector_load %arg5[%parallel_loop3A_313, %parallel_loop3A_314] {strides = array<i32>} : memref<32x16xf32, #tpu.memory_space<vmem>>, vector<1x16xf32>,
          %parallel_loop3A_316 = vector.shape_cast %parallel_loop3A_315 : vector<1x16xf32> to vector<16xf32>
          %parallel_loop3A_317 = vector.shape_cast %parallel_loop3A_87 : vector<16xi32> to vector<16x1xi32>
          %parallel_loop3A_318 = vector.shape_cast %parallel_loop3A_317 : vector<16x1xi32> to vector<16xi32>
          %parallel_loop3A_319 = tpu.dynamic_gather %parallel_loop3A_316[%parallel_loop3A_318] in [0] : vector<16xf32>, vector<16xi32> -> vector<16xf32>
          %parallel_loop3A_320 = arith.constant 16 : i32
          %parallel_loop3A_321 = arith.index_cast %parallel_loop3A_320 : i32 to index
          %parallel_loop3A_322 = arith.index_cast %parallel_loop3A_75 : i32 to index
          %parallel_loop3A_323 = tpu.vector_load %arg8[%parallel_loop3A_321, %parallel_loop3A_322] {strides = array<i32>} : memref<46x512xf32, #tpu.memory_space<vmem>>, vector<1x16xf32>,
          %parallel_loop3A_324 = vector.shape_cast %parallel_loop3A_323 : vector<1x16xf32> to vector<16xf32>
          %parallel_loop3A_325 = vector.shape_cast %parallel_loop3A_319 : vector<16xf32> to vector<1x16xf32>
          tpu.vector_store %arg8[%parallel_loop3A_321, %parallel_loop3A_322], %parallel_loop3A_325 {strides = array<i32>} : memref<46x512xf32, #tpu.memory_space<vmem>>, vector<1x16xf32>,
          %parallel_loop3A_326 = arith.constant 17 : i32
          %parallel_loop3A_327 = arith.index_cast %parallel_loop3A_326 : i32 to index
          %parallel_loop3A_328 = arith.constant 0 : index
          %parallel_loop3A_329 = tpu.vector_load %arg5[%parallel_loop3A_327, %parallel_loop3A_328] {strides = array<i32>} : memref<32x16xf32, #tpu.memory_space<vmem>>, vector<1x16xf32>,
          %parallel_loop3A_330 = vector.shape_cast %parallel_loop3A_329 : vector<1x16xf32> to vector<16xf32>
          %parallel_loop3A_331 = vector.shape_cast %parallel_loop3A_87 : vector<16xi32> to vector<16x1xi32>
          %parallel_loop3A_332 = vector.shape_cast %parallel_loop3A_331 : vector<16x1xi32> to vector<16xi32>
          %parallel_loop3A_333 = tpu.dynamic_gather %parallel_loop3A_330[%parallel_loop3A_332] in [0] : vector<16xf32>, vector<16xi32> -> vector<16xf32>
          %parallel_loop3A_334 = arith.constant 17 : i32
          %parallel_loop3A_335 = arith.index_cast %parallel_loop3A_334 : i32 to index
          %parallel_loop3A_336 = arith.index_cast %parallel_loop3A_75 : i32 to index
          %parallel_loop3A_337 = tpu.vector_load %arg8[%parallel_loop3A_335, %parallel_loop3A_336] {strides = array<i32>} : memref<46x512xf32, #tpu.memory_space<vmem>>, vector<1x16xf32>,
          %parallel_loop3A_338 = vector.shape_cast %parallel_loop3A_337 : vector<1x16xf32> to vector<16xf32>
          %parallel_loop3A_339 = vector.shape_cast %parallel_loop3A_333 : vector<16xf32> to vector<1x16xf32>
          tpu.vector_store %arg8[%parallel_loop3A_335, %parallel_loop3A_336], %parallel_loop3A_339 {strides = array<i32>} : memref<46x512xf32, #tpu.memory_space<vmem>>, vector<1x16xf32>,
          %parallel_loop3A_340 = arith.constant 18 : i32
          %parallel_loop3A_341 = arith.index_cast %parallel_loop3A_340 : i32 to index
          %parallel_loop3A_342 = arith.constant 0 : index
          %parallel_loop3A_343 = tpu.vector_load %arg5[%parallel_loop3A_341, %parallel_loop3A_342] {strides = array<i32>} : memref<32x16xf32, #tpu.memory_space<vmem>>, vector<1x16xf32>,
          %parallel_loop3A_344 = vector.shape_cast %parallel_loop3A_343 : vector<1x16xf32> to vector<16xf32>
          %parallel_loop3A_345 = vector.shape_cast %parallel_loop3A_87 : vector<16xi32> to vector<16x1xi32>
          %parallel_loop3A_346 = vector.shape_cast %parallel_loop3A_345 : vector<16x1xi32> to vector<16xi32>
          %parallel_loop3A_347 = tpu.dynamic_gather %parallel_loop3A_344[%parallel_loop3A_346] in [0] : vector<16xf32>, vector<16xi32> -> vector<16xf32>
          %parallel_loop3A_348 = arith.constant 18 : i32
          %parallel_loop3A_349 = arith.index_cast %parallel_loop3A_348 : i32 to index
          %parallel_loop3A_350 = arith.index_cast %parallel_loop3A_75 : i32 to index
          %parallel_loop3A_351 = tpu.vector_load %arg8[%parallel_loop3A_349, %parallel_loop3A_350] {strides = array<i32>} : memref<46x512xf32, #tpu.memory_space<vmem>>, vector<1x16xf32>,
          %parallel_loop3A_352 = vector.shape_cast %parallel_loop3A_351 : vector<1x16xf32> to vector<16xf32>
          %parallel_loop3A_353 = vector.shape_cast %parallel_loop3A_347 : vector<16xf32> to vector<1x16xf32>
          tpu.vector_store %arg8[%parallel_loop3A_349, %parallel_loop3A_350], %parallel_loop3A_353 {strides = array<i32>} : memref<46x512xf32, #tpu.memory_space<vmem>>, vector<1x16xf32>,
          %parallel_loop3A_354 = arith.constant 19 : i32
          %parallel_loop3A_355 = arith.index_cast %parallel_loop3A_354 : i32 to index
          %parallel_loop3A_356 = arith.constant 0 : index
          %parallel_loop3A_357 = tpu.vector_load %arg5[%parallel_loop3A_355, %parallel_loop3A_356] {strides = array<i32>} : memref<32x16xf32, #tpu.memory_space<vmem>>, vector<1x16xf32>,
          %parallel_loop3A_358 = vector.shape_cast %parallel_loop3A_357 : vector<1x16xf32> to vector<16xf32>
          %parallel_loop3A_359 = vector.shape_cast %parallel_loop3A_87 : vector<16xi32> to vector<16x1xi32>
          %parallel_loop3A_360 = vector.shape_cast %parallel_loop3A_359 : vector<16x1xi32> to vector<16xi32>
          %parallel_loop3A_361 = tpu.dynamic_gather %parallel_loop3A_358[%parallel_loop3A_360] in [0] : vector<16xf32>, vector<16xi32> -> vector<16xf32>
          %parallel_loop3A_362 = arith.constant 19 : i32
          %parallel_loop3A_363 = arith.index_cast %parallel_loop3A_362 : i32 to index
          %parallel_loop3A_364 = arith.index_cast %parallel_loop3A_75 : i32 to index
          %parallel_loop3A_365 = tpu.vector_load %arg8[%parallel_loop3A_363, %parallel_loop3A_364] {strides = array<i32>} : memref<46x512xf32, #tpu.memory_space<vmem>>, vector<1x16xf32>,
          %parallel_loop3A_366 = vector.shape_cast %parallel_loop3A_365 : vector<1x16xf32> to vector<16xf32>
          %parallel_loop3A_367 = vector.shape_cast %parallel_loop3A_361 : vector<16xf32> to vector<1x16xf32>
          tpu.vector_store %arg8[%parallel_loop3A_363, %parallel_loop3A_364], %parallel_loop3A_367 {strides = array<i32>} : memref<46x512xf32, #tpu.memory_space<vmem>>, vector<1x16xf32>,
          %parallel_loop3A_368 = arith.constant 20 : i32
          %parallel_loop3A_369 = arith.index_cast %parallel_loop3A_368 : i32 to index
          %parallel_loop3A_370 = arith.constant 0 : index
          %parallel_loop3A_371 = tpu.vector_load %arg5[%parallel_loop3A_369, %parallel_loop3A_370] {strides = array<i32>} : memref<32x16xf32, #tpu.memory_space<vmem>>, vector<1x16xf32>,
          %parallel_loop3A_372 = vector.shape_cast %parallel_loop3A_371 : vector<1x16xf32> to vector<16xf32>
          %parallel_loop3A_373 = vector.shape_cast %parallel_loop3A_87 : vector<16xi32> to vector<16x1xi32>
          %parallel_loop3A_374 = vector.shape_cast %parallel_loop3A_373 : vector<16x1xi32> to vector<16xi32>
          %parallel_loop3A_375 = tpu.dynamic_gather %parallel_loop3A_372[%parallel_loop3A_374] in [0] : vector<16xf32>, vector<16xi32> -> vector<16xf32>
          %parallel_loop3A_376 = arith.constant 20 : i32
          %parallel_loop3A_377 = arith.index_cast %parallel_loop3A_376 : i32 to index
          %parallel_loop3A_378 = arith.index_cast %parallel_loop3A_75 : i32 to index
          %parallel_loop3A_379 = tpu.vector_load %arg8[%parallel_loop3A_377, %parallel_loop3A_378] {strides = array<i32>} : memref<46x512xf32, #tpu.memory_space<vmem>>, vector<1x16xf32>,
          %parallel_loop3A_380 = vector.shape_cast %parallel_loop3A_379 : vector<1x16xf32> to vector<16xf32>
          %parallel_loop3A_381 = vector.shape_cast %parallel_loop3A_375 : vector<16xf32> to vector<1x16xf32>
          tpu.vector_store %arg8[%parallel_loop3A_377, %parallel_loop3A_378], %parallel_loop3A_381 {strides = array<i32>} : memref<46x512xf32, #tpu.memory_space<vmem>>, vector<1x16xf32>,
          %parallel_loop3A_382 = arith.constant 21 : i32
          %parallel_loop3A_383 = arith.index_cast %parallel_loop3A_382 : i32 to index
          %parallel_loop3A_384 = arith.constant 0 : index
          %parallel_loop3A_385 = tpu.vector_load %arg5[%parallel_loop3A_383, %parallel_loop3A_384] {strides = array<i32>} : memref<32x16xf32, #tpu.memory_space<vmem>>, vector<1x16xf32>,
          %parallel_loop3A_386 = vector.shape_cast %parallel_loop3A_385 : vector<1x16xf32> to vector<16xf32>
          %parallel_loop3A_387 = vector.shape_cast %parallel_loop3A_87 : vector<16xi32> to vector<16x1xi32>
          %parallel_loop3A_388 = vector.shape_cast %parallel_loop3A_387 : vector<16x1xi32> to vector<16xi32>
          %parallel_loop3A_389 = tpu.dynamic_gather %parallel_loop3A_386[%parallel_loop3A_388] in [0] : vector<16xf32>, vector<16xi32> -> vector<16xf32>
          %parallel_loop3A_390 = arith.constant 21 : i32
          %parallel_loop3A_391 = arith.index_cast %parallel_loop3A_390 : i32 to index
          %parallel_loop3A_392 = arith.index_cast %parallel_loop3A_75 : i32 to index
          %parallel_loop3A_393 = tpu.vector_load %arg8[%parallel_loop3A_391, %parallel_loop3A_392] {strides = array<i32>} : memref<46x512xf32, #tpu.memory_space<vmem>>, vector<1x16xf32>,
          %parallel_loop3A_394 = vector.shape_cast %parallel_loop3A_393 : vector<1x16xf32> to vector<16xf32>
          %parallel_loop3A_395 = vector.shape_cast %parallel_loop3A_389 : vector<16xf32> to vector<1x16xf32>
          tpu.vector_store %arg8[%parallel_loop3A_391, %parallel_loop3A_392], %parallel_loop3A_395 {strides = array<i32>} : memref<46x512xf32, #tpu.memory_space<vmem>>, vector<1x16xf32>,
          %parallel_loop3A_396 = arith.constant 22 : i32
          %parallel_loop3A_397 = arith.index_cast %parallel_loop3A_396 : i32 to index
          %parallel_loop3A_398 = arith.constant 0 : index
          %parallel_loop3A_399 = tpu.vector_load %arg5[%parallel_loop3A_397, %parallel_loop3A_398] {strides = array<i32>} : memref<32x16xf32, #tpu.memory_space<vmem>>, vector<1x16xf32>,
          %parallel_loop3A_400 = vector.shape_cast %parallel_loop3A_399 : vector<1x16xf32> to vector<16xf32>
          %parallel_loop3A_401 = vector.shape_cast %parallel_loop3A_87 : vector<16xi32> to vector<16x1xi32>
          %parallel_loop3A_402 = vector.shape_cast %parallel_loop3A_401 : vector<16x1xi32> to vector<16xi32>
          %parallel_loop3A_403 = tpu.dynamic_gather %parallel_loop3A_400[%parallel_loop3A_402] in [0] : vector<16xf32>, vector<16xi32> -> vector<16xf32>
          %parallel_loop3A_404 = arith.constant 22 : i32
          %parallel_loop3A_405 = arith.index_cast %parallel_loop3A_404 : i32 to index
          %parallel_loop3A_406 = arith.index_cast %parallel_loop3A_75 : i32 to index
          %parallel_loop3A_407 = tpu.vector_load %arg8[%parallel_loop3A_405, %parallel_loop3A_406] {strides = array<i32>} : memref<46x512xf32, #tpu.memory_space<vmem>>, vector<1x16xf32>,
          %parallel_loop3A_408 = vector.shape_cast %parallel_loop3A_407 : vector<1x16xf32> to vector<16xf32>
          %parallel_loop3A_409 = vector.shape_cast %parallel_loop3A_403 : vector<16xf32> to vector<1x16xf32>
          tpu.vector_store %arg8[%parallel_loop3A_405, %parallel_loop3A_406], %parallel_loop3A_409 {strides = array<i32>} : memref<46x512xf32, #tpu.memory_space<vmem>>, vector<1x16xf32>,
          %parallel_loop3A_410 = arith.constant 23 : i32
          %parallel_loop3A_411 = arith.index_cast %parallel_loop3A_410 : i32 to index
          %parallel_loop3A_412 = arith.constant 0 : index
          %parallel_loop3A_413 = tpu.vector_load %arg5[%parallel_loop3A_411, %parallel_loop3A_412] {strides = array<i32>} : memref<32x16xf32, #tpu.memory_space<vmem>>, vector<1x16xf32>,
          %parallel_loop3A_414 = vector.shape_cast %parallel_loop3A_413 : vector<1x16xf32> to vector<16xf32>
          %parallel_loop3A_415 = vector.shape_cast %parallel_loop3A_87 : vector<16xi32> to vector<16x1xi32>
          %parallel_loop3A_416 = vector.shape_cast %parallel_loop3A_415 : vector<16x1xi32> to vector<16xi32>
          %parallel_loop3A_417 = tpu.dynamic_gather %parallel_loop3A_414[%parallel_loop3A_416] in [0] : vector<16xf32>, vector<16xi32> -> vector<16xf32>
          %parallel_loop3A_418 = arith.constant 23 : i32
          %parallel_loop3A_419 = arith.index_cast %parallel_loop3A_418 : i32 to index
          %parallel_loop3A_420 = arith.index_cast %parallel_loop3A_75 : i32 to index
          %parallel_loop3A_421 = tpu.vector_load %arg8[%parallel_loop3A_419, %parallel_loop3A_420] {strides = array<i32>} : memref<46x512xf32, #tpu.memory_space<vmem>>, vector<1x16xf32>,
          %parallel_loop3A_422 = vector.shape_cast %parallel_loop3A_421 : vector<1x16xf32> to vector<16xf32>
          %parallel_loop3A_423 = vector.shape_cast %parallel_loop3A_417 : vector<16xf32> to vector<1x16xf32>
          tpu.vector_store %arg8[%parallel_loop3A_419, %parallel_loop3A_420], %parallel_loop3A_423 {strides = array<i32>} : memref<46x512xf32, #tpu.memory_space<vmem>>, vector<1x16xf32>,
          %parallel_loop3A_424 = arith.constant 24 : i32
          %parallel_loop3A_425 = arith.index_cast %parallel_loop3A_424 : i32 to index
          %parallel_loop3A_426 = arith.constant 0 : index
          %parallel_loop3A_427 = tpu.vector_load %arg5[%parallel_loop3A_425, %parallel_loop3A_426] {strides = array<i32>} : memref<32x16xf32, #tpu.memory_space<vmem>>, vector<1x16xf32>,
          %parallel_loop3A_428 = vector.shape_cast %parallel_loop3A_427 : vector<1x16xf32> to vector<16xf32>
          %parallel_loop3A_429 = vector.shape_cast %parallel_loop3A_87 : vector<16xi32> to vector<16x1xi32>
          %parallel_loop3A_430 = vector.shape_cast %parallel_loop3A_429 : vector<16x1xi32> to vector<16xi32>
          %parallel_loop3A_431 = tpu.dynamic_gather %parallel_loop3A_428[%parallel_loop3A_430] in [0] : vector<16xf32>, vector<16xi32> -> vector<16xf32>
          %parallel_loop3A_432 = arith.constant 24 : i32
          %parallel_loop3A_433 = arith.index_cast %parallel_loop3A_432 : i32 to index
          %parallel_loop3A_434 = arith.index_cast %parallel_loop3A_75 : i32 to index
          %parallel_loop3A_435 = tpu.vector_load %arg8[%parallel_loop3A_433, %parallel_loop3A_434] {strides = array<i32>} : memref<46x512xf32, #tpu.memory_space<vmem>>, vector<1x16xf32>,
          %parallel_loop3A_436 = vector.shape_cast %parallel_loop3A_435 : vector<1x16xf32> to vector<16xf32>
          %parallel_loop3A_437 = vector.shape_cast %parallel_loop3A_431 : vector<16xf32> to vector<1x16xf32>
          tpu.vector_store %arg8[%parallel_loop3A_433, %parallel_loop3A_434], %parallel_loop3A_437 {strides = array<i32>} : memref<46x512xf32, #tpu.memory_space<vmem>>, vector<1x16xf32>,
          %parallel_loop3A_438 = arith.constant 25 : i32
          %parallel_loop3A_439 = arith.index_cast %parallel_loop3A_438 : i32 to index
          %parallel_loop3A_440 = arith.constant 0 : index
          %parallel_loop3A_441 = tpu.vector_load %arg5[%parallel_loop3A_439, %parallel_loop3A_440] {strides = array<i32>} : memref<32x16xf32, #tpu.memory_space<vmem>>, vector<1x16xf32>,
          %parallel_loop3A_442 = vector.shape_cast %parallel_loop3A_441 : vector<1x16xf32> to vector<16xf32>
          %parallel_loop3A_443 = vector.shape_cast %parallel_loop3A_87 : vector<16xi32> to vector<16x1xi32>
          %parallel_loop3A_444 = vector.shape_cast %parallel_loop3A_443 : vector<16x1xi32> to vector<16xi32>
          %parallel_loop3A_445 = tpu.dynamic_gather %parallel_loop3A_442[%parallel_loop3A_444] in [0] : vector<16xf32>, vector<16xi32> -> vector<16xf32>
          %parallel_loop3A_446 = arith.constant 25 : i32
          %parallel_loop3A_447 = arith.index_cast %parallel_loop3A_446 : i32 to index
          %parallel_loop3A_448 = arith.index_cast %parallel_loop3A_75 : i32 to index
          %parallel_loop3A_449 = tpu.vector_load %arg8[%parallel_loop3A_447, %parallel_loop3A_448] {strides = array<i32>} : memref<46x512xf32, #tpu.memory_space<vmem>>, vector<1x16xf32>,
          %parallel_loop3A_450 = vector.shape_cast %parallel_loop3A_449 : vector<1x16xf32> to vector<16xf32>
          %parallel_loop3A_451 = vector.shape_cast %parallel_loop3A_445 : vector<16xf32> to vector<1x16xf32>
          tpu.vector_store %arg8[%parallel_loop3A_447, %parallel_loop3A_448], %parallel_loop3A_451 {strides = array<i32>} : memref<46x512xf32, #tpu.memory_space<vmem>>, vector<1x16xf32>,
          %parallel_loop3A_452 = arith.constant 26 : i32
          %parallel_loop3A_453 = arith.index_cast %parallel_loop3A_452 : i32 to index
          %parallel_loop3A_454 = arith.constant 0 : index
          %parallel_loop3A_455 = tpu.vector_load %arg5[%parallel_loop3A_453, %parallel_loop3A_454] {strides = array<i32>} : memref<32x16xf32, #tpu.memory_space<vmem>>, vector<1x16xf32>,
          %parallel_loop3A_456 = vector.shape_cast %parallel_loop3A_455 : vector<1x16xf32> to vector<16xf32>
          %parallel_loop3A_457 = vector.shape_cast %parallel_loop3A_87 : vector<16xi32> to vector<16x1xi32>
          %parallel_loop3A_458 = vector.shape_cast %parallel_loop3A_457 : vector<16x1xi32> to vector<16xi32>
          %parallel_loop3A_459 = tpu.dynamic_gather %parallel_loop3A_456[%parallel_loop3A_458] in [0] : vector<16xf32>, vector<16xi32> -> vector<16xf32>
          %parallel_loop3A_460 = arith.constant 26 : i32
          %parallel_loop3A_461 = arith.index_cast %parallel_loop3A_460 : i32 to index
          %parallel_loop3A_462 = arith.index_cast %parallel_loop3A_75 : i32 to index
          %parallel_loop3A_463 = tpu.vector_load %arg8[%parallel_loop3A_461, %parallel_loop3A_462] {strides = array<i32>} : memref<46x512xf32, #tpu.memory_space<vmem>>, vector<1x16xf32>,
          %parallel_loop3A_464 = vector.shape_cast %parallel_loop3A_463 : vector<1x16xf32> to vector<16xf32>
          %parallel_loop3A_465 = vector.shape_cast %parallel_loop3A_459 : vector<16xf32> to vector<1x16xf32>
          tpu.vector_store %arg8[%parallel_loop3A_461, %parallel_loop3A_462], %parallel_loop3A_465 {strides = array<i32>} : memref<46x512xf32, #tpu.memory_space<vmem>>, vector<1x16xf32>,
          %parallel_loop3A_466 = arith.constant 27 : i32
          %parallel_loop3A_467 = arith.index_cast %parallel_loop3A_466 : i32 to index
          %parallel_loop3A_468 = arith.constant 0 : index
          %parallel_loop3A_469 = tpu.vector_load %arg5[%parallel_loop3A_467, %parallel_loop3A_468] {strides = array<i32>} : memref<32x16xf32, #tpu.memory_space<vmem>>, vector<1x16xf32>,
          %parallel_loop3A_470 = vector.shape_cast %parallel_loop3A_469 : vector<1x16xf32> to vector<16xf32>
          %parallel_loop3A_471 = vector.shape_cast %parallel_loop3A_87 : vector<16xi32> to vector<16x1xi32>
          %parallel_loop3A_472 = vector.shape_cast %parallel_loop3A_471 : vector<16x1xi32> to vector<16xi32>
          %parallel_loop3A_473 = tpu.dynamic_gather %parallel_loop3A_470[%parallel_loop3A_472] in [0] : vector<16xf32>, vector<16xi32> -> vector<16xf32>
          %parallel_loop3A_474 = arith.constant 27 : i32
          %parallel_loop3A_475 = arith.index_cast %parallel_loop3A_474 : i32 to index
          %parallel_loop3A_476 = arith.index_cast %parallel_loop3A_75 : i32 to index
          %parallel_loop3A_477 = tpu.vector_load %arg8[%parallel_loop3A_475, %parallel_loop3A_476] {strides = array<i32>} : memref<46x512xf32, #tpu.memory_space<vmem>>, vector<1x16xf32>,
          %parallel_loop3A_478 = vector.shape_cast %parallel_loop3A_477 : vector<1x16xf32> to vector<16xf32>
          %parallel_loop3A_479 = vector.shape_cast %parallel_loop3A_473 : vector<16xf32> to vector<1x16xf32>
          tpu.vector_store %arg8[%parallel_loop3A_475, %parallel_loop3A_476], %parallel_loop3A_479 {strides = array<i32>} : memref<46x512xf32, #tpu.memory_space<vmem>>, vector<1x16xf32>,
          %parallel_loop3A_480 = arith.constant 28 : i32
          %parallel_loop3A_481 = arith.index_cast %parallel_loop3A_480 : i32 to index
          %parallel_loop3A_482 = arith.constant 0 : index
          %parallel_loop3A_483 = tpu.vector_load %arg5[%parallel_loop3A_481, %parallel_loop3A_482] {strides = array<i32>} : memref<32x16xf32, #tpu.memory_space<vmem>>, vector<1x16xf32>,
          %parallel_loop3A_484 = vector.shape_cast %parallel_loop3A_483 : vector<1x16xf32> to vector<16xf32>
          %parallel_loop3A_485 = vector.shape_cast %parallel_loop3A_87 : vector<16xi32> to vector<16x1xi32>
          %parallel_loop3A_486 = vector.shape_cast %parallel_loop3A_485 : vector<16x1xi32> to vector<16xi32>
          %parallel_loop3A_487 = tpu.dynamic_gather %parallel_loop3A_484[%parallel_loop3A_486] in [0] : vector<16xf32>, vector<16xi32> -> vector<16xf32>
          %parallel_loop3A_488 = arith.constant 28 : i32
          %parallel_loop3A_489 = arith.index_cast %parallel_loop3A_488 : i32 to index
          %parallel_loop3A_490 = arith.index_cast %parallel_loop3A_75 : i32 to index
          %parallel_loop3A_491 = tpu.vector_load %arg8[%parallel_loop3A_489, %parallel_loop3A_490] {strides = array<i32>} : memref<46x512xf32, #tpu.memory_space<vmem>>, vector<1x16xf32>,
          %parallel_loop3A_492 = vector.shape_cast %parallel_loop3A_491 : vector<1x16xf32> to vector<16xf32>
          %parallel_loop3A_493 = vector.shape_cast %parallel_loop3A_487 : vector<16xf32> to vector<1x16xf32>
          tpu.vector_store %arg8[%parallel_loop3A_489, %parallel_loop3A_490], %parallel_loop3A_493 {strides = array<i32>} : memref<46x512xf32, #tpu.memory_space<vmem>>, vector<1x16xf32>,
          %parallel_loop3A_494 = arith.constant 29 : i32
          %parallel_loop3A_495 = arith.index_cast %parallel_loop3A_494 : i32 to index
          %parallel_loop3A_496 = arith.constant 0 : index
          %parallel_loop3A_497 = tpu.vector_load %arg5[%parallel_loop3A_495, %parallel_loop3A_496] {strides = array<i32>} : memref<32x16xf32, #tpu.memory_space<vmem>>, vector<1x16xf32>,
          %parallel_loop3A_498 = vector.shape_cast %parallel_loop3A_497 : vector<1x16xf32> to vector<16xf32>
          %parallel_loop3A_499 = vector.shape_cast %parallel_loop3A_87 : vector<16xi32> to vector<16x1xi32>
          %parallel_loop3A_500 = vector.shape_cast %parallel_loop3A_499 : vector<16x1xi32> to vector<16xi32>
          %parallel_loop3A_501 = tpu.dynamic_gather %parallel_loop3A_498[%parallel_loop3A_500] in [0] : vector<16xf32>, vector<16xi32> -> vector<16xf32>
          %parallel_loop3A_502 = arith.constant 29 : i32
          %parallel_loop3A_503 = arith.index_cast %parallel_loop3A_502 : i32 to index
          %parallel_loop3A_504 = arith.index_cast %parallel_loop3A_75 : i32 to index
          %parallel_loop3A_505 = tpu.vector_load %arg8[%parallel_loop3A_503, %parallel_loop3A_504] {strides = array<i32>} : memref<46x512xf32, #tpu.memory_space<vmem>>, vector<1x16xf32>,
          %parallel_loop3A_506 = vector.shape_cast %parallel_loop3A_505 : vector<1x16xf32> to vector<16xf32>
          %parallel_loop3A_507 = vector.shape_cast %parallel_loop3A_501 : vector<16xf32> to vector<1x16xf32>
          tpu.vector_store %arg8[%parallel_loop3A_503, %parallel_loop3A_504], %parallel_loop3A_507 {strides = array<i32>} : memref<46x512xf32, #tpu.memory_space<vmem>>, vector<1x16xf32>,
          %parallel_loop3A_508 = arith.constant 30 : i32
          %parallel_loop3A_509 = arith.index_cast %parallel_loop3A_508 : i32 to index
          %parallel_loop3A_510 = arith.constant 0 : index
          %parallel_loop3A_511 = tpu.vector_load %arg5[%parallel_loop3A_509, %parallel_loop3A_510] {strides = array<i32>} : memref<32x16xf32, #tpu.memory_space<vmem>>, vector<1x16xf32>,
          %parallel_loop3A_512 = vector.shape_cast %parallel_loop3A_511 : vector<1x16xf32> to vector<16xf32>
          %parallel_loop3A_513 = vector.shape_cast %parallel_loop3A_87 : vector<16xi32> to vector<16x1xi32>
          %parallel_loop3A_514 = vector.shape_cast %parallel_loop3A_513 : vector<16x1xi32> to vector<16xi32>
          %parallel_loop3A_515 = tpu.dynamic_gather %parallel_loop3A_512[%parallel_loop3A_514] in [0] : vector<16xf32>, vector<16xi32> -> vector<16xf32>
          %parallel_loop3A_516 = arith.constant 30 : i32
          %parallel_loop3A_517 = arith.index_cast %parallel_loop3A_516 : i32 to index
          %parallel_loop3A_518 = arith.index_cast %parallel_loop3A_75 : i32 to index
          %parallel_loop3A_519 = tpu.vector_load %arg8[%parallel_loop3A_517, %parallel_loop3A_518] {strides = array<i32>} : memref<46x512xf32, #tpu.memory_space<vmem>>, vector<1x16xf32>,
          %parallel_loop3A_520 = vector.shape_cast %parallel_loop3A_519 : vector<1x16xf32> to vector<16xf32>
          %parallel_loop3A_521 = vector.shape_cast %parallel_loop3A_515 : vector<16xf32> to vector<1x16xf32>
          tpu.vector_store %arg8[%parallel_loop3A_517, %parallel_loop3A_518], %parallel_loop3A_521 {strides = array<i32>} : memref<46x512xf32, #tpu.memory_space<vmem>>, vector<1x16xf32>,
          %parallel_loop3A_522 = arith.constant 31 : i32
          %parallel_loop3A_523 = arith.index_cast %parallel_loop3A_522 : i32 to index
          %parallel_loop3A_524 = arith.constant 0 : index
          %parallel_loop3A_525 = tpu.vector_load %arg5[%parallel_loop3A_523, %parallel_loop3A_524] {strides = array<i32>} : memref<32x16xf32, #tpu.memory_space<vmem>>, vector<1x16xf32>,
          %parallel_loop3A_526 = vector.shape_cast %parallel_loop3A_525 : vector<1x16xf32> to vector<16xf32>
          %parallel_loop3A_527 = vector.shape_cast %parallel_loop3A_87 : vector<16xi32> to vector<16x1xi32>
          %parallel_loop3A_528 = vector.shape_cast %parallel_loop3A_527 : vector<16x1xi32> to vector<16xi32>
          %parallel_loop3A_529 = tpu.dynamic_gather %parallel_loop3A_526[%parallel_loop3A_528] in [0] : vector<16xf32>, vector<16xi32> -> vector<16xf32>
          %parallel_loop3A_530 = arith.constant 31 : i32
          %parallel_loop3A_531 = arith.index_cast %parallel_loop3A_530 : i32 to index
          %parallel_loop3A_532 = arith.index_cast %parallel_loop3A_75 : i32 to index
          %parallel_loop3A_533 = tpu.vector_load %arg8[%parallel_loop3A_531, %parallel_loop3A_532] {strides = array<i32>} : memref<46x512xf32, #tpu.memory_space<vmem>>, vector<1x16xf32>,
          %parallel_loop3A_534 = vector.shape_cast %parallel_loop3A_533 : vector<1x16xf32> to vector<16xf32>
          %parallel_loop3A_535 = vector.shape_cast %parallel_loop3A_529 : vector<16xf32> to vector<1x16xf32>
          tpu.vector_store %arg8[%parallel_loop3A_531, %parallel_loop3A_532], %parallel_loop3A_535 {strides = array<i32>} : memref<46x512xf32, #tpu.memory_space<vmem>>, vector<1x16xf32>,
          %parallel_loop3A_536 = arith.constant 2 : i32
          %parallel_loop3A_537 = arith.index_cast %parallel_loop3A_536 : i32 to index
          %parallel_loop3A_538 = arith.index_cast %parallel_loop3A_75 : i32 to index
          %parallel_loop3A_539 = tpu.vector_load %arg6[%parallel_loop3A_537, %parallel_loop3A_538] {strides = array<i32>} : memref<16x512xf32, #tpu.memory_space<vmem>>, vector<1x16xf32>,
          %parallel_loop3A_540 = vector.shape_cast %parallel_loop3A_539 : vector<1x16xf32> to vector<16xf32>
          %parallel_loop3A_541 = arith.constant 32 : i32
          %parallel_loop3A_542 = arith.index_cast %parallel_loop3A_541 : i32 to index
          %parallel_loop3A_543 = arith.index_cast %parallel_loop3A_75 : i32 to index
          %parallel_loop3A_544 = tpu.vector_load %arg8[%parallel_loop3A_542, %parallel_loop3A_543] {strides = array<i32>} : memref<46x512xf32, #tpu.memory_space<vmem>>, vector<1x16xf32>,
          %parallel_loop3A_545 = vector.shape_cast %parallel_loop3A_544 : vector<1x16xf32> to vector<16xf32>
          %parallel_loop3A_546 = vector.shape_cast %parallel_loop3A_540 : vector<16xf32> to vector<1x16xf32>
          tpu.vector_store %arg8[%parallel_loop3A_542, %parallel_loop3A_543], %parallel_loop3A_546 {strides = array<i32>} : memref<46x512xf32, #tpu.memory_space<vmem>>, vector<1x16xf32>,
          %parallel_loop3A_547 = arith.constant 3 : i32
          %parallel_loop3A_548 = arith.index_cast %parallel_loop3A_547 : i32 to index
          %parallel_loop3A_549 = arith.index_cast %parallel_loop3A_75 : i32 to index
          %parallel_loop3A_550 = tpu.vector_load %arg6[%parallel_loop3A_548, %parallel_loop3A_549] {strides = array<i32>} : memref<16x512xf32, #tpu.memory_space<vmem>>, vector<1x16xf32>,
          %parallel_loop3A_551 = vector.shape_cast %parallel_loop3A_550 : vector<1x16xf32> to vector<16xf32>
          %parallel_loop3A_552 = arith.constant 33 : i32
          %parallel_loop3A_553 = arith.index_cast %parallel_loop3A_552 : i32 to index
          %parallel_loop3A_554 = arith.index_cast %parallel_loop3A_75 : i32 to index
          %parallel_loop3A_555 = tpu.vector_load %arg8[%parallel_loop3A_553, %parallel_loop3A_554] {strides = array<i32>} : memref<46x512xf32, #tpu.memory_space<vmem>>, vector<1x16xf32>,
          %parallel_loop3A_556 = vector.shape_cast %parallel_loop3A_555 : vector<1x16xf32> to vector<16xf32>
          %parallel_loop3A_557 = vector.shape_cast %parallel_loop3A_551 : vector<16xf32> to vector<1x16xf32>
          tpu.vector_store %arg8[%parallel_loop3A_553, %parallel_loop3A_554], %parallel_loop3A_557 {strides = array<i32>} : memref<46x512xf32, #tpu.memory_space<vmem>>, vector<1x16xf32>,
          %parallel_loop3A_558 = arith.constant 4 : i32
          %parallel_loop3A_559 = arith.index_cast %parallel_loop3A_558 : i32 to index
          %parallel_loop3A_560 = arith.index_cast %parallel_loop3A_75 : i32 to index
          %parallel_loop3A_561 = tpu.vector_load %arg6[%parallel_loop3A_559, %parallel_loop3A_560] {strides = array<i32>} : memref<16x512xf32, #tpu.memory_space<vmem>>, vector<1x16xf32>,
          %parallel_loop3A_562 = vector.shape_cast %parallel_loop3A_561 : vector<1x16xf32> to vector<16xf32>
          %parallel_loop3A_563 = arith.constant 34 : i32
          %parallel_loop3A_564 = arith.index_cast %parallel_loop3A_563 : i32 to index
          %parallel_loop3A_565 = arith.index_cast %parallel_loop3A_75 : i32 to index
          %parallel_loop3A_566 = tpu.vector_load %arg8[%parallel_loop3A_564, %parallel_loop3A_565] {strides = array<i32>} : memref<46x512xf32, #tpu.memory_space<vmem>>, vector<1x16xf32>,
          %parallel_loop3A_567 = vector.shape_cast %parallel_loop3A_566 : vector<1x16xf32> to vector<16xf32>
          %parallel_loop3A_568 = vector.shape_cast %parallel_loop3A_562 : vector<16xf32> to vector<1x16xf32>
          tpu.vector_store %arg8[%parallel_loop3A_564, %parallel_loop3A_565], %parallel_loop3A_568 {strides = array<i32>} : memref<46x512xf32, #tpu.memory_space<vmem>>, vector<1x16xf32>,
          %parallel_loop3A_569 = arith.constant 5 : i32
          %parallel_loop3A_570 = arith.index_cast %parallel_loop3A_569 : i32 to index
          %parallel_loop3A_571 = arith.index_cast %parallel_loop3A_75 : i32 to index
          %parallel_loop3A_572 = tpu.vector_load %arg6[%parallel_loop3A_570, %parallel_loop3A_571] {strides = array<i32>} : memref<16x512xf32, #tpu.memory_space<vmem>>, vector<1x16xf32>,
          %parallel_loop3A_573 = vector.shape_cast %parallel_loop3A_572 : vector<1x16xf32> to vector<16xf32>
          %parallel_loop3A_574 = arith.constant 35 : i32
          %parallel_loop3A_575 = arith.index_cast %parallel_loop3A_574 : i32 to index
          %parallel_loop3A_576 = arith.index_cast %parallel_loop3A_75 : i32 to index
          %parallel_loop3A_577 = tpu.vector_load %arg8[%parallel_loop3A_575, %parallel_loop3A_576] {strides = array<i32>} : memref<46x512xf32, #tpu.memory_space<vmem>>, vector<1x16xf32>,
          %parallel_loop3A_578 = vector.shape_cast %parallel_loop3A_577 : vector<1x16xf32> to vector<16xf32>
          %parallel_loop3A_579 = vector.shape_cast %parallel_loop3A_573 : vector<16xf32> to vector<1x16xf32>
          tpu.vector_store %arg8[%parallel_loop3A_575, %parallel_loop3A_576], %parallel_loop3A_579 {strides = array<i32>} : memref<46x512xf32, #tpu.memory_space<vmem>>, vector<1x16xf32>,
          %parallel_loop3A_580 = arith.constant 6 : i32
          %parallel_loop3A_581 = arith.index_cast %parallel_loop3A_580 : i32 to index
          %parallel_loop3A_582 = arith.index_cast %parallel_loop3A_75 : i32 to index
          %parallel_loop3A_583 = tpu.vector_load %arg6[%parallel_loop3A_581, %parallel_loop3A_582] {strides = array<i32>} : memref<16x512xf32, #tpu.memory_space<vmem>>, vector<1x16xf32>,
          %parallel_loop3A_584 = vector.shape_cast %parallel_loop3A_583 : vector<1x16xf32> to vector<16xf32>
          %parallel_loop3A_585 = arith.constant 36 : i32
          %parallel_loop3A_586 = arith.index_cast %parallel_loop3A_585 : i32 to index
          %parallel_loop3A_587 = arith.index_cast %parallel_loop3A_75 : i32 to index
          %parallel_loop3A_588 = tpu.vector_load %arg8[%parallel_loop3A_586, %parallel_loop3A_587] {strides = array<i32>} : memref<46x512xf32, #tpu.memory_space<vmem>>, vector<1x16xf32>,
          %parallel_loop3A_589 = vector.shape_cast %parallel_loop3A_588 : vector<1x16xf32> to vector<16xf32>
          %parallel_loop3A_590 = vector.shape_cast %parallel_loop3A_584 : vector<16xf32> to vector<1x16xf32>
          tpu.vector_store %arg8[%parallel_loop3A_586, %parallel_loop3A_587], %parallel_loop3A_590 {strides = array<i32>} : memref<46x512xf32, #tpu.memory_space<vmem>>, vector<1x16xf32>,
          %parallel_loop3A_591 = arith.constant 7 : i32
          %parallel_loop3A_592 = arith.index_cast %parallel_loop3A_591 : i32 to index
          %parallel_loop3A_593 = arith.index_cast %parallel_loop3A_75 : i32 to index
          %parallel_loop3A_594 = tpu.vector_load %arg6[%parallel_loop3A_592, %parallel_loop3A_593] {strides = array<i32>} : memref<16x512xf32, #tpu.memory_space<vmem>>, vector<1x16xf32>,
          %parallel_loop3A_595 = vector.shape_cast %parallel_loop3A_594 : vector<1x16xf32> to vector<16xf32>
          %parallel_loop3A_596 = arith.constant 37 : i32
          %parallel_loop3A_597 = arith.index_cast %parallel_loop3A_596 : i32 to index
          %parallel_loop3A_598 = arith.index_cast %parallel_loop3A_75 : i32 to index
          %parallel_loop3A_599 = tpu.vector_load %arg8[%parallel_loop3A_597, %parallel_loop3A_598] {strides = array<i32>} : memref<46x512xf32, #tpu.memory_space<vmem>>, vector<1x16xf32>,
          %parallel_loop3A_600 = vector.shape_cast %parallel_loop3A_599 : vector<1x16xf32> to vector<16xf32>
          %parallel_loop3A_601 = vector.shape_cast %parallel_loop3A_595 : vector<16xf32> to vector<1x16xf32>
          tpu.vector_store %arg8[%parallel_loop3A_597, %parallel_loop3A_598], %parallel_loop3A_601 {strides = array<i32>} : memref<46x512xf32, #tpu.memory_space<vmem>>, vector<1x16xf32>,
          %parallel_loop3A_602 = arith.constant 8 : i32
          %parallel_loop3A_603 = arith.index_cast %parallel_loop3A_602 : i32 to index
          %parallel_loop3A_604 = arith.index_cast %parallel_loop3A_75 : i32 to index
          %parallel_loop3A_605 = tpu.vector_load %arg6[%parallel_loop3A_603, %parallel_loop3A_604] {strides = array<i32>} : memref<16x512xf32, #tpu.memory_space<vmem>>, vector<1x16xf32>,
          %parallel_loop3A_606 = vector.shape_cast %parallel_loop3A_605 : vector<1x16xf32> to vector<16xf32>
          %parallel_loop3A_607 = arith.constant 38 : i32
          %parallel_loop3A_608 = arith.index_cast %parallel_loop3A_607 : i32 to index
          %parallel_loop3A_609 = arith.index_cast %parallel_loop3A_75 : i32 to index
          %parallel_loop3A_610 = tpu.vector_load %arg8[%parallel_loop3A_608, %parallel_loop3A_609] {strides = array<i32>} : memref<46x512xf32, #tpu.memory_space<vmem>>, vector<1x16xf32>,
          %parallel_loop3A_611 = vector.shape_cast %parallel_loop3A_610 : vector<1x16xf32> to vector<16xf32>
          %parallel_loop3A_612 = vector.shape_cast %parallel_loop3A_606 : vector<16xf32> to vector<1x16xf32>
          tpu.vector_store %arg8[%parallel_loop3A_608, %parallel_loop3A_609], %parallel_loop3A_612 {strides = array<i32>} : memref<46x512xf32, #tpu.memory_space<vmem>>, vector<1x16xf32>,
          %parallel_loop3A_613 = arith.constant 9 : i32
          %parallel_loop3A_614 = arith.index_cast %parallel_loop3A_613 : i32 to index
          %parallel_loop3A_615 = arith.index_cast %parallel_loop3A_75 : i32 to index
          %parallel_loop3A_616 = tpu.vector_load %arg6[%parallel_loop3A_614, %parallel_loop3A_615] {strides = array<i32>} : memref<16x512xf32, #tpu.memory_space<vmem>>, vector<1x16xf32>,
          %parallel_loop3A_617 = vector.shape_cast %parallel_loop3A_616 : vector<1x16xf32> to vector<16xf32>
          %parallel_loop3A_618 = arith.constant 39 : i32
          %parallel_loop3A_619 = arith.index_cast %parallel_loop3A_618 : i32 to index
          %parallel_loop3A_620 = arith.index_cast %parallel_loop3A_75 : i32 to index
          %parallel_loop3A_621 = tpu.vector_load %arg8[%parallel_loop3A_619, %parallel_loop3A_620] {strides = array<i32>} : memref<46x512xf32, #tpu.memory_space<vmem>>, vector<1x16xf32>,
          %parallel_loop3A_622 = vector.shape_cast %parallel_loop3A_621 : vector<1x16xf32> to vector<16xf32>
          %parallel_loop3A_623 = vector.shape_cast %parallel_loop3A_617 : vector<16xf32> to vector<1x16xf32>
          tpu.vector_store %arg8[%parallel_loop3A_619, %parallel_loop3A_620], %parallel_loop3A_623 {strides = array<i32>} : memref<46x512xf32, #tpu.memory_space<vmem>>, vector<1x16xf32>,
          %parallel_loop3A_624 = arith.constant 10 : i32
          %parallel_loop3A_625 = arith.index_cast %parallel_loop3A_624 : i32 to index
          %parallel_loop3A_626 = arith.index_cast %parallel_loop3A_75 : i32 to index
          %parallel_loop3A_627 = tpu.vector_load %arg6[%parallel_loop3A_625, %parallel_loop3A_626] {strides = array<i32>} : memref<16x512xf32, #tpu.memory_space<vmem>>, vector<1x16xf32>,
          %parallel_loop3A_628 = vector.shape_cast %parallel_loop3A_627 : vector<1x16xf32> to vector<16xf32>
          %parallel_loop3A_629 = arith.constant 40 : i32
          %parallel_loop3A_630 = arith.index_cast %parallel_loop3A_629 : i32 to index
          %parallel_loop3A_631 = arith.index_cast %parallel_loop3A_75 : i32 to index
          %parallel_loop3A_632 = tpu.vector_load %arg8[%parallel_loop3A_630, %parallel_loop3A_631] {strides = array<i32>} : memref<46x512xf32, #tpu.memory_space<vmem>>, vector<1x16xf32>,
          %parallel_loop3A_633 = vector.shape_cast %parallel_loop3A_632 : vector<1x16xf32> to vector<16xf32>
          %parallel_loop3A_634 = vector.shape_cast %parallel_loop3A_628 : vector<16xf32> to vector<1x16xf32>
          tpu.vector_store %arg8[%parallel_loop3A_630, %parallel_loop3A_631], %parallel_loop3A_634 {strides = array<i32>} : memref<46x512xf32, #tpu.memory_space<vmem>>, vector<1x16xf32>,
          %parallel_loop3A_635 = arith.constant 11 : i32
          %parallel_loop3A_636 = arith.index_cast %parallel_loop3A_635 : i32 to index
          %parallel_loop3A_637 = arith.index_cast %parallel_loop3A_75 : i32 to index
          %parallel_loop3A_638 = tpu.vector_load %arg6[%parallel_loop3A_636, %parallel_loop3A_637] {strides = array<i32>} : memref<16x512xf32, #tpu.memory_space<vmem>>, vector<1x16xf32>,
          %parallel_loop3A_639 = vector.shape_cast %parallel_loop3A_638 : vector<1x16xf32> to vector<16xf32>
          %parallel_loop3A_640 = arith.constant 41 : i32
          %parallel_loop3A_641 = arith.index_cast %parallel_loop3A_640 : i32 to index
          %parallel_loop3A_642 = arith.index_cast %parallel_loop3A_75 : i32 to index
          %parallel_loop3A_643 = tpu.vector_load %arg8[%parallel_loop3A_641, %parallel_loop3A_642] {strides = array<i32>} : memref<46x512xf32, #tpu.memory_space<vmem>>, vector<1x16xf32>,
          %parallel_loop3A_644 = vector.shape_cast %parallel_loop3A_643 : vector<1x16xf32> to vector<16xf32>
          %parallel_loop3A_645 = vector.shape_cast %parallel_loop3A_639 : vector<16xf32> to vector<1x16xf32>
          tpu.vector_store %arg8[%parallel_loop3A_641, %parallel_loop3A_642], %parallel_loop3A_645 {strides = array<i32>} : memref<46x512xf32, #tpu.memory_space<vmem>>, vector<1x16xf32>,
          %parallel_loop3A_646 = arith.constant 12 : i32
          %parallel_loop3A_647 = arith.index_cast %parallel_loop3A_646 : i32 to index
          %parallel_loop3A_648 = arith.index_cast %parallel_loop3A_75 : i32 to index
          %parallel_loop3A_649 = tpu.vector_load %arg6[%parallel_loop3A_647, %parallel_loop3A_648] {strides = array<i32>} : memref<16x512xf32, #tpu.memory_space<vmem>>, vector<1x16xf32>,
          %parallel_loop3A_650 = vector.shape_cast %parallel_loop3A_649 : vector<1x16xf32> to vector<16xf32>
          %parallel_loop3A_651 = arith.constant 42 : i32
          %parallel_loop3A_652 = arith.index_cast %parallel_loop3A_651 : i32 to index
          %parallel_loop3A_653 = arith.index_cast %parallel_loop3A_75 : i32 to index
          %parallel_loop3A_654 = tpu.vector_load %arg8[%parallel_loop3A_652, %parallel_loop3A_653] {strides = array<i32>} : memref<46x512xf32, #tpu.memory_space<vmem>>, vector<1x16xf32>,
          %parallel_loop3A_655 = vector.shape_cast %parallel_loop3A_654 : vector<1x16xf32> to vector<16xf32>
          %parallel_loop3A_656 = vector.shape_cast %parallel_loop3A_650 : vector<16xf32> to vector<1x16xf32>
          tpu.vector_store %arg8[%parallel_loop3A_652, %parallel_loop3A_653], %parallel_loop3A_656 {strides = array<i32>} : memref<46x512xf32, #tpu.memory_space<vmem>>, vector<1x16xf32>,
          %parallel_loop3A_657 = arith.constant 13 : i32
          %parallel_loop3A_658 = arith.index_cast %parallel_loop3A_657 : i32 to index
          %parallel_loop3A_659 = arith.index_cast %parallel_loop3A_75 : i32 to index
          %parallel_loop3A_660 = tpu.vector_load %arg6[%parallel_loop3A_658, %parallel_loop3A_659] {strides = array<i32>} : memref<16x512xf32, #tpu.memory_space<vmem>>, vector<1x16xf32>,
          %parallel_loop3A_661 = vector.shape_cast %parallel_loop3A_660 : vector<1x16xf32> to vector<16xf32>
          %parallel_loop3A_662 = arith.constant 43 : i32
          %parallel_loop3A_663 = arith.index_cast %parallel_loop3A_662 : i32 to index
          %parallel_loop3A_664 = arith.index_cast %parallel_loop3A_75 : i32 to index
          %parallel_loop3A_665 = tpu.vector_load %arg8[%parallel_loop3A_663, %parallel_loop3A_664] {strides = array<i32>} : memref<46x512xf32, #tpu.memory_space<vmem>>, vector<1x16xf32>,
          %parallel_loop3A_666 = vector.shape_cast %parallel_loop3A_665 : vector<1x16xf32> to vector<16xf32>
          %parallel_loop3A_667 = vector.shape_cast %parallel_loop3A_661 : vector<16xf32> to vector<1x16xf32>
          tpu.vector_store %arg8[%parallel_loop3A_663, %parallel_loop3A_664], %parallel_loop3A_667 {strides = array<i32>} : memref<46x512xf32, #tpu.memory_space<vmem>>, vector<1x16xf32>,
          %parallel_loop3A_668 = arith.constant 14 : i32
          %parallel_loop3A_669 = arith.index_cast %parallel_loop3A_668 : i32 to index
          %parallel_loop3A_670 = arith.index_cast %parallel_loop3A_75 : i32 to index
          %parallel_loop3A_671 = tpu.vector_load %arg6[%parallel_loop3A_669, %parallel_loop3A_670] {strides = array<i32>} : memref<16x512xf32, #tpu.memory_space<vmem>>, vector<1x16xf32>,
          %parallel_loop3A_672 = vector.shape_cast %parallel_loop3A_671 : vector<1x16xf32> to vector<16xf32>
          %parallel_loop3A_673 = arith.constant 44 : i32
          %parallel_loop3A_674 = arith.index_cast %parallel_loop3A_673 : i32 to index
          %parallel_loop3A_675 = arith.index_cast %parallel_loop3A_75 : i32 to index
          %parallel_loop3A_676 = tpu.vector_load %arg8[%parallel_loop3A_674, %parallel_loop3A_675] {strides = array<i32>} : memref<46x512xf32, #tpu.memory_space<vmem>>, vector<1x16xf32>,
          %parallel_loop3A_677 = vector.shape_cast %parallel_loop3A_676 : vector<1x16xf32> to vector<16xf32>
          %parallel_loop3A_678 = vector.shape_cast %parallel_loop3A_672 : vector<16xf32> to vector<1x16xf32>
          tpu.vector_store %arg8[%parallel_loop3A_674, %parallel_loop3A_675], %parallel_loop3A_678 {strides = array<i32>} : memref<46x512xf32, #tpu.memory_space<vmem>>, vector<1x16xf32>,
          %parallel_loop3A_679 = arith.constant 15 : i32
          %parallel_loop3A_680 = arith.index_cast %parallel_loop3A_679 : i32 to index
          %parallel_loop3A_681 = arith.index_cast %parallel_loop3A_75 : i32 to index
          %parallel_loop3A_682 = tpu.vector_load %arg6[%parallel_loop3A_680, %parallel_loop3A_681] {strides = array<i32>} : memref<16x512xf32, #tpu.memory_space<vmem>>, vector<1x16xf32>,
          %parallel_loop3A_683 = vector.shape_cast %parallel_loop3A_682 : vector<1x16xf32> to vector<16xf32>
          %parallel_loop3A_684 = arith.constant 45 : i32
          %parallel_loop3A_685 = arith.index_cast %parallel_loop3A_684 : i32 to index
          %parallel_loop3A_686 = arith.index_cast %parallel_loop3A_75 : i32 to index
          %parallel_loop3A_687 = tpu.vector_load %arg8[%parallel_loop3A_685, %parallel_loop3A_686] {strides = array<i32>} : memref<46x512xf32, #tpu.memory_space<vmem>>, vector<1x16xf32>,
          %parallel_loop3A_688 = vector.shape_cast %parallel_loop3A_687 : vector<1x16xf32> to vector<16xf32>
          %parallel_loop3A_689 = vector.shape_cast %parallel_loop3A_683 : vector<16xf32> to vector<1x16xf32>
          tpu.vector_store %arg8[%parallel_loop3A_685, %parallel_loop3A_686], %parallel_loop3A_689 {strides = array<i32>} : memref<46x512xf32, #tpu.memory_space<vmem>>, vector<1x16xf32>,
        } {sc.loop_unroll_factor = 2 : i64, sc.parallel_access}
        %mul3A_61 = arith.constant 512 : i32
        %mul3A_62 = arith.muli %add3A_31, %mul3A_61 : i32
        %dma_start3A = arith.constant 0 : i32
        %dma_start3A_63 = tpu.memref_slice %arg4[%dma_start3A, %mul3A_62] : memref<46x1600000xf32, #tpu.memory_space<hbm>> -> memref<46x512xf32, #tpu.memory_space<hbm>>
        %dma_start3A_64 = arith.constant 0 : i32
        %dma_start3A_65 = tpu.memref_slice %arg4[%dma_start3A_64, %mul3A_62] : memref<46x1600000xf32, #tpu.memory_space<hbm>> -> memref<46x512xf32, #tpu.memory_space<hbm>>
        tpu.enqueue_dma source(%arg8 : memref<46x512xf32, #tpu.memory_space<vmem>>) target(%dma_start3A_65 : memref<46x512xf32, #tpu.memory_space<hbm>>) target_semaphore(%arg12 : memref<!tpu.dma_semaphore, #tpu.memory_space<semaphore_mem>>)
        %add3A_66 = arith.constant 64 : i32
        %add3A_67 = arith.addi %add3A_31, %add3A_66 : i32
        %lt3A_68 = arith.constant 3125 : i32
        %lt3A_69 = arith.cmpi slt, %add3A_67, %lt3A_68 : i32
        %convert_element_type3A_70 = arith.extui %lt3A_69 : i1 to i32
        %cond3A_71 = arith.constant 0 : i32
        %cond3A_72 = arith.cmpi ne, %convert_element_type3A_70, %cond3A_71 : i32
        scf.if %cond3A_72 {
          %add3A_73 = arith.constant 64 : i32
          %add3A_74 = arith.addi %add3A_31, %add3A_73 : i32
          %mul3A_75 = arith.constant 512 : i32
          %mul3A_76 = arith.muli %add3A_74, %mul3A_75 : i32
          %dma_start3A_77 = arith.constant 0 : i32
          %dma_start3A_78 = tpu.memref_slice %arg2[%dma_start3A_77, %mul3A_76] : memref<16x1600000xf32, #tpu.memory_space<hbm>> -> memref<16x512xf32, #tpu.memory_space<hbm>>
          %dma_start3A_79 = arith.constant 0 : i32
          %dma_start3A_80 = tpu.memref_slice %arg2[%dma_start3A_79, %mul3A_76] : memref<16x1600000xf32, #tpu.memory_space<hbm>> -> memref<16x512xf32, #tpu.memory_space<hbm>>
          tpu.enqueue_dma source(%dma_start3A_80 : memref<16x512xf32, #tpu.memory_space<hbm>>) target(%arg6 : memref<16x512xf32, #tpu.memory_space<vmem>>) target_semaphore(%arg10 : memref<!tpu.dma_semaphore, #tpu.memory_space<semaphore_mem>>)
        } else {
        }
      } else {
      }
      %mul3A_37 = arith.constant 2 : i32
      %mul3A_38 = arith.muli %mul3A_37, %scan3A_26 : i32
      %add3A_39 = arith.constant 1 : i32
      %add3A_40 = arith.addi %mul3A_38, %add3A_39 : i32
      %mul3A_41 = arith.constant 32 : i32
      %mul3A_42 = arith.muli %add3A_40, %mul3A_41 : i32
      %add3A_43 = arith.addi %mul3A_42, %add3A : i32
      %lt3A_44 = arith.constant 3125 : i32
      %lt3A_45 = arith.cmpi slt, %add3A_43, %lt3A_44 : i32
      %convert_element_type3A_46 = arith.extui %lt3A_45 : i1 to i32
      %cond3A_47 = arith.constant 0 : i32
      %cond3A_48 = arith.cmpi ne, %convert_element_type3A_46, %cond3A_47 : i32
      scf.if %cond3A_48 {
        %mul3A_49 = arith.constant 512 : i32
        %mul3A_50 = arith.muli %add3A_43, %mul3A_49 : i32
        %dma_wait3A_51 = arith.constant 0 : i32
        %dma_wait3A_52 = tpu.memref_slice %arg2[%dma_wait3A_51, %mul3A_50] : memref<16x1600000xf32, #tpu.memory_space<hbm>> -> memref<16x512xf32, #tpu.memory_space<hbm>>
        %dma_wait3A_53 = arith.constant 0 : i32
        %dma_wait3A_54 = tpu.memref_slice %arg2[%dma_wait3A_53, %mul3A_50] : memref<16x1600000xf32, #tpu.memory_space<hbm>> -> memref<16x512xf32, #tpu.memory_space<hbm>>
        tpu.wait_dma2 semaphore(%arg11 : memref<!tpu.dma_semaphore, #tpu.memory_space<semaphore_mem>>) src(%dma_wait3A_54 : memref<16x512xf32, #tpu.memory_space<hbm>>) dst(%arg7 : memref<16x512xf32, #tpu.memory_space<vmem>>)
        %ge3A = arith.constant 2 : i32
        %ge3A_55 = arith.cmpi sge, %add3A_40, %ge3A : i32
        %convert_element_type3A_56 = arith.extui %ge3A_55 : i1 to i32
        %cond3A_57 = arith.constant 0 : i32
        %cond3A_58 = arith.cmpi ne, %convert_element_type3A_56, %cond3A_57 : i32
        scf.if %cond3A_58 {
          %mul3A_73 = arith.constant 512 : i32
          %mul3A_74 = arith.muli %add3A_43, %mul3A_73 : i32
          %dma_wait3A_75 = arith.constant 0 : i32
          %dma_wait3A_76 = tpu.memref_slice %arg4[%dma_wait3A_75, %mul3A_74] : memref<46x1600000xf32, #tpu.memory_space<hbm>> -> memref<46x512xf32, #tpu.memory_space<hbm>>
          %dma_wait3A_77 = arith.constant 0 : i32
          %dma_wait3A_78 = tpu.memref_slice %arg4[%dma_wait3A_77, %mul3A_74] : memref<46x1600000xf32, #tpu.memory_space<hbm>> -> memref<46x512xf32, #tpu.memory_space<hbm>>
          tpu.wait_dma2 semaphore(%arg13 : memref<!tpu.dma_semaphore, #tpu.memory_space<semaphore_mem>>) src(%arg9 : memref<46x512xf32, #tpu.memory_space<vmem>>) dst(%dma_wait3A_78 : memref<46x512xf32, #tpu.memory_space<hbm>>)
        } else {
        }
        %parallel_loop3A = arith.constant 0 : i32
        %parallel_loop3A_59 = arith.constant 32 : i32
        %parallel_loop3A_60 = arith.constant 1 : i32
        scf.for %parallel_loop3A_73 = %parallel_loop3A to %parallel_loop3A_59 step %parallel_loop3A_60  : i32 {
          %parallel_loop3A_74 = arith.constant 16 : i32
          %parallel_loop3A_75 = arith.muli %parallel_loop3A_73, %parallel_loop3A_74 : i32
          %parallel_loop3A_76 = arith.constant 0 : i32
          %parallel_loop3A_77 = arith.index_cast %parallel_loop3A_76 : i32 to index
          %parallel_loop3A_78 = arith.index_cast %parallel_loop3A_75 : i32 to index
          %parallel_loop3A_79 = tpu.vector_load %arg7[%parallel_loop3A_77, %parallel_loop3A_78] {strides = array<i32>} : memref<16x512xf32, #tpu.memory_space<vmem>>, vector<1x16xf32>,
          %parallel_loop3A_80 = vector.shape_cast %parallel_loop3A_79 : vector<1x16xf32> to vector<16xf32>
          %parallel_loop3A_81 = arith.fptosi %parallel_loop3A_80 : vector<16xf32> to vector<16xi32>
          %parallel_loop3A_82 = arith.constant 1 : i32
          %parallel_loop3A_83 = arith.index_cast %parallel_loop3A_82 : i32 to index
          %parallel_loop3A_84 = arith.index_cast %parallel_loop3A_75 : i32 to index
          %parallel_loop3A_85 = tpu.vector_load %arg7[%parallel_loop3A_83, %parallel_loop3A_84] {strides = array<i32>} : memref<16x512xf32, #tpu.memory_space<vmem>>, vector<1x16xf32>,
          %parallel_loop3A_86 = vector.shape_cast %parallel_loop3A_85 : vector<1x16xf32> to vector<16xf32>
          %parallel_loop3A_87 = arith.fptosi %parallel_loop3A_86 : vector<16xf32> to vector<16xi32>
          %parallel_loop3A_88 = arith.constant 0 : i32
          %parallel_loop3A_89 = arith.index_cast %parallel_loop3A_88 : i32 to index
          %parallel_loop3A_90 = arith.constant 0 : index
          %parallel_loop3A_91 = tpu.vector_load %arg5[%parallel_loop3A_89, %parallel_loop3A_90] {strides = array<i32>} : memref<32x16xf32, #tpu.memory_space<vmem>>, vector<1x16xf32>,
          %parallel_loop3A_92 = vector.shape_cast %parallel_loop3A_91 : vector<1x16xf32> to vector<16xf32>
          %parallel_loop3A_93 = vector.shape_cast %parallel_loop3A_81 : vector<16xi32> to vector<16x1xi32>
          %parallel_loop3A_94 = vector.shape_cast %parallel_loop3A_93 : vector<16x1xi32> to vector<16xi32>
          %parallel_loop3A_95 = tpu.dynamic_gather %parallel_loop3A_92[%parallel_loop3A_94] in [0] : vector<16xf32>, vector<16xi32> -> vector<16xf32>
          %parallel_loop3A_96 = arith.constant 0 : i32
          %parallel_loop3A_97 = arith.index_cast %parallel_loop3A_96 : i32 to index
          %parallel_loop3A_98 = arith.index_cast %parallel_loop3A_75 : i32 to index
          %parallel_loop3A_99 = tpu.vector_load %arg9[%parallel_loop3A_97, %parallel_loop3A_98] {strides = array<i32>} : memref<46x512xf32, #tpu.memory_space<vmem>>, vector<1x16xf32>,
          %parallel_loop3A_100 = vector.shape_cast %parallel_loop3A_99 : vector<1x16xf32> to vector<16xf32>
          %parallel_loop3A_101 = vector.shape_cast %parallel_loop3A_95 : vector<16xf32> to vector<1x16xf32>
          tpu.vector_store %arg9[%parallel_loop3A_97, %parallel_loop3A_98], %parallel_loop3A_101 {strides = array<i32>} : memref<46x512xf32, #tpu.memory_space<vmem>>, vector<1x16xf32>,
          %parallel_loop3A_102 = arith.constant 1 : i32
          %parallel_loop3A_103 = arith.index_cast %parallel_loop3A_102 : i32 to index
          %parallel_loop3A_104 = arith.constant 0 : index
          %parallel_loop3A_105 = tpu.vector_load %arg5[%parallel_loop3A_103, %parallel_loop3A_104] {strides = array<i32>} : memref<32x16xf32, #tpu.memory_space<vmem>>, vector<1x16xf32>,
          %parallel_loop3A_106 = vector.shape_cast %parallel_loop3A_105 : vector<1x16xf32> to vector<16xf32>
          %parallel_loop3A_107 = vector.shape_cast %parallel_loop3A_81 : vector<16xi32> to vector<16x1xi32>
          %parallel_loop3A_108 = vector.shape_cast %parallel_loop3A_107 : vector<16x1xi32> to vector<16xi32>
          %parallel_loop3A_109 = tpu.dynamic_gather %parallel_loop3A_106[%parallel_loop3A_108] in [0] : vector<16xf32>, vector<16xi32> -> vector<16xf32>
          %parallel_loop3A_110 = arith.constant 1 : i32
          %parallel_loop3A_111 = arith.index_cast %parallel_loop3A_110 : i32 to index
          %parallel_loop3A_112 = arith.index_cast %parallel_loop3A_75 : i32 to index
          %parallel_loop3A_113 = tpu.vector_load %arg9[%parallel_loop3A_111, %parallel_loop3A_112] {strides = array<i32>} : memref<46x512xf32, #tpu.memory_space<vmem>>, vector<1x16xf32>,
          %parallel_loop3A_114 = vector.shape_cast %parallel_loop3A_113 : vector<1x16xf32> to vector<16xf32>
          %parallel_loop3A_115 = vector.shape_cast %parallel_loop3A_109 : vector<16xf32> to vector<1x16xf32>
          tpu.vector_store %arg9[%parallel_loop3A_111, %parallel_loop3A_112], %parallel_loop3A_115 {strides = array<i32>} : memref<46x512xf32, #tpu.memory_space<vmem>>, vector<1x16xf32>,
          %parallel_loop3A_116 = arith.constant 2 : i32
          %parallel_loop3A_117 = arith.index_cast %parallel_loop3A_116 : i32 to index
          %parallel_loop3A_118 = arith.constant 0 : index
          %parallel_loop3A_119 = tpu.vector_load %arg5[%parallel_loop3A_117, %parallel_loop3A_118] {strides = array<i32>} : memref<32x16xf32, #tpu.memory_space<vmem>>, vector<1x16xf32>,
          %parallel_loop3A_120 = vector.shape_cast %parallel_loop3A_119 : vector<1x16xf32> to vector<16xf32>
          %parallel_loop3A_121 = vector.shape_cast %parallel_loop3A_81 : vector<16xi32> to vector<16x1xi32>
          %parallel_loop3A_122 = vector.shape_cast %parallel_loop3A_121 : vector<16x1xi32> to vector<16xi32>
          %parallel_loop3A_123 = tpu.dynamic_gather %parallel_loop3A_120[%parallel_loop3A_122] in [0] : vector<16xf32>, vector<16xi32> -> vector<16xf32>
          %parallel_loop3A_124 = arith.constant 2 : i32
          %parallel_loop3A_125 = arith.index_cast %parallel_loop3A_124 : i32 to index
          %parallel_loop3A_126 = arith.index_cast %parallel_loop3A_75 : i32 to index
          %parallel_loop3A_127 = tpu.vector_load %arg9[%parallel_loop3A_125, %parallel_loop3A_126] {strides = array<i32>} : memref<46x512xf32, #tpu.memory_space<vmem>>, vector<1x16xf32>,
          %parallel_loop3A_128 = vector.shape_cast %parallel_loop3A_127 : vector<1x16xf32> to vector<16xf32>
          %parallel_loop3A_129 = vector.shape_cast %parallel_loop3A_123 : vector<16xf32> to vector<1x16xf32>
          tpu.vector_store %arg9[%parallel_loop3A_125, %parallel_loop3A_126], %parallel_loop3A_129 {strides = array<i32>} : memref<46x512xf32, #tpu.memory_space<vmem>>, vector<1x16xf32>,
          %parallel_loop3A_130 = arith.constant 3 : i32
          %parallel_loop3A_131 = arith.index_cast %parallel_loop3A_130 : i32 to index
          %parallel_loop3A_132 = arith.constant 0 : index
          %parallel_loop3A_133 = tpu.vector_load %arg5[%parallel_loop3A_131, %parallel_loop3A_132] {strides = array<i32>} : memref<32x16xf32, #tpu.memory_space<vmem>>, vector<1x16xf32>,
          %parallel_loop3A_134 = vector.shape_cast %parallel_loop3A_133 : vector<1x16xf32> to vector<16xf32>
          %parallel_loop3A_135 = vector.shape_cast %parallel_loop3A_81 : vector<16xi32> to vector<16x1xi32>
          %parallel_loop3A_136 = vector.shape_cast %parallel_loop3A_135 : vector<16x1xi32> to vector<16xi32>
          %parallel_loop3A_137 = tpu.dynamic_gather %parallel_loop3A_134[%parallel_loop3A_136] in [0] : vector<16xf32>, vector<16xi32> -> vector<16xf32>
          %parallel_loop3A_138 = arith.constant 3 : i32
          %parallel_loop3A_139 = arith.index_cast %parallel_loop3A_138 : i32 to index
          %parallel_loop3A_140 = arith.index_cast %parallel_loop3A_75 : i32 to index
          %parallel_loop3A_141 = tpu.vector_load %arg9[%parallel_loop3A_139, %parallel_loop3A_140] {strides = array<i32>} : memref<46x512xf32, #tpu.memory_space<vmem>>, vector<1x16xf32>,
          %parallel_loop3A_142 = vector.shape_cast %parallel_loop3A_141 : vector<1x16xf32> to vector<16xf32>
          %parallel_loop3A_143 = vector.shape_cast %parallel_loop3A_137 : vector<16xf32> to vector<1x16xf32>
          tpu.vector_store %arg9[%parallel_loop3A_139, %parallel_loop3A_140], %parallel_loop3A_143 {strides = array<i32>} : memref<46x512xf32, #tpu.memory_space<vmem>>, vector<1x16xf32>,
          %parallel_loop3A_144 = arith.constant 4 : i32
          %parallel_loop3A_145 = arith.index_cast %parallel_loop3A_144 : i32 to index
          %parallel_loop3A_146 = arith.constant 0 : index
          %parallel_loop3A_147 = tpu.vector_load %arg5[%parallel_loop3A_145, %parallel_loop3A_146] {strides = array<i32>} : memref<32x16xf32, #tpu.memory_space<vmem>>, vector<1x16xf32>,
          %parallel_loop3A_148 = vector.shape_cast %parallel_loop3A_147 : vector<1x16xf32> to vector<16xf32>
          %parallel_loop3A_149 = vector.shape_cast %parallel_loop3A_81 : vector<16xi32> to vector<16x1xi32>
          %parallel_loop3A_150 = vector.shape_cast %parallel_loop3A_149 : vector<16x1xi32> to vector<16xi32>
          %parallel_loop3A_151 = tpu.dynamic_gather %parallel_loop3A_148[%parallel_loop3A_150] in [0] : vector<16xf32>, vector<16xi32> -> vector<16xf32>
          %parallel_loop3A_152 = arith.constant 4 : i32
          %parallel_loop3A_153 = arith.index_cast %parallel_loop3A_152 : i32 to index
          %parallel_loop3A_154 = arith.index_cast %parallel_loop3A_75 : i32 to index
          %parallel_loop3A_155 = tpu.vector_load %arg9[%parallel_loop3A_153, %parallel_loop3A_154] {strides = array<i32>} : memref<46x512xf32, #tpu.memory_space<vmem>>, vector<1x16xf32>,
          %parallel_loop3A_156 = vector.shape_cast %parallel_loop3A_155 : vector<1x16xf32> to vector<16xf32>
          %parallel_loop3A_157 = vector.shape_cast %parallel_loop3A_151 : vector<16xf32> to vector<1x16xf32>
          tpu.vector_store %arg9[%parallel_loop3A_153, %parallel_loop3A_154], %parallel_loop3A_157 {strides = array<i32>} : memref<46x512xf32, #tpu.memory_space<vmem>>, vector<1x16xf32>,
          %parallel_loop3A_158 = arith.constant 5 : i32
          %parallel_loop3A_159 = arith.index_cast %parallel_loop3A_158 : i32 to index
          %parallel_loop3A_160 = arith.constant 0 : index
          %parallel_loop3A_161 = tpu.vector_load %arg5[%parallel_loop3A_159, %parallel_loop3A_160] {strides = array<i32>} : memref<32x16xf32, #tpu.memory_space<vmem>>, vector<1x16xf32>,
          %parallel_loop3A_162 = vector.shape_cast %parallel_loop3A_161 : vector<1x16xf32> to vector<16xf32>
          %parallel_loop3A_163 = vector.shape_cast %parallel_loop3A_81 : vector<16xi32> to vector<16x1xi32>
          %parallel_loop3A_164 = vector.shape_cast %parallel_loop3A_163 : vector<16x1xi32> to vector<16xi32>
          %parallel_loop3A_165 = tpu.dynamic_gather %parallel_loop3A_162[%parallel_loop3A_164] in [0] : vector<16xf32>, vector<16xi32> -> vector<16xf32>
          %parallel_loop3A_166 = arith.constant 5 : i32
          %parallel_loop3A_167 = arith.index_cast %parallel_loop3A_166 : i32 to index
          %parallel_loop3A_168 = arith.index_cast %parallel_loop3A_75 : i32 to index
          %parallel_loop3A_169 = tpu.vector_load %arg9[%parallel_loop3A_167, %parallel_loop3A_168] {strides = array<i32>} : memref<46x512xf32, #tpu.memory_space<vmem>>, vector<1x16xf32>,
          %parallel_loop3A_170 = vector.shape_cast %parallel_loop3A_169 : vector<1x16xf32> to vector<16xf32>
          %parallel_loop3A_171 = vector.shape_cast %parallel_loop3A_165 : vector<16xf32> to vector<1x16xf32>
          tpu.vector_store %arg9[%parallel_loop3A_167, %parallel_loop3A_168], %parallel_loop3A_171 {strides = array<i32>} : memref<46x512xf32, #tpu.memory_space<vmem>>, vector<1x16xf32>,
          %parallel_loop3A_172 = arith.constant 6 : i32
          %parallel_loop3A_173 = arith.index_cast %parallel_loop3A_172 : i32 to index
          %parallel_loop3A_174 = arith.constant 0 : index
          %parallel_loop3A_175 = tpu.vector_load %arg5[%parallel_loop3A_173, %parallel_loop3A_174] {strides = array<i32>} : memref<32x16xf32, #tpu.memory_space<vmem>>, vector<1x16xf32>,
          %parallel_loop3A_176 = vector.shape_cast %parallel_loop3A_175 : vector<1x16xf32> to vector<16xf32>
          %parallel_loop3A_177 = vector.shape_cast %parallel_loop3A_81 : vector<16xi32> to vector<16x1xi32>
          %parallel_loop3A_178 = vector.shape_cast %parallel_loop3A_177 : vector<16x1xi32> to vector<16xi32>
          %parallel_loop3A_179 = tpu.dynamic_gather %parallel_loop3A_176[%parallel_loop3A_178] in [0] : vector<16xf32>, vector<16xi32> -> vector<16xf32>
          %parallel_loop3A_180 = arith.constant 6 : i32
          %parallel_loop3A_181 = arith.index_cast %parallel_loop3A_180 : i32 to index
          %parallel_loop3A_182 = arith.index_cast %parallel_loop3A_75 : i32 to index
          %parallel_loop3A_183 = tpu.vector_load %arg9[%parallel_loop3A_181, %parallel_loop3A_182] {strides = array<i32>} : memref<46x512xf32, #tpu.memory_space<vmem>>, vector<1x16xf32>,
          %parallel_loop3A_184 = vector.shape_cast %parallel_loop3A_183 : vector<1x16xf32> to vector<16xf32>
          %parallel_loop3A_185 = vector.shape_cast %parallel_loop3A_179 : vector<16xf32> to vector<1x16xf32>
          tpu.vector_store %arg9[%parallel_loop3A_181, %parallel_loop3A_182], %parallel_loop3A_185 {strides = array<i32>} : memref<46x512xf32, #tpu.memory_space<vmem>>, vector<1x16xf32>,
          %parallel_loop3A_186 = arith.constant 7 : i32
          %parallel_loop3A_187 = arith.index_cast %parallel_loop3A_186 : i32 to index
          %parallel_loop3A_188 = arith.constant 0 : index
          %parallel_loop3A_189 = tpu.vector_load %arg5[%parallel_loop3A_187, %parallel_loop3A_188] {strides = array<i32>} : memref<32x16xf32, #tpu.memory_space<vmem>>, vector<1x16xf32>,
          %parallel_loop3A_190 = vector.shape_cast %parallel_loop3A_189 : vector<1x16xf32> to vector<16xf32>
          %parallel_loop3A_191 = vector.shape_cast %parallel_loop3A_81 : vector<16xi32> to vector<16x1xi32>
          %parallel_loop3A_192 = vector.shape_cast %parallel_loop3A_191 : vector<16x1xi32> to vector<16xi32>
          %parallel_loop3A_193 = tpu.dynamic_gather %parallel_loop3A_190[%parallel_loop3A_192] in [0] : vector<16xf32>, vector<16xi32> -> vector<16xf32>
          %parallel_loop3A_194 = arith.constant 7 : i32
          %parallel_loop3A_195 = arith.index_cast %parallel_loop3A_194 : i32 to index
          %parallel_loop3A_196 = arith.index_cast %parallel_loop3A_75 : i32 to index
          %parallel_loop3A_197 = tpu.vector_load %arg9[%parallel_loop3A_195, %parallel_loop3A_196] {strides = array<i32>} : memref<46x512xf32, #tpu.memory_space<vmem>>, vector<1x16xf32>,
          %parallel_loop3A_198 = vector.shape_cast %parallel_loop3A_197 : vector<1x16xf32> to vector<16xf32>
          %parallel_loop3A_199 = vector.shape_cast %parallel_loop3A_193 : vector<16xf32> to vector<1x16xf32>
          tpu.vector_store %arg9[%parallel_loop3A_195, %parallel_loop3A_196], %parallel_loop3A_199 {strides = array<i32>} : memref<46x512xf32, #tpu.memory_space<vmem>>, vector<1x16xf32>,
          %parallel_loop3A_200 = arith.constant 8 : i32
          %parallel_loop3A_201 = arith.index_cast %parallel_loop3A_200 : i32 to index
          %parallel_loop3A_202 = arith.constant 0 : index
          %parallel_loop3A_203 = tpu.vector_load %arg5[%parallel_loop3A_201, %parallel_loop3A_202] {strides = array<i32>} : memref<32x16xf32, #tpu.memory_space<vmem>>, vector<1x16xf32>,
          %parallel_loop3A_204 = vector.shape_cast %parallel_loop3A_203 : vector<1x16xf32> to vector<16xf32>
          %parallel_loop3A_205 = vector.shape_cast %parallel_loop3A_81 : vector<16xi32> to vector<16x1xi32>
          %parallel_loop3A_206 = vector.shape_cast %parallel_loop3A_205 : vector<16x1xi32> to vector<16xi32>
          %parallel_loop3A_207 = tpu.dynamic_gather %parallel_loop3A_204[%parallel_loop3A_206] in [0] : vector<16xf32>, vector<16xi32> -> vector<16xf32>
          %parallel_loop3A_208 = arith.constant 8 : i32
          %parallel_loop3A_209 = arith.index_cast %parallel_loop3A_208 : i32 to index
          %parallel_loop3A_210 = arith.index_cast %parallel_loop3A_75 : i32 to index
          %parallel_loop3A_211 = tpu.vector_load %arg9[%parallel_loop3A_209, %parallel_loop3A_210] {strides = array<i32>} : memref<46x512xf32, #tpu.memory_space<vmem>>, vector<1x16xf32>,
          %parallel_loop3A_212 = vector.shape_cast %parallel_loop3A_211 : vector<1x16xf32> to vector<16xf32>
          %parallel_loop3A_213 = vector.shape_cast %parallel_loop3A_207 : vector<16xf32> to vector<1x16xf32>
          tpu.vector_store %arg9[%parallel_loop3A_209, %parallel_loop3A_210], %parallel_loop3A_213 {strides = array<i32>} : memref<46x512xf32, #tpu.memory_space<vmem>>, vector<1x16xf32>,
          %parallel_loop3A_214 = arith.constant 9 : i32
          %parallel_loop3A_215 = arith.index_cast %parallel_loop3A_214 : i32 to index
          %parallel_loop3A_216 = arith.constant 0 : index
          %parallel_loop3A_217 = tpu.vector_load %arg5[%parallel_loop3A_215, %parallel_loop3A_216] {strides = array<i32>} : memref<32x16xf32, #tpu.memory_space<vmem>>, vector<1x16xf32>,
          %parallel_loop3A_218 = vector.shape_cast %parallel_loop3A_217 : vector<1x16xf32> to vector<16xf32>
          %parallel_loop3A_219 = vector.shape_cast %parallel_loop3A_81 : vector<16xi32> to vector<16x1xi32>
          %parallel_loop3A_220 = vector.shape_cast %parallel_loop3A_219 : vector<16x1xi32> to vector<16xi32>
          %parallel_loop3A_221 = tpu.dynamic_gather %parallel_loop3A_218[%parallel_loop3A_220] in [0] : vector<16xf32>, vector<16xi32> -> vector<16xf32>
          %parallel_loop3A_222 = arith.constant 9 : i32
          %parallel_loop3A_223 = arith.index_cast %parallel_loop3A_222 : i32 to index
          %parallel_loop3A_224 = arith.index_cast %parallel_loop3A_75 : i32 to index
          %parallel_loop3A_225 = tpu.vector_load %arg9[%parallel_loop3A_223, %parallel_loop3A_224] {strides = array<i32>} : memref<46x512xf32, #tpu.memory_space<vmem>>, vector<1x16xf32>,
          %parallel_loop3A_226 = vector.shape_cast %parallel_loop3A_225 : vector<1x16xf32> to vector<16xf32>
          %parallel_loop3A_227 = vector.shape_cast %parallel_loop3A_221 : vector<16xf32> to vector<1x16xf32>
          tpu.vector_store %arg9[%parallel_loop3A_223, %parallel_loop3A_224], %parallel_loop3A_227 {strides = array<i32>} : memref<46x512xf32, #tpu.memory_space<vmem>>, vector<1x16xf32>,
          %parallel_loop3A_228 = arith.constant 10 : i32
          %parallel_loop3A_229 = arith.index_cast %parallel_loop3A_228 : i32 to index
          %parallel_loop3A_230 = arith.constant 0 : index
          %parallel_loop3A_231 = tpu.vector_load %arg5[%parallel_loop3A_229, %parallel_loop3A_230] {strides = array<i32>} : memref<32x16xf32, #tpu.memory_space<vmem>>, vector<1x16xf32>,
          %parallel_loop3A_232 = vector.shape_cast %parallel_loop3A_231 : vector<1x16xf32> to vector<16xf32>
          %parallel_loop3A_233 = vector.shape_cast %parallel_loop3A_81 : vector<16xi32> to vector<16x1xi32>
          %parallel_loop3A_234 = vector.shape_cast %parallel_loop3A_233 : vector<16x1xi32> to vector<16xi32>
          %parallel_loop3A_235 = tpu.dynamic_gather %parallel_loop3A_232[%parallel_loop3A_234] in [0] : vector<16xf32>, vector<16xi32> -> vector<16xf32>
          %parallel_loop3A_236 = arith.constant 10 : i32
          %parallel_loop3A_237 = arith.index_cast %parallel_loop3A_236 : i32 to index
          %parallel_loop3A_238 = arith.index_cast %parallel_loop3A_75 : i32 to index
          %parallel_loop3A_239 = tpu.vector_load %arg9[%parallel_loop3A_237, %parallel_loop3A_238] {strides = array<i32>} : memref<46x512xf32, #tpu.memory_space<vmem>>, vector<1x16xf32>,
          %parallel_loop3A_240 = vector.shape_cast %parallel_loop3A_239 : vector<1x16xf32> to vector<16xf32>
          %parallel_loop3A_241 = vector.shape_cast %parallel_loop3A_235 : vector<16xf32> to vector<1x16xf32>
          tpu.vector_store %arg9[%parallel_loop3A_237, %parallel_loop3A_238], %parallel_loop3A_241 {strides = array<i32>} : memref<46x512xf32, #tpu.memory_space<vmem>>, vector<1x16xf32>,
          %parallel_loop3A_242 = arith.constant 11 : i32
          %parallel_loop3A_243 = arith.index_cast %parallel_loop3A_242 : i32 to index
          %parallel_loop3A_244 = arith.constant 0 : index
          %parallel_loop3A_245 = tpu.vector_load %arg5[%parallel_loop3A_243, %parallel_loop3A_244] {strides = array<i32>} : memref<32x16xf32, #tpu.memory_space<vmem>>, vector<1x16xf32>,
          %parallel_loop3A_246 = vector.shape_cast %parallel_loop3A_245 : vector<1x16xf32> to vector<16xf32>
          %parallel_loop3A_247 = vector.shape_cast %parallel_loop3A_81 : vector<16xi32> to vector<16x1xi32>
          %parallel_loop3A_248 = vector.shape_cast %parallel_loop3A_247 : vector<16x1xi32> to vector<16xi32>
          %parallel_loop3A_249 = tpu.dynamic_gather %parallel_loop3A_246[%parallel_loop3A_248] in [0] : vector<16xf32>, vector<16xi32> -> vector<16xf32>
          %parallel_loop3A_250 = arith.constant 11 : i32
          %parallel_loop3A_251 = arith.index_cast %parallel_loop3A_250 : i32 to index
          %parallel_loop3A_252 = arith.index_cast %parallel_loop3A_75 : i32 to index
          %parallel_loop3A_253 = tpu.vector_load %arg9[%parallel_loop3A_251, %parallel_loop3A_252] {strides = array<i32>} : memref<46x512xf32, #tpu.memory_space<vmem>>, vector<1x16xf32>,
          %parallel_loop3A_254 = vector.shape_cast %parallel_loop3A_253 : vector<1x16xf32> to vector<16xf32>
          %parallel_loop3A_255 = vector.shape_cast %parallel_loop3A_249 : vector<16xf32> to vector<1x16xf32>
          tpu.vector_store %arg9[%parallel_loop3A_251, %parallel_loop3A_252], %parallel_loop3A_255 {strides = array<i32>} : memref<46x512xf32, #tpu.memory_space<vmem>>, vector<1x16xf32>,
          %parallel_loop3A_256 = arith.constant 12 : i32
          %parallel_loop3A_257 = arith.index_cast %parallel_loop3A_256 : i32 to index
          %parallel_loop3A_258 = arith.constant 0 : index
          %parallel_loop3A_259 = tpu.vector_load %arg5[%parallel_loop3A_257, %parallel_loop3A_258] {strides = array<i32>} : memref<32x16xf32, #tpu.memory_space<vmem>>, vector<1x16xf32>,
          %parallel_loop3A_260 = vector.shape_cast %parallel_loop3A_259 : vector<1x16xf32> to vector<16xf32>
          %parallel_loop3A_261 = vector.shape_cast %parallel_loop3A_81 : vector<16xi32> to vector<16x1xi32>
          %parallel_loop3A_262 = vector.shape_cast %parallel_loop3A_261 : vector<16x1xi32> to vector<16xi32>
          %parallel_loop3A_263 = tpu.dynamic_gather %parallel_loop3A_260[%parallel_loop3A_262] in [0] : vector<16xf32>, vector<16xi32> -> vector<16xf32>
          %parallel_loop3A_264 = arith.constant 12 : i32
          %parallel_loop3A_265 = arith.index_cast %parallel_loop3A_264 : i32 to index
          %parallel_loop3A_266 = arith.index_cast %parallel_loop3A_75 : i32 to index
          %parallel_loop3A_267 = tpu.vector_load %arg9[%parallel_loop3A_265, %parallel_loop3A_266] {strides = array<i32>} : memref<46x512xf32, #tpu.memory_space<vmem>>, vector<1x16xf32>,
          %parallel_loop3A_268 = vector.shape_cast %parallel_loop3A_267 : vector<1x16xf32> to vector<16xf32>
          %parallel_loop3A_269 = vector.shape_cast %parallel_loop3A_263 : vector<16xf32> to vector<1x16xf32>
          tpu.vector_store %arg9[%parallel_loop3A_265, %parallel_loop3A_266], %parallel_loop3A_269 {strides = array<i32>} : memref<46x512xf32, #tpu.memory_space<vmem>>, vector<1x16xf32>,
          %parallel_loop3A_270 = arith.constant 13 : i32
          %parallel_loop3A_271 = arith.index_cast %parallel_loop3A_270 : i32 to index
          %parallel_loop3A_272 = arith.constant 0 : index
          %parallel_loop3A_273 = tpu.vector_load %arg5[%parallel_loop3A_271, %parallel_loop3A_272] {strides = array<i32>} : memref<32x16xf32, #tpu.memory_space<vmem>>, vector<1x16xf32>,
          %parallel_loop3A_274 = vector.shape_cast %parallel_loop3A_273 : vector<1x16xf32> to vector<16xf32>
          %parallel_loop3A_275 = vector.shape_cast %parallel_loop3A_81 : vector<16xi32> to vector<16x1xi32>
          %parallel_loop3A_276 = vector.shape_cast %parallel_loop3A_275 : vector<16x1xi32> to vector<16xi32>
          %parallel_loop3A_277 = tpu.dynamic_gather %parallel_loop3A_274[%parallel_loop3A_276] in [0] : vector<16xf32>, vector<16xi32> -> vector<16xf32>
          %parallel_loop3A_278 = arith.constant 13 : i32
          %parallel_loop3A_279 = arith.index_cast %parallel_loop3A_278 : i32 to index
          %parallel_loop3A_280 = arith.index_cast %parallel_loop3A_75 : i32 to index
          %parallel_loop3A_281 = tpu.vector_load %arg9[%parallel_loop3A_279, %parallel_loop3A_280] {strides = array<i32>} : memref<46x512xf32, #tpu.memory_space<vmem>>, vector<1x16xf32>,
          %parallel_loop3A_282 = vector.shape_cast %parallel_loop3A_281 : vector<1x16xf32> to vector<16xf32>
          %parallel_loop3A_283 = vector.shape_cast %parallel_loop3A_277 : vector<16xf32> to vector<1x16xf32>
          tpu.vector_store %arg9[%parallel_loop3A_279, %parallel_loop3A_280], %parallel_loop3A_283 {strides = array<i32>} : memref<46x512xf32, #tpu.memory_space<vmem>>, vector<1x16xf32>,
          %parallel_loop3A_284 = arith.constant 14 : i32
          %parallel_loop3A_285 = arith.index_cast %parallel_loop3A_284 : i32 to index
          %parallel_loop3A_286 = arith.constant 0 : index
          %parallel_loop3A_287 = tpu.vector_load %arg5[%parallel_loop3A_285, %parallel_loop3A_286] {strides = array<i32>} : memref<32x16xf32, #tpu.memory_space<vmem>>, vector<1x16xf32>,
          %parallel_loop3A_288 = vector.shape_cast %parallel_loop3A_287 : vector<1x16xf32> to vector<16xf32>
          %parallel_loop3A_289 = vector.shape_cast %parallel_loop3A_81 : vector<16xi32> to vector<16x1xi32>
          %parallel_loop3A_290 = vector.shape_cast %parallel_loop3A_289 : vector<16x1xi32> to vector<16xi32>
          %parallel_loop3A_291 = tpu.dynamic_gather %parallel_loop3A_288[%parallel_loop3A_290] in [0] : vector<16xf32>, vector<16xi32> -> vector<16xf32>
          %parallel_loop3A_292 = arith.constant 14 : i32
          %parallel_loop3A_293 = arith.index_cast %parallel_loop3A_292 : i32 to index
          %parallel_loop3A_294 = arith.index_cast %parallel_loop3A_75 : i32 to index
          %parallel_loop3A_295 = tpu.vector_load %arg9[%parallel_loop3A_293, %parallel_loop3A_294] {strides = array<i32>} : memref<46x512xf32, #tpu.memory_space<vmem>>, vector<1x16xf32>,
          %parallel_loop3A_296 = vector.shape_cast %parallel_loop3A_295 : vector<1x16xf32> to vector<16xf32>
          %parallel_loop3A_297 = vector.shape_cast %parallel_loop3A_291 : vector<16xf32> to vector<1x16xf32>
          tpu.vector_store %arg9[%parallel_loop3A_293, %parallel_loop3A_294], %parallel_loop3A_297 {strides = array<i32>} : memref<46x512xf32, #tpu.memory_space<vmem>>, vector<1x16xf32>,
          %parallel_loop3A_298 = arith.constant 15 : i32
          %parallel_loop3A_299 = arith.index_cast %parallel_loop3A_298 : i32 to index
          %parallel_loop3A_300 = arith.constant 0 : index
          %parallel_loop3A_301 = tpu.vector_load %arg5[%parallel_loop3A_299, %parallel_loop3A_300] {strides = array<i32>} : memref<32x16xf32, #tpu.memory_space<vmem>>, vector<1x16xf32>,
          %parallel_loop3A_302 = vector.shape_cast %parallel_loop3A_301 : vector<1x16xf32> to vector<16xf32>
          %parallel_loop3A_303 = vector.shape_cast %parallel_loop3A_81 : vector<16xi32> to vector<16x1xi32>
          %parallel_loop3A_304 = vector.shape_cast %parallel_loop3A_303 : vector<16x1xi32> to vector<16xi32>
          %parallel_loop3A_305 = tpu.dynamic_gather %parallel_loop3A_302[%parallel_loop3A_304] in [0] : vector<16xf32>, vector<16xi32> -> vector<16xf32>
          %parallel_loop3A_306 = arith.constant 15 : i32
          %parallel_loop3A_307 = arith.index_cast %parallel_loop3A_306 : i32 to index
          %parallel_loop3A_308 = arith.index_cast %parallel_loop3A_75 : i32 to index
          %parallel_loop3A_309 = tpu.vector_load %arg9[%parallel_loop3A_307, %parallel_loop3A_308] {strides = array<i32>} : memref<46x512xf32, #tpu.memory_space<vmem>>, vector<1x16xf32>,
          %parallel_loop3A_310 = vector.shape_cast %parallel_loop3A_309 : vector<1x16xf32> to vector<16xf32>
          %parallel_loop3A_311 = vector.shape_cast %parallel_loop3A_305 : vector<16xf32> to vector<1x16xf32>
          tpu.vector_store %arg9[%parallel_loop3A_307, %parallel_loop3A_308], %parallel_loop3A_311 {strides = array<i32>} : memref<46x512xf32, #tpu.memory_space<vmem>>, vector<1x16xf32>,
          %parallel_loop3A_312 = arith.constant 16 : i32
          %parallel_loop3A_313 = arith.index_cast %parallel_loop3A_312 : i32 to index
          %parallel_loop3A_314 = arith.constant 0 : index
          %parallel_loop3A_315 = tpu.vector_load %arg5[%parallel_loop3A_313, %parallel_loop3A_314] {strides = array<i32>} : memref<32x16xf32, #tpu.memory_space<vmem>>, vector<1x16xf32>,
          %parallel_loop3A_316 = vector.shape_cast %parallel_loop3A_315 : vector<1x16xf32> to vector<16xf32>
          %parallel_loop3A_317 = vector.shape_cast %parallel_loop3A_87 : vector<16xi32> to vector<16x1xi32>
          %parallel_loop3A_318 = vector.shape_cast %parallel_loop3A_317 : vector<16x1xi32> to vector<16xi32>
          %parallel_loop3A_319 = tpu.dynamic_gather %parallel_loop3A_316[%parallel_loop3A_318] in [0] : vector<16xf32>, vector<16xi32> -> vector<16xf32>
          %parallel_loop3A_320 = arith.constant 16 : i32
          %parallel_loop3A_321 = arith.index_cast %parallel_loop3A_320 : i32 to index
          %parallel_loop3A_322 = arith.index_cast %parallel_loop3A_75 : i32 to index
          %parallel_loop3A_323 = tpu.vector_load %arg9[%parallel_loop3A_321, %parallel_loop3A_322] {strides = array<i32>} : memref<46x512xf32, #tpu.memory_space<vmem>>, vector<1x16xf32>,
          %parallel_loop3A_324 = vector.shape_cast %parallel_loop3A_323 : vector<1x16xf32> to vector<16xf32>
          %parallel_loop3A_325 = vector.shape_cast %parallel_loop3A_319 : vector<16xf32> to vector<1x16xf32>
          tpu.vector_store %arg9[%parallel_loop3A_321, %parallel_loop3A_322], %parallel_loop3A_325 {strides = array<i32>} : memref<46x512xf32, #tpu.memory_space<vmem>>, vector<1x16xf32>,
          %parallel_loop3A_326 = arith.constant 17 : i32
          %parallel_loop3A_327 = arith.index_cast %parallel_loop3A_326 : i32 to index
          %parallel_loop3A_328 = arith.constant 0 : index
          %parallel_loop3A_329 = tpu.vector_load %arg5[%parallel_loop3A_327, %parallel_loop3A_328] {strides = array<i32>} : memref<32x16xf32, #tpu.memory_space<vmem>>, vector<1x16xf32>,
          %parallel_loop3A_330 = vector.shape_cast %parallel_loop3A_329 : vector<1x16xf32> to vector<16xf32>
          %parallel_loop3A_331 = vector.shape_cast %parallel_loop3A_87 : vector<16xi32> to vector<16x1xi32>
          %parallel_loop3A_332 = vector.shape_cast %parallel_loop3A_331 : vector<16x1xi32> to vector<16xi32>
          %parallel_loop3A_333 = tpu.dynamic_gather %parallel_loop3A_330[%parallel_loop3A_332] in [0] : vector<16xf32>, vector<16xi32> -> vector<16xf32>
          %parallel_loop3A_334 = arith.constant 17 : i32
          %parallel_loop3A_335 = arith.index_cast %parallel_loop3A_334 : i32 to index
          %parallel_loop3A_336 = arith.index_cast %parallel_loop3A_75 : i32 to index
          %parallel_loop3A_337 = tpu.vector_load %arg9[%parallel_loop3A_335, %parallel_loop3A_336] {strides = array<i32>} : memref<46x512xf32, #tpu.memory_space<vmem>>, vector<1x16xf32>,
          %parallel_loop3A_338 = vector.shape_cast %parallel_loop3A_337 : vector<1x16xf32> to vector<16xf32>
          %parallel_loop3A_339 = vector.shape_cast %parallel_loop3A_333 : vector<16xf32> to vector<1x16xf32>
          tpu.vector_store %arg9[%parallel_loop3A_335, %parallel_loop3A_336], %parallel_loop3A_339 {strides = array<i32>} : memref<46x512xf32, #tpu.memory_space<vmem>>, vector<1x16xf32>,
          %parallel_loop3A_340 = arith.constant 18 : i32
          %parallel_loop3A_341 = arith.index_cast %parallel_loop3A_340 : i32 to index
          %parallel_loop3A_342 = arith.constant 0 : index
          %parallel_loop3A_343 = tpu.vector_load %arg5[%parallel_loop3A_341, %parallel_loop3A_342] {strides = array<i32>} : memref<32x16xf32, #tpu.memory_space<vmem>>, vector<1x16xf32>,
          %parallel_loop3A_344 = vector.shape_cast %parallel_loop3A_343 : vector<1x16xf32> to vector<16xf32>
          %parallel_loop3A_345 = vector.shape_cast %parallel_loop3A_87 : vector<16xi32> to vector<16x1xi32>
          %parallel_loop3A_346 = vector.shape_cast %parallel_loop3A_345 : vector<16x1xi32> to vector<16xi32>
          %parallel_loop3A_347 = tpu.dynamic_gather %parallel_loop3A_344[%parallel_loop3A_346] in [0] : vector<16xf32>, vector<16xi32> -> vector<16xf32>
          %parallel_loop3A_348 = arith.constant 18 : i32
          %parallel_loop3A_349 = arith.index_cast %parallel_loop3A_348 : i32 to index
          %parallel_loop3A_350 = arith.index_cast %parallel_loop3A_75 : i32 to index
          %parallel_loop3A_351 = tpu.vector_load %arg9[%parallel_loop3A_349, %parallel_loop3A_350] {strides = array<i32>} : memref<46x512xf32, #tpu.memory_space<vmem>>, vector<1x16xf32>,
          %parallel_loop3A_352 = vector.shape_cast %parallel_loop3A_351 : vector<1x16xf32> to vector<16xf32>
          %parallel_loop3A_353 = vector.shape_cast %parallel_loop3A_347 : vector<16xf32> to vector<1x16xf32>
          tpu.vector_store %arg9[%parallel_loop3A_349, %parallel_loop3A_350], %parallel_loop3A_353 {strides = array<i32>} : memref<46x512xf32, #tpu.memory_space<vmem>>, vector<1x16xf32>,
          %parallel_loop3A_354 = arith.constant 19 : i32
          %parallel_loop3A_355 = arith.index_cast %parallel_loop3A_354 : i32 to index
          %parallel_loop3A_356 = arith.constant 0 : index
          %parallel_loop3A_357 = tpu.vector_load %arg5[%parallel_loop3A_355, %parallel_loop3A_356] {strides = array<i32>} : memref<32x16xf32, #tpu.memory_space<vmem>>, vector<1x16xf32>,
          %parallel_loop3A_358 = vector.shape_cast %parallel_loop3A_357 : vector<1x16xf32> to vector<16xf32>
          %parallel_loop3A_359 = vector.shape_cast %parallel_loop3A_87 : vector<16xi32> to vector<16x1xi32>
          %parallel_loop3A_360 = vector.shape_cast %parallel_loop3A_359 : vector<16x1xi32> to vector<16xi32>
          %parallel_loop3A_361 = tpu.dynamic_gather %parallel_loop3A_358[%parallel_loop3A_360] in [0] : vector<16xf32>, vector<16xi32> -> vector<16xf32>
          %parallel_loop3A_362 = arith.constant 19 : i32
          %parallel_loop3A_363 = arith.index_cast %parallel_loop3A_362 : i32 to index
          %parallel_loop3A_364 = arith.index_cast %parallel_loop3A_75 : i32 to index
          %parallel_loop3A_365 = tpu.vector_load %arg9[%parallel_loop3A_363, %parallel_loop3A_364] {strides = array<i32>} : memref<46x512xf32, #tpu.memory_space<vmem>>, vector<1x16xf32>,
          %parallel_loop3A_366 = vector.shape_cast %parallel_loop3A_365 : vector<1x16xf32> to vector<16xf32>
          %parallel_loop3A_367 = vector.shape_cast %parallel_loop3A_361 : vector<16xf32> to vector<1x16xf32>
          tpu.vector_store %arg9[%parallel_loop3A_363, %parallel_loop3A_364], %parallel_loop3A_367 {strides = array<i32>} : memref<46x512xf32, #tpu.memory_space<vmem>>, vector<1x16xf32>,
          %parallel_loop3A_368 = arith.constant 20 : i32
          %parallel_loop3A_369 = arith.index_cast %parallel_loop3A_368 : i32 to index
          %parallel_loop3A_370 = arith.constant 0 : index
          %parallel_loop3A_371 = tpu.vector_load %arg5[%parallel_loop3A_369, %parallel_loop3A_370] {strides = array<i32>} : memref<32x16xf32, #tpu.memory_space<vmem>>, vector<1x16xf32>,
          %parallel_loop3A_372 = vector.shape_cast %parallel_loop3A_371 : vector<1x16xf32> to vector<16xf32>
          %parallel_loop3A_373 = vector.shape_cast %parallel_loop3A_87 : vector<16xi32> to vector<16x1xi32>
          %parallel_loop3A_374 = vector.shape_cast %parallel_loop3A_373 : vector<16x1xi32> to vector<16xi32>
          %parallel_loop3A_375 = tpu.dynamic_gather %parallel_loop3A_372[%parallel_loop3A_374] in [0] : vector<16xf32>, vector<16xi32> -> vector<16xf32>
          %parallel_loop3A_376 = arith.constant 20 : i32
          %parallel_loop3A_377 = arith.index_cast %parallel_loop3A_376 : i32 to index
          %parallel_loop3A_378 = arith.index_cast %parallel_loop3A_75 : i32 to index
          %parallel_loop3A_379 = tpu.vector_load %arg9[%parallel_loop3A_377, %parallel_loop3A_378] {strides = array<i32>} : memref<46x512xf32, #tpu.memory_space<vmem>>, vector<1x16xf32>,
          %parallel_loop3A_380 = vector.shape_cast %parallel_loop3A_379 : vector<1x16xf32> to vector<16xf32>
          %parallel_loop3A_381 = vector.shape_cast %parallel_loop3A_375 : vector<16xf32> to vector<1x16xf32>
          tpu.vector_store %arg9[%parallel_loop3A_377, %parallel_loop3A_378], %parallel_loop3A_381 {strides = array<i32>} : memref<46x512xf32, #tpu.memory_space<vmem>>, vector<1x16xf32>,
          %parallel_loop3A_382 = arith.constant 21 : i32
          %parallel_loop3A_383 = arith.index_cast %parallel_loop3A_382 : i32 to index
          %parallel_loop3A_384 = arith.constant 0 : index
          %parallel_loop3A_385 = tpu.vector_load %arg5[%parallel_loop3A_383, %parallel_loop3A_384] {strides = array<i32>} : memref<32x16xf32, #tpu.memory_space<vmem>>, vector<1x16xf32>,
          %parallel_loop3A_386 = vector.shape_cast %parallel_loop3A_385 : vector<1x16xf32> to vector<16xf32>
          %parallel_loop3A_387 = vector.shape_cast %parallel_loop3A_87 : vector<16xi32> to vector<16x1xi32>
          %parallel_loop3A_388 = vector.shape_cast %parallel_loop3A_387 : vector<16x1xi32> to vector<16xi32>
          %parallel_loop3A_389 = tpu.dynamic_gather %parallel_loop3A_386[%parallel_loop3A_388] in [0] : vector<16xf32>, vector<16xi32> -> vector<16xf32>
          %parallel_loop3A_390 = arith.constant 21 : i32
          %parallel_loop3A_391 = arith.index_cast %parallel_loop3A_390 : i32 to index
          %parallel_loop3A_392 = arith.index_cast %parallel_loop3A_75 : i32 to index
          %parallel_loop3A_393 = tpu.vector_load %arg9[%parallel_loop3A_391, %parallel_loop3A_392] {strides = array<i32>} : memref<46x512xf32, #tpu.memory_space<vmem>>, vector<1x16xf32>,
          %parallel_loop3A_394 = vector.shape_cast %parallel_loop3A_393 : vector<1x16xf32> to vector<16xf32>
          %parallel_loop3A_395 = vector.shape_cast %parallel_loop3A_389 : vector<16xf32> to vector<1x16xf32>
          tpu.vector_store %arg9[%parallel_loop3A_391, %parallel_loop3A_392], %parallel_loop3A_395 {strides = array<i32>} : memref<46x512xf32, #tpu.memory_space<vmem>>, vector<1x16xf32>,
          %parallel_loop3A_396 = arith.constant 22 : i32
          %parallel_loop3A_397 = arith.index_cast %parallel_loop3A_396 : i32 to index
          %parallel_loop3A_398 = arith.constant 0 : index
          %parallel_loop3A_399 = tpu.vector_load %arg5[%parallel_loop3A_397, %parallel_loop3A_398] {strides = array<i32>} : memref<32x16xf32, #tpu.memory_space<vmem>>, vector<1x16xf32>,
          %parallel_loop3A_400 = vector.shape_cast %parallel_loop3A_399 : vector<1x16xf32> to vector<16xf32>
          %parallel_loop3A_401 = vector.shape_cast %parallel_loop3A_87 : vector<16xi32> to vector<16x1xi32>
          %parallel_loop3A_402 = vector.shape_cast %parallel_loop3A_401 : vector<16x1xi32> to vector<16xi32>
          %parallel_loop3A_403 = tpu.dynamic_gather %parallel_loop3A_400[%parallel_loop3A_402] in [0] : vector<16xf32>, vector<16xi32> -> vector<16xf32>
          %parallel_loop3A_404 = arith.constant 22 : i32
          %parallel_loop3A_405 = arith.index_cast %parallel_loop3A_404 : i32 to index
          %parallel_loop3A_406 = arith.index_cast %parallel_loop3A_75 : i32 to index
          %parallel_loop3A_407 = tpu.vector_load %arg9[%parallel_loop3A_405, %parallel_loop3A_406] {strides = array<i32>} : memref<46x512xf32, #tpu.memory_space<vmem>>, vector<1x16xf32>,
          %parallel_loop3A_408 = vector.shape_cast %parallel_loop3A_407 : vector<1x16xf32> to vector<16xf32>
          %parallel_loop3A_409 = vector.shape_cast %parallel_loop3A_403 : vector<16xf32> to vector<1x16xf32>
          tpu.vector_store %arg9[%parallel_loop3A_405, %parallel_loop3A_406], %parallel_loop3A_409 {strides = array<i32>} : memref<46x512xf32, #tpu.memory_space<vmem>>, vector<1x16xf32>,
          %parallel_loop3A_410 = arith.constant 23 : i32
          %parallel_loop3A_411 = arith.index_cast %parallel_loop3A_410 : i32 to index
          %parallel_loop3A_412 = arith.constant 0 : index
          %parallel_loop3A_413 = tpu.vector_load %arg5[%parallel_loop3A_411, %parallel_loop3A_412] {strides = array<i32>} : memref<32x16xf32, #tpu.memory_space<vmem>>, vector<1x16xf32>,
          %parallel_loop3A_414 = vector.shape_cast %parallel_loop3A_413 : vector<1x16xf32> to vector<16xf32>
          %parallel_loop3A_415 = vector.shape_cast %parallel_loop3A_87 : vector<16xi32> to vector<16x1xi32>
          %parallel_loop3A_416 = vector.shape_cast %parallel_loop3A_415 : vector<16x1xi32> to vector<16xi32>
          %parallel_loop3A_417 = tpu.dynamic_gather %parallel_loop3A_414[%parallel_loop3A_416] in [0] : vector<16xf32>, vector<16xi32> -> vector<16xf32>
          %parallel_loop3A_418 = arith.constant 23 : i32
          %parallel_loop3A_419 = arith.index_cast %parallel_loop3A_418 : i32 to index
          %parallel_loop3A_420 = arith.index_cast %parallel_loop3A_75 : i32 to index
          %parallel_loop3A_421 = tpu.vector_load %arg9[%parallel_loop3A_419, %parallel_loop3A_420] {strides = array<i32>} : memref<46x512xf32, #tpu.memory_space<vmem>>, vector<1x16xf32>,
          %parallel_loop3A_422 = vector.shape_cast %parallel_loop3A_421 : vector<1x16xf32> to vector<16xf32>
          %parallel_loop3A_423 = vector.shape_cast %parallel_loop3A_417 : vector<16xf32> to vector<1x16xf32>
          tpu.vector_store %arg9[%parallel_loop3A_419, %parallel_loop3A_420], %parallel_loop3A_423 {strides = array<i32>} : memref<46x512xf32, #tpu.memory_space<vmem>>, vector<1x16xf32>,
          %parallel_loop3A_424 = arith.constant 24 : i32
          %parallel_loop3A_425 = arith.index_cast %parallel_loop3A_424 : i32 to index
          %parallel_loop3A_426 = arith.constant 0 : index
          %parallel_loop3A_427 = tpu.vector_load %arg5[%parallel_loop3A_425, %parallel_loop3A_426] {strides = array<i32>} : memref<32x16xf32, #tpu.memory_space<vmem>>, vector<1x16xf32>,
          %parallel_loop3A_428 = vector.shape_cast %parallel_loop3A_427 : vector<1x16xf32> to vector<16xf32>
          %parallel_loop3A_429 = vector.shape_cast %parallel_loop3A_87 : vector<16xi32> to vector<16x1xi32>
          %parallel_loop3A_430 = vector.shape_cast %parallel_loop3A_429 : vector<16x1xi32> to vector<16xi32>
          %parallel_loop3A_431 = tpu.dynamic_gather %parallel_loop3A_428[%parallel_loop3A_430] in [0] : vector<16xf32>, vector<16xi32> -> vector<16xf32>
          %parallel_loop3A_432 = arith.constant 24 : i32
          %parallel_loop3A_433 = arith.index_cast %parallel_loop3A_432 : i32 to index
          %parallel_loop3A_434 = arith.index_cast %parallel_loop3A_75 : i32 to index
          %parallel_loop3A_435 = tpu.vector_load %arg9[%parallel_loop3A_433, %parallel_loop3A_434] {strides = array<i32>} : memref<46x512xf32, #tpu.memory_space<vmem>>, vector<1x16xf32>,
          %parallel_loop3A_436 = vector.shape_cast %parallel_loop3A_435 : vector<1x16xf32> to vector<16xf32>
          %parallel_loop3A_437 = vector.shape_cast %parallel_loop3A_431 : vector<16xf32> to vector<1x16xf32>
          tpu.vector_store %arg9[%parallel_loop3A_433, %parallel_loop3A_434], %parallel_loop3A_437 {strides = array<i32>} : memref<46x512xf32, #tpu.memory_space<vmem>>, vector<1x16xf32>,
          %parallel_loop3A_438 = arith.constant 25 : i32
          %parallel_loop3A_439 = arith.index_cast %parallel_loop3A_438 : i32 to index
          %parallel_loop3A_440 = arith.constant 0 : index
          %parallel_loop3A_441 = tpu.vector_load %arg5[%parallel_loop3A_439, %parallel_loop3A_440] {strides = array<i32>} : memref<32x16xf32, #tpu.memory_space<vmem>>, vector<1x16xf32>,
          %parallel_loop3A_442 = vector.shape_cast %parallel_loop3A_441 : vector<1x16xf32> to vector<16xf32>
          %parallel_loop3A_443 = vector.shape_cast %parallel_loop3A_87 : vector<16xi32> to vector<16x1xi32>
          %parallel_loop3A_444 = vector.shape_cast %parallel_loop3A_443 : vector<16x1xi32> to vector<16xi32>
          %parallel_loop3A_445 = tpu.dynamic_gather %parallel_loop3A_442[%parallel_loop3A_444] in [0] : vector<16xf32>, vector<16xi32> -> vector<16xf32>
          %parallel_loop3A_446 = arith.constant 25 : i32
          %parallel_loop3A_447 = arith.index_cast %parallel_loop3A_446 : i32 to index
          %parallel_loop3A_448 = arith.index_cast %parallel_loop3A_75 : i32 to index
          %parallel_loop3A_449 = tpu.vector_load %arg9[%parallel_loop3A_447, %parallel_loop3A_448] {strides = array<i32>} : memref<46x512xf32, #tpu.memory_space<vmem>>, vector<1x16xf32>,
          %parallel_loop3A_450 = vector.shape_cast %parallel_loop3A_449 : vector<1x16xf32> to vector<16xf32>
          %parallel_loop3A_451 = vector.shape_cast %parallel_loop3A_445 : vector<16xf32> to vector<1x16xf32>
          tpu.vector_store %arg9[%parallel_loop3A_447, %parallel_loop3A_448], %parallel_loop3A_451 {strides = array<i32>} : memref<46x512xf32, #tpu.memory_space<vmem>>, vector<1x16xf32>,
          %parallel_loop3A_452 = arith.constant 26 : i32
          %parallel_loop3A_453 = arith.index_cast %parallel_loop3A_452 : i32 to index
          %parallel_loop3A_454 = arith.constant 0 : index
          %parallel_loop3A_455 = tpu.vector_load %arg5[%parallel_loop3A_453, %parallel_loop3A_454] {strides = array<i32>} : memref<32x16xf32, #tpu.memory_space<vmem>>, vector<1x16xf32>,
          %parallel_loop3A_456 = vector.shape_cast %parallel_loop3A_455 : vector<1x16xf32> to vector<16xf32>
          %parallel_loop3A_457 = vector.shape_cast %parallel_loop3A_87 : vector<16xi32> to vector<16x1xi32>
          %parallel_loop3A_458 = vector.shape_cast %parallel_loop3A_457 : vector<16x1xi32> to vector<16xi32>
          %parallel_loop3A_459 = tpu.dynamic_gather %parallel_loop3A_456[%parallel_loop3A_458] in [0] : vector<16xf32>, vector<16xi32> -> vector<16xf32>
          %parallel_loop3A_460 = arith.constant 26 : i32
          %parallel_loop3A_461 = arith.index_cast %parallel_loop3A_460 : i32 to index
          %parallel_loop3A_462 = arith.index_cast %parallel_loop3A_75 : i32 to index
          %parallel_loop3A_463 = tpu.vector_load %arg9[%parallel_loop3A_461, %parallel_loop3A_462] {strides = array<i32>} : memref<46x512xf32, #tpu.memory_space<vmem>>, vector<1x16xf32>,
          %parallel_loop3A_464 = vector.shape_cast %parallel_loop3A_463 : vector<1x16xf32> to vector<16xf32>
          %parallel_loop3A_465 = vector.shape_cast %parallel_loop3A_459 : vector<16xf32> to vector<1x16xf32>
          tpu.vector_store %arg9[%parallel_loop3A_461, %parallel_loop3A_462], %parallel_loop3A_465 {strides = array<i32>} : memref<46x512xf32, #tpu.memory_space<vmem>>, vector<1x16xf32>,
          %parallel_loop3A_466 = arith.constant 27 : i32
          %parallel_loop3A_467 = arith.index_cast %parallel_loop3A_466 : i32 to index
          %parallel_loop3A_468 = arith.constant 0 : index
          %parallel_loop3A_469 = tpu.vector_load %arg5[%parallel_loop3A_467, %parallel_loop3A_468] {strides = array<i32>} : memref<32x16xf32, #tpu.memory_space<vmem>>, vector<1x16xf32>,
          %parallel_loop3A_470 = vector.shape_cast %parallel_loop3A_469 : vector<1x16xf32> to vector<16xf32>
          %parallel_loop3A_471 = vector.shape_cast %parallel_loop3A_87 : vector<16xi32> to vector<16x1xi32>
          %parallel_loop3A_472 = vector.shape_cast %parallel_loop3A_471 : vector<16x1xi32> to vector<16xi32>
          %parallel_loop3A_473 = tpu.dynamic_gather %parallel_loop3A_470[%parallel_loop3A_472] in [0] : vector<16xf32>, vector<16xi32> -> vector<16xf32>
          %parallel_loop3A_474 = arith.constant 27 : i32
          %parallel_loop3A_475 = arith.index_cast %parallel_loop3A_474 : i32 to index
          %parallel_loop3A_476 = arith.index_cast %parallel_loop3A_75 : i32 to index
          %parallel_loop3A_477 = tpu.vector_load %arg9[%parallel_loop3A_475, %parallel_loop3A_476] {strides = array<i32>} : memref<46x512xf32, #tpu.memory_space<vmem>>, vector<1x16xf32>,
          %parallel_loop3A_478 = vector.shape_cast %parallel_loop3A_477 : vector<1x16xf32> to vector<16xf32>
          %parallel_loop3A_479 = vector.shape_cast %parallel_loop3A_473 : vector<16xf32> to vector<1x16xf32>
          tpu.vector_store %arg9[%parallel_loop3A_475, %parallel_loop3A_476], %parallel_loop3A_479 {strides = array<i32>} : memref<46x512xf32, #tpu.memory_space<vmem>>, vector<1x16xf32>,
          %parallel_loop3A_480 = arith.constant 28 : i32
          %parallel_loop3A_481 = arith.index_cast %parallel_loop3A_480 : i32 to index
          %parallel_loop3A_482 = arith.constant 0 : index
          %parallel_loop3A_483 = tpu.vector_load %arg5[%parallel_loop3A_481, %parallel_loop3A_482] {strides = array<i32>} : memref<32x16xf32, #tpu.memory_space<vmem>>, vector<1x16xf32>,
          %parallel_loop3A_484 = vector.shape_cast %parallel_loop3A_483 : vector<1x16xf32> to vector<16xf32>
          %parallel_loop3A_485 = vector.shape_cast %parallel_loop3A_87 : vector<16xi32> to vector<16x1xi32>
          %parallel_loop3A_486 = vector.shape_cast %parallel_loop3A_485 : vector<16x1xi32> to vector<16xi32>
          %parallel_loop3A_487 = tpu.dynamic_gather %parallel_loop3A_484[%parallel_loop3A_486] in [0] : vector<16xf32>, vector<16xi32> -> vector<16xf32>
          %parallel_loop3A_488 = arith.constant 28 : i32
          %parallel_loop3A_489 = arith.index_cast %parallel_loop3A_488 : i32 to index
          %parallel_loop3A_490 = arith.index_cast %parallel_loop3A_75 : i32 to index
          %parallel_loop3A_491 = tpu.vector_load %arg9[%parallel_loop3A_489, %parallel_loop3A_490] {strides = array<i32>} : memref<46x512xf32, #tpu.memory_space<vmem>>, vector<1x16xf32>,
          %parallel_loop3A_492 = vector.shape_cast %parallel_loop3A_491 : vector<1x16xf32> to vector<16xf32>
          %parallel_loop3A_493 = vector.shape_cast %parallel_loop3A_487 : vector<16xf32> to vector<1x16xf32>
          tpu.vector_store %arg9[%parallel_loop3A_489, %parallel_loop3A_490], %parallel_loop3A_493 {strides = array<i32>} : memref<46x512xf32, #tpu.memory_space<vmem>>, vector<1x16xf32>,
          %parallel_loop3A_494 = arith.constant 29 : i32
          %parallel_loop3A_495 = arith.index_cast %parallel_loop3A_494 : i32 to index
          %parallel_loop3A_496 = arith.constant 0 : index
          %parallel_loop3A_497 = tpu.vector_load %arg5[%parallel_loop3A_495, %parallel_loop3A_496] {strides = array<i32>} : memref<32x16xf32, #tpu.memory_space<vmem>>, vector<1x16xf32>,
          %parallel_loop3A_498 = vector.shape_cast %parallel_loop3A_497 : vector<1x16xf32> to vector<16xf32>
          %parallel_loop3A_499 = vector.shape_cast %parallel_loop3A_87 : vector<16xi32> to vector<16x1xi32>
          %parallel_loop3A_500 = vector.shape_cast %parallel_loop3A_499 : vector<16x1xi32> to vector<16xi32>
          %parallel_loop3A_501 = tpu.dynamic_gather %parallel_loop3A_498[%parallel_loop3A_500] in [0] : vector<16xf32>, vector<16xi32> -> vector<16xf32>
          %parallel_loop3A_502 = arith.constant 29 : i32
          %parallel_loop3A_503 = arith.index_cast %parallel_loop3A_502 : i32 to index
          %parallel_loop3A_504 = arith.index_cast %parallel_loop3A_75 : i32 to index
          %parallel_loop3A_505 = tpu.vector_load %arg9[%parallel_loop3A_503, %parallel_loop3A_504] {strides = array<i32>} : memref<46x512xf32, #tpu.memory_space<vmem>>, vector<1x16xf32>,
          %parallel_loop3A_506 = vector.shape_cast %parallel_loop3A_505 : vector<1x16xf32> to vector<16xf32>
          %parallel_loop3A_507 = vector.shape_cast %parallel_loop3A_501 : vector<16xf32> to vector<1x16xf32>
          tpu.vector_store %arg9[%parallel_loop3A_503, %parallel_loop3A_504], %parallel_loop3A_507 {strides = array<i32>} : memref<46x512xf32, #tpu.memory_space<vmem>>, vector<1x16xf32>,
          %parallel_loop3A_508 = arith.constant 30 : i32
          %parallel_loop3A_509 = arith.index_cast %parallel_loop3A_508 : i32 to index
          %parallel_loop3A_510 = arith.constant 0 : index
          %parallel_loop3A_511 = tpu.vector_load %arg5[%parallel_loop3A_509, %parallel_loop3A_510] {strides = array<i32>} : memref<32x16xf32, #tpu.memory_space<vmem>>, vector<1x16xf32>,
          %parallel_loop3A_512 = vector.shape_cast %parallel_loop3A_511 : vector<1x16xf32> to vector<16xf32>
          %parallel_loop3A_513 = vector.shape_cast %parallel_loop3A_87 : vector<16xi32> to vector<16x1xi32>
          %parallel_loop3A_514 = vector.shape_cast %parallel_loop3A_513 : vector<16x1xi32> to vector<16xi32>
          %parallel_loop3A_515 = tpu.dynamic_gather %parallel_loop3A_512[%parallel_loop3A_514] in [0] : vector<16xf32>, vector<16xi32> -> vector<16xf32>
          %parallel_loop3A_516 = arith.constant 30 : i32
          %parallel_loop3A_517 = arith.index_cast %parallel_loop3A_516 : i32 to index
          %parallel_loop3A_518 = arith.index_cast %parallel_loop3A_75 : i32 to index
          %parallel_loop3A_519 = tpu.vector_load %arg9[%parallel_loop3A_517, %parallel_loop3A_518] {strides = array<i32>} : memref<46x512xf32, #tpu.memory_space<vmem>>, vector<1x16xf32>,
          %parallel_loop3A_520 = vector.shape_cast %parallel_loop3A_519 : vector<1x16xf32> to vector<16xf32>
          %parallel_loop3A_521 = vector.shape_cast %parallel_loop3A_515 : vector<16xf32> to vector<1x16xf32>
          tpu.vector_store %arg9[%parallel_loop3A_517, %parallel_loop3A_518], %parallel_loop3A_521 {strides = array<i32>} : memref<46x512xf32, #tpu.memory_space<vmem>>, vector<1x16xf32>,
          %parallel_loop3A_522 = arith.constant 31 : i32
          %parallel_loop3A_523 = arith.index_cast %parallel_loop3A_522 : i32 to index
          %parallel_loop3A_524 = arith.constant 0 : index
          %parallel_loop3A_525 = tpu.vector_load %arg5[%parallel_loop3A_523, %parallel_loop3A_524] {strides = array<i32>} : memref<32x16xf32, #tpu.memory_space<vmem>>, vector<1x16xf32>,
          %parallel_loop3A_526 = vector.shape_cast %parallel_loop3A_525 : vector<1x16xf32> to vector<16xf32>
          %parallel_loop3A_527 = vector.shape_cast %parallel_loop3A_87 : vector<16xi32> to vector<16x1xi32>
          %parallel_loop3A_528 = vector.shape_cast %parallel_loop3A_527 : vector<16x1xi32> to vector<16xi32>
          %parallel_loop3A_529 = tpu.dynamic_gather %parallel_loop3A_526[%parallel_loop3A_528] in [0] : vector<16xf32>, vector<16xi32> -> vector<16xf32>
          %parallel_loop3A_530 = arith.constant 31 : i32
          %parallel_loop3A_531 = arith.index_cast %parallel_loop3A_530 : i32 to index
          %parallel_loop3A_532 = arith.index_cast %parallel_loop3A_75 : i32 to index
          %parallel_loop3A_533 = tpu.vector_load %arg9[%parallel_loop3A_531, %parallel_loop3A_532] {strides = array<i32>} : memref<46x512xf32, #tpu.memory_space<vmem>>, vector<1x16xf32>,
          %parallel_loop3A_534 = vector.shape_cast %parallel_loop3A_533 : vector<1x16xf32> to vector<16xf32>
          %parallel_loop3A_535 = vector.shape_cast %parallel_loop3A_529 : vector<16xf32> to vector<1x16xf32>
          tpu.vector_store %arg9[%parallel_loop3A_531, %parallel_loop3A_532], %parallel_loop3A_535 {strides = array<i32>} : memref<46x512xf32, #tpu.memory_space<vmem>>, vector<1x16xf32>,
          %parallel_loop3A_536 = arith.constant 2 : i32
          %parallel_loop3A_537 = arith.index_cast %parallel_loop3A_536 : i32 to index
          %parallel_loop3A_538 = arith.index_cast %parallel_loop3A_75 : i32 to index
          %parallel_loop3A_539 = tpu.vector_load %arg7[%parallel_loop3A_537, %parallel_loop3A_538] {strides = array<i32>} : memref<16x512xf32, #tpu.memory_space<vmem>>, vector<1x16xf32>,
          %parallel_loop3A_540 = vector.shape_cast %parallel_loop3A_539 : vector<1x16xf32> to vector<16xf32>
          %parallel_loop3A_541 = arith.constant 32 : i32
          %parallel_loop3A_542 = arith.index_cast %parallel_loop3A_541 : i32 to index
          %parallel_loop3A_543 = arith.index_cast %parallel_loop3A_75 : i32 to index
          %parallel_loop3A_544 = tpu.vector_load %arg9[%parallel_loop3A_542, %parallel_loop3A_543] {strides = array<i32>} : memref<46x512xf32, #tpu.memory_space<vmem>>, vector<1x16xf32>,
          %parallel_loop3A_545 = vector.shape_cast %parallel_loop3A_544 : vector<1x16xf32> to vector<16xf32>
          %parallel_loop3A_546 = vector.shape_cast %parallel_loop3A_540 : vector<16xf32> to vector<1x16xf32>
          tpu.vector_store %arg9[%parallel_loop3A_542, %parallel_loop3A_543], %parallel_loop3A_546 {strides = array<i32>} : memref<46x512xf32, #tpu.memory_space<vmem>>, vector<1x16xf32>,
          %parallel_loop3A_547 = arith.constant 3 : i32
          %parallel_loop3A_548 = arith.index_cast %parallel_loop3A_547 : i32 to index
          %parallel_loop3A_549 = arith.index_cast %parallel_loop3A_75 : i32 to index
          %parallel_loop3A_550 = tpu.vector_load %arg7[%parallel_loop3A_548, %parallel_loop3A_549] {strides = array<i32>} : memref<16x512xf32, #tpu.memory_space<vmem>>, vector<1x16xf32>,
          %parallel_loop3A_551 = vector.shape_cast %parallel_loop3A_550 : vector<1x16xf32> to vector<16xf32>
          %parallel_loop3A_552 = arith.constant 33 : i32
          %parallel_loop3A_553 = arith.index_cast %parallel_loop3A_552 : i32 to index
          %parallel_loop3A_554 = arith.index_cast %parallel_loop3A_75 : i32 to index
          %parallel_loop3A_555 = tpu.vector_load %arg9[%parallel_loop3A_553, %parallel_loop3A_554] {strides = array<i32>} : memref<46x512xf32, #tpu.memory_space<vmem>>, vector<1x16xf32>,
          %parallel_loop3A_556 = vector.shape_cast %parallel_loop3A_555 : vector<1x16xf32> to vector<16xf32>
          %parallel_loop3A_557 = vector.shape_cast %parallel_loop3A_551 : vector<16xf32> to vector<1x16xf32>
          tpu.vector_store %arg9[%parallel_loop3A_553, %parallel_loop3A_554], %parallel_loop3A_557 {strides = array<i32>} : memref<46x512xf32, #tpu.memory_space<vmem>>, vector<1x16xf32>,
          %parallel_loop3A_558 = arith.constant 4 : i32
          %parallel_loop3A_559 = arith.index_cast %parallel_loop3A_558 : i32 to index
          %parallel_loop3A_560 = arith.index_cast %parallel_loop3A_75 : i32 to index
          %parallel_loop3A_561 = tpu.vector_load %arg7[%parallel_loop3A_559, %parallel_loop3A_560] {strides = array<i32>} : memref<16x512xf32, #tpu.memory_space<vmem>>, vector<1x16xf32>,
          %parallel_loop3A_562 = vector.shape_cast %parallel_loop3A_561 : vector<1x16xf32> to vector<16xf32>
          %parallel_loop3A_563 = arith.constant 34 : i32
          %parallel_loop3A_564 = arith.index_cast %parallel_loop3A_563 : i32 to index
          %parallel_loop3A_565 = arith.index_cast %parallel_loop3A_75 : i32 to index
          %parallel_loop3A_566 = tpu.vector_load %arg9[%parallel_loop3A_564, %parallel_loop3A_565] {strides = array<i32>} : memref<46x512xf32, #tpu.memory_space<vmem>>, vector<1x16xf32>,
          %parallel_loop3A_567 = vector.shape_cast %parallel_loop3A_566 : vector<1x16xf32> to vector<16xf32>
          %parallel_loop3A_568 = vector.shape_cast %parallel_loop3A_562 : vector<16xf32> to vector<1x16xf32>
          tpu.vector_store %arg9[%parallel_loop3A_564, %parallel_loop3A_565], %parallel_loop3A_568 {strides = array<i32>} : memref<46x512xf32, #tpu.memory_space<vmem>>, vector<1x16xf32>,
          %parallel_loop3A_569 = arith.constant 5 : i32
          %parallel_loop3A_570 = arith.index_cast %parallel_loop3A_569 : i32 to index
          %parallel_loop3A_571 = arith.index_cast %parallel_loop3A_75 : i32 to index
          %parallel_loop3A_572 = tpu.vector_load %arg7[%parallel_loop3A_570, %parallel_loop3A_571] {strides = array<i32>} : memref<16x512xf32, #tpu.memory_space<vmem>>, vector<1x16xf32>,
          %parallel_loop3A_573 = vector.shape_cast %parallel_loop3A_572 : vector<1x16xf32> to vector<16xf32>
          %parallel_loop3A_574 = arith.constant 35 : i32
          %parallel_loop3A_575 = arith.index_cast %parallel_loop3A_574 : i32 to index
          %parallel_loop3A_576 = arith.index_cast %parallel_loop3A_75 : i32 to index
          %parallel_loop3A_577 = tpu.vector_load %arg9[%parallel_loop3A_575, %parallel_loop3A_576] {strides = array<i32>} : memref<46x512xf32, #tpu.memory_space<vmem>>, vector<1x16xf32>,
          %parallel_loop3A_578 = vector.shape_cast %parallel_loop3A_577 : vector<1x16xf32> to vector<16xf32>
          %parallel_loop3A_579 = vector.shape_cast %parallel_loop3A_573 : vector<16xf32> to vector<1x16xf32>
          tpu.vector_store %arg9[%parallel_loop3A_575, %parallel_loop3A_576], %parallel_loop3A_579 {strides = array<i32>} : memref<46x512xf32, #tpu.memory_space<vmem>>, vector<1x16xf32>,
          %parallel_loop3A_580 = arith.constant 6 : i32
          %parallel_loop3A_581 = arith.index_cast %parallel_loop3A_580 : i32 to index
          %parallel_loop3A_582 = arith.index_cast %parallel_loop3A_75 : i32 to index
          %parallel_loop3A_583 = tpu.vector_load %arg7[%parallel_loop3A_581, %parallel_loop3A_582] {strides = array<i32>} : memref<16x512xf32, #tpu.memory_space<vmem>>, vector<1x16xf32>,
          %parallel_loop3A_584 = vector.shape_cast %parallel_loop3A_583 : vector<1x16xf32> to vector<16xf32>
          %parallel_loop3A_585 = arith.constant 36 : i32
          %parallel_loop3A_586 = arith.index_cast %parallel_loop3A_585 : i32 to index
          %parallel_loop3A_587 = arith.index_cast %parallel_loop3A_75 : i32 to index
          %parallel_loop3A_588 = tpu.vector_load %arg9[%parallel_loop3A_586, %parallel_loop3A_587] {strides = array<i32>} : memref<46x512xf32, #tpu.memory_space<vmem>>, vector<1x16xf32>,
          %parallel_loop3A_589 = vector.shape_cast %parallel_loop3A_588 : vector<1x16xf32> to vector<16xf32>
          %parallel_loop3A_590 = vector.shape_cast %parallel_loop3A_584 : vector<16xf32> to vector<1x16xf32>
          tpu.vector_store %arg9[%parallel_loop3A_586, %parallel_loop3A_587], %parallel_loop3A_590 {strides = array<i32>} : memref<46x512xf32, #tpu.memory_space<vmem>>, vector<1x16xf32>,
          %parallel_loop3A_591 = arith.constant 7 : i32
          %parallel_loop3A_592 = arith.index_cast %parallel_loop3A_591 : i32 to index
          %parallel_loop3A_593 = arith.index_cast %parallel_loop3A_75 : i32 to index
          %parallel_loop3A_594 = tpu.vector_load %arg7[%parallel_loop3A_592, %parallel_loop3A_593] {strides = array<i32>} : memref<16x512xf32, #tpu.memory_space<vmem>>, vector<1x16xf32>,
          %parallel_loop3A_595 = vector.shape_cast %parallel_loop3A_594 : vector<1x16xf32> to vector<16xf32>
          %parallel_loop3A_596 = arith.constant 37 : i32
          %parallel_loop3A_597 = arith.index_cast %parallel_loop3A_596 : i32 to index
          %parallel_loop3A_598 = arith.index_cast %parallel_loop3A_75 : i32 to index
          %parallel_loop3A_599 = tpu.vector_load %arg9[%parallel_loop3A_597, %parallel_loop3A_598] {strides = array<i32>} : memref<46x512xf32, #tpu.memory_space<vmem>>, vector<1x16xf32>,
          %parallel_loop3A_600 = vector.shape_cast %parallel_loop3A_599 : vector<1x16xf32> to vector<16xf32>
          %parallel_loop3A_601 = vector.shape_cast %parallel_loop3A_595 : vector<16xf32> to vector<1x16xf32>
          tpu.vector_store %arg9[%parallel_loop3A_597, %parallel_loop3A_598], %parallel_loop3A_601 {strides = array<i32>} : memref<46x512xf32, #tpu.memory_space<vmem>>, vector<1x16xf32>,
          %parallel_loop3A_602 = arith.constant 8 : i32
          %parallel_loop3A_603 = arith.index_cast %parallel_loop3A_602 : i32 to index
          %parallel_loop3A_604 = arith.index_cast %parallel_loop3A_75 : i32 to index
          %parallel_loop3A_605 = tpu.vector_load %arg7[%parallel_loop3A_603, %parallel_loop3A_604] {strides = array<i32>} : memref<16x512xf32, #tpu.memory_space<vmem>>, vector<1x16xf32>,
          %parallel_loop3A_606 = vector.shape_cast %parallel_loop3A_605 : vector<1x16xf32> to vector<16xf32>
          %parallel_loop3A_607 = arith.constant 38 : i32
          %parallel_loop3A_608 = arith.index_cast %parallel_loop3A_607 : i32 to index
          %parallel_loop3A_609 = arith.index_cast %parallel_loop3A_75 : i32 to index
          %parallel_loop3A_610 = tpu.vector_load %arg9[%parallel_loop3A_608, %parallel_loop3A_609] {strides = array<i32>} : memref<46x512xf32, #tpu.memory_space<vmem>>, vector<1x16xf32>,
          %parallel_loop3A_611 = vector.shape_cast %parallel_loop3A_610 : vector<1x16xf32> to vector<16xf32>
          %parallel_loop3A_612 = vector.shape_cast %parallel_loop3A_606 : vector<16xf32> to vector<1x16xf32>
          tpu.vector_store %arg9[%parallel_loop3A_608, %parallel_loop3A_609], %parallel_loop3A_612 {strides = array<i32>} : memref<46x512xf32, #tpu.memory_space<vmem>>, vector<1x16xf32>,
          %parallel_loop3A_613 = arith.constant 9 : i32
          %parallel_loop3A_614 = arith.index_cast %parallel_loop3A_613 : i32 to index
          %parallel_loop3A_615 = arith.index_cast %parallel_loop3A_75 : i32 to index
          %parallel_loop3A_616 = tpu.vector_load %arg7[%parallel_loop3A_614, %parallel_loop3A_615] {strides = array<i32>} : memref<16x512xf32, #tpu.memory_space<vmem>>, vector<1x16xf32>,
          %parallel_loop3A_617 = vector.shape_cast %parallel_loop3A_616 : vector<1x16xf32> to vector<16xf32>
          %parallel_loop3A_618 = arith.constant 39 : i32
          %parallel_loop3A_619 = arith.index_cast %parallel_loop3A_618 : i32 to index
          %parallel_loop3A_620 = arith.index_cast %parallel_loop3A_75 : i32 to index
          %parallel_loop3A_621 = tpu.vector_load %arg9[%parallel_loop3A_619, %parallel_loop3A_620] {strides = array<i32>} : memref<46x512xf32, #tpu.memory_space<vmem>>, vector<1x16xf32>,
          %parallel_loop3A_622 = vector.shape_cast %parallel_loop3A_621 : vector<1x16xf32> to vector<16xf32>
          %parallel_loop3A_623 = vector.shape_cast %parallel_loop3A_617 : vector<16xf32> to vector<1x16xf32>
          tpu.vector_store %arg9[%parallel_loop3A_619, %parallel_loop3A_620], %parallel_loop3A_623 {strides = array<i32>} : memref<46x512xf32, #tpu.memory_space<vmem>>, vector<1x16xf32>,
          %parallel_loop3A_624 = arith.constant 10 : i32
          %parallel_loop3A_625 = arith.index_cast %parallel_loop3A_624 : i32 to index
          %parallel_loop3A_626 = arith.index_cast %parallel_loop3A_75 : i32 to index
          %parallel_loop3A_627 = tpu.vector_load %arg7[%parallel_loop3A_625, %parallel_loop3A_626] {strides = array<i32>} : memref<16x512xf32, #tpu.memory_space<vmem>>, vector<1x16xf32>,
          %parallel_loop3A_628 = vector.shape_cast %parallel_loop3A_627 : vector<1x16xf32> to vector<16xf32>
          %parallel_loop3A_629 = arith.constant 40 : i32
          %parallel_loop3A_630 = arith.index_cast %parallel_loop3A_629 : i32 to index
          %parallel_loop3A_631 = arith.index_cast %parallel_loop3A_75 : i32 to index
          %parallel_loop3A_632 = tpu.vector_load %arg9[%parallel_loop3A_630, %parallel_loop3A_631] {strides = array<i32>} : memref<46x512xf32, #tpu.memory_space<vmem>>, vector<1x16xf32>,
          %parallel_loop3A_633 = vector.shape_cast %parallel_loop3A_632 : vector<1x16xf32> to vector<16xf32>
          %parallel_loop3A_634 = vector.shape_cast %parallel_loop3A_628 : vector<16xf32> to vector<1x16xf32>
          tpu.vector_store %arg9[%parallel_loop3A_630, %parallel_loop3A_631], %parallel_loop3A_634 {strides = array<i32>} : memref<46x512xf32, #tpu.memory_space<vmem>>, vector<1x16xf32>,
          %parallel_loop3A_635 = arith.constant 11 : i32
          %parallel_loop3A_636 = arith.index_cast %parallel_loop3A_635 : i32 to index
          %parallel_loop3A_637 = arith.index_cast %parallel_loop3A_75 : i32 to index
          %parallel_loop3A_638 = tpu.vector_load %arg7[%parallel_loop3A_636, %parallel_loop3A_637] {strides = array<i32>} : memref<16x512xf32, #tpu.memory_space<vmem>>, vector<1x16xf32>,
          %parallel_loop3A_639 = vector.shape_cast %parallel_loop3A_638 : vector<1x16xf32> to vector<16xf32>
          %parallel_loop3A_640 = arith.constant 41 : i32
          %parallel_loop3A_641 = arith.index_cast %parallel_loop3A_640 : i32 to index
          %parallel_loop3A_642 = arith.index_cast %parallel_loop3A_75 : i32 to index
          %parallel_loop3A_643 = tpu.vector_load %arg9[%parallel_loop3A_641, %parallel_loop3A_642] {strides = array<i32>} : memref<46x512xf32, #tpu.memory_space<vmem>>, vector<1x16xf32>,
          %parallel_loop3A_644 = vector.shape_cast %parallel_loop3A_643 : vector<1x16xf32> to vector<16xf32>
          %parallel_loop3A_645 = vector.shape_cast %parallel_loop3A_639 : vector<16xf32> to vector<1x16xf32>
          tpu.vector_store %arg9[%parallel_loop3A_641, %parallel_loop3A_642], %parallel_loop3A_645 {strides = array<i32>} : memref<46x512xf32, #tpu.memory_space<vmem>>, vector<1x16xf32>,
          %parallel_loop3A_646 = arith.constant 12 : i32
          %parallel_loop3A_647 = arith.index_cast %parallel_loop3A_646 : i32 to index
          %parallel_loop3A_648 = arith.index_cast %parallel_loop3A_75 : i32 to index
          %parallel_loop3A_649 = tpu.vector_load %arg7[%parallel_loop3A_647, %parallel_loop3A_648] {strides = array<i32>} : memref<16x512xf32, #tpu.memory_space<vmem>>, vector<1x16xf32>,
          %parallel_loop3A_650 = vector.shape_cast %parallel_loop3A_649 : vector<1x16xf32> to vector<16xf32>
          %parallel_loop3A_651 = arith.constant 42 : i32
          %parallel_loop3A_652 = arith.index_cast %parallel_loop3A_651 : i32 to index
          %parallel_loop3A_653 = arith.index_cast %parallel_loop3A_75 : i32 to index
          %parallel_loop3A_654 = tpu.vector_load %arg9[%parallel_loop3A_652, %parallel_loop3A_653] {strides = array<i32>} : memref<46x512xf32, #tpu.memory_space<vmem>>, vector<1x16xf32>,
          %parallel_loop3A_655 = vector.shape_cast %parallel_loop3A_654 : vector<1x16xf32> to vector<16xf32>
          %parallel_loop3A_656 = vector.shape_cast %parallel_loop3A_650 : vector<16xf32> to vector<1x16xf32>
          tpu.vector_store %arg9[%parallel_loop3A_652, %parallel_loop3A_653], %parallel_loop3A_656 {strides = array<i32>} : memref<46x512xf32, #tpu.memory_space<vmem>>, vector<1x16xf32>,
          %parallel_loop3A_657 = arith.constant 13 : i32
          %parallel_loop3A_658 = arith.index_cast %parallel_loop3A_657 : i32 to index
          %parallel_loop3A_659 = arith.index_cast %parallel_loop3A_75 : i32 to index
          %parallel_loop3A_660 = tpu.vector_load %arg7[%parallel_loop3A_658, %parallel_loop3A_659] {strides = array<i32>} : memref<16x512xf32, #tpu.memory_space<vmem>>, vector<1x16xf32>,
          %parallel_loop3A_661 = vector.shape_cast %parallel_loop3A_660 : vector<1x16xf32> to vector<16xf32>
          %parallel_loop3A_662 = arith.constant 43 : i32
          %parallel_loop3A_663 = arith.index_cast %parallel_loop3A_662 : i32 to index
          %parallel_loop3A_664 = arith.index_cast %parallel_loop3A_75 : i32 to index
          %parallel_loop3A_665 = tpu.vector_load %arg9[%parallel_loop3A_663, %parallel_loop3A_664] {strides = array<i32>} : memref<46x512xf32, #tpu.memory_space<vmem>>, vector<1x16xf32>,
          %parallel_loop3A_666 = vector.shape_cast %parallel_loop3A_665 : vector<1x16xf32> to vector<16xf32>
          %parallel_loop3A_667 = vector.shape_cast %parallel_loop3A_661 : vector<16xf32> to vector<1x16xf32>
          tpu.vector_store %arg9[%parallel_loop3A_663, %parallel_loop3A_664], %parallel_loop3A_667 {strides = array<i32>} : memref<46x512xf32, #tpu.memory_space<vmem>>, vector<1x16xf32>,
          %parallel_loop3A_668 = arith.constant 14 : i32
          %parallel_loop3A_669 = arith.index_cast %parallel_loop3A_668 : i32 to index
          %parallel_loop3A_670 = arith.index_cast %parallel_loop3A_75 : i32 to index
          %parallel_loop3A_671 = tpu.vector_load %arg7[%parallel_loop3A_669, %parallel_loop3A_670] {strides = array<i32>} : memref<16x512xf32, #tpu.memory_space<vmem>>, vector<1x16xf32>,
          %parallel_loop3A_672 = vector.shape_cast %parallel_loop3A_671 : vector<1x16xf32> to vector<16xf32>
          %parallel_loop3A_673 = arith.constant 44 : i32
          %parallel_loop3A_674 = arith.index_cast %parallel_loop3A_673 : i32 to index
          %parallel_loop3A_675 = arith.index_cast %parallel_loop3A_75 : i32 to index
          %parallel_loop3A_676 = tpu.vector_load %arg9[%parallel_loop3A_674, %parallel_loop3A_675] {strides = array<i32>} : memref<46x512xf32, #tpu.memory_space<vmem>>, vector<1x16xf32>,
          %parallel_loop3A_677 = vector.shape_cast %parallel_loop3A_676 : vector<1x16xf32> to vector<16xf32>
          %parallel_loop3A_678 = vector.shape_cast %parallel_loop3A_672 : vector<16xf32> to vector<1x16xf32>
          tpu.vector_store %arg9[%parallel_loop3A_674, %parallel_loop3A_675], %parallel_loop3A_678 {strides = array<i32>} : memref<46x512xf32, #tpu.memory_space<vmem>>, vector<1x16xf32>,
          %parallel_loop3A_679 = arith.constant 15 : i32
          %parallel_loop3A_680 = arith.index_cast %parallel_loop3A_679 : i32 to index
          %parallel_loop3A_681 = arith.index_cast %parallel_loop3A_75 : i32 to index
          %parallel_loop3A_682 = tpu.vector_load %arg7[%parallel_loop3A_680, %parallel_loop3A_681] {strides = array<i32>} : memref<16x512xf32, #tpu.memory_space<vmem>>, vector<1x16xf32>,
          %parallel_loop3A_683 = vector.shape_cast %parallel_loop3A_682 : vector<1x16xf32> to vector<16xf32>
          %parallel_loop3A_684 = arith.constant 45 : i32
          %parallel_loop3A_685 = arith.index_cast %parallel_loop3A_684 : i32 to index
          %parallel_loop3A_686 = arith.index_cast %parallel_loop3A_75 : i32 to index
          %parallel_loop3A_687 = tpu.vector_load %arg9[%parallel_loop3A_685, %parallel_loop3A_686] {strides = array<i32>} : memref<46x512xf32, #tpu.memory_space<vmem>>, vector<1x16xf32>,
          %parallel_loop3A_688 = vector.shape_cast %parallel_loop3A_687 : vector<1x16xf32> to vector<16xf32>
          %parallel_loop3A_689 = vector.shape_cast %parallel_loop3A_683 : vector<16xf32> to vector<1x16xf32>
          tpu.vector_store %arg9[%parallel_loop3A_685, %parallel_loop3A_686], %parallel_loop3A_689 {strides = array<i32>} : memref<46x512xf32, #tpu.memory_space<vmem>>, vector<1x16xf32>,
        } {sc.loop_unroll_factor = 2 : i64, sc.parallel_access}
        %mul3A_61 = arith.constant 512 : i32
        %mul3A_62 = arith.muli %add3A_43, %mul3A_61 : i32
        %dma_start3A = arith.constant 0 : i32
        %dma_start3A_63 = tpu.memref_slice %arg4[%dma_start3A, %mul3A_62] : memref<46x1600000xf32, #tpu.memory_space<hbm>> -> memref<46x512xf32, #tpu.memory_space<hbm>>
        %dma_start3A_64 = arith.constant 0 : i32
        %dma_start3A_65 = tpu.memref_slice %arg4[%dma_start3A_64, %mul3A_62] : memref<46x1600000xf32, #tpu.memory_space<hbm>> -> memref<46x512xf32, #tpu.memory_space<hbm>>
        tpu.enqueue_dma source(%arg9 : memref<46x512xf32, #tpu.memory_space<vmem>>) target(%dma_start3A_65 : memref<46x512xf32, #tpu.memory_space<hbm>>) target_semaphore(%arg13 : memref<!tpu.dma_semaphore, #tpu.memory_space<semaphore_mem>>)
        %add3A_66 = arith.constant 64 : i32
        %add3A_67 = arith.addi %add3A_43, %add3A_66 : i32
        %lt3A_68 = arith.constant 3125 : i32
        %lt3A_69 = arith.cmpi slt, %add3A_67, %lt3A_68 : i32
        %convert_element_type3A_70 = arith.extui %lt3A_69 : i1 to i32
        %cond3A_71 = arith.constant 0 : i32
        %cond3A_72 = arith.cmpi ne, %convert_element_type3A_70, %cond3A_71 : i32
        scf.if %cond3A_72 {
          %add3A_73 = arith.constant 64 : i32
          %add3A_74 = arith.addi %add3A_43, %add3A_73 : i32
          %mul3A_75 = arith.constant 512 : i32
          %mul3A_76 = arith.muli %add3A_74, %mul3A_75 : i32
          %dma_start3A_77 = arith.constant 0 : i32
          %dma_start3A_78 = tpu.memref_slice %arg2[%dma_start3A_77, %mul3A_76] : memref<16x1600000xf32, #tpu.memory_space<hbm>> -> memref<16x512xf32, #tpu.memory_space<hbm>>
          %dma_start3A_79 = arith.constant 0 : i32
          %dma_start3A_80 = tpu.memref_slice %arg2[%dma_start3A_79, %mul3A_76] : memref<16x1600000xf32, #tpu.memory_space<hbm>> -> memref<16x512xf32, #tpu.memory_space<hbm>>
          tpu.enqueue_dma source(%dma_start3A_80 : memref<16x512xf32, #tpu.memory_space<hbm>>) target(%arg7 : memref<16x512xf32, #tpu.memory_space<vmem>>) target_semaphore(%arg11 : memref<!tpu.dma_semaphore, #tpu.memory_space<semaphore_mem>>)
        } else {
        }
      } else {
      }
    }
    %scan3A_14 = arith.constant 49 : i32
    %mul3A_15 = arith.constant 512 : i32
    %mul3A_16 = arith.muli %add3A, %mul3A_15 : i32
    %dma_wait3A = arith.constant 0 : i32
    %dma_wait3A_17 = tpu.memref_slice %arg4[%dma_wait3A, %mul3A_16] : memref<46x1600000xf32, #tpu.memory_space<hbm>> -> memref<46x512xf32, #tpu.memory_space<hbm>>
    %dma_wait3A_18 = arith.constant 0 : i32
    %dma_wait3A_19 = tpu.memref_slice %arg4[%dma_wait3A_18, %mul3A_16] : memref<46x1600000xf32, #tpu.memory_space<hbm>> -> memref<46x512xf32, #tpu.memory_space<hbm>>
    tpu.wait_dma2 semaphore(%arg12 : memref<!tpu.dma_semaphore, #tpu.memory_space<semaphore_mem>>) src(%arg8 : memref<46x512xf32, #tpu.memory_space<vmem>>) dst(%dma_wait3A_19 : memref<46x512xf32, #tpu.memory_space<hbm>>)
    %mul3A_20 = arith.constant 512 : i32
    %mul3A_21 = arith.muli %add3A, %mul3A_20 : i32
    %dma_wait3A_22 = arith.constant 0 : i32
    %dma_wait3A_23 = tpu.memref_slice %arg4[%dma_wait3A_22, %mul3A_21] : memref<46x1600000xf32, #tpu.memory_space<hbm>> -> memref<46x512xf32, #tpu.memory_space<hbm>>
    %dma_wait3A_24 = arith.constant 0 : i32
    %dma_wait3A_25 = tpu.memref_slice %arg4[%dma_wait3A_24, %mul3A_21] : memref<46x1600000xf32, #tpu.memory_space<hbm>> -> memref<46x512xf32, #tpu.memory_space<hbm>>
    tpu.wait_dma2 semaphore(%arg13 : memref<!tpu.dma_semaphore, #tpu.memory_space<semaphore_mem>>) src(%arg9 : memref<46x512xf32, #tpu.memory_space<vmem>>) dst(%dma_wait3A_25 : memref<46x512xf32, #tpu.memory_space<hbm>>)
    return
  }
}

</mosaic_0001>

<sc_bundles>
// kernel: _run.3.cloned.1.call-start
scs
__scs_entry_jumppad:
0x0: {  	(pc) =	sbr.rel $0x88, $3  }
0x1: {  	(tag) =	ssettag $0x0;
	lr =	simm.s32 $0x1  }
0x2: {  	[smem:$0x3F9F] =	sst lr;
	_ =	strace $0xD0000000  }
0x3: {  	_ = 	snop  }
0x4: {  	_ = 	snop  }
0x5: {  	_ = 	snop  }
0x6: {  	_ = 	snop  }
0x7: {  	_ = 	snop  }
__scs_overlays_trampoline_lowered:
0x8: {  	[smem:$0x3FAE] =	sst s0  }
0x9: {  	[smem:$0x3FAF] =	sst s1  }
0xa: {  	[smem:$0x3FB0] =	sst s2  }
0xb: {  	[smem:$0x3FB1] =	sst s3  }
0xc: {  	[smem:$0x3FB2] =	sst s4  }
0xd: {  	[smem:$0x3FB3] =	sst s5  }
0xe: {  	[smem:$0x3FB4] =	sst s6  }
0xf: {  	[smem:$0x3FB5] =	sst s7  }
0x10: {  	[smem:$0x3FB6] =	sst s8  }
0x11: {  	[smem:$0x3FB7] =	sst s9;
	s0 =	simm.s32 @!p0 $0x0  }
0x12: {  	s1 =	sld [smem:$0x3F9D];
	s0 =	simm.s32 @p0 $0x1  }
0x13: {  	[smem:$0x3FB8] =	sst s0;
	s0 =	simm.s32 @!p1 $0x0  }
0x14: {  	s2 =	sld [smem:$0x3F9C];
	s0 =	simm.s32 @p1 $0x1  }
0x15: {  	[smem:$0x3FB9] =	sst s0;
	s0 =	simm.s32 @!p2 $0x0  }
0x16: {  	s3 =	sld [smem:$0x3FDB];
	s0 =	simm.s32 @p2 $0x1  }
0x17: {  	s4 =	simm.s32 $0x1BF5;
	[smem:$0x3FBB] =	sst s0  }
0x18: {  	s0 =	sld [smem:$0x3F9E];
	_ =	swait.ge [sflag:s4], $0x0  }
0x19: {  	s7 =	sld [smem:$0x3F9F]  }
0x1a: {  	s8 =	sadd.s32 $0xFFFFE003, lr  }
0x1b: {  	s9 =	sadd.s32 $0xFFFFFEF7, lr;
	s5 =	simm.s32 $0xFFFFFFFF;
	p2 =	slt.u32 s8, $0xFFFFF086  }
0x1c: {  	p1 =	slt.u32 s9, $0xF7A;
	s5 =	simm.s32 @!p2 $0x0  }
0x1d: {  	s5 =	simm.s32 @p1 $0x1;
	p0 =	seq.s32 s7, s2  }
0x1e: {  	s7 =	smul.u32 @!p0 $0xF7A, s2;
	p2 =	seq.s32 @!p0 s5, $0x0  }
0x1f: {  	s9 =	smul.u32 $0xF7A, s1;
	s8 =	simm.s32 @!p0 $0x1BF5;
	p2 =	por !p2, p0  }
0x20: {  	[sflag:s8] =	ssyncset.s32 @!p0 $0xFFFFF086;
	s6 =	sadd.s32 @!p0 s3, s7;
	s7 =	simm.s32 @!p0 $0x108  }
0x21: {  	s3 =	sadd.s32 s3, s9;
	s6 =	sadd.s32 @!p0 $0x88, s6;
	s7 =	simm.s32 @p2 $0x1082  }
0x22: {  	[simem:s7], [sflag:s8] =	dma.local @!p0 [hbm:s6], $0xF7A  }
0x23: {  	s9 =	sor.u32 $0xD0000000, s2;
	s6 =	simm.s32 $0x108;
	_ =	swait.ge @!p0 [sflag:s8], $0x0  }
0x24: {  	s3 =	sadd.s32 $0x88, s3;
	s6 =	simm.s32 @!p1 $0x1082;
	[sflag:s4] =	ssyncset.s32 $0xFFFFF086  }
0x25: {  	[simem:s6], [sflag:s4] =	dma.local [hbm:s3], $0xF7A  }
0x26: {  	[smem:$0x3F9F] =	sst s1;
	(tag) =	ssettag s2;
	_ =	strace s9  }
0x27: {  	s1 =	sld [smem:$0x3FAF]  }
0x28: {  	s2 =	sld [smem:$0x3FB0]  }
0x29: {  	s4 =	sld [smem:$0x3FB2]  }
0x2a: {  	p0 =	seq.s32 s5, $0x0;
	s5 =	sld [smem:$0x3FB3]  }
0x2b: {  	s6 =	sld [smem:$0x3FB4]  }
0x2c: {  	s7 =	sld [smem:$0x3FB5]  }
0x2d: {  	s3 =	simm.s32 $0x108;
	s8 =	sld [smem:$0x3FB6]  }
0x2e: {  	s3 =	simm.s32 @!p0 $0x1082;
	s9 =	sld [smem:$0x3FB7]  }
0x2f: {  	lr =	sadd.s32 s0, s3;
	s0 =	sld [smem:$0x3FAE]  }
0x30: {  	s3 =	sld [smem:$0x3FB1]  }
0x31: {  	[smem:$0x3FBA] =	sst s10  }
0x32: {  	s10 =	sld [smem:$0x3FB8];
	_ =	sdelay $0x3  }
0x33: {  	p0 =	seq.s32 s10, $0x1;
	s10 =	sld [smem:$0x3FBA];
	_ =	sdelay $0x3  }
0x34: {  	[smem:$0x3FBA] =	sst s10  }
0x35: {  	s10 =	sld [smem:$0x3FB9];
	_ =	sdelay $0x3  }
0x36: {  	p1 =	seq.s32 s10, $0x1;
	s10 =	sld [smem:$0x3FBA];
	_ =	sdelay $0x3  }
0x37: {  	[smem:$0x3FBA] =	sst s10  }
0x38: {  	s10 =	sld [smem:$0x3FBB]  }
0x39: {  	_ = 	snop;
	(pc) =	sbr.ind lr, $3  }
0x3a: {  	_ = 	snop  }
0x3b: {  	_ = 	snop  }
0x3c: {  	p2 =	seq.s32 s10, $0x1;
	s10 =	sld [smem:$0x3FBA]  }
0x3d: {  	_ =	shalt  }
0x3e: {  	_ =	shalt  }
0x3f: {  	_ =	shalt  }
0x40: {  	_ =	shalt  }
0x41: {  	_ =	shalt  }
0x42: {  	_ =	shalt  }
0x43: {  	_ =	shalt  }
0x44: {  	_ =	shalt  }
0x45: {  	_ =	shalt  }
0x46: {  	_ =	shalt  }
0x47: {  	_ =	shalt  }
0x48: {  	_ =	shalt  }
0x49: {  	_ =	shalt  }
0x4a: {  	_ =	shalt  }
0x4b: {  	_ =	shalt  }
0x4c: {  	_ =	shalt  }
0x4d: {  	_ =	shalt  }
0x4e: {  	_ =	shalt  }
0x4f: {  	_ =	shalt  }
0x50: {  	_ =	shalt  }
0x51: {  	_ =	shalt  }
0x52: {  	_ =	shalt  }
0x53: {  	_ =	shalt  }
0x54: {  	_ =	shalt  }
0x55: {  	_ =	shalt  }
0x56: {  	_ =	shalt  }
0x57: {  	_ =	shalt  }
0x58: {  	_ =	shalt  }
0x59: {  	_ =	shalt  }
0x5a: {  	_ =	shalt  }
0x5b: {  	_ =	shalt  }
0x5c: {  	_ =	shalt  }
0x5d: {  	_ =	shalt  }
0x5e: {  	_ =	shalt  }
0x5f: {  	_ =	shalt  }
0x60: {  	_ =	shalt  }
0x61: {  	_ =	shalt  }
0x62: {  	_ =	shalt  }
0x63: {  	_ =	shalt  }
0x64: {  	_ =	shalt  }
0x65: {  	_ =	shalt  }
0x66: {  	_ =	shalt  }
0x67: {  	_ =	shalt  }
0x68: {  	_ =	shalt  }
0x69: {  	_ =	shalt  }
0x6a: {  	_ =	shalt  }
0x6b: {  	_ =	shalt  }
0x6c: {  	_ =	shalt  }
0x6d: {  	_ =	shalt  }
0x6e: {  	_ =	shalt  }
0x6f: {  	_ =	shalt  }
0x70: {  	_ =	shalt  }
0x71: {  	_ =	shalt  }
0x72: {  	_ =	shalt  }
0x73: {  	_ =	shalt  }
0x74: {  	_ =	shalt  }
0x75: {  	_ =	shalt  }
0x76: {  	_ =	shalt  }
0x77: {  	_ =	shalt  }
0x78: {  	_ =	shalt  }
0x79: {  	_ =	shalt  }
0x7a: {  	_ =	shalt  }
0x7b: {  	_ =	shalt  }
0x7c: {  	_ =	shalt  }
0x7d: {  	_ =	shalt  }
0x7e: {  	_ =	shalt  }
0x7f: {  	_ =	shalt  }
0x80: {  	_ =	shalt  }
0x81: {  	_ =	shalt  }
0x82: {  	_ =	shalt  }
0x83: {  	_ =	shalt  }
0x84: {  	_ =	shalt  }
0x85: {  	_ =	shalt  }
0x86: {  	_ =	shalt  }
0x87: {  	_ =	shalt  }
.Lfunc_end0:
.L_simem_size_0:
called_computation_lowered:
.L_overlay_start_0:
0x88: {  	s2 =	sld [smem:$0x3FD9]  }
0x89: {  	s3 =	sld [smem:$0x3FFE];
	_ =	sdelay $0x1  }
0x8a: {  	s1 =	srdreg.scid  }
0x8b: {  	s0 =	sand.u32 $0x1, s1  }
0x8c: {  	s17 =	sshll.u32 s0, $0xA;
	s2 =	sadd.s32 s3, s2  }
0x8d: {  	s2 =	sadd.s32 s2, s17  }
0x8e: {  	[smem:$0x3FC6] =	sst s2  }
0x8f: {  	_ = 	snop  }
0x90: {  	s2 =	sld [smem:$0x3FC9]  }
0x91: {  	s18 =	sld [smem:$0x3FD0];
	(tm) =	ssettm $0x1  }
0x92: {  	s4 =	sld [smem:$0x3FFB];
	_ =	sdelay $0x3  }
0x93: {  	_ =	strace s4  }
0x94: {  	s4 =	sld [smem:$0x3FFC];
	_ =	sdelay $0x3  }
0x95: {  	_ =	strace s4  }
0x96: {  	s4 =	sld [smem:$0x3FFD];
	_ =	sdelay $0x3  }
0x97: {  	_ =	strace s4  }
0x98: {  	_ =	strace $0x8FFFFFFF  }
0x99: {  	s19 =	sld [smem:$0x3FDB];
	_ =	sdelay $0x1  }
0x9a: {  	s5 =	simm.s32 $_scs_section_size  }
0x9b: {  	s6 =	simm.s32 $_size__tile_overlayer_lowered;
	s7 =	simm.s32 $_tile_overlayer_lowered  }
0x9c: {  	s22 =	simm.s32 $0x1BFF;
	s21 =	sshll.u32 s7, $0x1;
	s4 =	sadd.s32 s5, s19  }
0x9d: {  	s8 =	simm.s32 $0x0;
	s20 =	sshll.u32 s6, $0x1;
	s6 =	sadd.s32 s21, s4  }
0x9e: {  	[timem:s8], [sflag:s22] =	dma.local [hbm:s6], s20  }
0x9f: {  	_ =	swait.ge [sflag:s22], s20  }
0xa0: {  	s5 =	ssub.s32 $0x0, s20;
	[sflag:s22] =	ssyncset.done $0x0  }
0xa1: {  	[sflag:s22] =	ssyncadd.s32 s5;
	_ =	sdelay $0x1  }
0xa2: {  	s23 =	simm.s32 $0x1B8B  }
0xa3: {  	_ =	swait.ge [sflag:s23], $0x1  }
0xa4: {  	[sflag:s23] =	ssyncset.done $0x0  }
0xa5: {  	s25 =	simm.s32 $0x1B8E;
	s24 =	sld [smem:$0x3FFE];
	[sflag:s23] =	ssyncadd.s32 $0xFFFFFFFF  }
0xa6: {  	s26 =	simm.s32 $execute0_lowered;
	[smem:$0x3FD2] =	sst s25  }
0xa7: {  	s6 =	sshll.u32 s26, $0x1;
	_ =	strace $0x80000046;
	[dreg:$0x1] =	wrdreg $0xFFFFFFFF  }
0xa8: {  	s28 =	simm.s32 $_size_execute0_lowered;
	s4 =	sadd.s32 s4, s6;
	[dreg:$0x0] =	wrdreg $0x0  }
0xa9: {  	s6 =	sshll.u32 s28, $0x1;
	[dreg:$0x2] =	wrdreg s4  }
0xaa: {  	[dreg:$0x3] =	wrdreg s6  }
0xab: {  	[dreg:$0x4] =	wrdreg $0xC0  }
0xac: {  	_ =	task [dreg:s8], $0x5FFFF  }
0xad: {  	[dreg:$0x1] =	wrdreg $0xFFFFFFFF  }
0xae: {  	[dreg:$0x0] =	wrdreg $0x60  }
0xaf: {  	[dreg:$0x2] =	wrdreg s2  }
0xb0: {  	[dreg:$0x3] =	wrdreg s24  }
0xb1: {  	[dreg:$0x4] =	wrdreg s18  }
0xb2: {  	[dreg:$0x5] =	wrdreg $0x9  }
0xb3: {  	_ =	task.clear_ibuf [dreg:s8], $0x6FFFF;
	_ =	strace $0x90000046  }
0xb4: {  	s29 =	simm.s32 $0x9;
	_ =	strace $0x80000048  }
0xb5: {  	_ =	swait.ge [sflag:s29], $0x1  }
0xb6: {  	[sflag:s29] =	ssyncadd.s32 $0xFFFFFFFF  }
0xb7: {  	_ =	strace $0x90000048  }
0xb8: {  	_ =	sfence  }
0xb9: {  	s30 =	sld [smem:$0x0];
	_ =	sdelay $0x2  }
0xba: {  	s31 =	sshll.u32 s1, $0xD;
	s1 =	sshrl.u32 s1, $0x2  }
0xbb: {  	s3 =	sand.u32 $0x4000, s31;
	s1 =	sadd.s32 s1, s30  }
0xbc: {  	s0 =	sor.u32 s3, s0;
	s1 =	sshll.u32 s1, $0x11  }
0xbd: {  	s0 =	sor.u32 s1, s0  }
0xbe: {  	s0 =	sadd.s32 $0x8F2B, s0  }
0xbf: {  	[sflag:s0] =	ssyncadd.remote.s32 $0x1  }
0xc0: {  	_ =	sfence.sel $0xFFFF  }
0xc1: {  	[dreg:$0x0] =	wrdreg $0xFFFFFFFF;
	(pc) =	sbr.abs _section_cstart, $3  }
0xc2: {  	[dreg:$0x1] =	wrdreg $0xFFFFFFFF  }
0xc3: {  	_ =	task.clear_ibuf [dreg:s8], $0x2FFFF;
	_ =	strace $0x9FFFFFFF  }
0xc4: {  	(tm) =	ssettm $0x7FFFFFFF  }
0xc5: {  	_ =	shalt  }
tec
execute0_lowered:
.L_overlay_start_1:
0x0: {  	(tag) =	ssettag $0x1  }
0x1: {  	s0 =	rddreg [dreg:$0x0]  }
0x2: {  	s1 =	rddreg [dreg:$0x1]  }
0x3: {  	s2 =	srdreg.scid;
	s3 =	stileid.u32  }
0x4: {  	s4 =	simm.s32 $0x0;
	s2 =	sand.u32 $0x1, s2;
	s3 =	sshll.u32 s3, $0x1  }
0x5: {  	[smem:$0x7FF] =	sst s4;
	s1 =	sadd.s32 $0x400, s1;
	s30 =	sadd.s32 $0x8000, s0  }
0x6: {  	s3 =	sor.u32 s2, s3;
	_ =	strace $0x80000047;
	[smem:$0x7F8] =	sst s1  }
0x7: {  	s25 =	ssub.s32 $0x2, s2;
	[smem:$0x7F7] =	sst s3;
	s3 =	sshll.u32 s3, $0x9  }
.Ltmp0:
0x8: {  	[smem:$0x7FB] =	sst s30;
	s29 =	sadd.s32 s0, s3;
	(pc) =	sbr.rel .LBB2_1-.Ltmp0, $4  }
0x9: {  	s26 =	sshrl.u32 s25, $0x1;
	s0 =	sadd.s32 $0xC000, s0;
	[smem:$0x7F9] =	sst s29  }
0xa: {  	s28 =	ssub.s32 s25, s26;
	s2 =	sadd.s32 $0x4000, s29;
	[smem:$0x7FC] =	sst s0  }
0xb: {  	s31 =	smax.u32 s28, $0x1;
	[smem:$0x7FA] =	sst s2  }
0xc: {  	[smem:$0x7FD] =	sst s31;
	s2 =	simm.s32 $0x0  }
.LBB2_9:
0xd: {  	s0 =	simm.s32 $0x3  }
0xe: {  	_ =	swait.ge [sflag:s0], $0x6000  }
0xf: {  	[sflag:s0] =	ssyncset.done $0x0  }
0x10: {  	s1 =	simm.s32 $0x4;
	[sflag:s0] =	ssyncadd.s32 $0xFFFFA000  }
0x11: {  	_ =	swait.ge [sflag:s1], $0x6000  }
0x12: {  	s2 =	sld [smem:$0x7F6]  }
0x13: {  	s31 =	sld [smem:$0x7FD];
	_ =	sdelay $0x1  }
0x14: {  	s2 =	sadd.s32 $0x1, s2  }
0x15: {  	p0 =	sne.s32 s2, s31  }
.Ltmp1:
0x16: {  	_ = 	snop;
	(pc) =	sbr.rel @!p0 .LBB2_10-.Ltmp1, $3  }
0x17: {  	_ =	sdelay $0x1  }
0x18: {  	[sflag:s1] =	ssyncset.done $0x0  }
0x19: {  	[sflag:s1] =	ssyncadd.s32 $0xFFFFA000  }
.LBB2_1:
0x1a: {  	s1 =	sld [smem:$0x7F8];
	_ =	sdelay $0x1  }
0x1b: {  	[smem:$0x7F6] =	sst s2;
	s0 =	simm.s32 $0x0;
	s26 =	simm.s32 $0x5  }
0x1c: {  	[tilespmem:s0], [sflag:$0x5] =	stream.linear.gather [hbm4b:s1+s0], $0x1000, $0x38;
	[tilespmem:$0x11000] =	vst v63  }
0x1d: {  	_ =	swait.ge [sflag:s26], $0x1000  }
0x1e: {  	s28 =	sld [smem:$0x7F9]  }
.Ltmp2:
0x1f: {  	s29 =	simm.s32 $0xC35000;
	[sflag:s26] =	ssyncset.done $0x0;
	(pc) =	sbr.rel .LBB2_2-.Ltmp2, $4  }
0x20: {  	s30 =	simm.s32 $0x1000;
	s31 =	sld [smem:$0x7FA];
	[sflag:s26] =	ssyncadd.s32 $0xFFFFF000  }
0x21: {  	[tilespmem:s30], [sflag:$0x1] =	stream.strided.gather [hbm4b:s28+s30], $0x2000, s29, s30, $0x38;
	[tilespmem:$0x11000] =	vst v63  }
0x22: {  	s3 =	simm.s32 $0x3000;
	s1 =	simm.s32 $0x0  }
0x23: {  	[tilespmem:s3], [sflag:$0x2] =	stream.strided.gather [hbm4b:s31+s30], $0x2000, s29, s30, $0x38;
	[tilespmem:$0x11000] =	vst v63  }
.LBB2_8:
0x24: {  	s1 =	sld [smem:$0x7F1];
	_ =	sdelay $0x2  }
0x25: {  	s1 =	sadd.s32 $0x1, s1  }
0x26: {  	p0 =	sne.s32 s1, $0x31  }
.Ltmp3:
0x27: {  	_ = 	snop;
	(pc) =	sbr.rel @!p0 .LBB2_9-.Ltmp3, $1  }
0x28: {  	_ =	sdelay $0x3  }
.LBB2_2:
0x29: {  	[smem:$0x7F1] =	sst s1;
	s0 =	simm.s32 $0x1  }
0x2a: {  	_ =	swait.ge [sflag:s0], $0x2000  }
0x2b: {  	p0 =	seq.s32 s1, $0x0;
	[sflag:s0] =	ssyncset.done $0x0  }
0x2c: {  	s3 =	simm.s32 $0x0;
	[sflag:s0] =	ssyncadd.s32 $0xFFFFE000;
	s0 =	simm.s32 @!p0 $0x3  }
0x2d: {  	s18 =	sand.u32 $0x60, s3;
	_ =	swait.ge @!p0 [sflag:s0], $0x6000  }
0x2e: {  	s10 =	sand.u32 $0xC00, s3;
	s6 =	sor.u32 $0x10, s18;
	[sflag:s0] =	ssyncset.done @!p0 $0x0  }
0x2f: {  	s23 =	sor.u32 s10, s6;
	[sflag:s0] =	ssyncadd.s32 @!p0 $0xFFFFA000  }
0x30: {  	v0 =	vld [tilespmem:s23+$0x1000];
	_ =	sdelay $0x3  }
0x31: {  	v1 =	vld [tilespmem:$0x0]  }
0x32: {  	v0 =	vtrunc.f32 v0  }
0x33: {  	v0 =	vcvt.f32.s32 v0;
	_ =	sdelay $0x1  }
0x34: {  	v5 =	vand.u32 $0xF, v0  }
0x35: {  	v0 =	vperm.xlane v1, v5  }
0x36: {  	s9 =	sor.u32 s18, s10  }
0x37: {  	v2 =	vld [tilespmem:s9+$0x1000];
	[tilespmem:s23+$0x5000] =	vst v0  }
0x38: {  	v0 =	vld [tilespmem:$0x80];
	_ =	sdelay $0x3  }
0x39: {  	v2 =	vtrunc.f32 v2  }
0x3a: {  	v2 =	vcvt.f32.s32 v2;
	v0 =	vperm.xlane v0, v5;
	_ =	sdelay $0x1  }
0x3b: {  	v3 =	vand.u32 $0xF, v2;
	[tilespmem:s23+$0x5080] =	vst v0  }
0x3c: {  	v1 =	vperm.xlane v1, v3;
	v0 =	vld [tilespmem:$0x100];
	_ =	sdelay $0x1  }
0x3d: {  	[tilespmem:s9+$0x5000] =	vst v1  }
0x3e: {  	v1 =	vld [tilespmem:$0x80];
	_ =	sdelay $0x1  }
0x3f: {  	v0 =	vperm.xlane v0, v5;
	_ =	sdelay $0x1  }
0x40: {  	[tilespmem:s23+$0x5100] =	vst v0  }
0x41: {  	v1 =	vperm.xlane v1, v3;
	v0 =	vld [tilespmem:$0x180];
	_ =	sdelay $0x1  }
0x42: {  	[tilespmem:s9+$0x5080] =	vst v1  }
0x43: {  	v1 =	vld [tilespmem:$0x100];
	_ =	sdelay $0x1  }
0x44: {  	v0 =	vperm.xlane v0, v5;
	_ =	sdelay $0x1  }
0x45: {  	[tilespmem:s23+$0x5180] =	vst v0  }
0x46: {  	v1 =	vperm.xlane v1, v3;
	v0 =	vld [tilespmem:$0x200];
	_ =	sdelay $0x1  }
0x47: {  	[tilespmem:s9+$0x5100] =	vst v1  }
0x48: {  	v1 =	vld [tilespmem:$0x180];
	_ =	sdelay $0x1  }
0x49: {  	v0 =	vperm.xlane v0, v5  }
0x4a: {  	s2 =	sand.u32 $0xFFFFFC00, s3  }
0x4b: {  	s7 =	sadd.s32 $0x0, s2;
	[tilespmem:s23+$0x5200] =	vst v0  }
0x4c: {  	s2 =	sor.u32 $0x180, s7;
	v1 =	vperm.xlane v1, v3;
	v0 =	vld [tilespmem:$0x280]  }
0x4d: {  	[smem:$0x7AC] =	sst s2  }
0x4e: {  	v4 =	vld [tilespmem:s9+$0x1080];
	[tilespmem:s2+$0x5000] =	vst v1  }
0x4f: {  	v1 =	vld [tilespmem:$0x200];
	_ =	sdelay $0x1  }
0x50: {  	v0 =	vperm.xlane v0, v5;
	_ =	sdelay $0x1  }
0x51: {  	[tilespmem:s23+$0x5280] =	vst v0  }
0x52: {  	v1 =	vperm.xlane v1, v3;
	v0 =	vld [tilespmem:$0x300]  }
0x53: {  	s4 =	sand.u32 $0x3, s3  }
0x54: {  	s2 =	sshll.u32 s4, $0x5;
	[tilespmem:s9+$0x5200] =	vst v1  }
0x55: {  	s4 =	sadd.s32 $0x0, s2;
	v1 =	vld [tilespmem:$0x280]  }
0x56: {  	s8 =	sadd.s32 $0x10, s4  }
0x57: {  	s5 =	sor.u32 $0x300, s8;
	v0 =	vperm.xlane v0, v5  }
0x58: {  	[smem:$0x7A7] =	sst s5  }
0x59: {  	v6 =	vld [tilespmem:s23+$0x1080];
	[tilespmem:s5+$0x5000] =	vst v0  }
0x5a: {  	v1 =	vperm.xlane v1, v3;
	v0 =	vld [tilespmem:$0x380];
	_ =	sdelay $0x1  }
0x5b: {  	[tilespmem:s9+$0x5280] =	vst v1  }
0x5c: {  	v1 =	vld [tilespmem:$0x300];
	_ =	sdelay $0x1  }
0x5d: {  	s11 =	sor.u32 $0x380, s8;
	v0 =	vperm.xlane v0, v5  }
0x5e: {  	[smem:$0x7A8] =	sst s11  }
0x5f: {  	[tilespmem:s11+$0x5000] =	vst v0  }
0x60: {  	s12 =	sor.u32 $0x300, s4;
	v1 =	vperm.xlane v1, v3;
	v0 =	vld [tilespmem:$0x400]  }
0x61: {  	[smem:$0x7AF] =	sst s12  }
0x62: {  	[tilespmem:s12+$0x5000] =	vst v1  }
0x63: {  	v1 =	vld [tilespmem:$0x380];
	_ =	sdelay $0x1  }
0x64: {  	v0 =	vperm.xlane v0, v5;
	_ =	sdelay $0x1  }
0x65: {  	s5 =	sor.u32 s3, s3;
	[tilespmem:s23+$0x6000] =	vst v0  }
0x66: {  	s13 =	sor.u32 $0x380, s5;
	v1 =	vperm.xlane v1, v3;
	v0 =	vld [tilespmem:$0x480]  }
0x67: {  	[smem:$0x7B6] =	sst s13  }
0x68: {  	[tilespmem:s13+$0x5000] =	vst v1  }
0x69: {  	v1 =	vld [tilespmem:$0x400];
	_ =	sdelay $0x1  }
0x6a: {  	v0 =	vperm.xlane v0, v5  }
0x6b: {  	s1 =	simm.s32 $0x20  }
0x6c: {  	s17 =	sand.u32 $0x60, s1;
	s3 =	simm.s32 $0x100;
	[tilespmem:s23+$0x6080] =	vst v0  }
0x6d: {  	s24 =	sor.u32 $0x10, s17;
	s26 =	sand.u32 $0xC00, s3;
	v1 =	vperm.xlane v1, v3;
	v0 =	vld [tilespmem:$0x500]  }
0x6e: {  	s11 =	sor.u32 s26, s24  }
0x6f: {  	v2 =	vld [tilespmem:s11+$0x1000];
	[tilespmem:s9+$0x6000] =	vst v1  }
0x70: {  	v1 =	vld [tilespmem:$0x480];
	_ =	sdelay $0x1  }
0x71: {  	v0 =	vperm.xlane v0, v5  }
0x72: {  	v7 =	vld [tilespmem:$0x0]  }
0x73: {  	v2 =	vtrunc.f32 v2;
	[tilespmem:s23+$0x6100] =	vst v0  }
0x74: {  	v2 =	vcvt.f32.s32 v2;
	v1 =	vperm.xlane v1, v3;
	v8 =	vld [tilespmem:$0x580];
	_ =	sdelay $0x1  }
0x75: {  	v0 =	vand.u32 $0xF, v2;
	[tilespmem:s9+$0x6080] =	vst v1  }
0x76: {  	v2 =	vperm.xlane v7, v0;
	v1 =	vld [tilespmem:$0x500]  }
0x77: {  	s14 =	sor.u32 s17, s26  }
0x78: {  	v9 =	vld [tilespmem:s14+$0x1000];
	[tilespmem:s11+$0x5000] =	vst v2;
	v8 =	vperm.xlane v8, v5  }
0x79: {  	v2 =	vld [tilespmem:$0x80]  }
0x7a: {  	[tilespmem:s23+$0x6180] =	vst v8  }
0x7b: {  	v1 =	vperm.xlane v1, v3;
	v8 =	vld [tilespmem:$0x600];
	_ =	sdelay $0x1  }
0x7c: {  	[tilespmem:s9+$0x6100] =	vst v1;
	v1 =	vtrunc.f32 v9  }
0x7d: {  	v2 =	vperm.xlane v2, v0;
	v1 =	vcvt.f32.s32 v1  }
0x7e: {  	v9 =	vld [tilespmem:$0x580]  }
0x7f: {  	[tilespmem:s11+$0x5080] =	vst v2;
	v2 =	vand.u32 $0xF, v1;
	v8 =	vperm.xlane v8, v5  }
0x80: {  	v10 =	vld [tilespmem:$0x100];
	v7 =	vperm.xlane v7, v2  }
0x81: {  	[tilespmem:s23+$0x6200] =	vst v8  }
0x82: {  	s15 =	sor.u32 $0x1180, s7;
	v1 =	vld [tilespmem:s14+$0x1080];
	[tilespmem:s14+$0x5000] =	vst v7  }
0x83: {  	v8 =	vperm.xlane v9, v3;
	v7 =	vld [tilespmem:$0x680];
	[smem:$0x7BF] =	sst s15  }
0x84: {  	v9 =	vld [tilespmem:$0x80]  }
0x85: {  	v10 =	vperm.xlane v10, v0;
	[tilespmem:s15+$0x5000] =	vst v8  }
0x86: {  	v8 =	vld [tilespmem:$0x600]  }
0x87: {  	[tilespmem:s11+$0x5100] =	vst v10  }
0x88: {  	v10 =	vld [tilespmem:$0x180];
	v7 =	vperm.xlane v7, v5  }
0x89: {  	v9 =	vperm.xlane v9, v2  }
0x8a: {  	[tilespmem:s23+$0x6280] =	vst v7  }
0x8b: {  	v7 =	vperm.xlane v8, v3;
	[tilespmem:s14+$0x5080] =	vst v9;
	v8 =	vld [tilespmem:$0x700]  }
0x8c: {  	v9 =	vld [tilespmem:$0x100]  }
0x8d: {  	v10 =	vperm.xlane v10, v0;
	[smem:$0x7A9] =	sst s9  }
0x8e: {  	[tilespmem:s9+$0x6200] =	vst v7  }
0x8f: {  	[tilespmem:s11+$0x5180] =	vst v10;
	v7 =	vld [tilespmem:$0x680]  }
0x90: {  	s16 =	sor.u32 $0x1300, s8;
	v10 =	vld [tilespmem:$0x200];
	v8 =	vperm.xlane v8, v5  }
0x91: {  	[smem:$0x7B9] =	sst s16;
	v9 =	vperm.xlane v9, v2  }
0x92: {  	[tilespmem:s16+$0x5000] =	vst v8  }
0x93: {  	v8 =	vld [tilespmem:$0x780];
	[tilespmem:s14+$0x5100] =	vst v9  }
0x94: {  	v7 =	vperm.xlane v7, v3;
	v9 =	vld [tilespmem:$0x180]  }
0x95: {  	v10 =	vperm.xlane v10, v0  }
0x96: {  	s19 =	sand.u32 $0xFFFFFC00, s3;
	[tilespmem:s9+$0x6280] =	vst v7  }
0x97: {  	s8 =	sor.u32 $0x1380, s8;
	s7 =	sadd.s32 $0x20, s19;
	[tilespmem:s11+$0x5200] =	vst v10;
	v7 =	vld [tilespmem:$0x700]  }
0x98: {  	s20 =	sor.u32 $0x180, s7;
	v10 =	vld [tilespmem:$0x280];
	[smem:$0x7BD] =	sst s8;
	v5 =	vperm.xlane v8, v5  }
0x99: {  	[smem:$0x7CB] =	sst s20;
	v8 =	vperm.xlane v9, v2  }
0x9a: {  	[tilespmem:s8+$0x5000] =	vst v5  }
0x9b: {  	s21 =	sor.u32 $0x1300, s4;
	[tilespmem:s20+$0x5000] =	vst v8  }
0x9c: {  	v5 =	vld [tilespmem:$0x800];
	v7 =	vperm.xlane v7, v3;
	[smem:$0x7E8] =	sst s21  }
0x9d: {  	v6 =	vtrunc.f32 v6;
	v8 =	vld [tilespmem:$0x200]  }
0x9e: {  	v6 =	vcvt.f32.s32 v6;
	[tilespmem:s21+$0x5000] =	vst v7  }
0x9f: {  	v9 =	vperm.xlane v10, v0;
	v7 =	vld [tilespmem:$0x780]  }
0xa0: {  	v6 =	vand.u32 $0xF, v6  }
0xa1: {  	s25 =	simm.s32 $0x1;
	s22 =	sor.u32 $0x7000, s10;
	[tilespmem:s11+$0x5280] =	vst v9;
	v5 =	vperm.xlane v5, v6  }
0xa2: {  	s0 =	sor.u32 s6, s22;
	s4 =	sand.u32 $0x3, s25;
	v9 =	vld [tilespmem:$0x300];
	v8 =	vperm.xlane v8, v2  }
0xa3: {  	s4 =	sshll.u32 s4, $0x5;
	s2 =	smov.u32 s14;
	[tilespmem:s0+$0x0] =	vst v5  }
0xa4: {  	s4 =	sadd.s32 $0x100, s4;
	s12 =	sor.u32 $0x1380, s5;
	v5 =	vld [tilespmem:$0x880];
	v3 =	vperm.xlane v7, v3;
	[tilespmem:s2+$0x5200] =	vst v8  }
0xa5: {  	s8 =	sadd.s32 $0x10, s4;
	v7 =	vld [tilespmem:$0x280];
	[dreg:$0xc] =	wrdreg s12  }
0xa6: {  	s13 =	sor.u32 $0x300, s8;
	[tilespmem:s12+$0x5000] =	vst v3  }
0xa7: {  	v8 =	vperm.xlane v9, v0;
	v3 =	vld [tilespmem:s11+$0x1080];
	[smem:$0x7BC] =	sst s13  }
0xa8: {  	v9 =	vld [tilespmem:$0x800]  }
0xa9: {  	v4 =	vtrunc.f32 v4;
	[tilespmem:s13+$0x5000] =	vst v8  }
0xaa: {  	v4 =	vcvt.f32.s32 v4;
	s14 =	sor.u32 $0x7080, s10;
	v5 =	vperm.xlane v5, v6;
	v8 =	vld [tilespmem:$0x380]  }
0xab: {  	s12 =	sor.u32 s6, s14  }
0xac: {  	v7 =	vperm.xlane v7, v2;
	[tilespmem:s12+$0x0] =	vst v5;
	v5 =	vand.u32 $0xF, v4  }
0xad: {  	v9 =	vperm.xlane v9, v5  }
0xae: {  	s9 =	sor.u32 s18, s22;
	[tilespmem:s2+$0x5280] =	vst v7  }
0xaf: {  	s15 =	sor.u32 $0x380, s8;
	v4 =	vld [tilespmem:$0x900];
	v8 =	vperm.xlane v8, v0;
	[tilespmem:s9+$0x0] =	vst v9  }
0xb0: {  	v7 =	vld [tilespmem:$0x300];
	[smem:$0x7BE] =	sst s15  }
0xb1: {  	[tilespmem:s15+$0x5000] =	vst v8  }
0xb2: {  	v8 =	vld [tilespmem:$0x400]  }
0xb3: {  	v9 =	vld [tilespmem:$0x880]  }
0xb4: {  	s16 =	sor.u32 $0x7100, s10;
	v4 =	vperm.xlane v4, v6  }
0xb5: {  	s19 =	sor.u32 s6, s16  }
0xb6: {  	s20 =	sor.u32 $0x300, s4;
	v7 =	vperm.xlane v7, v2;
	[tilespmem:s19+$0x0] =	vst v4  }
0xb7: {  	[smem:$0x7D7] =	sst s20;
	v8 =	vperm.xlane v8, v0  }
0xb8: {  	v4 =	vld [tilespmem:$0x980];
	[tilespmem:s20+$0x5000] =	vst v7;
	v7 =	vperm.xlane v9, v5  }
0xb9: {  	s5 =	sor.u32 s18, s14;
	[tilespmem:s11+$0x6000] =	vst v8  }
0xba: {  	[tilespmem:s5+$0x0] =	vst v7;
	v8 =	vld [tilespmem:$0x480]  }
0xbb: {  	v7 =	vld [tilespmem:$0x900];
	_ =	sdelay $0x1  }
0xbc: {  	s13 =	sor.u32 $0x7180, s10;
	v4 =	vperm.xlane v4, v6  }
0xbd: {  	s21 =	sor.u32 s6, s13;
	s5 =	sor.u32 s1, s3  }
0xbe: {  	s22 =	sor.u32 $0x380, s5;
	[tilespmem:s21+$0x0] =	vst v4;
	v8 =	vperm.xlane v8, v0  }
0xbf: {  	v9 =	vld [tilespmem:$0x380];
	[smem:$0x7DA] =	sst s22;
	v7 =	vperm.xlane v7, v5  }
0xc0: {  	s25 =	sor.u32 s18, s16;
	[tilespmem:s11+$0x6080] =	vst v8  }
0xc1: {  	[tilespmem:s25+$0x0] =	vst v7;
	v8 =	vld [tilespmem:$0x500]  }
0xc2: {  	v7 =	vld [tilespmem:$0x980];
	_ =	sdelay $0x3  }
0xc3: {  	v8 =	vperm.xlane v8, v0  }
0xc4: {  	v7 =	vperm.xlane v7, v5  }
0xc5: {  	s14 =	sor.u32 s18, s13;
	[tilespmem:s11+$0x6100] =	vst v8  }
0xc6: {  	[tilespmem:s14+$0x0] =	vst v7;
	v7 =	vld [tilespmem:$0x580]  }
0xc7: {  	v4 =	vld [tilespmem:$0xA00]  }
0xc8: {  	v9 =	vperm.xlane v9, v2;
	_ =	sdelay $0x1  }
0xc9: {  	[tilespmem:s22+$0x5000] =	vst v9  }
0xca: {  	v9 =	vld [tilespmem:$0x400];
	v7 =	vperm.xlane v7, v0  }
0xcb: {  	s0 =	sor.u32 $0x7200, s10;
	v4 =	vperm.xlane v4, v6  }
0xcc: {  	s9 =	sor.u32 s6, s0;
	[tilespmem:s11+$0x6180] =	vst v7  }
0xcd: {  	[tilespmem:s9+$0x0] =	vst v4;
	v7 =	vld [tilespmem:$0x600]  }
0xce: {  	v4 =	vld [tilespmem:$0xA80]  }
0xcf: {  	s31 =	simm.s32 $0x40;
	v9 =	vperm.xlane v9, v2  }
0xd0: {  	s3 =	simm.s32 $0x200;
	s25 =	sand.u32 $0x60, s31  }
0xd1: {  	s28 =	sand.u32 $0xC00, s3;
	s29 =	sor.u32 $0x10, s25;
	[tilespmem:s2+$0x6000] =	vst v9  }
0xd2: {  	s22 =	sor.u32 s28, s29;
	v9 =	vld [tilespmem:$0x480];
	v7 =	vperm.xlane v7, v0  }
0xd3: {  	s14 =	sor.u32 $0x7280, s10;
	v8 =	vld [tilespmem:s22+$0x1000];
	v4 =	vperm.xlane v4, v6;
	[smem:$0x7B4] =	sst s11  }
0xd4: {  	s15 =	sor.u32 s6, s14;
	[tilespmem:s11+$0x6200] =	vst v7  }
0xd5: {  	[tilespmem:s15+$0x0] =	vst v4;
	v4 =	vld [tilespmem:$0x680]  }
0xd6: {  	v7 =	vld [tilespmem:$0xB00]  }
0xd7: {  	v10 =	vld [tilespmem:$0x0]  }
0xd8: {  	v8 =	vtrunc.f32 v8  }
0xd9: {  	v8 =	vcvt.f32.s32 v8  }
0xda: {  	v4 =	vperm.xlane v4, v0  }
0xdb: {  	s13 =	sor.u32 $0x7300, s10;
	v8 =	vand.u32 $0xF, v8;
	v7 =	vperm.xlane v7, v6  }
0xdc: {  	s16 =	sor.u32 s6, s13;
	v11 =	vperm.xlane v10, v8;
	[tilespmem:s11+$0x6280] =	vst v4  }
0xdd: {  	[tilespmem:s16+$0x0] =	vst v7;
	v4 =	vld [tilespmem:$0x700]  }
0xde: {  	[tilespmem:s22+$0x5000] =	vst v11;
	v7 =	vld [tilespmem:$0xB80]  }
0xdf: {  	v11 =	vld [tilespmem:$0x80];
	_ =	sdelay $0x2  }
0xe0: {  	s19 =	sor.u32 $0x1300, s8;
	v4 =	vperm.xlane v4, v0  }
0xe1: {  	s9 =	sor.u32 $0x7380, s10;
	s16 =	sor.u32 s25, s28;
	[smem:$0x7D0] =	sst s19;
	v7 =	vperm.xlane v7, v6  }
0xe2: {  	s20 =	sor.u32 s6, s9;
	v11 =	vperm.xlane v11, v8;
	v12 =	vld [tilespmem:s16+$0x1000];
	[tilespmem:s19+$0x5000] =	vst v4  }
0xe3: {  	[tilespmem:s20+$0x0] =	vst v7;
	v4 =	vld [tilespmem:$0x780]  }
0xe4: {  	v9 =	vperm.xlane v9, v2;
	[tilespmem:s22+$0x5080] =	vst v11;
	v7 =	vld [tilespmem:$0xC00]  }
0xe5: {  	v11 =	vld [tilespmem:$0x100]  }
0xe6: {  	v13 =	vld [tilespmem:$0xA00];
	[tilespmem:s2+$0x6080] =	vst v9  }
0xe7: {  	v9 =	vld [tilespmem:$0x500]  }
0xe8: {  	s8 =	sor.u32 $0x1380, s8;
	v0 =	vperm.xlane v4, v0  }
0xe9: {  	s1 =	sor.u32 $0x8000, s10;
	[smem:$0x7D4] =	sst s8;
	v4 =	vperm.xlane v7, v6  }
0xea: {  	s21 =	sor.u32 s6, s1;
	v11 =	vperm.xlane v11, v8;
	v7 =	vtrunc.f32 v12;
	[tilespmem:s8+$0x5000] =	vst v0  }
0xeb: {  	[tilespmem:s21+$0x0] =	vst v4;
	v0 =	vcvt.f32.s32 v7;
	v4 =	vperm.xlane v13, v5;
	v7 =	vld [tilespmem:$0x800]  }
0xec: {  	s0 =	sor.u32 s18, s0;
	v9 =	vperm.xlane v9, v2;
	[tilespmem:s22+$0x5100] =	vst v11;
	v11 =	vtrunc.f32 v3;
	v12 =	vld [tilespmem:$0xC80]  }
0xed: {  	v11 =	vcvt.f32.s32 v11;
	v13 =	vld [tilespmem:$0x180];
	[tilespmem:s0+$0x0] =	vst v4  }
0xee: {  	[tilespmem:s2+$0x6100] =	vst v9;
	v3 =	vand.u32 $0xF, v0;
	v9 =	vld [tilespmem:$0xA80]  }
0xef: {  	v4 =	vand.u32 $0xF, v11;
	v10 =	vperm.xlane v10, v3  }
0xf0: {  	s8 =	sor.u32 $0x7000, s26;
	v11 =	vld [tilespmem:$0x580];
	v7 =	vperm.xlane v7, v4  }
0xf1: {  	s12 =	sor.u32 $0x8080, s10;
	s15 =	sor.u32 s24, s8;
	[tilespmem:s16+$0x5000] =	vst v10;
	v12 =	vperm.xlane v12, v6  }
0xf2: {  	s11 =	sor.u32 s6, s12;
	v10 =	vld [tilespmem:$0x80];
	[tilespmem:s15+$0x0] =	vst v7;
	v7 =	vperm.xlane v13, v8  }
0xf3: {  	v0 =	vld [tilespmem:s16+$0x1080];
	[tilespmem:s11+$0x0] =	vst v12;
	v9 =	vperm.xlane v9, v5  }
0xf4: {  	s14 =	sor.u32 s18, s14;
	v12 =	vld [tilespmem:$0x880];
	[tilespmem:s22+$0x5180] =	vst v7  }
0xf5: {  	s7 =	sor.u32 $0x1180, s7;
	v13 =	vld [tilespmem:$0xD00];
	v7 =	vperm.xlane v11, v2;
	[tilespmem:s14+$0x0] =	vst v9  }
0xf6: {  	v11 =	vld [tilespmem:$0x200];
	[dreg:$0x6] =	wrdreg s7  }
0xf7: {  	v9 =	vperm.xlane v10, v3;
	[tilespmem:s7+$0x5000] =	vst v7;
	v7 =	vld [tilespmem:$0xB00];
	_ =	sdelay $0x1  }
0xf8: {  	s7 =	sor.u32 $0x7080, s26;
	v10 =	vld [tilespmem:$0x600];
	[tilespmem:s16+$0x5080] =	vst v9;
	v9 =	vperm.xlane v12, v4  }
0xf9: {  	s15 =	sor.u32 $0x8100, s10;
	s19 =	sor.u32 s24, s7;
	v13 =	vperm.xlane v13, v6  }
0xfa: {  	s20 =	sor.u32 s6, s15;
	v12 =	vld [tilespmem:$0x100];
	[tilespmem:s19+$0x0] =	vst v9;
	v9 =	vperm.xlane v11, v8  }
0xfb: {  	[tilespmem:s20+$0x0] =	vst v13;
	v7 =	vperm.xlane v7, v5  }
0xfc: {  	s13 =	sor.u32 s18, s13;
	v11 =	vld [tilespmem:$0x900];
	[tilespmem:s22+$0x5200] =	vst v9  }
0xfd: {  	v13 =	vld [tilespmem:$0xD80];
	v9 =	vperm.xlane v10, v2;
	[tilespmem:s13+$0x0] =	vst v7  }
0xfe: {  	v10 =	vld [tilespmem:$0x280];
	[smem:$0x7C8] =	sst s2  }
0xff: {  	v7 =	vperm.xlane v12, v3;
	[tilespmem:s2+$0x6200] =	vst v9;
	v9 =	vld [tilespmem:$0xB80];
	_ =	sdelay $0x1  }
0x100: {  	s30 =	sor.u32 $0x7100, s26;
	[tilespmem:s16+$0x5100] =	vst v7;
	v12 =	vld [tilespmem:$0x680];
	v7 =	vperm.xlane v11, v4  }
0x101: {  	s21 =	sor.u32 s24, s30;
	s20 =	sor.u32 $0x8180, s10;
	v13 =	vperm.xlane v13, v6  }
0x102: {  	s0 =	sor.u32 s6, s20;
	v11 =	vld [tilespmem:$0x180];
	[tilespmem:s21+$0x0] =	vst v7;
	v7 =	vperm.xlane v10, v8  }
0x103: {  	[tilespmem:s0+$0x0] =	vst v13;
	v9 =	vperm.xlane v9, v5  }
0x104: {  	s9 =	sor.u32 s18, s9;
	s11 =	sand.u32 $0xFFFFFC00, s3;
	v10 =	vld [tilespmem:$0x980];
	[tilespmem:s22+$0x5280] =	vst v7  }
0x105: {  	s13 =	sadd.s32 $0x40, s11;
	v13 =	vld [tilespmem:$0xE00];
	v7 =	vperm.xlane v12, v2;
	[tilespmem:s9+$0x0] =	vst v9  }
0x106: {  	v12 =	vld [tilespmem:$0x300];
	[smem:$0x7AA] =	sst s13  }
0x107: {  	s19 =	sor.u32 $0x180, s13;
	v9 =	vperm.xlane v11, v3;
	[tilespmem:s2+$0x6280] =	vst v7;
	v7 =	vld [tilespmem:$0xC00]  }
0x108: {  	s14 =	simm.s32 $0x2;
	v11 =	vld [tilespmem:$0x700];
	[dreg:$0x12] =	wrdreg s19  }
0x109: {  	s9 =	sand.u32 $0x3, s14;
	[tilespmem:s19+$0x5000] =	vst v9;
	v9 =	vperm.xlane v10, v4;
	s19 =	sor.u32 $0x7180, s26  }
0x10a: {  	s9 =	sshll.u32 s9, $0x5;
	s21 =	sor.u32 s24, s19  }
0x10b: {  	s0 =	sor.u32 $0x8200, s10;
	v13 =	vperm.xlane v13, v6;
	s11 =	sadd.s32 $0x200, s9;
	v10 =	vld [tilespmem:$0x200];
	[tilespmem:s21+$0x0] =	vst v9  }
0x10c: {  	s2 =	sor.u32 s6, s0;
	s13 =	sadd.s32 $0x10, s11;
	v9 =	vld [tilespmem:s22+$0x1080];
	[smem:$0x7B0] =	sst s11  }
0x10d: {  	v12 =	vperm.xlane v12, v8;
	s9 =	sor.u32 $0x300, s13;
	[tilespmem:s2+$0x0] =	vst v13;
	v13 =	vld [tilespmem:$0xA00]  }
0x10e: {  	v7 =	vperm.xlane v7, v5;
	v14 =	vld [tilespmem:$0xE80];
	[dreg:$0x1e] =	wrdreg s9  }
0x10f: {  	s1 =	sor.u32 s18, s1;
	[tilespmem:s9+$0x5000] =	vst v12  }
0x110: {  	s14 =	sor.u32 $0x1300, s4;
	[tilespmem:s1+$0x0] =	vst v7;
	v7 =	vperm.xlane v11, v2;
	v12 =	vld [tilespmem:$0x380]  }
0x111: {  	v10 =	vperm.xlane v10, v3;
	v11 =	vld [tilespmem:$0xC80];
	[dreg:$0x8] =	wrdreg s14  }
0x112: {  	[tilespmem:s14+$0x5000] =	vst v7;
	s14 =	sor.u32 $0x7200, s26;
	v7 =	vperm.xlane v13, v4  }
0x113: {  	s9 =	sor.u32 $0x8280, s10;
	[tilespmem:s16+$0x5200] =	vst v10;
	v13 =	vld [tilespmem:$0x780];
	s21 =	sor.u32 s24, s14;
	v10 =	vperm.xlane v14, v6  }
0x114: {  	s2 =	sor.u32 s6, s9;
	[tilespmem:s21+$0x0] =	vst v7;
	v7 =	vld [tilespmem:$0x280]  }
0x115: {  	s4 =	sor.u32 $0x380, s13;
	v12 =	vperm.xlane v12, v8;
	[tilespmem:s2+$0x0] =	vst v10;
	v10 =	vld [tilespmem:$0xA80]  }
0x116: {  	v11 =	vperm.xlane v11, v5;
	v14 =	vld [tilespmem:$0xF00];
	[dreg:$0x1a] =	wrdreg s4  }
0x117: {  	s21 =	sor.u32 s18, s12;
	[tilespmem:s4+$0x5000] =	vst v12  }
0x118: {  	s2 =	sor.u32 $0x1380, s5;
	[tilespmem:s21+$0x0] =	vst v11;
	v2 =	vperm.xlane v13, v2;
	v12 =	vld [tilespmem:$0x400]  }
0x119: {  	v11 =	vld [tilespmem:$0xD00];
	[dreg:$0xa] =	wrdreg s2  }
0x11a: {  	v7 =	vperm.xlane v7, v3;
	[tilespmem:s2+$0x5000] =	vst v2  }
0x11b: {  	s21 =	sor.u32 $0x7280, s26;
	v2 =	vperm.xlane v10, v4;
	v10 =	vld [tilespmem:$0x800]  }
0x11c: {  	v1 =	vtrunc.f32 v1;
	s12 =	sor.u32 $0x8300, s10;
	s4 =	sor.u32 s24, s21;
	[tilespmem:s16+$0x5280] =	vst v7;
	v7 =	vperm.xlane v14, v6  }
0x11d: {  	v1 =	vcvt.f32.s32 v1;
	s5 =	sor.u32 s6, s12;
	[tilespmem:s4+$0x0] =	vst v2;
	v2 =	vld [tilespmem:$0x300]  }
0x11e: {  	v12 =	vperm.xlane v12, v8;
	[tilespmem:s5+$0x0] =	vst v7;
	v7 =	vld [tilespmem:$0xB00]  }
0x11f: {  	v1 =	vand.u32 $0xF, v1;
	v11 =	vperm.xlane v11, v5;
	v13 =	vld [tilespmem:$0xF80]  }
0x120: {  	s2 =	sor.u32 s18, s15;
	[tilespmem:s22+$0x6000] =	vst v12;
	v10 =	vperm.xlane v10, v1  }
0x121: {  	s4 =	sor.u32 s17, s8;
	[tilespmem:s2+$0x0] =	vst v11;
	v12 =	vld [tilespmem:$0x480]  }
0x122: {  	v11 =	vld [tilespmem:$0xD80];
	v2 =	vperm.xlane v2, v3;
	[tilespmem:s4+$0x0] =	vst v10  }
0x123: {  	s15 =	sor.u32 $0x7300, s26;
	s5 =	sor.u32 $0x300, s11;
	v7 =	vperm.xlane v7, v4;
	v10 =	vld [tilespmem:$0x880]  }
0x124: {  	s1 =	sor.u32 $0x8380, s10;
	s8 =	sor.u32 s24, s15;
	[dreg:$0x16] =	wrdreg s5;
	[tilespmem:s5+$0x5000] =	vst v2;
	v2 =	vperm.xlane v13, v6  }
0x125: {  	s11 =	sor.u32 s6, s1;
	[tilespmem:s8+$0x0] =	vst v7  }
0x126: {  	v7 =	vperm.xlane v12, v8;
	[tilespmem:s11+$0x0] =	vst v2;
	v2 =	vld [tilespmem:$0xB80]  }
0x127: {  	v11 =	vperm.xlane v11, v5;
	v12 =	vld [tilespmem:s23+$0x1100]  }
0x128: {  	s2 =	sor.u32 s18, s20;
	v6 =	vld [tilespmem:$0x380];
	[tilespmem:s22+$0x6080] =	vst v7;
	v10 =	vperm.xlane v10, v1  }
0x129: {  	s7 =	sor.u32 s17, s7;
	[tilespmem:s2+$0x0] =	vst v11;
	v7 =	vld [tilespmem:$0x500]  }
0x12a: {  	s20 =	sor.u32 $0x9000, s10;
	s5 =	smov.u32 s22;
	s11 =	sor.u32 s31, s3;
	[tilespmem:s7+$0x0] =	vst v10  }
0x12b: {  	s8 =	sor.u32 s6, s20;
	s22 =	sor.u32 $0x7380, s26;
	v11 =	vld [tilespmem:$0xE00];
	v2 =	vperm.xlane v2, v4;
	[smem:$0x7B2] =	sst s11  }
0x12c: {  	s7 =	sor.u32 s24, s22;
	[tilespmem:s8+$0x0] =	vst v12  }
0x12d: {  	s2 =	sor.u32 $0x380, s11;
	v6 =	vperm.xlane v6, v3;
	v10 =	vld [tilespmem:$0x900];
	[tilespmem:s7+$0x0] =	vst v2  }
0x12e: {  	s8 =	simm.s32 $0x60;
	v2 =	vld [tilespmem:s23+$0x1180];
	v7 =	vperm.xlane v7, v8;
	[dreg:$0x14] =	wrdreg s2  }
0x12f: {  	s0 =	sor.u32 s18, s0;
	s11 =	simm.s32 $0x300;
	s3 =	sand.u32 $0x60, s8;
	[tilespmem:s2+$0x5000] =	vst v6;
	v6 =	vld [tilespmem:$0xC00]  }
0x130: {  	s31 =	smov.u32 s5;
	s7 =	sand.u32 $0xC00, s11;
	v11 =	vperm.xlane v11, v5;
	v12 =	vld [tilespmem:$0x400];
	[tilespmem:s5+$0x6100] =	vst v7;
	s5 =	sor.u32 $0x10, s3  }
0x131: {  	s4 =	sor.u32 $0x9080, s10;
	v7 =	vld [tilespmem:$0x580];
	s11 =	sor.u32 s7, s5;
	[smem:$0x7D1] =	sst s7  }
0x132: {  	s2 =	sor.u32 s6, s4;
	[tilespmem:s0+$0x0] =	vst v11;
	v11 =	vld [tilespmem:s11+$0x1000]  }
0x133: {  	s8 =	sor.u32 $0x8000, s26;
	[tilespmem:s2+$0x0] =	vst v2  }
0x134: {  	v13 =	vld [tilespmem:$0xE80];
	[smem:$0x7B1] =	sst s8;
	v2 =	vperm.xlane v6, v4  }
0x135: {  	s0 =	sor.u32 s24, s8;
	v14 =	vld [tilespmem:$0x0];
	v6 =	vperm.xlane v12, v3  }
0x136: {  	v12 =	vld [tilespmem:s23+$0x1200];
	[tilespmem:s0+$0x0] =	vst v2;
	v2 =	vperm.xlane v7, v8  }
0x137: {  	v7 =	vperm.xlane v10, v1;
	[tilespmem:s16+$0x6000] =	vst v6;
	v6 =	vtrunc.f32 v11;
	v10 =	vld [tilespmem:$0xC80]  }
0x138: {  	v11 =	vld [tilespmem:$0x480];
	[tilespmem:s31+$0x6180] =	vst v2;
	v2 =	vcvt.f32.s32 v6  }
0x139: {  	s2 =	sor.u32 s17, s30;
	s8 =	sor.u32 $0x9100, s10;
	v6 =	vld [tilespmem:$0x600]  }
0x13a: {  	s7 =	sor.u32 s3, s7;
	v13 =	vperm.xlane v13, v5;
	[tilespmem:s2+$0x0] =	vst v7;
	s2 =	sor.u32 s6, s8;
	v7 =	vand.u32 $0xF, v2  }
0x13b: {  	s9 =	sor.u32 s18, s9;
	v16 =	vld [tilespmem:s7+$0x1000];
	[tilespmem:s2+$0x0] =	vst v12;
	v12 =	vperm.xlane v14, v7  }
0x13c: {  	s0 =	smov.u32 s31;
	s31 =	sor.u32 $0x8080, s26;
	[tilespmem:s9+$0x0] =	vst v13;
	v13 =	vld [tilespmem:$0x980];
	v10 =	vperm.xlane v10, v4  }
0x13d: {  	s2 =	sor.u32 s24, s31;
	v15 =	vld [tilespmem:s23+$0x1280];
	v11 =	vperm.xlane v11, v3;
	[tilespmem:s11+$0x5000] =	vst v12  }
0x13e: {  	v2 =	vld [tilespmem:$0xF00];
	[tilespmem:s2+$0x0] =	vst v10;
	v6 =	vperm.xlane v6, v8  }
0x13f: {  	v10 =	vld [tilespmem:$0x80];
	[tilespmem:s16+$0x6080] =	vst v11  }
0x140: {  	s9 =	sor.u32 $0x9180, s10;
	v11 =	vld [tilespmem:$0xD00];
	[tilespmem:s0+$0x6200] =	vst v6  }
0x141: {  	s30 =	sor.u32 s6, s9;
	v12 =	vperm.xlane v13, v1;
	v13 =	vld [tilespmem:$0x500];
	[smem:$0x7E0] =	sst s0  }
0x142: {  	s19 =	sor.u32 s17, s19;
	[tilespmem:s30+$0x0] =	vst v15  }
0x143: {  	v2 =	vperm.xlane v2, v5;
	[tilespmem:s19+$0x0] =	vst v12  }
0x144: {  	s12 =	sor.u32 s18, s12;
	v6 =	vld [tilespmem:$0x680];
	s19 =	sld [smem:$0x7A7]  }
0x145: {  	[tilespmem:s12+$0x0] =	vst v2  }
0x146: {  	v10 =	vperm.xlane v10, v7;
	v17 =	vld [tilespmem:$0xF80]  }
0x147: {  	v16 =	vtrunc.f32 v16;
	v13 =	vperm.xlane v13, v3;
	v12 =	vld [tilespmem:s19+$0x1000]  }
0x148: {  	v16 =	vcvt.f32.s32 v16;
	v15 =	vld [tilespmem:$0xA00];
	v11 =	vperm.xlane v11, v4;
	[tilespmem:s11+$0x5080] =	vst v10;
	s19 =	sor.u32 $0x8100, s26  }
0x149: {  	s2 =	sor.u32 s24, s19;
	v10 =	vperm.xlane v6, v8;
	[tilespmem:s16+$0x6100] =	vst v13  }
0x14a: {  	s12 =	sor.u32 $0x9200, s10;
	v6 =	vand.u32 $0xF, v16;
	[tilespmem:s2+$0x0] =	vst v11  }
0x14b: {  	s30 =	sor.u32 s6, s12;
	v14 =	vperm.xlane v14, v6;
	[tilespmem:s0+$0x6280] =	vst v10  }
0x14c: {  	v2 =	vld [tilespmem:s7+$0x1080];
	v5 =	vperm.xlane v17, v5;
	[tilespmem:s30+$0x0] =	vst v12  }
0x14d: {  	s1 =	sor.u32 s18, s1;
	v11 =	vld [tilespmem:$0x100];
	v15 =	vperm.xlane v15, v1;
	s0 =	sld [smem:$0x7A8];
	[tilespmem:s7+$0x5000] =	vst v14  }
0x14e: {  	s2 =	sor.u32 s17, s14;
	v13 =	vld [tilespmem:$0xD80];
	[tilespmem:s1+$0x0] =	vst v5  }
0x14f: {  	v50 =	vld [tilespmem:$0x580];
	[tilespmem:s2+$0x0] =	vst v15  }
0x150: {  	v10 =	vld [tilespmem:$0x700];
	s2 =	sld [smem:$0x7A9]  }
0x151: {  	v5 =	vld [tilespmem:$0x80]  }
0x152: {  	s14 =	sor.u32 $0x8180, s26;
	v11 =	vperm.xlane v11, v7;
	v12 =	vld [tilespmem:s0+$0x1000]  }
0x153: {  	v13 =	vperm.xlane v13, v4;
	v14 =	vld [tilespmem:s2+$0x1100];
	[smem:$0x7BB] =	sst s14  }
0x154: {  	s0 =	sor.u32 s24, s14;
	[tilespmem:s11+$0x5100] =	vst v11  }
0x155: {  	[tilespmem:s0+$0x0] =	vst v13  }
0x156: {  	s1 =	sld [smem:$0x7AA];
	_ =	sdelay $0x2  }
0x157: {  	v16 =	vperm.xlane v50, v3;
	v15 =	vld [tilespmem:$0xA80];
	s14 =	sor.u32 $0x1180, s1  }
0x158: {  	v11 =	vld [tilespmem:$0x180];
	[dreg:$0x18] =	wrdreg s14  }
0x159: {  	s30 =	sor.u32 $0x1300, s13;
	v10 =	vperm.xlane v10, v8;
	[tilespmem:s14+$0x5000] =	vst v16;
	v13 =	vld [tilespmem:$0xE00]  }
0x15a: {  	v16 =	vld [tilespmem:$0x600];
	[smem:$0x7AB] =	sst s30  }
0x15b: {  	s0 =	sor.u32 s18, s20;
	[tilespmem:s30+$0x5000] =	vst v10;
	s30 =	sor.u32 $0x9280, s10  }
0x15c: {  	[tilespmem:s0+$0x0] =	vst v14;
	s14 =	sor.u32 s6, s30  }
0x15d: {  	v5 =	vperm.xlane v5, v6;
	[tilespmem:s14+$0x0] =	vst v12  }
0x15e: {  	v14 =	vperm.xlane v15, v1;
	v10 =	vld [tilespmem:$0x780];
	s20 =	sld [smem:$0x7AC]  }
0x15f: {  	s0 =	sor.u32 s17, s21;
	v15 =	vld [tilespmem:s23+$0x2000];
	[tilespmem:s7+$0x5080] =	vst v5  }
0x160: {  	s1 =	sor.u32 $0x8200, s26;
	v5 =	vperm.xlane v11, v7;
	[tilespmem:s0+$0x0] =	vst v14;
	v11 =	vld [tilespmem:$0x100]  }
0x161: {  	v13 =	vperm.xlane v13, v4;
	v12 =	vld [tilespmem:s20+$0x1000];
	[smem:$0x7C0] =	sst s1  }
0x162: {  	s14 =	sor.u32 s24, s1;
	v16 =	vperm.xlane v16, v3;
	v14 =	vld [tilespmem:$0xB00];
	[tilespmem:s11+$0x5180] =	vst v5  }
0x163: {  	[tilespmem:s14+$0x0] =	vst v13;
	v5 =	vperm.xlane v10, v8;
	v8 =	vld [tilespmem:$0x200]  }
0x164: {  	s13 =	sor.u32 $0x1380, s13;
	[tilespmem:s16+$0x6200] =	vst v16;
	v10 =	vld [tilespmem:$0xE80]  }
0x165: {  	s14 =	sor.u32 $0x9300, s10;
	v13 =	vld [tilespmem:$0x680];
	[smem:$0x7AD] =	sst s13  }
0x166: {  	s21 =	sor.u32 s6, s14;
	[tilespmem:s13+$0x5000] =	vst v5  }
0x167: {  	s20 =	sor.u32 s18, s4;
	v5 =	vperm.xlane v11, v6;
	[tilespmem:s21+$0x0] =	vst v15  }
0x168: {  	v11 =	vld [tilespmem:$0x800];
	[tilespmem:s20+$0x0] =	vst v12;
	v12 =	vperm.xlane v14, v1  }
0x169: {  	s0 =	sor.u32 s17, s15;
	[tilespmem:s7+$0x5100] =	vst v5;
	v14 =	vld [tilespmem:s2+$0x1200]  }
0x16a: {  	s4 =	sor.u32 $0x8280, s26;
	v15 =	vld [tilespmem:s23+$0x2080];
	v8 =	vperm.xlane v8, v7;
	[tilespmem:s0+$0x0] =	vst v12  }
0x16b: {  	v5 =	vtrunc.f32 v9;
	v9 =	vld [tilespmem:$0x180];
	v10 =	vperm.xlane v10, v4;
	[smem:$0x7C4] =	sst s4  }
0x16c: {  	s13 =	sor.u32 s24, s4;
	v5 =	vcvt.f32.s32 v5;
	[tilespmem:s11+$0x5200] =	vst v8  }
0x16d: {  	s15 =	sor.u32 s18, s8;
	v12 =	vld [tilespmem:$0xB80];
	[tilespmem:s13+$0x0] =	vst v10  }
0x16e: {  	v5 =	vand.u32 $0xF, v5;
	v8 =	vperm.xlane v13, v3;
	v10 =	vld [tilespmem:$0x280];
	[tilespmem:s15+$0x0] =	vst v14  }
0x16f: {  	s1 =	sor.u32 $0x7000, s28;
	s20 =	simm.s32 $0x300;
	v11 =	vperm.xlane v11, v5;
	v13 =	vld [tilespmem:$0xF00];
	[dreg:$0x4] =	wrdreg s16  }
0x170: {  	s21 =	sand.u32 $0xFFFFFC00, s20;
	s0 =	sor.u32 s29, s1;
	[tilespmem:s16+$0x6280] =	vst v8  }
0x171: {  	[tilespmem:s0+$0x0] =	vst v11;
	s0 =	sadd.s32 $0x60, s21  }
0x172: {  	s13 =	sor.u32 $0x9380, s10;
	v8 =	vld [tilespmem:s2+$0x1280];
	[smem:$0x7C6] =	sst s0  }
0x173: {  	s16 =	smov.u32 s2;
	s2 =	sor.u32 s6, s13;
	v11 =	vld [tilespmem:$0x700]  }
0x174: {  	v9 =	vperm.xlane v9, v6;
	s0 =	sor.u32 $0x180, s0;
	[tilespmem:s2+$0x0] =	vst v15;
	v14 =	vld [tilespmem:$0x880]  }
0x175: {  	v12 =	vperm.xlane v12, v1;
	v15 =	vld [tilespmem:s23+$0x2100];
	[smem:$0x7AE] =	sst s0  }
0x176: {  	s4 =	sor.u32 s17, s22;
	[tilespmem:s0+$0x5000] =	vst v9  }
0x177: {  	s15 =	sor.u32 $0x8300, s26;
	[tilespmem:s4+$0x0] =	vst v12  }
0x178: {  	s9 =	sor.u32 s18, s9;
	v12 =	vperm.xlane v13, v4;
	v9 =	vld [tilespmem:$0x200];
	[smem:$0x7C5] =	sst s15  }
0x179: {  	s20 =	sor.u32 s24, s15;
	[tilespmem:s9+$0x0] =	vst v8  }
0x17a: {  	s21 =	sld [smem:$0x7AF];
	[tilespmem:s20+$0x0] =	vst v12  }
0x17b: {  	s22 =	sld [smem:$0x7B0]  }
0x17c: {  	v10 =	vperm.xlane v10, v7  }
0x17d: {  	v8 =	vld [tilespmem:$0xC00]  }
0x17e: {  	v11 =	vperm.xlane v11, v3;
	[tilespmem:s11+$0x5280] =	vst v10;
	v12 =	vld [tilespmem:$0xF80];
	s0 =	sor.u32 $0x1300, s22  }
0x17f: {  	s8 =	sor.u32 $0xA000, s10;
	v13 =	vld [tilespmem:s21+$0x1000];
	[dreg:$0x1c] =	wrdreg s0  }
0x180: {  	s2 =	sor.u32 s6, s8;
	s9 =	sor.u32 $0x7080, s28;
	v10 =	vperm.xlane v14, v5;
	[tilespmem:s0+$0x5000] =	vst v11  }
0x181: {  	s0 =	sor.u32 s29, s9;
	[tilespmem:s2+$0x0] =	vst v15  }
0x182: {  	[tilespmem:s0+$0x0] =	vst v10  }
0x183: {  	v11 =	vld [tilespmem:$0x300];
	s0 =	sld [smem:$0x7B1]  }
0x184: {  	s4 =	simm.s32 $0x3;
	v9 =	vperm.xlane v9, v6;
	v10 =	vld [tilespmem:$0x780]  }
0x185: {  	s21 =	sand.u32 $0x3, s4;
	v8 =	vperm.xlane v8, v1;
	v15 =	vld [tilespmem:s23+$0x2180]  }
0x186: {  	s15 =	sshll.u32 s21, $0x5;
	v14 =	vld [tilespmem:$0x900];
	[tilespmem:s7+$0x5200] =	vst v9;
	s22 =	sor.u32 s17, s0  }
0x187: {  	s4 =	sadd.s32 $0x300, s15;
	s15 =	sor.u32 $0x8380, s26;
	v4 =	vperm.xlane v12, v4;
	[tilespmem:s22+$0x0] =	vst v8;
	v8 =	vld [tilespmem:$0x280]  }
0x188: {  	s20 =	sadd.s32 $0x10, s4;
	s0 =	sor.u32 s24, s15;
	v12 =	vld [tilespmem:$0xC80];
	[smem:$0x7CD] =	sst s4  }
0x189: {  	s2 =	sor.u32 $0x300, s20;
	v11 =	vperm.xlane v11, v7;
	[tilespmem:s0+$0x0] =	vst v4  }
0x18a: {  	v9 =	vld [tilespmem:s11+$0x1080];
	[smem:$0x7B3] =	sst s2  }
0x18b: {  	s22 =	sld [smem:$0x7B2];
	[tilespmem:s2+$0x5000] =	vst v11  }
0x18c: {  	s2 =	sld [smem:$0x7B4];
	_ =	sdelay $0x1  }
0x18d: {  	v3 =	vperm.xlane v10, v3;
	s0 =	sor.u32 $0x1380, s22  }
0x18e: {  	v10 =	vld [tilespmem:s2+$0x1100];
	[smem:$0x7B5] =	sst s0  }
0x18f: {  	s12 =	sor.u32 s18, s12;
	s21 =	sor.u32 $0x7100, s28;
	v4 =	vperm.xlane v14, v5;
	[tilespmem:s0+$0x5000] =	vst v3  }
0x190: {  	s0 =	sor.u32 s29, s21;
	[tilespmem:s12+$0x0] =	vst v13  }
0x191: {  	v3 =	vld [tilespmem:$0x380];
	[tilespmem:s0+$0x0] =	vst v4  }
0x192: {  	v8 =	vperm.xlane v8, v6;
	s12 =	sor.u32 $0x9000, s26;
	v4 =	vld [tilespmem:$0x800];
	s0 =	sld [smem:$0x7B6]  }
0x193: {  	v11 =	vld [tilespmem:$0x980];
	[smem:$0x7CA] =	sst s12  }
0x194: {  	s22 =	sor.u32 $0xA080, s10;
	[tilespmem:s7+$0x5280] =	vst v8  }
0x195: {  	v0 =	vtrunc.f32 v0;
	s12 =	sor.u32 s24, s12;
	v13 =	vld [tilespmem:s0+$0x1000];
	[smem:$0x7DB] =	sst s22  }
0x196: {  	v0 =	vcvt.f32.s32 v0;
	v8 =	vperm.xlane v12, v1;
	s22 =	sor.u32 s6, s22;
	[tilespmem:s12+$0x0] =	vst v10;
	v10 =	vld [tilespmem:$0x300]  }
0x197: {  	s0 =	sor.u32 s17, s31;
	[tilespmem:s22+$0x0] =	vst v15;
	v12 =	vld [tilespmem:s2+$0x1180]  }
0x198: {  	v0 =	vand.u32 $0xF, v0;
	v3 =	vperm.xlane v3, v7;
	[tilespmem:s0+$0x0] =	vst v8;
	s22 =	sor.u32 $0x380, s20;
	v8 =	vld [tilespmem:s23+$0x2200]  }
0x199: {  	v4 =	vperm.xlane v4, v0;
	v14 =	vld [tilespmem:$0xD00];
	[smem:$0x7B7] =	sst s22  }
0x19a: {  	s1 =	sor.u32 s25, s1;
	[tilespmem:s22+$0x5000] =	vst v3;
	v3 =	vperm.xlane v11, v5;
	s22 =	sor.u32 $0x7180, s28  }
0x19b: {  	[tilespmem:s1+$0x0] =	vst v4;
	s0 =	sor.u32 s29, s22  }
0x19c: {  	s12 =	sor.u32 $0x9080, s26;
	v4 =	vld [tilespmem:$0x400];
	[tilespmem:s0+$0x0] =	vst v3;
	s0 =	sor.u32 $0xA100, s10  }
0x19d: {  	s1 =	sor.u32 s24, s12;
	v3 =	vld [tilespmem:$0x880];
	[smem:$0x7DE] =	sst s0  }
0x19e: {  	s0 =	sor.u32 s6, s0;
	[tilespmem:s1+$0x0] =	vst v12;
	v11 =	vld [tilespmem:$0xA00]  }
0x19f: {  	s4 =	sor.u32 $0x300, s4;
	v10 =	vperm.xlane v10, v6;
	[tilespmem:s0+$0x0] =	vst v8;
	v8 =	vld [tilespmem:s2+$0x1200]  }
0x1a0: {  	v12 =	vld [tilespmem:s23+$0x2280];
	[smem:$0x7B8] =	sst s4  }
0x1a1: {  	v14 =	vperm.xlane v14, v1;
	s23 =	sor.u32 s18, s30;
	[tilespmem:s4+$0x5000] =	vst v10  }
0x1a2: {  	s1 =	sor.u32 s17, s19;
	[tilespmem:s23+$0x0] =	vst v13  }
0x1a3: {  	v4 =	vperm.xlane v4, v7;
	[tilespmem:s1+$0x0] =	vst v14;
	s4 =	sor.u32 $0x9100, s26;
	v10 =	vld [tilespmem:$0x380]  }
0x1a4: {  	v13 =	vld [tilespmem:s16+$0x2000];
	[smem:$0x7D2] =	sst s4;
	v3 =	vperm.xlane v3, v0  }
0x1a5: {  	s31 =	smov.u32 s16;
	s16 =	sor.u32 s25, s9;
	[tilespmem:s11+$0x6000] =	vst v4  }
0x1a6: {  	s19 =	sor.u32 $0x7200, s28;
	s0 =	sor.u32 s24, s4;
	v14 =	vld [tilespmem:$0xD80];
	v4 =	vperm.xlane v11, v5;
	[tilespmem:s16+$0x0] =	vst v3  }
0x1a7: {  	s23 =	sor.u32 s29, s19;
	[tilespmem:s0+$0x0] =	vst v8;
	v8 =	vld [tilespmem:$0x480]  }
0x1a8: {  	s1 =	sor.u32 s18, s14;
	s14 =	sor.u32 $0xA180, s10;
	v3 =	vld [tilespmem:s2+$0x1280];
	[tilespmem:s23+$0x0] =	vst v4  }
0x1a9: {  	v4 =	vld [tilespmem:$0x900];
	[smem:$0x7E2] =	sst s14  }
0x1aa: {  	[tilespmem:s1+$0x0] =	vst v13;
	s1 =	sor.u32 s6, s14  }
0x1ab: {  	[tilespmem:s1+$0x0] =	vst v12  }
0x1ac: {  	s16 =	simm.s32 $0x60;
	s23 =	simm.s32 $0x300;
	s14 =	sld [smem:$0x7B9]  }
0x1ad: {  	s9 =	sor.u32 $0x9180, s26;
	s16 =	sor.u32 s16, s23;
	v11 =	vld [tilespmem:$0xA80]  }
0x1ae: {  	v10 =	vperm.xlane v10, v6;
	s4 =	sor.u32 $0x380, s16;
	v12 =	vld [tilespmem:s31+$0x2080];
	[smem:$0x7D5] =	sst s9  }
0x1af: {  	v13 =	vld [tilespmem:s14+$0x1000];
	[smem:$0x7BA] =	sst s4  }
0x1b0: {  	s23 =	sor.u32 s24, s9;
	[tilespmem:s4+$0x5000] =	vst v10  }
0x1b1: {  	[tilespmem:s23+$0x0] =	vst v3  }
0x1b2: {  	s0 =	sld [smem:$0x7BB];
	_ =	sdelay $0x1  }
0x1b3: {  	v14 =	vperm.xlane v14, v1  }
0x1b4: {  	v8 =	vperm.xlane v8, v7;
	s0 =	sor.u32 s17, s0  }
0x1b5: {  	v3 =	vld [tilespmem:$0x400];
	[tilespmem:s0+$0x0] =	vst v14  }
0x1b6: {  	s1 =	sor.u32 s18, s13;
	s4 =	sor.u32 $0x7280, s28;
	s0 =	sld [smem:$0x7BC];
	v14 =	vld [tilespmem:$0xE00];
	[tilespmem:s11+$0x6080] =	vst v8;
	v8 =	vperm.xlane v11, v5  }
0x1b7: {  	s9 =	sor.u32 s29, s4;
	[tilespmem:s1+$0x0] =	vst v12;
	v11 =	vld [tilespmem:$0x500]  }
0x1b8: {  	v4 =	vperm.xlane v4, v0;
	s14 =	sor.u32 $0xA200, s10;
	[tilespmem:s9+$0x0] =	vst v8;
	v8 =	vld [tilespmem:s31+$0x2100]  }
0x1b9: {  	s13 =	sor.u32 s25, s21;
	v10 =	vld [tilespmem:s0+$0x1000];
	[smem:$0x7E3] =	sst s14  }
0x1ba: {  	s21 =	sor.u32 s6, s14;
	[tilespmem:s13+$0x0] =	vst v4  }
0x1bb: {  	s23 =	sor.u32 $0x9200, s26;
	v3 =	vperm.xlane v3, v6;
	v4 =	vld [tilespmem:$0xB00];
	[tilespmem:s21+$0x0] =	vst v13  }
0x1bc: {  	v12 =	vld [tilespmem:$0x980];
	[smem:$0x7D9] =	sst s23  }
0x1bd: {  	s9 =	sor.u32 s18, s8;
	s0 =	sld [smem:$0x7BD];
	[tilespmem:s7+$0x6000] =	vst v3  }
0x1be: {  	s1 =	sor.u32 s24, s23;
	[tilespmem:s9+$0x0] =	vst v8  }
0x1bf: {  	[tilespmem:s1+$0x0] =	vst v10  }
0x1c0: {  	v11 =	vperm.xlane v11, v7;
	v13 =	vld [tilespmem:s0+$0x1000];
	s0 =	sld [smem:$0x7BE]  }
0x1c1: {  	s14 =	sld [smem:$0x7C0]  }
0x1c2: {  	v3 =	vld [tilespmem:$0x480];
	s13 =	sld [smem:$0x7BF];
	[tilespmem:s11+$0x6100] =	vst v11;
	v11 =	vperm.xlane v12, v0  }
0x1c3: {  	s8 =	sor.u32 s25, s22;
	v14 =	vperm.xlane v14, v1;
	v12 =	vld [tilespmem:$0x580]  }
0x1c4: {  	v4 =	vperm.xlane v4, v5;
	v8 =	vld [tilespmem:s0+$0x1000];
	s0 =	sor.u32 s17, s14;
	s14 =	sor.u32 $0x7300, s28;
	[tilespmem:s8+$0x0] =	vst v11  }
0x1c5: {  	s21 =	simm.s32 $0x80;
	v10 =	vld [tilespmem:s13+$0x1000];
	s13 =	simm.s32 $0x400;
	[tilespmem:s0+$0x0] =	vst v14;
	s23 =	sor.u32 s29, s14  }
0x1c6: {  	s9 =	sand.u32 $0x60, s21;
	s1 =	sand.u32 $0xC00, s13;
	[tilespmem:s23+$0x0] =	vst v4;
	v4 =	vld [tilespmem:$0xE80]  }
0x1c7: {  	s21 =	sor.u32 $0x10, s9;
	v3 =	vperm.xlane v3, v6;
	v11 =	vld [tilespmem:$0xB80];
	[smem:$0x7C1] =	sst s1  }
0x1c8: {  	s0 =	sor.u32 s1, s21;
	v14 =	vld [tilespmem:$0xA00];
	[smem:$0x7C2] =	sst s21  }
0x1c9: {  	[tilespmem:s7+$0x6080] =	vst v3;
	v3 =	vld [tilespmem:s0+$0x1000]  }
0x1ca: {  	s22 =	sor.u32 $0x9280, s26;
	v12 =	vperm.xlane v12, v7;
	s1 =	sor.u32 s9, s1;
	v15 =	vld [tilespmem:$0x500];
	[smem:$0x7C3] =	sst s9  }
0x1cb: {  	v51 =	vld [tilespmem:s1+$0x1000];
	[smem:$0x7DF] =	sst s22  }
0x1cc: {  	s8 =	sor.u32 s24, s22;
	s13 =	sor.u32 $0x7380, s28;
	[tilespmem:s11+$0x6180] =	vst v12;
	v11 =	vperm.xlane v11, v5  }
0x1cd: {  	s9 =	sor.u32 s29, s13;
	[tilespmem:s8+$0x0] =	vst v8  }
0x1ce: {  	[tilespmem:s9+$0x0] =	vst v11  }
0x1cf: {  	s8 =	sld [smem:$0x7C4];
	_ =	sdelay $0x1  }
0x1d0: {  	s10 =	sor.u32 $0xA280, s10;
	v4 =	vperm.xlane v4, v1;
	v52 =	vld [tilespmem:$0x0]  }
0x1d1: {  	v12 =	vld [tilespmem:$0x600];
	[smem:$0x7E6] =	sst s10;
	s8 =	sor.u32 s17, s8  }
0x1d2: {  	s6 =	sor.u32 s6, s10;
	v3 =	vtrunc.f32 v3;
	v11 =	vld [tilespmem:s2+$0x2000];
	[tilespmem:s8+$0x0] =	vst v4;
	v4 =	vperm.xlane v15, v6  }
0x1d3: {  	v3 =	vcvt.f32.s32 v3;
	[tilespmem:s6+$0x0] =	vst v13;
	v15 =	vld [tilespmem:$0xC00]  }
0x1d4: {  	s21 =	sor.u32 $0x9300, s26;
	v14 =	vperm.xlane v14, v0;
	v8 =	vld [tilespmem:s1+$0x1080];
	[tilespmem:s7+$0x6100] =	vst v4  }
0x1d5: {  	s19 =	sor.u32 s25, s19;
	v3 =	vand.u32 $0xF, v3;
	v13 =	vld [tilespmem:$0xF00];
	[smem:$0x7E5] =	sst s21  }
0x1d6: {  	s22 =	sor.u32 s24, s21;
	v53 =	vperm.xlane v52, v3;
	[tilespmem:s19+$0x0] =	vst v14  }
0x1d7: {  	v12 =	vperm.xlane v12, v7;
	[tilespmem:s22+$0x0] =	vst v11  }
0x1d8: {  	s10 =	sor.u32 $0x8000, s28;
	[tilespmem:s0+$0x5000] =	vst v53;
	v15 =	vperm.xlane v15, v5  }
0x1d9: {  	s8 =	sor.u32 s29, s10;
	[tilespmem:s11+$0x6200] =	vst v12  }
0x1da: {  	[tilespmem:s8+$0x0] =	vst v15  }
0x1db: {  	v4 =	vtrunc.f32 v51;
	v14 =	vld [tilespmem:$0x580];
	s6 =	sld [smem:$0x7C5]  }
0x1dc: {  	v4 =	vcvt.f32.s32 v4;
	v11 =	vld [tilespmem:$0xA80]  }
0x1dd: {  	v54 =	vld [tilespmem:s2+$0x2080];
	v13 =	vperm.xlane v13, v1  }
0x1de: {  	v4 =	vand.u32 $0xF, v4;
	v18 =	vld [tilespmem:$0x80];
	s6 =	sor.u32 s17, s6  }
0x1df: {  	s9 =	sor.u32 $0x9380, s26;
	v12 =	vperm.xlane v52, v4;
	v15 =	vld [tilespmem:$0x680];
	[tilespmem:s6+$0x0] =	vst v13  }
0x1e0: {  	v13 =	vld [tilespmem:$0xC80];
	[smem:$0x7E9] =	sst s9  }
0x1e1: {  	s6 =	sor.u32 s24, s9;
	[tilespmem:s1+$0x5000] =	vst v12  }
0x1e2: {  	[tilespmem:s6+$0x0] =	vst v54  }
0x1e3: {  	s6 =	sld [smem:$0x7C6];
	_ =	sdelay $0x2  }
0x1e4: {  	v14 =	vperm.xlane v14, v6;
	v55 =	vld [tilespmem:$0xF80];
	s6 =	sor.u32 $0x1180, s6  }
0x1e5: {  	v11 =	vperm.xlane v11, v0;
	v12 =	vld [tilespmem:$0x80];
	[smem:$0x7C7] =	sst s6  }
0x1e6: {  	s4 =	sor.u32 s25, s4;
	[tilespmem:s6+$0x5000] =	vst v14;
	v14 =	vperm.xlane v18, v3;
	v16 =	vld [tilespmem:s2+$0x2100]  }
0x1e7: {  	[tilespmem:s4+$0x0] =	vst v11;
	v11 =	vld [tilespmem:$0x600]  }
0x1e8: {  	v15 =	vperm.xlane v15, v7;
	v56 =	vld [tilespmem:$0xB00];
	[tilespmem:s0+$0x5080] =	vst v14  }
0x1e9: {  	v14 =	vld [tilespmem:$0x100];
	[dreg:$0xe] =	wrdreg s11  }
0x1ea: {  	s21 =	sor.u32 $0xA000, s26;
	s8 =	sor.u32 $0x8080, s28;
	v13 =	vperm.xlane v13, v5;
	[tilespmem:s11+$0x6280] =	vst v15  }
0x1eb: {  	s19 =	sor.u32 s29, s8;
	[smem:$0x7EA] =	sst s21  }
0x1ec: {  	s22 =	sor.u32 s24, s21;
	v1 =	vperm.xlane v55, v1;
	[tilespmem:s19+$0x0] =	vst v13  }
0x1ed: {  	s6 =	sor.u32 s17, s15;
	v12 =	vperm.xlane v12, v4;
	v13 =	vld [tilespmem:$0x700];
	[tilespmem:s22+$0x0] =	vst v16  }
0x1ee: {  	[tilespmem:s6+$0x0] =	vst v1;
	v1 =	vperm.xlane v11, v6;
	v15 =	vld [tilespmem:$0xD00]  }
0x1ef: {  	v11 =	vld [tilespmem:s2+$0x2180];
	s21 =	sld [smem:$0x7C8];
	[tilespmem:s1+$0x5080] =	vst v12;
	v12 =	vperm.xlane v56, v0  }
0x1f0: {  	s9 =	sor.u32 s25, s14;
	v58 =	vld [tilespmem:$0x100];
	[tilespmem:s7+$0x6200] =	vst v1  }
0x1f1: {  	s11 =	sor.u32 $0xA080, s26;
	v14 =	vperm.xlane v14, v3;
	[tilespmem:s9+$0x0] =	vst v12;
	v1 =	vld [tilespmem:$0x680]  }
0x1f2: {  	v57 =	vld [tilespmem:s21+$0x1100];
	[smem:$0x7EC] =	sst s11  }
0x1f3: {  	s14 =	sor.u32 s24, s11;
	[tilespmem:s0+$0x5100] =	vst v14  }
0x1f4: {  	s15 =	sor.u32 $0x1300, s20;
	v12 =	vperm.xlane v13, v7;
	v13 =	vld [tilespmem:$0xB80];
	[tilespmem:s14+$0x0] =	vst v11  }
0x1f5: {  	s4 =	sor.u32 $0x8100, s28;
	v11 =	vld [tilespmem:$0x180];
	v14 =	vperm.xlane v15, v5;
	[smem:$0x7C9] =	sst s15  }
0x1f6: {  	s22 =	sor.u32 s29, s4;
	[tilespmem:s15+$0x5000] =	vst v12  }
0x1f7: {  	[tilespmem:s22+$0x0] =	vst v14  }
0x1f8: {  	s6 =	smov.u32 s2;
	s2 =	sld [smem:$0x7CA];
	_ =	sdelay $0x2  }
0x1f9: {  	s2 =	sor.u32 s17, s2  }
0x1fa: {  	v12 =	vld [tilespmem:s6+$0x2200];
	v14 =	vperm.xlane v58, v4;
	[tilespmem:s2+$0x0] =	vst v57  }
0x1fb: {  	v15 =	vld [tilespmem:$0x780];
	s9 =	sld [smem:$0x7CB]  }
0x1fc: {  	v59 =	vld [tilespmem:$0xD80];
	[tilespmem:s1+$0x5100] =	vst v14  }
0x1fd: {  	v1 =	vperm.xlane v1, v6;
	v14 =	vld [tilespmem:$0x180]  }
0x1fe: {  	s22 =	sor.u32 $0xA100, s26;
	v60 =	vld [tilespmem:s9+$0x1000];
	[dreg:$0x10] =	wrdreg s7  }
0x1ff: {  	s11 =	sor.u32 s24, s22;
	v11 =	vperm.xlane v11, v3;
	[tilespmem:s7+$0x6280] =	vst v1  }
0x200: {  	[tilespmem:s11+$0x0] =	vst v12;
	v1 =	vperm.xlane v13, v0;
	v12 =	vld [tilespmem:$0x700]  }
0x201: {  	s13 =	sor.u32 s25, s13;
	[tilespmem:s0+$0x5180] =	vst v11;
	v13 =	vld [tilespmem:s6+$0x2280]  }
0x202: {  	s14 =	sor.u32 $0x1380, s20;
	v7 =	vperm.xlane v15, v7;
	[tilespmem:s13+$0x0] =	vst v1;
	v1 =	vld [tilespmem:$0x200]  }
0x203: {  	v11 =	vperm.xlane v59, v5;
	s6 =	sor.u32 $0x8180, s28;
	v15 =	vld [tilespmem:$0xC00];
	[smem:$0x7CC] =	sst s14  }
0x204: {  	s20 =	sor.u32 s29, s6;
	[tilespmem:s14+$0x5000] =	vst v7  }
0x205: {  	s12 =	sor.u32 s17, s12;
	s23 =	simm.s32 $0x400;
	[tilespmem:s20+$0x0] =	vst v11  }
0x206: {  	s15 =	sand.u32 $0xFFFFFC00, s23;
	[tilespmem:s12+$0x0] =	vst v60  }
0x207: {  	s15 =	sadd.s32 $0x80, s15;
	v11 =	vld [tilespmem:$0x800];
	s2 =	sld [smem:$0x7CD]  }
0x208: {  	s23 =	sor.u32 $0x180, s15;
	v7 =	vperm.xlane v14, v4;
	v14 =	vld [tilespmem:$0xE00]  }
0x209: {  	v61 =	vld [tilespmem:s21+$0x1200];
	[smem:$0x7CE] =	sst s23  }
0x20a: {  	v9 =	vtrunc.f32 v9;
	v12 =	vperm.xlane v12, v6;
	[tilespmem:s23+$0x5000] =	vst v7;
	s2 =	sor.u32 $0x1300, s2  }
0x20b: {  	s19 =	smov.u32 s24;
	s13 =	sor.u32 $0xA180, s26;
	v7 =	vcvt.f32.s32 v9;
	v9 =	vld [tilespmem:$0x200];
	[smem:$0x7CF] =	sst s2  }
0x20c: {  	s24 =	smov.u32 s0;
	s0 =	sor.u32 s19, s13;
	v62 =	vperm.xlane v1, v3;
	[tilespmem:s2+$0x5000] =	vst v12  }
0x20d: {  	[tilespmem:s0+$0x0] =	vst v13  }
0x20e: {  	s2 =	sld [smem:$0x7D0];
	[tilespmem:s24+$0x5200] =	vst v62  }
0x20f: {  	s30 =	sld [smem:$0x7D1]  }
0x210: {  	v12 =	vperm.xlane v15, v0  }
0x211: {  	s10 =	sor.u32 s25, s10;
	s20 =	sor.u32 $0x8200, s28;
	v1 =	vand.u32 $0xF, v7;
	v14 =	vperm.xlane v14, v5;
	v13 =	vld [tilespmem:$0x780]  }
0x212: {  	s9 =	sor.u32 s29, s20;
	v11 =	vperm.xlane v11, v1;
	[tilespmem:s10+$0x0] =	vst v12;
	s23 =	sor.u32 $0x7000, s30  }
0x213: {  	[tilespmem:s9+$0x0] =	vst v14;
	s7 =	sor.u32 s5, s23  }
0x214: {  	v12 =	vld [tilespmem:$0x280];
	[tilespmem:s7+$0x0] =	vst v11  }
0x215: {  	v7 =	vld [tilespmem:s2+$0x1000];
	s11 =	sld [smem:$0x7D2]  }
0x216: {  	v9 =	vperm.xlane v9, v4;
	v6 =	vperm.xlane v13, v6;
	v13 =	vld [tilespmem:$0xE80]  }
0x217: {  	v11 =	vld [tilespmem:$0xC80]  }
0x218: {  	v14 =	vld [tilespmem:$0x880];
	[tilespmem:s1+$0x5200] =	vst v9;
	s12 =	sor.u32 s17, s11  }
0x219: {  	s16 =	sor.u32 $0x1380, s16;
	v9 =	vperm.xlane v12, v3;
	v12 =	vld [tilespmem:$0x280];
	[tilespmem:s12+$0x0] =	vst v61  }
0x21a: {  	s0 =	sor.u32 $0xA200, s26;
	v15 =	vld [tilespmem:s21+$0x1280];
	[smem:$0x7D3] =	sst s16  }
0x21b: {  	s7 =	sor.u32 s19, s0;
	[tilespmem:s16+$0x5000] =	vst v6  }
0x21c: {  	v13 =	vperm.xlane v13, v5;
	s11 =	sor.u32 $0x8280, s28;
	[tilespmem:s7+$0x0] =	vst v7  }
0x21d: {  	s12 =	sor.u32 s29, s11;
	v6 =	vperm.xlane v11, v0;
	s2 =	sld [smem:$0x7D4];
	[tilespmem:s24+$0x5280] =	vst v9  }
0x21e: {  	s8 =	sor.u32 s25, s8;
	s7 =	sor.u32 $0x7080, s30;
	v9 =	vperm.xlane v14, v1;
	[tilespmem:s12+$0x0] =	vst v13  }
0x21f: {  	s10 =	sor.u32 s5, s7;
	[tilespmem:s8+$0x0] =	vst v6  }
0x220: {  	v7 =	vld [tilespmem:$0x800];
	[tilespmem:s10+$0x0] =	vst v9  }
0x221: {  	v2 =	vtrunc.f32 v2;
	v6 =	vld [tilespmem:$0x300];
	s16 =	sld [smem:$0x7D5]  }
0x222: {  	v2 =	vcvt.f32.s32 v2;
	v9 =	vld [tilespmem:$0xD00]  }
0x223: {  	s14 =	smov.u32 s21;
	s9 =	simm.s32 $0x4;
	s10 =	simm.s32 $0x4;
	v11 =	vld [tilespmem:s2+$0x1000]  }
0x224: {  	v2 =	vand.u32 $0xF, v2;
	v12 =	vperm.xlane v12, v4;
	s12 =	sand.u32 $0x3, s9;
	v13 =	vld [tilespmem:$0x900];
	[smem:$0x7D6] =	sst s10;
	s21 =	sor.u32 s17, s16  }
0x225: {  	s23 =	sor.u32 s3, s23;
	v7 =	vperm.xlane v7, v2;
	s16 =	sshll.u32 s12, $0x5;
	[tilespmem:s21+$0x0] =	vst v15  }
0x226: {  	v14 =	vld [tilespmem:$0xF00];
	s8 =	sadd.s32 $0x400, s16;
	s16 =	sor.u32 $0xA280, s26;
	s21 =	sld [smem:$0x7D7];
	[tilespmem:s1+$0x5280] =	vst v12  }
0x227: {  	[tilespmem:s23+$0x0] =	vst v7;
	v7 =	vperm.xlane v6, v3;
	s26 =	sor.u32 s19, s16;
	s10 =	sadd.s32 $0x10, s8;
	v6 =	vld [tilespmem:s24+$0x1080]  }
0x228: {  	v12 =	vld [tilespmem:$0x300];
	[tilespmem:s26+$0x0] =	vst v11;
	s2 =	sor.u32 $0x300, s10  }
0x229: {  	v9 =	vperm.xlane v9, v0;
	v15 =	vld [tilespmem:s21+$0x1000];
	[smem:$0x7D8] =	sst s2  }
0x22a: {  	s4 =	sor.u32 s25, s4;
	s19 =	sor.u32 $0x7100, s30;
	v11 =	vperm.xlane v13, v1;
	[tilespmem:s2+$0x5000] =	vst v7  }
0x22b: {  	v13 =	vperm.xlane v14, v5;
	s12 =	sor.u32 s5, s19;
	[tilespmem:s4+$0x0] =	vst v9;
	s2 =	sor.u32 $0x8300, s28  }
0x22c: {  	[tilespmem:s12+$0x0] =	vst v11;
	s21 =	sor.u32 s29, s2  }
0x22d: {  	[tilespmem:s21+$0x0] =	vst v13  }
0x22e: {  	s4 =	sld [smem:$0x7D9];
	_ =	sdelay $0x2  }
0x22f: {  	v7 =	vld [tilespmem:$0x880];
	s4 =	sor.u32 s17, s4  }
0x230: {  	v9 =	vld [tilespmem:$0x380];
	[tilespmem:s4+$0x0] =	vst v15  }
0x231: {  	v11 =	vld [tilespmem:$0xD80];
	s4 =	sld [smem:$0x7DA]  }
0x232: {  	v13 =	vld [tilespmem:$0x980];
	s26 =	sld [smem:$0x7DB]  }
0x233: {  	s23 =	sor.u32 $0x300, s8;
	v12 =	vperm.xlane v12, v4;
	v14 =	vld [tilespmem:$0xF80]  }
0x234: {  	v15 =	vld [tilespmem:s4+$0x1000];
	[smem:$0x7DC] =	sst s23  }
0x235: {  	v7 =	vperm.xlane v7, v2;
	s4 =	sor.u32 s18, s26;
	[tilespmem:s23+$0x5000] =	vst v12  }
0x236: {  	s7 =	sor.u32 s3, s7;
	[tilespmem:s4+$0x0] =	vst v10  }
0x237: {  	s9 =	sor.u32 $0x380, s10;
	v9 =	vperm.xlane v9, v3;
	[tilespmem:s7+$0x0] =	vst v7;
	v10 =	vld [tilespmem:$0x380]  }
0x238: {  	v7 =	vperm.xlane v11, v0;
	v11 =	vld [tilespmem:s31+$0x2200];
	[smem:$0x7DD] =	sst s9  }
0x239: {  	s12 =	sor.u32 s25, s6;
	v12 =	vperm.xlane v13, v1;
	s23 =	sor.u32 $0x7180, s30;
	[tilespmem:s9+$0x5000] =	vst v9  }
0x23a: {  	v5 =	vperm.xlane v14, v5;
	s7 =	sor.u32 $0x8380, s28;
	s21 =	sor.u32 s5, s23;
	[tilespmem:s12+$0x0] =	vst v7  }
0x23b: {  	s26 =	sor.u32 s29, s7;
	[tilespmem:s21+$0x0] =	vst v12  }
0x23c: {  	[tilespmem:s26+$0x0] =	vst v5  }
0x23d: {  	s4 =	sld [smem:$0x7DE];
	_ =	sdelay $0x2  }
0x23e: {  	s4 =	sor.u32 s18, s4  }
0x23f: {  	[tilespmem:s4+$0x0] =	vst v11  }
0x240: {  	s6 =	simm.s32 $0x80;
	v9 =	vld [tilespmem:$0x900];
	s9 =	simm.s32 $0x400;
	s12 =	sld [smem:$0x7DF]  }
0x241: {  	v7 =	vld [tilespmem:$0x400];
	s4 =	sor.u32 s6, s9;
	s9 =	sld [smem:$0x7E0]  }
0x242: {  	v12 =	vld [tilespmem:$0xE00]  }
0x243: {  	v5 =	vld [tilespmem:$0xA00];
	s6 =	sor.u32 s17, s12  }
0x244: {  	v10 =	vperm.xlane v10, v4;
	s26 =	sor.u32 $0x380, s4;
	v11 =	vld [tilespmem:s9+$0x1100];
	[tilespmem:s6+$0x0] =	vst v15  }
0x245: {  	v9 =	vperm.xlane v9, v2;
	v13 =	vld [tilespmem:s31+$0x2280];
	[smem:$0x7E1] =	sst s26  }
0x246: {  	s19 =	sor.u32 s3, s19;
	v7 =	vperm.xlane v7, v3;
	[tilespmem:s26+$0x5000] =	vst v10  }
0x247: {  	s31 =	sor.u32 $0x9000, s28;
	[tilespmem:s19+$0x0] =	vst v9  }
0x248: {  	v5 =	vperm.xlane v5, v1;
	s12 =	sor.u32 s29, s31;
	[tilespmem:s24+$0x6000] =	vst v7;
	s26 =	sor.u32 $0x7200, s30  }
0x249: {  	v7 =	vperm.xlane v12, v0;
	s6 =	sor.u32 s5, s26;
	[tilespmem:s12+$0x0] =	vst v11  }
0x24a: {  	[tilespmem:s6+$0x0] =	vst v5;
	s12 =	sor.u32 s25, s20  }
0x24b: {  	[tilespmem:s12+$0x0] =	vst v7  }
0x24c: {  	s6 =	sld [smem:$0x7E2];
	_ =	sdelay $0x2  }
0x24d: {  	s6 =	sor.u32 s18, s6  }
0x24e: {  	[tilespmem:s6+$0x0] =	vst v13  }
0x24f: {  	s12 =	sld [smem:$0x7E3]  }
0x250: {  	v10 =	vld [tilespmem:s14+$0x2000]  }
0x251: {  	v9 =	vld [tilespmem:$0x400]  }
0x252: {  	v14 =	vld [tilespmem:$0x980];
	s6 =	sor.u32 s18, s12;
	s12 =	sld [smem:$0x7E6]  }
0x253: {  	v11 =	vld [tilespmem:$0x480];
	s19 =	sld [smem:$0x7E5]  }
0x254: {  	v5 =	vld [tilespmem:s9+$0x1180]  }
0x255: {  	v12 =	vld [tilespmem:$0xA80];
	[smem:$0x7E4] =	sst s6;
	s6 =	sor.u32 s18, s12  }
0x256: {  	s19 =	sor.u32 s17, s19;
	v13 =	vld [tilespmem:$0xE80];
	[smem:$0x7E7] =	sst s6  }
0x257: {  	[tilespmem:s19+$0x0] =	vst v10  }
0x258: {  	s12 =	sld [smem:$0x7EA];
	_ =	sdelay $0x1  }
0x259: {  	s18 =	sld [smem:$0x7E8]  }
0x25a: {  	s6 =	sor.u32 s17, s12;
	s12 =	sld [smem:$0x7EC]  }
0x25b: {  	s19 =	sld [smem:$0x7E9];
	_ =	sdelay $0x1  }
0x25c: {  	v9 =	vperm.xlane v9, v4;
	v7 =	vld [tilespmem:s18+$0x1000];
	[smem:$0x7EB] =	sst s6;
	s6 =	sor.u32 s17, s12  }
0x25d: {  	s18 =	sor.u32 s17, s19;
	s19 =	sor.u32 $0x9080, s28;
	[smem:$0x7ED] =	sst s6  }
0x25e: {  	s12 =	sor.u32 s29, s19;
	[tilespmem:s1+$0x6000] =	vst v9  }
0x25f: {  	[tilespmem:s12+$0x0] =	vst v5;
	s12 =	sor.u32 s17, s22  }
0x260: {  	v9 =	vld [tilespmem:s14+$0x2080];
	s22 =	sor.u32 s17, s13;
	[smem:$0x7EE] =	sst s12  }
0x261: {  	s0 =	sor.u32 s17, s0;
	v10 =	vperm.xlane v11, v3;
	[smem:$0x7EF] =	sst s22  }
0x262: {  	[smem:$0x7F0] =	sst s0  }
0x263: {  	v5 =	vperm.xlane v14, v2;
	s12 =	sor.u32 s3, s23;
	s23 =	sor.u32 s17, s16;
	v14 =	vld [tilespmem:$0x480];
	[tilespmem:s24+$0x6080] =	vst v10  }
0x264: {  	v15 =	vld [tilespmem:s9+$0x1200];
	[smem:$0x7F2] =	sst s23  }
0x265: {  	s22 =	sld [smem:$0x7F1];
	[tilespmem:s12+$0x0] =	vst v5  }
0x266: {  	s6 =	sld [smem:$0x7F7];
	_ =	sdelay $0x1  }
0x267: {  	s0 =	sshll.u32 s22, $0x6  }
0x268: {  	s13 =	sor.u32 $0x7280, s30;
	v10 =	vperm.xlane v12, v1;
	s6 =	sor.u32 s6, s0  }
0x269: {  	s12 =	sor.u32 s5, s13;
	[smem:$0x7F3] =	sst s6  }
0x26a: {  	s15 =	sor.u32 $0x1180, s15;
	v5 =	vperm.xlane v13, v0;
	[tilespmem:s12+$0x0] =	vst v10  }
0x26b: {  	s16 =	sor.u32 s25, s11;
	v63 =	vld [tilespmem:$0x500];
	[smem:$0x7F4] =	sst s15  }
0x26c: {  	s21 =	simm.s32 $0x400;
	s31 =	sor.u32 s25, s31;
	s17 =	sor.u32 $0x9100, s28;
	[tilespmem:s16+$0x0] =	vst v5  }
0x26d: {  	s20 =	smov.u32 s9;
	s11 =	sor.u32 s3, s26;
	s22 =	sor.u32 s29, s17;
	v12 =	vld [tilespmem:$0xA00];
	[tilespmem:s18+$0x0] =	vst v9  }
0x26e: {  	s26 =	sor.u32 s25, s19;
	s19 =	smov.u32 s14;
	s9 =	simm.s32 $0x8;
	v5 =	vtrunc.f32 v8;
	v11 =	vld [tilespmem:$0xB00];
	[tilespmem:s22+$0x0] =	vst v15  }
0x26f: {  	s23 =	sor.u32 $0x1380, s4;
	s4 =	sor.u32 s25, s2;
	v10 =	vperm.xlane v14, v4;
	v5 =	vcvt.f32.s32 v5;
	v9 =	vld [tilespmem:$0xF00];
	[smem:$0x7F5] =	sst s26  }
0x270: {  	s13 =	sor.u32 s3, s13;
	s15 =	sor.u32 s25, s7;
	s7 =	smov.u32 s20;
	v8 =	vld [tilespmem:s14+$0x2100]  }
0x271: {  	s0 =	sor.u32 $0x1300, s8;
	s20 =	sor.u32 s25, s17;
	s26 =	simm.s32 $0xA0;
	[tilespmem:s1+$0x6080] =	vst v10;
	v10 =	vld [tilespmem:s7+$0x1280];
	v5 =	vand.u32 $0xF, v5;
	v13 =	vperm.xlane v63, v3  }
.LBB2_3:
0x272: {  	[smem:$0x799] =	sst s20  }
0x273: {  	[smem:$0x7C8] =	sst s19  }
0x274: {  	s2 =	sld [smem:$0x7E4]  }
0x275: {  	s6 =	sld [smem:$0x7F0]  }
0x276: {  	s14 =	sand.u32 $0x60, s26;
	[smem:$0x7A5] =	sst s0  }
0x277: {  	s20 =	sadd.s32 $0x100, s21;
	s19 =	rddreg [dreg:$0xc];
	s18 =	sor.u32 $0x10, s14  }
0x278: {  	s8 =	sand.u32 $0xC00, s20;
	[smem:$0x79D] =	sst s18  }
0x279: {  	[smem:$0x79B] =	sst s8  }
0x27a: {  	v14 =	vld [tilespmem:$0x500];
	v12 =	vperm.xlane v12, v2;
	[tilespmem:s24+$0x6100] =	vst v13;
	s18 =	sor.u32 s8, s18;
	s16 =	sor.u32 s14, s8;
	s9 =	sadd.s32 $0x2, s9  }
0x27b: {  	v13 =	vld [tilespmem:$0x580];
	s8 =	rddreg [dreg:$0x1e];
	[tilespmem:s2+$0x0] =	vst v7;
	s17 =	smov.u32 s6;
	s6 =	sor.u32 $0x7300, s30;
	v7 =	vperm.xlane v11, v1  }
0x27c: {  	s12 =	smov.u32 s0;
	v9 =	vperm.xlane v9, v0;
	[smem:$0x7A4] =	sst s9;
	v11 =	vld [tilespmem:s19+$0x1000];
	[tilespmem:s11+$0x0] =	vst v12;
	s21 =	sor.u32 s5, s6  }
0x27d: {  	p1 =	slt.u32 s9, $0x1E;
	s9 =	sld [smem:$0x7EB];
	s11 =	sor.u32 $0x9180, s28;
	v12 =	vld [tilespmem:s18+$0x1000];
	[tilespmem:s21+$0x0] =	vst v7  }
0x27e: {  	s0 =	sand.u32 $0xFFFFFC00, s20;
	[smem:$0x7E4] =	sst s17;
	s22 =	sor.u32 s29, s11;
	[tilespmem:s4+$0x0] =	vst v9  }
0x27f: {  	s17 =	sor.u32 s26, s20;
	s21 =	sadd.s32 s0, s26;
	s0 =	sld [smem:$0x7B5];
	v7 =	vld [tilespmem:$0xB80];
	[tilespmem:s22+$0x0] =	vst v10  }
0x280: {  	s19 =	sor.u32 $0x1380, s17;
	v10 =	vperm.xlane v14, v4;
	v14 =	vld [tilespmem:s16+$0x1000];
	[tilespmem:s9+$0x0] =	vst v8;
	s9 =	sld [smem:$0x7E7]  }
0x281: {  	s22 =	sor.u32 $0x380, s17;
	s17 =	sor.u32 s25, s11;
	s11 =	sld [smem:$0x7D3]  }
0x282: {  	[smem:$0x79E] =	sst s22  }
0x283: {  	[smem:$0x79A] =	sst s17  }
0x284: {  	s2 =	sor.u32 $0x1180, s21;
	v9 =	vld [tilespmem:s8+$0x1000];
	s8 =	sor.u32 $0x180, s21;
	s21 =	rddreg [dreg:$0xa]  }
0x285: {  	s22 =	smov.u32 s21;
	s4 =	smov.u32 s0;
	s0 =	sld [smem:$0x7C7]  }
0x286: {  	[dreg:$0xc] =	wrdreg s22  }
0x287: {  	s21 =	sor.u32 $0x7380, s30;
	[dreg:$0xa] =	wrdreg s4  }
0x288: {  	v8 =	vld [tilespmem:s16+$0x1080];
	[tilespmem:s1+$0x6100] =	vst v10;
	s22 =	sor.u32 $0x9200, s28;
	s17 =	smov.u32 s11;
	s4 =	smov.u32 s23  }
0x289: {  	v10 =	vperm.xlane v13, v3;
	v13 =	vld [tilespmem:$0x0];
	[tilespmem:s9+$0x0] =	vst v11;
	s9 =	smov.u32 s30;
	s23 =	sor.u32 s5, s21;
	[smem:$0x7B5] =	sst s17  }
0x28a: {  	s11 =	sor.u32 s25, s22;
	s17 =	smov.u32 s19;
	s19 =	rddreg [dreg:$0x1a]  }
0x28b: {  	s30 =	sor.u32 s29, s22;
	s22 =	sor.u32 s3, s21;
	s21 =	sld [smem:$0x7B3]  }
0x28c: {  	[smem:$0x79C] =	sst s11  }
0x28d: {  	v11 =	vtrunc.f32 v12;
	[tilespmem:s24+$0x6180] =	vst v10;
	v7 =	vperm.xlane v7, v1;
	[smem:$0x7A0] =	sst s17  }
0x28e: {  	v10 =	vcvt.f32.s32 v11;
	v11 =	vld [tilespmem:$0x600];
	s17 =	sld [smem:$0x7D8];
	[tilespmem:s30+$0x0] =	vst v9  }
0x28f: {  	[tilespmem:s23+$0x0] =	vst v7;
	s23 =	smov.u32 s21;
	s21 =	sld [smem:$0x7F2]  }
0x290: {  	[dreg:$0x1e] =	wrdreg s23  }
0x291: {  	v9 =	vtrunc.f32 v14;
	v14 =	vld [tilespmem:s19+$0x1000];
	s19 =	smov.u32 s17;
	s17 =	sld [smem:$0x7B7]  }
0x292: {  	[smem:$0x7B3] =	sst s19  }
0x293: {  	s11 =	smov.u32 s1;
	s23 =	smov.u32 s21;
	s21 =	sld [smem:$0x7DD]  }
0x294: {  	s1 =	sor.u32 $0x9280, s28;
	[smem:$0x7E7] =	sst s23;
	s19 =	smov.u32 s17  }
0x295: {  	v12 =	vld [tilespmem:$0x580];
	v7 =	vcvt.f32.s32 v9;
	v9 =	vand.u32 $0xF, v10;
	s17 =	sor.u32 s25, s1;
	[dreg:$0x1a] =	wrdreg s19  }
0x296: {  	v10 =	vld [tilespmem:$0xC00];
	v16 =	vperm.xlane v13, v9;
	[smem:$0x79F] =	sst s17  }
0x297: {  	v17 =	vld [tilespmem:$0xA80];
	s17 =	rddreg [dreg:$0x18]  }
0x298: {  	v18 =	vld [tilespmem:$0xF80];
	v8 =	vtrunc.f32 v8;
	[tilespmem:s18+$0x5000] =	vst v16;
	v11 =	vperm.xlane v11, v3;
	s19 =	sor.u32 s29, s1;
	s23 =	smov.u32 s21;
	s21 =	rddreg [dreg:$0x6]  }
0x299: {  	v15 =	vcvt.f32.s32 v8;
	v8 =	vand.u32 $0xF, v7;
	v16 =	vld [tilespmem:$0x80];
	[tilespmem:s19+$0x0] =	vst v14;
	s19 =	sld [smem:$0x7F4]  }
0x29a: {  	v13 =	vperm.xlane v13, v8;
	[smem:$0x7B7] =	sst s23;
	v7 =	vld [tilespmem:s21+$0x1000];
	s23 =	smov.u32 s17;
	s17 =	smov.u32 s0;
	[tilespmem:s24+$0x6200] =	vst v11  }
0x29b: {  	v10 =	vperm.xlane v10, v1;
	[dreg:$0x18] =	wrdreg s17;
	s17 =	sor.u32 $0x8000, s9;
	v11 =	vld [tilespmem:s7+$0x2000]  }
0x29c: {  	v12 =	vperm.xlane v12, v4;
	[tilespmem:s16+$0x5000] =	vst v13;
	v13 =	vld [tilespmem:$0x680];
	s21 =	smov.u32 s19;
	s19 =	sor.u32 s5, s17  }
0x29d: {  	v14 =	vperm.xlane v17, v2;
	v55 =	vld [tilespmem:$0x80];
	[tilespmem:s19+$0x0] =	vst v10  }
0x29e: {  	v15 =	vand.u32 $0xF, v15;
	v10 =	vperm.xlane v18, v0;
	[smem:$0x7C7] =	sst s21;
	[tilespmem:s21+$0x5000] =	vst v12;
	s21 =	sor.u32 $0x9300, s28;
	v12 =	vld [tilespmem:$0xC80]  }
0x29f: {  	v0 =	vmovc v2;
	v2 =	vmov v5;
	v5 =	vmov v15;
	v15 =	vperm.xlane v16, v9;
	v56 =	vld [tilespmem:$0x600];
	[tilespmem:s13+$0x0] =	vst v14;
	s19 =	sor.u32 s29, s21  }
0x2a0: {  	[tilespmem:s19+$0x0] =	vst v11  }
0x2a1: {  	v14 =	vld [tilespmem:$0xB00];
	[tilespmem:s18+$0x5080] =	vst v15  }
0x2a2: {  	[dreg:$0x6] =	wrdreg s23;
	v11 =	vperm.xlane v13, v3;
	v13 =	vld [tilespmem:s7+$0x2080]  }
0x2a3: {  	s23 =	smov.u32 s2;
	s2 =	sor.u32 s3, s17;
	s17 =	rddreg [dreg:$0x4];
	[tilespmem:s15+$0x0] =	vst v10;
	v15 =	vperm.xlane v55, v8;
	v57 =	vld [tilespmem:$0x100]  }
0x2a4: {  	s1 =	sor.u32 $0x8080, s9;
	[tilespmem:s24+$0x6280] =	vst v11;
	v11 =	vld [tilespmem:s17+$0x1100];
	v10 =	vperm.xlane v12, v1  }
0x2a5: {  	s13 =	sor.u32 $0x9380, s28;
	s15 =	sor.u32 s5, s1;
	[tilespmem:s16+$0x5080] =	vst v15;
	v15 =	vld [tilespmem:$0x700]  }
0x2a6: {  	s19 =	sor.u32 s3, s1;
	s1 =	sor.u32 s29, s13;
	v12 =	vperm.xlane v56, v4;
	v58 =	vld [tilespmem:$0x100];
	[tilespmem:s15+$0x0] =	vst v10  }
0x2a7: {  	v14 =	vperm.xlane v14, v0;
	v10 =	vld [tilespmem:$0xD00];
	[tilespmem:s1+$0x0] =	vst v13  }
0x2a8: {  	s6 =	sor.u32 s3, s6;
	[tilespmem:s11+$0x6200] =	vst v12;
	v13 =	vperm.xlane v57, v9;
	v12 =	vld [tilespmem:s7+$0x2100]  }
0x2a9: {  	[smem:$0x7F4] =	sst s23;
	s23 =	sor.u32 s25, s21;
	v59 =	vld [tilespmem:$0x680];
	[tilespmem:s6+$0x0] =	vst v14  }
0x2aa: {  	[smem:$0x7A3] =	sst s23;
	s21 =	sor.u32 s25, s13;
	[tilespmem:s18+$0x5100] =	vst v13;
	v13 =	vperm.xlane v15, v3  }
0x2ab: {  	s23 =	sor.u32 $0x1300, s10;
	[smem:$0x7A6] =	sst s21;
	s13 =	sor.u32 $0xA000, s28;
	v14 =	vld [tilespmem:$0xB80];
	[tilespmem:s31+$0x0] =	vst v11  }
0x2ac: {  	s15 =	sor.u32 $0x8100, s9;
	s1 =	sor.u32 s25, s13;
	s13 =	sor.u32 s29, s13;
	v60 =	vld [tilespmem:$0x180];
	[tilespmem:s23+$0x5000] =	vst v13;
	v10 =	vperm.xlane v10, v1  }
0x2ad: {  	s21 =	rddreg [dreg:$0x12];
	s6 =	sor.u32 s3, s15;
	s15 =	sor.u32 s5, s15;
	v15 =	vperm.xlane v58, v8;
	v13 =	vld [tilespmem:$0x780];
	[tilespmem:s13+$0x0] =	vst v12  }
0x2ae: {  	v11 =	vld [tilespmem:s21+$0x1000];
	[tilespmem:s15+$0x0] =	vst v10  }
0x2af: {  	s0 =	sld [smem:$0x7AE];
	[tilespmem:s16+$0x5100] =	vst v15;
	v12 =	vperm.xlane v59, v4;
	v10 =	vld [tilespmem:s7+$0x2180]  }
0x2b0: {  	v14 =	vperm.xlane v14, v0;
	v61 =	vld [tilespmem:$0x180]  }
0x2b1: {  	[smem:$0x7EB] =	sst s1;
	v15 =	vld [tilespmem:$0xD80];
	v16 =	vperm.xlane v60, v9;
	[tilespmem:s11+$0x6280] =	vst v12  }
0x2b2: {  	s1 =	sor.u32 $0xA080, s28;
	s13 =	smov.u32 s0;
	s15 =	sld [smem:$0x7CE];
	v12 =	vld [tilespmem:$0x700];
	[tilespmem:s22+$0x0] =	vst v14  }
0x2b3: {  	[dreg:$0x12] =	wrdreg s13;
	s13 =	sor.u32 s29, s1;
	[tilespmem:s18+$0x5180] =	vst v16;
	v13 =	vperm.xlane v13, v3  }
0x2b4: {  	s0 =	smov.u32 s8;
	s8 =	sor.u32 $0x1380, s10;
	s22 =	sld [smem:$0x7F5];
	v3 =	vmov v9;
	v9 =	vld [tilespmem:$0x200];
	[tilespmem:s13+$0x0] =	vst v10  }
0x2b5: {  	[smem:$0x7A1] =	sst s11;
	s21 =	smov.u32 s15;
	v14 =	vld [tilespmem:$0xC00];
	[tilespmem:s8+$0x5000] =	vst v13  }
0x2b6: {  	[smem:$0x7AE] =	sst s21;
	s21 =	sor.u32 $0x8180, s9;
	v10 =	vperm.xlane v15, v1;
	v13 =	vld [tilespmem:s7+$0x2200]  }
0x2b7: {  	[smem:$0x7CE] =	sst s0;
	s10 =	sor.u32 s5, s21;
	[tilespmem:s22+$0x0] =	vst v11;
	v15 =	vperm.xlane v61, v8  }
0x2b8: {  	s11 =	sor.u32 s25, s1;
	s1 =	sor.u32 $0xA100, s28;
	s22 =	rddreg [dreg:$0xe];
	v11 =	vperm.xlane v12, v4;
	v16 =	vld [tilespmem:$0x800];
	[tilespmem:s10+$0x0] =	vst v10  }
0x2b9: {  	v6 =	vtrunc.f32 v6;
	s13 =	sor.u32 s25, s1;
	v10 =	vld [tilespmem:s17+$0x1200];
	[tilespmem:s0+$0x5000] =	vst v15;
	s10 =	sor.u32 s29, s1;
	s1 =	sld [smem:$0x7C1]  }
0x2ba: {  	v6 =	vcvt.f32.s32 v6;
	v15 =	vld [tilespmem:$0x200];
	v62 =	vperm.xlane v9, v3;
	[tilespmem:s12+$0x5000] =	vst v11;
	s12 =	smov.u32 s24;
	s24 =	sld [smem:$0x7C2]  }
0x2bb: {  	v12 =	vperm.xlane v14, v0;
	v14 =	vld [tilespmem:$0xE00];
	[dreg:$0xe] =	wrdreg s12;
	[tilespmem:s10+$0x0] =	vst v13  }
0x2bc: {  	s31 =	smov.u32 s18;
	v9 =	vand.u32 $0xF, v6;
	v11 =	vld [tilespmem:$0x780];
	s12 =	sld [smem:$0x7C3];
	[tilespmem:s18+$0x5200] =	vst v62  }
0x2bd: {  	s15 =	sor.u32 s3, s21;
	s0 =	smov.u32 s22;
	s21 =	sor.u32 $0x7000, s1;
	v6 =	vperm.xlane v16, v9;
	v13 =	vld [tilespmem:s7+$0x2280]  }
0x2be: {  	s22 =	sld [smem:$0x799];
	[tilespmem:s2+$0x0] =	vst v12;
	s10 =	sor.u32 s24, s21;
	s18 =	sor.u32 $0x8200, s9;
	v63 =	vld [tilespmem:$0x280]  }
0x2bf: {  	s30 =	sor.u32 s12, s21;
	[tilespmem:s10+$0x0] =	vst v6;
	v6 =	vld [tilespmem:$0xC80];
	s21 =	sor.u32 s3, s18  }
0x2c0: {  	v12 =	vperm.xlane v14, v1;
	[smem:$0x7A2] =	sst s21  }
0x2c1: {  	v14 =	vperm.xlane v15, v8;
	s2 =	sor.u32 s5, s18;
	[tilespmem:s22+$0x0] =	vst v10;
	v15 =	vld [tilespmem:$0x880];
	s21 =	sld [smem:$0x7C9]  }
0x2c2: {  	[smem:$0x7D3] =	sst s4;
	v10 =	vperm.xlane v11, v4;
	[tilespmem:s2+$0x0] =	vst v12;
	v11 =	vld [tilespmem:s17+$0x1280]  }
0x2c3: {  	s7 =	sor.u32 $0xA180, s28;
	v4 =	vmov v8;
	s18 =	sld [smem:$0x7AB];
	[tilespmem:s16+$0x5200] =	vst v14;
	v8 =	vld [tilespmem:$0xE80]  }
0x2c4: {  	s10 =	sor.u32 s29, s7;
	v14 =	vld [tilespmem:$0x280];
	[tilespmem:s4+$0x5000] =	vst v10;
	s22 =	smov.u32 s21;
	s21 =	sor.u32 $0x7080, s1;
	v6 =	vperm.xlane v6, v0  }
0x2c5: {  	v10 =	vld [tilespmem:$0x800];
	[tilespmem:s10+$0x0] =	vst v13;
	[smem:$0x7AB] =	sst s22;
	s22 =	sor.u32 s12, s21;
	s10 =	sor.u32 s24, s21  }
0x2c6: {  	v13 =	vld [tilespmem:s18+$0x1000];
	s18 =	smov.u32 s23;
	s23 =	sld [smem:$0x7D6];
	[tilespmem:s19+$0x0] =	vst v6;
	s19 =	sor.u32 $0xA200, s28  }
0x2c7: {  	v12 =	vperm.xlane v63, v3;
	[smem:$0x7C9] =	sst s18;
	s21 =	sor.u32 s29, s19;
	s19 =	sor.u32 s25, s19  }
0x2c8: {  	s2 =	sor.u32 s25, s7;
	s7 =	sor.u32 $0x8280, s9;
	[smem:$0x7F0] =	sst s19  }
0x2c9: {  	[tilespmem:s31+$0x5280] =	vst v12;
	v12 =	vperm.xlane v15, v9;
	s18 =	sor.u32 s3, s7;
	s4 =	sadd.s32 $0x1, s23;
	s23 =	sld [smem:$0x7CC]  }
0x2ca: {  	s19 =	smov.u32 s8;
	[smem:$0x7D6] =	sst s4;
	s4 =	sand.u32 $0x3, s4  }
0x2cb: {  	v8 =	vperm.xlane v8, v1;
	v15 =	vld [tilespmem:$0x300];
	[tilespmem:s10+$0x0] =	vst v12;
	s10 =	sor.u32 s5, s7;
	[smem:$0x7CC] =	sst s19;
	s7 =	sshll.u32 s4, $0x5  }
0x2cc: {  	v12 =	vld [tilespmem:$0x900];
	[tilespmem:s21+$0x0] =	vst v13;
	s21 =	sld [smem:$0x7AD];
	s4 =	smov.u32 s23;
	s7 =	sadd.s32 s7, s20  }
0x2cd: {  	[tilespmem:s10+$0x0] =	vst v8;
	s10 =	sld [smem:$0x79A];
	s23 =	sor.u32 $0xA280, s28;
	s28 =	smov.u32 s9  }
0x2ce: {  	[smem:$0x7AD] =	sst s4;
	s19 =	sor.u32 $0x300, s7;
	s9 =	sor.u32 s25, s23  }
0x2cf: {  	v6 =	vld [tilespmem:$0xD00];
	v13 =	vperm.xlane v14, v4;
	s25 =	smov.u32 s3;
	s3 =	smov.u32 s12;
	s12 =	sld [smem:$0x79B]  }
0x2d0: {  	s4 =	sor.u32 s29, s23;
	v8 =	vld [tilespmem:s21+$0x1000];
	s21 =	smov.u32 s20;
	s20 =	rddreg [dreg:$0x16];
	[tilespmem:s10+$0x0] =	vst v11  }
0x2d1: {  	v10 =	vperm.xlane v10, v2;
	v14 =	vld [tilespmem:$0xF00];
	s23 =	smov.u32 s14;
	[smem:$0x7F2] =	sst s9;
	s10 =	sadd.s32 $0x10, s7;
	[tilespmem:s16+$0x5280] =	vst v13  }
0x2d2: {  	s8 =	sor.u32 $0x1300, s7;
	[smem:$0x7C3] =	sst s23;
	v11 =	vperm.xlane v15, v3;
	s7 =	sor.u32 $0x300, s10;
	v13 =	vld [tilespmem:s20+$0x1000]  }
0x2d3: {  	s14 =	smov.u32 s12;
	v15 =	vld [tilespmem:$0x300];
	[tilespmem:s30+$0x0] =	vst v10;
	[smem:$0x7D8] =	sst s7  }
0x2d4: {  	v10 =	vperm.xlane v6, v0;
	v6 =	vld [tilespmem:s31+$0x1080];
	[tilespmem:s7+$0x5000] =	vst v11;
	s20 =	sor.u32 $0x7100, s1;
	[smem:$0x7C1] =	sst s14  }
0x2d5: {  	s9 =	sor.u32 $0x8300, s28;
	v12 =	vperm.xlane v12, v9;
	s14 =	sld [smem:$0x7DC];
	s7 =	sor.u32 s24, s20;
	[tilespmem:s4+$0x0] =	vst v8  }
0x2d6: {  	v11 =	vld [tilespmem:$0x880];
	[tilespmem:s6+$0x0] =	vst v10;
	v10 =	vperm.xlane v14, v1;
	s4 =	sor.u32 s25, s9;
	s6 =	sor.u32 s5, s9;
	s9 =	sld [smem:$0x7B8]  }
0x2d7: {  	s23 =	sor.u32 s3, s20;
	s20 =	sld [smem:$0x79C];
	v8 =	vld [tilespmem:$0x380];
	[tilespmem:s7+$0x0] =	vst v12  }
0x2d8: {  	v14 =	vperm.xlane v15, v4;
	v15 =	vld [tilespmem:$0x980];
	[tilespmem:s6+$0x0] =	vst v10;
	s6 =	sld [smem:$0x79D]  }
0x2d9: {  	s12 =	smov.u32 s9;
	s9 =	sld [smem:$0x7BA]  }
0x2da: {  	v12 =	vld [tilespmem:$0xD80];
	[tilespmem:s20+$0x0] =	vst v13;
	s20 =	smov.u32 s14;
	s14 =	sld [smem:$0x7E1]  }
0x2db: {  	[dreg:$0x16] =	wrdreg s12  }
0x2dc: {  	[smem:$0x7B8] =	sst s20;
	s7 =	smov.u32 s6  }
0x2dd: {  	[smem:$0x7C2] =	sst s7  }
0x2de: {  	s12 =	smov.u32 s9;
	s7 =	rddreg [dreg:$0x14]  }
0x2df: {  	s20 =	smov.u32 s14;
	[dreg:$0x14] =	wrdreg s12  }
0x2e0: {  	[tilespmem:s19+$0x5000] =	vst v14;
	[smem:$0x7BA] =	sst s20  }
0x2e1: {  	v8 =	vperm.xlane v8, v3;
	s12 =	smov.u32 s11;
	v13 =	vld [tilespmem:s7+$0x1000];
	s7 =	sld [smem:$0x7ED]  }
0x2e2: {  	s20 =	sor.u32 $0x380, s10;
	[smem:$0x7ED] =	sst s12  }
0x2e3: {  	v10 =	vld [tilespmem:$0xF80];
	v11 =	vperm.xlane v11, v2;
	s12 =	sld [smem:$0x7C8];
	[tilespmem:s20+$0x5000] =	vst v8  }
0x2e4: {  	v14 =	vld [tilespmem:$0x380];
	[tilespmem:s7+$0x0] =	vst v7  }
0x2e5: {  	s29 =	smov.u32 s5;
	s30 =	smov.u32 s1;
	s5 =	smov.u32 s24;
	v7 =	vperm.xlane v12, v0;
	v12 =	vperm.xlane v15, v9;
	v15 =	vld [tilespmem:$0x400];
	[tilespmem:s22+$0x0] =	vst v11  }
0x2e6: {  	s14 =	smov.u32 s19;
	s19 =	sld [smem:$0x79F];
	s22 =	sor.u32 $0x7180, s30;
	v11 =	vld [tilespmem:s12+$0x2200]  }
0x2e7: {  	s6 =	sld [smem:$0x79E];
	v8 =	vld [tilespmem:$0x900];
	s7 =	sor.u32 s5, s22;
	[tilespmem:s15+$0x0] =	vst v7  }
0x2e8: {  	s1 =	sor.u32 $0x8380, s28;
	[smem:$0x7DC] =	sst s14;
	v7 =	vperm.xlane v10, v1;
	[tilespmem:s7+$0x0] =	vst v12  }
0x2e9: {  	s14 =	sor.u32 s29, s1;
	[smem:$0x7DD] =	sst s20;
	v1 =	vmov v9;
	v10 =	vperm.xlane v14, v4;
	v9 =	vld [tilespmem:$0xE00];
	[tilespmem:s19+$0x0] =	vst v13  }
0x2ea: {  	s20 =	sld [smem:$0x7EE];
	s9 =	smov.u32 s6;
	v12 =	vld [tilespmem:$0xA00];
	[tilespmem:s14+$0x0] =	vst v7  }
0x2eb: {  	s11 =	rddreg [dreg:$0x10];
	[tilespmem:s9+$0x5000] =	vst v10;
	v7 =	vld [tilespmem:s0+$0x1100]  }
0x2ec: {  	[smem:$0x7E1] =	sst s9;
	s6 =	sor.u32 s3, s22;
	s22 =	smov.u32 s13;
	v10 =	vld [tilespmem:s17+$0x2000];
	v14 =	vperm.xlane v15, v3  }
0x2ed: {  	s15 =	sor.u32 s25, s1;
	[smem:$0x7EE] =	sst s22;
	v13 =	vld [tilespmem:$0x400];
	v8 =	vperm.xlane v8, v2;
	[tilespmem:s20+$0x0] =	vst v11  }
0x2ee: {  	s1 =	sor.u32 $0x9000, s28;
	s19 =	smov.u32 s17;
	s17 =	sld [smem:$0x7A1];
	[tilespmem:s31+$0x6000] =	vst v14  }
0x2ef: {  	s13 =	sor.u32 $0x7200, s30;
	s7 =	sor.u32 s29, s1;
	s22 =	sld [smem:$0x7A2];
	v14 =	vld [tilespmem:$0x480];
	[tilespmem:s23+$0x0] =	vst v8;
	v12 =	vperm.xlane v12, v1  }
0x2f0: {  	s14 =	sor.u32 s5, s13;
	s9 =	sld [smem:$0x7A3];
	v8 =	vperm.xlane v9, v0;
	v9 =	vld [tilespmem:s12+$0x2280];
	[tilespmem:s7+$0x0] =	vst v7  }
0x2f1: {  	s20 =	smov.u32 s17;
	s17 =	rddreg [dreg:$0x8];
	v11 =	vld [tilespmem:$0x980];
	[tilespmem:s14+$0x0] =	vst v12  }
0x2f2: {  	s24 =	smov.u32 s31;
	s23 =	sld [smem:$0x7A0];
	v12 =	vperm.xlane v13, v4;
	[tilespmem:s22+$0x0] =	vst v8;
	v7 =	vld [tilespmem:s0+$0x1180]  }
0x2f3: {  	s31 =	sor.u32 s25, s1;
	s1 =	smov.u32 s16;
	s14 =	sld [smem:$0x7EF];
	v8 =	vld [tilespmem:$0xE80];
	[tilespmem:s9+$0x0] =	vst v10  }
0x2f4: {  	[dreg:$0x10] =	wrdreg s20;
	s12 =	smov.u32 s11;
	v13 =	vld [tilespmem:$0xA80];
	[tilespmem:s1+$0x6000] =	vst v12  }
0x2f5: {  	[dreg:$0x4] =	wrdreg s12;
	s12 =	sor.u32 $0x9080, s28;
	v15 =	vld [tilespmem:s19+$0x2080]  }
0x2f6: {  	s16 =	smov.u32 s2;
	s20 =	rddreg [dreg:$0x1c];
	s7 =	sor.u32 s29, s12;
	v12 =	vperm.xlane v14, v3;
	v10 =	vperm.xlane v11, v2;
	v11 =	vld [tilespmem:$0x480];
	[tilespmem:s14+$0x0] =	vst v9  }
0x2f7: {  	[smem:$0x7EF] =	sst s16;
	s22 =	smov.u32 s20;
	[tilespmem:s7+$0x0] =	vst v7  }
0x2f8: {  	s11 =	sor.u32 s3, s13;
	[dreg:$0x8] =	wrdreg s22;
	s7 =	smov.u32 s0;
	v7 =	vld [tilespmem:s17+$0x1000];
	[tilespmem:s24+$0x6080] =	vst v12  }
0x2f9: {  	s13 =	sor.u32 s25, s12;
	s12 =	sld [smem:$0x7CF];
	s17 =	sor.u32 $0x7280, s30;
	v9 =	vperm.xlane v13, v1;
	v13 =	vld [tilespmem:s7+$0x1200]  }
0x2fa: {  	s22 =	sld [smem:$0x7A6];
	[tilespmem:s6+$0x0] =	vst v10;
	v8 =	vperm.xlane v8, v0;
	s2 =	sor.u32 s5, s17;
	v14 =	vld [tilespmem:$0x500]  }
.Ltmp4:
0x2fb: {  	s14 =	sld [smem:$0x7A5];
	v12 =	vld [tilespmem:$0xA00];
	[tilespmem:s2+$0x0] =	vst v9;
	(pc) =	sbr.rel @p1 .LBB2_3-.Ltmp4, $4  }
0x2fc: {  	s26 =	sadd.s32 $0x20, s26;
	s9 =	sld [smem:$0x7A4];
	[tilespmem:s18+$0x0] =	vst v8;
	s18 =	sor.u32 $0x9100, s28;
	v10 =	vperm.xlane v11, v4;
	v11 =	vld [tilespmem:$0xB00]  }
0x2fd: {  	[smem:$0x7F5] =	sst s13;
	s13 =	smov.u32 s12;
	v9 =	vld [tilespmem:$0xF00];
	s2 =	sor.u32 s29, s18;
	[tilespmem:s22+$0x0] =	vst v15  }
0x2fe: {  	[dreg:$0x1c] =	wrdreg s13;
	s0 =	smov.u32 s8;
	s16 =	smov.u32 s14;
	v8 =	vld [tilespmem:s19+$0x2100];
	[tilespmem:s2+$0x0] =	vst v13  }
0x2ff: {  	s13 =	sor.u32 s3, s17;
	[smem:$0x7CF] =	sst s16;
	s20 =	sor.u32 s25, s18;
	[tilespmem:s1+$0x6080] =	vst v10;
	v13 =	vperm.xlane v14, v3;
	v10 =	vld [tilespmem:s7+$0x1280]  }
0x300: {  	v14 =	vld [tilespmem:$0x500];
	_ =	sdelay $0x2  }
0x301: {  	[tilespmem:s24+$0x6100] =	vst v13  }
0x302: {  	v63 =	vld [tilespmem:$0x580]  }
0x303: {  	v62 =	vperm.xlane v14, v4;
	_ =	sdelay $0x1  }
0x304: {  	[tilespmem:s1+$0x6100] =	vst v62  }
0x305: {  	v13 =	vld [tilespmem:$0x580]  }
0x306: {  	v14 =	vperm.xlane v63, v3;
	_ =	sdelay $0x1  }
0x307: {  	[tilespmem:s24+$0x6180] =	vst v14  }
0x308: {  	s9 =	sld [smem:$0x7F4]  }
0x309: {  	v13 =	vperm.xlane v13, v4  }
0x30a: {  	v14 =	vld [tilespmem:$0x600]  }
0x30b: {  	[tilespmem:s9+$0x5000] =	vst v13  }
0x30c: {  	v13 =	vld [tilespmem:$0x600];
	_ =	sdelay $0x2  }
0x30d: {  	v14 =	vperm.xlane v14, v3;
	_ =	sdelay $0x1  }
0x30e: {  	[tilespmem:s24+$0x6200] =	vst v14;
	v13 =	vperm.xlane v13, v4  }
0x30f: {  	v14 =	vld [tilespmem:$0x680]  }
0x310: {  	[tilespmem:s1+$0x6200] =	vst v13  }
0x311: {  	v13 =	vld [tilespmem:$0x680];
	_ =	sdelay $0x2  }
0x312: {  	v14 =	vperm.xlane v14, v3;
	_ =	sdelay $0x1  }
0x313: {  	[tilespmem:s24+$0x6280] =	vst v14;
	v13 =	vperm.xlane v13, v4  }
0x314: {  	v14 =	vld [tilespmem:$0x700]  }
0x315: {  	[tilespmem:s1+$0x6280] =	vst v13  }
0x316: {  	v13 =	vld [tilespmem:$0x700];
	_ =	sdelay $0x2  }
0x317: {  	v14 =	vperm.xlane v14, v3  }
0x318: {  	s21 =	sor.u32 $0x1300, s10  }
0x319: {  	[tilespmem:s21+$0x5000] =	vst v14;
	v13 =	vperm.xlane v13, v4  }
0x31a: {  	v14 =	vld [tilespmem:$0x780]  }
0x31b: {  	[tilespmem:s0+$0x5000] =	vst v13  }
0x31c: {  	v13 =	vld [tilespmem:$0x780];
	_ =	sdelay $0x2  }
0x31d: {  	v15 =	vperm.xlane v14, v3  }
0x31e: {  	s22 =	smov.u32 s1;
	s1 =	sor.u32 $0x1380, s10  }
0x31f: {  	[tilespmem:s1+$0x5000] =	vst v15;
	v16 =	vperm.xlane v13, v4  }
0x320: {  	v17 =	vld [tilespmem:$0x800]  }
0x321: {  	v6 =	vtrunc.f32 v6;
	[tilespmem:s23+$0x5000] =	vst v16  }
0x322: {  	v18 =	vcvt.f32.s32 v6;
	s12 =	sld [smem:$0x7C1]  }
0x323: {  	s18 =	sld [smem:$0x7C2]  }
0x324: {  	v3 =	vand.u32 $0xF, v18  }
0x325: {  	v4 =	vperm.xlane v17, v3;
	v19 =	vld [tilespmem:$0x800];
	s2 =	sor.u32 $0x7000, s12  }
0x326: {  	s6 =	sor.u32 s18, s2  }
0x327: {  	[tilespmem:s6+$0x0] =	vst v4  }
0x328: {  	s17 =	sld [smem:$0x7C3];
	_ =	sdelay $0x1  }
0x329: {  	v20 =	vperm.xlane v19, v5  }
0x32a: {  	s2 =	sor.u32 s17, s2  }
0x32b: {  	v21 =	vld [tilespmem:$0x880];
	[tilespmem:s2+$0x0] =	vst v20  }
0x32c: {  	v4 =	vld [tilespmem:$0x880];
	_ =	sdelay $0x3  }
0x32d: {  	s16 =	sor.u32 $0x7080, s12;
	v6 =	vperm.xlane v21, v3  }
0x32e: {  	s26 =	sor.u32 s18, s16;
	v4 =	vperm.xlane v4, v5  }
0x32f: {  	s2 =	sor.u32 s17, s16;
	[tilespmem:s26+$0x0] =	vst v6  }
0x330: {  	v6 =	vld [tilespmem:$0x900];
	[tilespmem:s2+$0x0] =	vst v4  }
0x331: {  	v4 =	vld [tilespmem:$0x900];
	_ =	sdelay $0x3  }
0x332: {  	s8 =	sor.u32 $0x7100, s12;
	v6 =	vperm.xlane v6, v3  }
0x333: {  	s10 =	sor.u32 s18, s8;
	v4 =	vperm.xlane v4, v5  }
0x334: {  	s2 =	sor.u32 s17, s8;
	[tilespmem:s10+$0x0] =	vst v6  }
0x335: {  	v6 =	vld [tilespmem:$0x980];
	[tilespmem:s2+$0x0] =	vst v4  }
0x336: {  	v4 =	vld [tilespmem:$0x980];
	_ =	sdelay $0x3  }
0x337: {  	s14 =	sor.u32 $0x7180, s12;
	v6 =	vperm.xlane v6, v3  }
0x338: {  	s16 =	sor.u32 s18, s14;
	v4 =	vperm.xlane v4, v5  }
0x339: {  	s2 =	sor.u32 s17, s14;
	[tilespmem:s16+$0x0] =	vst v6  }
0x33a: {  	v6 =	vld [tilespmem:$0xA00];
	[tilespmem:s2+$0x0] =	vst v4  }
0x33b: {  	v4 =	vld [tilespmem:$0xA00];
	_ =	sdelay $0x2  }
0x33c: {  	v12 =	vperm.xlane v12, v2  }
0x33d: {  	s26 =	sor.u32 $0x7200, s12;
	v6 =	vperm.xlane v6, v3  }
0x33e: {  	[tilespmem:s11+$0x0] =	vst v12;
	s8 =	sor.u32 s18, s26;
	v4 =	vperm.xlane v4, v5  }
0x33f: {  	v22 =	vld [tilespmem:$0xA80];
	s2 =	sor.u32 s17, s26;
	[tilespmem:s8+$0x0] =	vst v6  }
0x340: {  	v6 =	vld [tilespmem:$0xA80];
	[tilespmem:s2+$0x0] =	vst v4  }
0x341: {  	v23 =	vld [tilespmem:$0xA80];
	_ =	sdelay $0x2  }
0x342: {  	v4 =	vperm.xlane v22, v2  }
0x343: {  	s10 =	sor.u32 $0x7280, s12;
	v6 =	vperm.xlane v6, v3  }
0x344: {  	s11 =	sor.u32 s18, s10;
	[tilespmem:s13+$0x0] =	vst v4;
	v24 =	vperm.xlane v23, v5  }
0x345: {  	s2 =	sor.u32 s17, s10;
	[tilespmem:s11+$0x0] =	vst v6;
	v26 =	vld [tilespmem:$0xB00]  }
0x346: {  	v25 =	vld [tilespmem:$0xB00];
	[tilespmem:s2+$0x0] =	vst v24  }
0x347: {  	v27 =	vld [tilespmem:$0xB00];
	_ =	sdelay $0x1  }
0x348: {  	v11 =	vperm.xlane v11, v1;
	s13 =	sor.u32 $0x7300, s30  }
0x349: {  	s16 =	sor.u32 s5, s13;
	v6 =	vperm.xlane v26, v2  }
0x34a: {  	s26 =	sor.u32 $0x7300, s12;
	[tilespmem:s16+$0x0] =	vst v11;
	s2 =	sor.u32 s3, s13;
	v4 =	vperm.xlane v25, v3  }
0x34b: {  	s8 =	sor.u32 s18, s26;
	v11 =	vld [tilespmem:$0xB80];
	[tilespmem:s2+$0x0] =	vst v6;
	v28 =	vperm.xlane v27, v5  }
0x34c: {  	s10 =	sor.u32 s17, s26;
	[tilespmem:s8+$0x0] =	vst v4;
	v30 =	vld [tilespmem:$0xB80]  }
0x34d: {  	v29 =	vld [tilespmem:$0xB80];
	[tilespmem:s10+$0x0] =	vst v28  }
0x34e: {  	v31 =	vld [tilespmem:$0xB80];
	_ =	sdelay $0x1  }
0x34f: {  	s11 =	sor.u32 $0x7380, s30;
	v11 =	vperm.xlane v11, v1  }
0x350: {  	s13 =	sor.u32 s5, s11;
	v4 =	vperm.xlane v30, v2  }
0x351: {  	s16 =	sor.u32 $0x7380, s12;
	s2 =	sor.u32 s3, s11;
	[tilespmem:s13+$0x0] =	vst v11;
	v6 =	vperm.xlane v29, v3  }
0x352: {  	s26 =	sor.u32 s18, s16;
	v11 =	vld [tilespmem:$0xC00];
	[tilespmem:s2+$0x0] =	vst v4;
	v32 =	vperm.xlane v31, v5  }
0x353: {  	s14 =	smov.u32 s7;
	s7 =	sor.u32 s17, s16;
	[tilespmem:s26+$0x0] =	vst v6;
	v34 =	vld [tilespmem:$0xC00]  }
0x354: {  	v33 =	vld [tilespmem:$0xC00];
	[tilespmem:s7+$0x0] =	vst v32  }
0x355: {  	v35 =	vld [tilespmem:$0xC00];
	_ =	sdelay $0x1  }
0x356: {  	s8 =	sor.u32 $0x8000, s30;
	v11 =	vperm.xlane v11, v1  }
0x357: {  	s10 =	sor.u32 s5, s8;
	v6 =	vperm.xlane v34, v2  }
0x358: {  	s11 =	sor.u32 $0x8000, s12;
	s2 =	sor.u32 s3, s8;
	[tilespmem:s10+$0x0] =	vst v11;
	v4 =	vperm.xlane v33, v3  }
0x359: {  	s13 =	sor.u32 s18, s11;
	v11 =	vld [tilespmem:$0xC80];
	[tilespmem:s2+$0x0] =	vst v6;
	v36 =	vperm.xlane v35, v5  }
0x35a: {  	s16 =	sor.u32 s17, s11;
	[tilespmem:s13+$0x0] =	vst v4;
	v38 =	vld [tilespmem:$0xC80]  }
0x35b: {  	v37 =	vld [tilespmem:$0xC80];
	[tilespmem:s16+$0x0] =	vst v36  }
0x35c: {  	v39 =	vld [tilespmem:$0xC80];
	_ =	sdelay $0x1  }
0x35d: {  	s26 =	sor.u32 $0x8080, s30;
	v11 =	vperm.xlane v11, v1  }
0x35e: {  	s7 =	sor.u32 s5, s26;
	v4 =	vperm.xlane v38, v2  }
0x35f: {  	s8 =	sor.u32 $0x8080, s12;
	s2 =	sor.u32 s3, s26;
	[tilespmem:s7+$0x0] =	vst v11;
	v6 =	vperm.xlane v37, v3  }
0x360: {  	s10 =	sor.u32 s18, s8;
	v11 =	vld [tilespmem:$0xD00];
	[tilespmem:s2+$0x0] =	vst v4;
	v40 =	vperm.xlane v39, v5  }
0x361: {  	s11 =	sor.u32 s17, s8;
	[tilespmem:s10+$0x0] =	vst v6;
	v42 =	vld [tilespmem:$0xD00]  }
0x362: {  	v41 =	vld [tilespmem:$0xD00];
	[tilespmem:s11+$0x0] =	vst v40  }
0x363: {  	v43 =	vld [tilespmem:$0xD00];
	_ =	sdelay $0x1  }
0x364: {  	s13 =	sor.u32 $0x8100, s30;
	v11 =	vperm.xlane v11, v1  }
0x365: {  	s16 =	sor.u32 s5, s13;
	v6 =	vperm.xlane v42, v2  }
0x366: {  	s26 =	sor.u32 $0x8100, s12;
	s2 =	sor.u32 s3, s13;
	[tilespmem:s16+$0x0] =	vst v11;
	v4 =	vperm.xlane v41, v3  }
0x367: {  	s8 =	sor.u32 s18, s26;
	v11 =	vld [tilespmem:$0xD80];
	[tilespmem:s2+$0x0] =	vst v6;
	v44 =	vperm.xlane v43, v5  }
0x368: {  	s10 =	sor.u32 s17, s26;
	[tilespmem:s8+$0x0] =	vst v4;
	v46 =	vld [tilespmem:$0xD80]  }
0x369: {  	v45 =	vld [tilespmem:$0xD80];
	[tilespmem:s10+$0x0] =	vst v44  }
0x36a: {  	v47 =	vld [tilespmem:$0xD80];
	_ =	sdelay $0x1  }
0x36b: {  	s11 =	sor.u32 $0x8180, s30;
	v11 =	vperm.xlane v11, v1  }
0x36c: {  	s13 =	sor.u32 s5, s11;
	v4 =	vperm.xlane v46, v2  }
0x36d: {  	s16 =	sor.u32 $0x8180, s12;
	s2 =	sor.u32 s3, s11;
	[tilespmem:s13+$0x0] =	vst v11;
	v6 =	vperm.xlane v45, v3  }
0x36e: {  	s26 =	sor.u32 s18, s16;
	v11 =	vld [tilespmem:$0xE00];
	[tilespmem:s2+$0x0] =	vst v4;
	v48 =	vperm.xlane v47, v5  }
0x36f: {  	s7 =	sor.u32 s17, s16;
	[tilespmem:s26+$0x0] =	vst v6;
	v50 =	vld [tilespmem:$0xE00]  }
0x370: {  	v49 =	vld [tilespmem:$0xE00];
	[tilespmem:s7+$0x0] =	vst v48  }
0x371: {  	v51 =	vld [tilespmem:$0xE00];
	_ =	sdelay $0x1  }
0x372: {  	s8 =	sor.u32 $0x8200, s30;
	v11 =	vperm.xlane v11, v1  }
0x373: {  	s10 =	sor.u32 s5, s8;
	v6 =	vperm.xlane v50, v2  }
0x374: {  	s11 =	sor.u32 $0x8200, s12;
	s2 =	sor.u32 s3, s8;
	[tilespmem:s10+$0x0] =	vst v11;
	v4 =	vperm.xlane v49, v3  }
0x375: {  	s13 =	sor.u32 s18, s11;
	v11 =	vld [tilespmem:$0xE80];
	[tilespmem:s2+$0x0] =	vst v6;
	v52 =	vperm.xlane v51, v5  }
0x376: {  	s16 =	sor.u32 s17, s11;
	[tilespmem:s13+$0x0] =	vst v4;
	v54 =	vld [tilespmem:$0xE80]  }
0x377: {  	v53 =	vld [tilespmem:$0xE80];
	[tilespmem:s16+$0x0] =	vst v52  }
0x378: {  	v55 =	vld [tilespmem:$0xE80];
	_ =	sdelay $0x1  }
0x379: {  	s26 =	sor.u32 $0x8280, s30;
	v11 =	vperm.xlane v11, v1  }
0x37a: {  	s7 =	sor.u32 s5, s26;
	v4 =	vperm.xlane v54, v2  }
0x37b: {  	s8 =	sor.u32 $0x8280, s12;
	s2 =	sor.u32 s3, s26;
	[tilespmem:s7+$0x0] =	vst v11;
	v6 =	vperm.xlane v53, v3  }
0x37c: {  	s10 =	sor.u32 s18, s8;
	[tilespmem:s2+$0x0] =	vst v4;
	v56 =	vperm.xlane v55, v5  }
0x37d: {  	s11 =	sor.u32 s17, s8;
	v11 =	vld [tilespmem:$0xF00];
	[tilespmem:s10+$0x0] =	vst v6  }
0x37e: {  	[tilespmem:s11+$0x0] =	vst v56  }
0x37f: {  	v57 =	vld [tilespmem:$0xF00];
	s13 =	sld [smem:$0x7E4]  }
0x380: {  	v58 =	vld [tilespmem:$0xF00]  }
0x381: {  	s2 =	sor.u32 $0x9180, s28;
	v59 =	vld [tilespmem:$0xF00]  }
0x382: {  	s7 =	sor.u32 $0x8300, s30;
	v60 =	vperm.xlane v11, v1;
	s16 =	sor.u32 s29, s2;
	[tilespmem:s13+$0x0] =	vst v7  }
0x383: {  	v9 =	vperm.xlane v9, v0;
	s10 =	sor.u32 s5, s7;
	s8 =	rddreg [dreg:$0xc];
	[tilespmem:s16+$0x0] =	vst v10  }
0x384: {  	v4 =	vperm.xlane v57, v3;
	s13 =	sor.u32 $0x8300, s12;
	s11 =	rddreg [dreg:$0x1e];
	[tilespmem:s10+$0x0] =	vst v60  }
0x385: {  	v6 =	vperm.xlane v58, v2;
	s16 =	sor.u32 s18, s13;
	[tilespmem:s4+$0x0] =	vst v9  }
0x386: {  	s26 =	smov.u32 s0;
	s0 =	sor.u32 s3, s7;
	[tilespmem:s16+$0x0] =	vst v4;
	v63 =	vperm.xlane v59, v5  }
0x387: {  	s7 =	sor.u32 s17, s13;
	[tilespmem:s0+$0x0] =	vst v6  }
0x388: {  	v61 =	vld [tilespmem:s8+$0x1000];
	[tilespmem:s7+$0x0] =	vst v63  }
0x389: {  	v10 =	vld [tilespmem:s11+$0x1000];
	s8 =	sld [smem:$0x7EB]  }
0x38a: {  	v7 =	vld [tilespmem:$0xF80]  }
0x38b: {  	v62 =	vld [tilespmem:$0xF80]  }
0x38c: {  	v12 =	vld [tilespmem:$0xF80];
	[tilespmem:s8+$0x0] =	vst v8  }
0x38d: {  	v13 =	vld [tilespmem:$0xF80];
	s8 =	sor.u32 $0x9200, s28;
	s0 =	sld [smem:$0x7E7]  }
0x38e: {  	v14 =	vld [tilespmem:$0xF80];
	s10 =	sor.u32 s29, s8  }
0x38f: {  	s11 =	sor.u32 $0x8380, s30;
	v15 =	vperm.xlane v7, v1;
	[tilespmem:s10+$0x0] =	vst v10  }
0x390: {  	s13 =	sor.u32 s5, s11;
	v16 =	vperm.xlane v62, v0;
	[tilespmem:s0+$0x0] =	vst v61  }
0x391: {  	s16 =	sor.u32 $0x8380, s12;
	v18 =	vperm.xlane v12, v3;
	s0 =	rddreg [dreg:$0x1a];
	[tilespmem:s13+$0x0] =	vst v15  }
0x392: {  	v20 =	vperm.xlane v13, v2;
	[tilespmem:s15+$0x0] =	vst v16;
	v17 =	vld [tilespmem:s0+$0x1000];
	s0 =	sor.u32 s18, s16  }
0x393: {  	s6 =	sor.u32 s3, s11;
	v22 =	vperm.xlane v14, v5;
	s15 =	rddreg [dreg:$0xe];
	[tilespmem:s0+$0x0] =	vst v18  }
0x394: {  	s4 =	sor.u32 s17, s16;
	v19 =	vld [tilespmem:s15+$0x1100];
	s13 =	rddreg [dreg:$0x4];
	[tilespmem:s6+$0x0] =	vst v20  }
0x395: {  	[tilespmem:s4+$0x0] =	vst v22;
	v21 =	vld [tilespmem:s13+$0x1100]  }
0x396: {  	s11 =	sor.u32 $0x9280, s28;
	v23 =	vld [tilespmem:s24+$0x1100];
	s16 =	rddreg [dreg:$0x10]  }
0x397: {  	s7 =	sor.u32 s29, s11;
	s6 =	sor.u32 $0x9000, s30;
	v24 =	vld [tilespmem:s16+$0x1100]  }
0x398: {  	v25 =	vld [tilespmem:s22+$0x1100];
	s10 =	sor.u32 s5, s6;
	[tilespmem:s7+$0x0] =	vst v17  }
0x399: {  	s4 =	sor.u32 $0x9000, s12;
	[tilespmem:s10+$0x0] =	vst v19;
	v26 =	vld [tilespmem:s14+$0x2000]  }
0x39a: {  	[tilespmem:s31+$0x0] =	vst v21;
	s31 =	sor.u32 s18, s4  }
0x39b: {  	s6 =	sor.u32 s3, s6;
	v27 =	vld [tilespmem:s15+$0x1180];
	s10 =	rddreg [dreg:$0x12];
	[tilespmem:s31+$0x0] =	vst v23  }
0x39c: {  	s4 =	sor.u32 s17, s4;
	[tilespmem:s6+$0x0] =	vst v24;
	v28 =	vld [tilespmem:s10+$0x1000];
	s10 =	sor.u32 $0x9300, s28  }
0x39d: {  	s31 =	sld [smem:$0x7AE];
	[tilespmem:s4+$0x0] =	vst v25;
	s0 =	sor.u32 s29, s10  }
0x39e: {  	s6 =	sor.u32 $0x9080, s30;
	[tilespmem:s0+$0x0] =	vst v26  }
0x39f: {  	s7 =	sor.u32 s5, s6;
	s4 =	sld [smem:$0x7CE]  }
0x3a0: {  	v2 =	vld [tilespmem:s24+$0x1180];
	[tilespmem:s7+$0x0] =	vst v27  }
0x3a1: {  	v3 =	vld [tilespmem:s31+$0x1000];
	s31 =	sld [smem:$0x7F5]  }
0x3a2: {  	v29 =	vld [tilespmem:s4+$0x1000]  }
0x3a3: {  	v30 =	vld [tilespmem:s14+$0x2080];
	s4 =	sor.u32 $0x9080, s12  }
0x3a4: {  	v31 =	vld [tilespmem:s15+$0x1200];
	[tilespmem:s31+$0x0] =	vst v28;
	s0 =	sor.u32 s18, s4  }
0x3a5: {  	s6 =	sor.u32 s3, s6;
	[tilespmem:s0+$0x0] =	vst v2;
	v32 =	vld [tilespmem:s13+$0x1200]  }
0x3a6: {  	s4 =	sor.u32 s17, s4;
	[tilespmem:s6+$0x0] =	vst v3;
	s6 =	sor.u32 $0x9380, s28;
	v33 =	vld [tilespmem:s24+$0x1200]  }
0x3a7: {  	s7 =	sor.u32 $0x9100, s30;
	v34 =	vld [tilespmem:s16+$0x1200];
	s31 =	sor.u32 s29, s6;
	[tilespmem:s4+$0x0] =	vst v29  }
0x3a8: {  	s0 =	sor.u32 s5, s7;
	[tilespmem:s31+$0x0] =	vst v30;
	v35 =	vld [tilespmem:s22+$0x1200]  }
0x3a9: {  	[tilespmem:s0+$0x0] =	vst v31;
	s31 =	sor.u32 $0x9100, s12;
	v36 =	vld [tilespmem:s14+$0x2100]  }
0x3aa: {  	v37 =	vld [tilespmem:s15+$0x1280];
	s0 =	sor.u32 s18, s31;
	[tilespmem:s20+$0x0] =	vst v32  }
0x3ab: {  	s7 =	sor.u32 s3, s7;
	[tilespmem:s0+$0x0] =	vst v33;
	v38 =	vld [tilespmem:s13+$0x1280]  }
0x3ac: {  	s4 =	sor.u32 $0xA000, s28;
	s20 =	smov.u32 s12;
	s12 =	sor.u32 s17, s31;
	[tilespmem:s7+$0x0] =	vst v34  }
0x3ad: {  	s31 =	sor.u32 s29, s4;
	[tilespmem:s12+$0x0] =	vst v35;
	s12 =	sor.u32 $0x9180, s30  }
0x3ae: {  	[tilespmem:s31+$0x0] =	vst v36;
	s0 =	sor.u32 s5, s12  }
0x3af: {  	s2 =	sor.u32 s25, s2;
	v39 =	vld [tilespmem:s24+$0x1280];
	[tilespmem:s0+$0x0] =	vst v37  }
0x3b0: {  	v40 =	vld [tilespmem:s16+$0x1280];
	[tilespmem:s2+$0x0] =	vst v38  }
0x3b1: {  	s0 =	sld [smem:$0x7B3]  }
0x3b2: {  	s7 =	sor.u32 $0x9180, s20;
	v41 =	vld [tilespmem:s22+$0x1280]  }
0x3b3: {  	v42 =	vld [tilespmem:s14+$0x2180];
	s2 =	sor.u32 s18, s7  }
0x3b4: {  	s31 =	rddreg [dreg:$0x16];
	[tilespmem:s2+$0x0] =	vst v39;
	v43 =	vld [tilespmem:s0+$0x1000];
	s0 =	sor.u32 s3, s12  }
0x3b5: {  	v5 =	vld [tilespmem:s31+$0x1000];
	[tilespmem:s0+$0x0] =	vst v40  }
0x3b6: {  	s7 =	sor.u32 s17, s7;
	s2 =	sor.u32 $0xA080, s28;
	s12 =	sld [smem:$0x7D8]  }
0x3b7: {  	s0 =	sor.u32 s29, s2;
	s31 =	sld [smem:$0x7B8];
	[tilespmem:s7+$0x0] =	vst v41  }
0x3b8: {  	[tilespmem:s0+$0x0] =	vst v42  }
0x3b9: {  	s0 =	sor.u32 s25, s8;
	s7 =	sld [smem:$0x7DC];
	v0 =	vld [tilespmem:s12+$0x1000];
	s12 =	sor.u32 $0x9200, s30  }
0x3ba: {  	[tilespmem:s0+$0x0] =	vst v5;
	v1 =	vld [tilespmem:s31+$0x1000];
	s31 =	sor.u32 s5, s12  }
0x3bb: {  	[tilespmem:s31+$0x0] =	vst v43  }
0x3bc: {  	v44 =	vld [tilespmem:s7+$0x1000];
	s7 =	sld [smem:$0x7B7];
	_ =	sdelay $0x1  }
0x3bd: {  	s8 =	sor.u32 $0x9200, s20;
	v45 =	vld [tilespmem:s14+$0x2200];
	s0 =	sor.u32 s3, s12  }
0x3be: {  	s31 =	rddreg [dreg:$0x14];
	[tilespmem:s0+$0x0] =	vst v1;
	v46 =	vld [tilespmem:s7+$0x1000];
	s7 =	sor.u32 s18, s8  }
0x3bf: {  	[tilespmem:s7+$0x0] =	vst v0  }
0x3c0: {  	s7 =	sld [smem:$0x7DD]  }
0x3c1: {  	s12 =	sor.u32 s17, s8;
	v5 =	vld [tilespmem:s31+$0x1000];
	s8 =	sor.u32 $0xA100, s28;
	s31 =	sld [smem:$0x7BA]  }
0x3c2: {  	s0 =	sor.u32 s29, s8;
	[tilespmem:s12+$0x0] =	vst v44  }
0x3c3: {  	[tilespmem:s0+$0x0] =	vst v45;
	v0 =	vld [tilespmem:s7+$0x1000]  }
0x3c4: {  	v1 =	vld [tilespmem:s31+$0x1000];
	s31 =	sld [smem:$0x7E1]  }
0x3c5: {  	s12 =	sor.u32 $0x9280, s30  }
0x3c6: {  	s0 =	sor.u32 s5, s12;
	v3 =	vld [tilespmem:s14+$0x2280]  }
0x3c7: {  	s14 =	sor.u32 s25, s11;
	[tilespmem:s0+$0x0] =	vst v46;
	v2 =	vld [tilespmem:s31+$0x1000];
	s31 =	sor.u32 $0x9280, s20  }
0x3c8: {  	[tilespmem:s14+$0x0] =	vst v5;
	s0 =	sor.u32 s18, s31  }
0x3c9: {  	s11 =	sor.u32 $0xA180, s28;
	s14 =	sor.u32 s3, s12;
	[tilespmem:s0+$0x0] =	vst v0  }
0x3ca: {  	[tilespmem:s14+$0x0] =	vst v1;
	s0 =	sor.u32 s29, s11  }
0x3cb: {  	v4 =	vld [tilespmem:s15+$0x2000];
	s31 =	sor.u32 s17, s31;
	[tilespmem:s0+$0x0] =	vst v3  }
0x3cc: {  	v47 =	vld [tilespmem:s13+$0x2000];
	[tilespmem:s31+$0x0] =	vst v2  }
0x3cd: {  	v49 =	vld [tilespmem:s16+$0x2000];
	s31 =	sld [smem:$0x7AB]  }
0x3ce: {  	s12 =	sor.u32 $0x9300, s30;
	v48 =	vld [tilespmem:s24+$0x2000]  }
0x3cf: {  	s14 =	sor.u32 s5, s12;
	v50 =	vld [tilespmem:s22+$0x2000]  }
0x3d0: {  	s10 =	sor.u32 s25, s10;
	[tilespmem:s14+$0x0] =	vst v4;
	v51 =	vld [tilespmem:s31+$0x1000]  }
0x3d1: {  	s0 =	sor.u32 s3, s12;
	s14 =	sor.u32 $0x9300, s20;
	[tilespmem:s10+$0x0] =	vst v47  }
0x3d2: {  	[tilespmem:s0+$0x0] =	vst v49;
	s31 =	sor.u32 s18, s14  }
0x3d3: {  	s10 =	sor.u32 $0xA200, s28;
	s12 =	sor.u32 s17, s14;
	[tilespmem:s31+$0x0] =	vst v48  }
0x3d4: {  	v52 =	vld [tilespmem:s15+$0x2080];
	s14 =	sor.u32 s29, s10;
	[tilespmem:s12+$0x0] =	vst v50  }
0x3d5: {  	v53 =	vld [tilespmem:s13+$0x2080];
	[tilespmem:s14+$0x0] =	vst v51  }
0x3d6: {  	v54 =	vld [tilespmem:s24+$0x2080];
	s14 =	sld [smem:$0x7AD]  }
0x3d7: {  	v55 =	vld [tilespmem:s16+$0x2080];
	s12 =	sor.u32 $0x9380, s30  }
0x3d8: {  	v56 =	vld [tilespmem:s22+$0x2080];
	s31 =	sor.u32 s5, s12  }
0x3d9: {  	s6 =	sor.u32 s25, s6;
	[tilespmem:s31+$0x0] =	vst v52;
	s31 =	sor.u32 $0x9380, s20;
	v5 =	vld [tilespmem:s14+$0x1000]  }
0x3da: {  	[tilespmem:s6+$0x0] =	vst v53;
	v0 =	vld [tilespmem:s15+$0x2100];
	s0 =	sor.u32 s18, s31  }
0x3db: {  	v1 =	vld [tilespmem:s13+$0x2100];
	[tilespmem:s0+$0x0] =	vst v54;
	s14 =	sor.u32 s3, s12  }
0x3dc: {  	s6 =	sor.u32 $0xA280, s28;
	s7 =	sor.u32 s17, s31;
	v2 =	vld [tilespmem:s24+$0x2100];
	[tilespmem:s14+$0x0] =	vst v55  }
0x3dd: {  	s29 =	sor.u32 s29, s6;
	[tilespmem:s7+$0x0] =	vst v56;
	s12 =	sor.u32 $0xA000, s30;
	v3 =	vld [tilespmem:s16+$0x2100]  }
0x3de: {  	s31 =	sor.u32 s5, s12;
	[tilespmem:s29+$0x0] =	vst v5  }
0x3df: {  	s4 =	sor.u32 s25, s4;
	s28 =	sor.u32 $0xA000, s20;
	v4 =	vld [tilespmem:s22+$0x2100];
	s14 =	rddreg [dreg:$0x6];
	[tilespmem:s31+$0x0] =	vst v0  }
0x3e0: {  	s29 =	sor.u32 s18, s28;
	[tilespmem:s4+$0x0] =	vst v1;
	v57 =	vld [tilespmem:s14+$0x1000]  }
0x3e1: {  	v0 =	vld [tilespmem:s15+$0x2180];
	s31 =	rddreg [dreg:$0x18];
	[tilespmem:s29+$0x0] =	vst v2;
	s14 =	sor.u32 s3, s12  }
0x3e2: {  	v1 =	vld [tilespmem:s31+$0x1000];
	[tilespmem:s14+$0x0] =	vst v3  }
0x3e3: {  	s28 =	sor.u32 s17, s28;
	v2 =	vld [tilespmem:s24+$0x2180];
	s29 =	sld [smem:$0x7C7]  }
0x3e4: {  	s31 =	sor.u32 $0xA080, s30;
	[tilespmem:s28+$0x0] =	vst v4  }
0x3e5: {  	v4 =	vld [tilespmem:s9+$0x1000];
	s9 =	sor.u32 s5, s31  }
0x3e6: {  	s2 =	sor.u32 s25, s2;
	s12 =	sor.u32 $0xA080, s20;
	s7 =	sld [smem:$0x7ED];
	v3 =	vld [tilespmem:s29+$0x1000];
	[tilespmem:s9+$0x0] =	vst v0  }
0x3e7: {  	s14 =	sor.u32 s18, s12;
	[tilespmem:s2+$0x0] =	vst v1  }
0x3e8: {  	[tilespmem:s14+$0x0] =	vst v2;
	v60 =	vld [tilespmem:s13+$0x2200]  }
0x3e9: {  	s29 =	sor.u32 s17, s12;
	[tilespmem:s7+$0x0] =	vst v57;
	v61 =	vld [tilespmem:s24+$0x2200]  }
0x3ea: {  	s28 =	sor.u32 s3, s31;
	v58 =	vld [tilespmem:s19+$0x2200];
	[tilespmem:s29+$0x0] =	vst v4  }
0x3eb: {  	v63 =	vld [tilespmem:s22+$0x2200];
	[tilespmem:s28+$0x0] =	vst v3  }
0x3ec: {  	v59 =	vld [tilespmem:s15+$0x2200];
	s7 =	sor.u32 s25, s8;
	s8 =	sor.u32 $0xA100, s20;
	s0 =	sld [smem:$0x7EE]  }
0x3ed: {  	s9 =	sor.u32 s18, s8;
	v62 =	vld [tilespmem:s16+$0x2200];
	[tilespmem:s7+$0x0] =	vst v60  }
0x3ee: {  	[tilespmem:s9+$0x0] =	vst v61  }
0x3ef: {  	s31 =	sor.u32 $0xA100, s30;
	s12 =	sor.u32 s17, s8;
	[tilespmem:s0+$0x0] =	vst v58  }
0x3f0: {  	s0 =	sor.u32 s5, s31;
	[tilespmem:s12+$0x0] =	vst v63  }
0x3f1: {  	s2 =	sor.u32 s3, s31;
	v5 =	vld [tilespmem:s19+$0x2280];
	[tilespmem:s0+$0x0] =	vst v59  }
0x3f2: {  	v1 =	vld [tilespmem:s15+$0x2280];
	[tilespmem:s2+$0x0] =	vst v62  }
0x3f3: {  	v2 =	vld [tilespmem:s13+$0x2280];
	s2 =	sld [smem:$0x7EF]  }
0x3f4: {  	v3 =	vld [tilespmem:s24+$0x2280]  }
0x3f5: {  	s13 =	sor.u32 $0xA180, s30;
	v4 =	vld [tilespmem:s16+$0x2280]  }
0x3f6: {  	s14 =	sor.u32 s5, s13;
	v0 =	vld [tilespmem:s22+$0x2280];
	[tilespmem:s2+$0x0] =	vst v5  }
0x3f7: {  	s15 =	sor.u32 s25, s11;
	s16 =	sor.u32 $0xA180, s20;
	s4 =	rddreg [dreg:$0x8];
	[tilespmem:s14+$0x0] =	vst v1  }
0x3f8: {  	s22 =	sor.u32 s18, s16;
	s19 =	sld [smem:$0x7C9];
	[tilespmem:s15+$0x0] =	vst v2  }
0x3f9: {  	s0 =	sor.u32 s3, s13;
	s24 =	rddreg [dreg:$0x1c];
	[tilespmem:s22+$0x0] =	vst v3  }
0x3fa: {  	s28 =	sor.u32 s17, s16;
	v5 =	vld [tilespmem:s4+$0x1000];
	[tilespmem:s0+$0x0] =	vst v4  }
0x3fb: {  	s29 =	sld [smem:$0x7CF];
	[tilespmem:s28+$0x0] =	vst v0;
	v1 =	vld [tilespmem:s19+$0x1000]  }
0x3fc: {  	v2 =	vld [tilespmem:s24+$0x1000];
	s8 =	sld [smem:$0x7F0]  }
0x3fd: {  	v3 =	vld [tilespmem:s21+$0x1000]  }
0x3fe: {  	s31 =	sor.u32 $0xA200, s30;
	v4 =	vld [tilespmem:s29+$0x1000]  }
0x3ff: {  	s9 =	sor.u32 s5, s31;
	v0 =	vld [tilespmem:s26+$0x1000];
	[tilespmem:s8+$0x0] =	vst v5  }
0x400: {  	s12 =	sor.u32 $0xA200, s20;
	s11 =	sor.u32 s25, s10;
	s4 =	rddreg [dreg:$0xa];
	[tilespmem:s9+$0x0] =	vst v1  }
0x401: {  	s14 =	sor.u32 s18, s12;
	s13 =	sld [smem:$0x7CC];
	[tilespmem:s11+$0x0] =	vst v2  }
0x402: {  	s0 =	sor.u32 s3, s31;
	s15 =	sld [smem:$0x7B5];
	[tilespmem:s14+$0x0] =	vst v3  }
0x403: {  	s16 =	sor.u32 s17, s12;
	v5 =	vld [tilespmem:s4+$0x1000];
	[tilespmem:s0+$0x0] =	vst v4  }
0x404: {  	v3 =	vld [tilespmem:s1+$0x1000];
	s19 =	sld [smem:$0x7D3];
	[tilespmem:s16+$0x0] =	vst v0  }
0x405: {  	v1 =	vld [tilespmem:s13+$0x1000];
	s22 =	sld [smem:$0x7F2]  }
0x406: {  	v2 =	vld [tilespmem:s15+$0x1000]  }
0x407: {  	s24 =	sor.u32 s25, s6;
	s25 =	sor.u32 $0xA280, s20;
	v4 =	vld [tilespmem:s19+$0x1000]  }
0x408: {  	s21 =	sor.u32 $0xA280, s30;
	s26 =	sor.u32 s18, s25;
	[tilespmem:s22+$0x0] =	vst v5  }
0x409: {  	v0 =	vld [tilespmem:s23+$0x1000];
	s23 =	sor.u32 s5, s21;
	[tilespmem:s26+$0x0] =	vst v3  }
0x40a: {  	[tilespmem:s23+$0x0] =	vst v1  }
0x40b: {  	s0 =	sor.u32 s3, s21;
	[tilespmem:s24+$0x0] =	vst v2  }
0x40c: {  	[tilespmem:s0+$0x0] =	vst v4  }
0x40d: {  	s4 =	sld [smem:$0x7F3];
	_ =	sdelay $0x1  }
0x40e: {  	s31 =	simm.s32 $0x5000  }
0x40f: {  	s28 =	rddreg [dreg:$0x2];
	s1 =	sor.u32 s17, s25;
	s5 =	sshll.u32 s4, $0x9  }
0x410: {  	s30 =	simm.s32 $0x1000;
	s29 =	simm.s32 $0xC35000;
	[tilespmem:s1+$0x0] =	vst v0;
	s0 =	sadd.s32 s28, s5  }
0x411: {  	[hbm4b:s0+s30] =	stream.strided.scatter [tilespmem:s31], [sflag:$0x3], $0x6000, s29, s30, $0x38;
	[tilespmem:$0x11000] =	vst v63  }
0x412: {  	s0 =	sld [smem:$0x7FB];
	_ =	sdelay $0x1  }
0x413: {  	p1 =	sgt.u32 s4, $0xBF4  }
0x414: {  	s1 =	simm.s32 @!p1 $0xC35000;
	s2 =	simm.s32 @!p1 $0x1000;
	s0 =	sadd.s32 @!p1 s5, s0  }
0x415: {  	[tilespmem:s2], [sflag:$0x1] =	stream.strided.gather @!p1 [hbm4b:s0+s2], $0x2000, s1, s2, $0x38;
	[tilespmem:$0x11000] =	vst v63  }
0x416: {  	s0 =	sor.u32 $0x20, s4  }
0x417: {  	p1 =	sgt.u32 s0, $0xC34  }
.Ltmp5:
0x418: {  	_ = 	snop;
	(pc) =	sbr.rel @p1 .LBB2_8-.Ltmp5, $1  }
0x419: {  	_ =	sdelay $0x3  }
0x41a: {  	[smem:$0x74C] =	sst s0  }
0x41b: {  	[smem:$0x74D] =	sst s5;
	s13 =	simm.s32 $0x2  }
0x41c: {  	_ =	swait.ge [sflag:s13], $0x2000  }
0x41d: {  	[sflag:s13] =	ssyncset.done $0x0  }
0x41e: {  	s1 =	simm.s32 @!p0 $0x4;
	s14 =	simm.s32 $0x0;
	[sflag:s13] =	ssyncadd.s32 $0xFFFFE000  }
0x41f: {  	s29 =	sand.u32 $0x60, s14;
	_ =	swait.ge @!p0 [sflag:s1], $0x6000  }
0x420: {  	s25 =	sand.u32 $0xC00, s14;
	s11 =	sor.u32 $0x10, s29;
	[sflag:s1] =	ssyncset.done @!p0 $0x0  }
0x421: {  	s9 =	sor.u32 s25, s11;
	[sflag:s1] =	ssyncadd.s32 @!p0 $0xFFFFA000  }
0x422: {  	v0 =	vld [tilespmem:s9+$0x3000];
	_ =	sdelay $0x3  }
0x423: {  	v1 =	vld [tilespmem:$0x0]  }
0x424: {  	v0 =	vtrunc.f32 v0  }
0x425: {  	v0 =	vcvt.f32.s32 v0;
	_ =	sdelay $0x1  }
0x426: {  	v5 =	vand.u32 $0xF, v0  }
0x427: {  	v0 =	vperm.xlane v1, v5  }
0x428: {  	s8 =	sor.u32 s29, s25  }
0x429: {  	v2 =	vld [tilespmem:s8+$0x3000];
	[tilespmem:s9+$0xB000] =	vst v0  }
0x42a: {  	v0 =	vld [tilespmem:$0x80];
	_ =	sdelay $0x3  }
0x42b: {  	v2 =	vtrunc.f32 v2  }
0x42c: {  	v2 =	vcvt.f32.s32 v2;
	v0 =	vperm.xlane v0, v5;
	_ =	sdelay $0x1  }
0x42d: {  	v3 =	vand.u32 $0xF, v2;
	[tilespmem:s9+$0xB080] =	vst v0  }
0x42e: {  	v1 =	vperm.xlane v1, v3;
	v0 =	vld [tilespmem:$0x100];
	_ =	sdelay $0x1  }
0x42f: {  	[tilespmem:s8+$0xB000] =	vst v1  }
0x430: {  	v1 =	vld [tilespmem:$0x80];
	_ =	sdelay $0x1  }
0x431: {  	v0 =	vperm.xlane v0, v5;
	_ =	sdelay $0x1  }
0x432: {  	[tilespmem:s9+$0xB100] =	vst v0  }
0x433: {  	v1 =	vperm.xlane v1, v3;
	v0 =	vld [tilespmem:$0x180];
	_ =	sdelay $0x1  }
0x434: {  	[tilespmem:s8+$0xB080] =	vst v1  }
0x435: {  	v1 =	vld [tilespmem:$0x100];
	_ =	sdelay $0x1  }
0x436: {  	v0 =	vperm.xlane v0, v5;
	_ =	sdelay $0x1  }
0x437: {  	[tilespmem:s9+$0xB180] =	vst v0  }
0x438: {  	v1 =	vperm.xlane v1, v3;
	v0 =	vld [tilespmem:$0x200];
	_ =	sdelay $0x1  }
0x439: {  	[tilespmem:s8+$0xB100] =	vst v1  }
0x43a: {  	v1 =	vld [tilespmem:$0x180];
	_ =	sdelay $0x1  }
0x43b: {  	v0 =	vperm.xlane v0, v5  }
0x43c: {  	s2 =	sand.u32 $0xFFFFFC00, s14  }
0x43d: {  	s3 =	sadd.s32 $0x0, s2;
	[tilespmem:s9+$0xB200] =	vst v0  }
0x43e: {  	s2 =	sor.u32 $0x180, s3;
	v1 =	vperm.xlane v1, v3;
	v0 =	vld [tilespmem:$0x280]  }
0x43f: {  	[smem:$0x752] =	sst s2  }
0x440: {  	v4 =	vld [tilespmem:s8+$0x3080];
	[tilespmem:s2+$0xB000] =	vst v1  }
0x441: {  	v1 =	vld [tilespmem:$0x200];
	_ =	sdelay $0x1  }
0x442: {  	v0 =	vperm.xlane v0, v5;
	_ =	sdelay $0x1  }
0x443: {  	[tilespmem:s9+$0xB280] =	vst v0  }
0x444: {  	v1 =	vperm.xlane v1, v3;
	v0 =	vld [tilespmem:$0x300]  }
0x445: {  	s15 =	sand.u32 $0x3, s14  }
0x446: {  	s2 =	sshll.u32 s15, $0x5;
	[tilespmem:s8+$0xB200] =	vst v1  }
0x447: {  	s6 =	sadd.s32 $0x0, s2;
	v1 =	vld [tilespmem:$0x280]  }
0x448: {  	s7 =	sadd.s32 $0x10, s6  }
0x449: {  	s16 =	sor.u32 $0x300, s7;
	v0 =	vperm.xlane v0, v5  }
0x44a: {  	[smem:$0x74E] =	sst s16  }
0x44b: {  	v6 =	vld [tilespmem:s9+$0x3080];
	[tilespmem:s16+$0xB000] =	vst v0  }
0x44c: {  	v1 =	vperm.xlane v1, v3;
	v0 =	vld [tilespmem:$0x380];
	_ =	sdelay $0x1  }
0x44d: {  	[tilespmem:s8+$0xB280] =	vst v1  }
0x44e: {  	v1 =	vld [tilespmem:$0x300];
	_ =	sdelay $0x1  }
0x44f: {  	s17 =	sor.u32 $0x380, s7;
	v0 =	vperm.xlane v0, v5  }
0x450: {  	[smem:$0x74F] =	sst s17  }
0x451: {  	[tilespmem:s17+$0xB000] =	vst v0  }
0x452: {  	s18 =	sor.u32 $0x300, s6;
	v1 =	vperm.xlane v1, v3;
	v0 =	vld [tilespmem:$0x400]  }
0x453: {  	[smem:$0x755] =	sst s18  }
0x454: {  	[tilespmem:s18+$0xB000] =	vst v1  }
0x455: {  	v1 =	vld [tilespmem:$0x380];
	_ =	sdelay $0x1  }
0x456: {  	v0 =	vperm.xlane v0, v5;
	_ =	sdelay $0x1  }
0x457: {  	s19 =	sor.u32 s14, s14;
	[tilespmem:s9+$0xC000] =	vst v0  }
0x458: {  	s0 =	sor.u32 $0x380, s19;
	v1 =	vperm.xlane v1, v3;
	v0 =	vld [tilespmem:$0x480]  }
0x459: {  	[smem:$0x75B] =	sst s0  }
0x45a: {  	[tilespmem:s0+$0xB000] =	vst v1  }
0x45b: {  	v1 =	vld [tilespmem:$0x400];
	_ =	sdelay $0x1  }
0x45c: {  	v0 =	vperm.xlane v0, v5  }
0x45d: {  	s0 =	simm.s32 $0x20  }
0x45e: {  	s2 =	simm.s32 $0x100;
	s21 =	sand.u32 $0x60, s0;
	[tilespmem:s9+$0xC080] =	vst v0  }
0x45f: {  	s20 =	sand.u32 $0xC00, s2;
	s12 =	sor.u32 $0x10, s21;
	v1 =	vperm.xlane v1, v3;
	v0 =	vld [tilespmem:$0x500]  }
0x460: {  	s13 =	sor.u32 s20, s12  }
0x461: {  	v2 =	vld [tilespmem:s13+$0x3000];
	[tilespmem:s8+$0xC000] =	vst v1  }
0x462: {  	v1 =	vld [tilespmem:$0x480];
	_ =	sdelay $0x1  }
0x463: {  	v0 =	vperm.xlane v0, v5  }
0x464: {  	v7 =	vld [tilespmem:$0x0]  }
0x465: {  	v2 =	vtrunc.f32 v2;
	[tilespmem:s9+$0xC100] =	vst v0  }
0x466: {  	v2 =	vcvt.f32.s32 v2;
	v1 =	vperm.xlane v1, v3;
	v8 =	vld [tilespmem:$0x580];
	_ =	sdelay $0x1  }
0x467: {  	v0 =	vand.u32 $0xF, v2;
	[tilespmem:s8+$0xC080] =	vst v1  }
0x468: {  	v2 =	vperm.xlane v7, v0;
	v1 =	vld [tilespmem:$0x500]  }
0x469: {  	s4 =	sor.u32 s21, s20  }
0x46a: {  	v9 =	vld [tilespmem:s4+$0x3000];
	[tilespmem:s13+$0xB000] =	vst v2;
	v8 =	vperm.xlane v8, v5  }
0x46b: {  	v2 =	vld [tilespmem:$0x80]  }
0x46c: {  	[tilespmem:s9+$0xC180] =	vst v8  }
0x46d: {  	v1 =	vperm.xlane v1, v3;
	v8 =	vld [tilespmem:$0x600];
	_ =	sdelay $0x1  }
0x46e: {  	[tilespmem:s8+$0xC100] =	vst v1;
	v1 =	vtrunc.f32 v9  }
0x46f: {  	v2 =	vperm.xlane v2, v0;
	v1 =	vcvt.f32.s32 v1  }
0x470: {  	v9 =	vld [tilespmem:$0x580]  }
0x471: {  	[tilespmem:s13+$0xB080] =	vst v2;
	v2 =	vand.u32 $0xF, v1;
	v8 =	vperm.xlane v8, v5  }
0x472: {  	v10 =	vld [tilespmem:$0x100];
	v7 =	vperm.xlane v7, v2  }
0x473: {  	[tilespmem:s9+$0xC200] =	vst v8  }
0x474: {  	s3 =	sor.u32 $0x1180, s3;
	v1 =	vld [tilespmem:s4+$0x3080];
	[tilespmem:s4+$0xB000] =	vst v7  }
0x475: {  	v8 =	vperm.xlane v9, v3;
	v7 =	vld [tilespmem:$0x680];
	[smem:$0x764] =	sst s3  }
0x476: {  	v9 =	vld [tilespmem:$0x80]  }
0x477: {  	v10 =	vperm.xlane v10, v0;
	[tilespmem:s3+$0xB000] =	vst v8  }
0x478: {  	v8 =	vld [tilespmem:$0x600]  }
0x479: {  	[tilespmem:s13+$0xB100] =	vst v10  }
0x47a: {  	v10 =	vld [tilespmem:$0x180];
	v7 =	vperm.xlane v7, v5  }
0x47b: {  	v9 =	vperm.xlane v9, v2  }
0x47c: {  	[tilespmem:s9+$0xC280] =	vst v7  }
0x47d: {  	v7 =	vperm.xlane v8, v3;
	[tilespmem:s4+$0xB080] =	vst v9;
	v8 =	vld [tilespmem:$0x700]  }
0x47e: {  	v9 =	vld [tilespmem:$0x100]  }
0x47f: {  	v10 =	vperm.xlane v10, v0;
	[smem:$0x750] =	sst s8  }
0x480: {  	[tilespmem:s8+$0xC200] =	vst v7  }
0x481: {  	[tilespmem:s13+$0xB180] =	vst v10;
	v7 =	vld [tilespmem:$0x680]  }
0x482: {  	s22 =	sor.u32 $0x1300, s7;
	v10 =	vld [tilespmem:$0x200];
	v8 =	vperm.xlane v8, v5  }
0x483: {  	[smem:$0x75E] =	sst s22;
	v9 =	vperm.xlane v9, v2  }
0x484: {  	[tilespmem:s22+$0xB000] =	vst v8  }
0x485: {  	v8 =	vld [tilespmem:$0x780];
	[tilespmem:s4+$0xB100] =	vst v9  }
0x486: {  	v7 =	vperm.xlane v7, v3;
	v9 =	vld [tilespmem:$0x180]  }
0x487: {  	v10 =	vperm.xlane v10, v0  }
0x488: {  	s23 =	sand.u32 $0xFFFFFC00, s2;
	[tilespmem:s8+$0xC280] =	vst v7  }
0x489: {  	s24 =	sor.u32 $0x1380, s7;
	s3 =	sadd.s32 $0x20, s23;
	[tilespmem:s13+$0xB200] =	vst v10;
	v7 =	vld [tilespmem:$0x700]  }
0x48a: {  	s26 =	sor.u32 $0x180, s3;
	v10 =	vld [tilespmem:$0x280];
	[smem:$0x762] =	sst s24;
	v5 =	vperm.xlane v8, v5  }
0x48b: {  	[smem:$0x76D] =	sst s26;
	v8 =	vperm.xlane v9, v2  }
0x48c: {  	[tilespmem:s24+$0xB000] =	vst v5  }
0x48d: {  	s6 =	sor.u32 $0x1300, s6;
	[tilespmem:s26+$0xB000] =	vst v8  }
0x48e: {  	v5 =	vld [tilespmem:$0x800];
	v7 =	vperm.xlane v7, v3;
	[smem:$0x785] =	sst s6  }
0x48f: {  	v6 =	vtrunc.f32 v6;
	v8 =	vld [tilespmem:$0x200]  }
0x490: {  	v6 =	vcvt.f32.s32 v6;
	[tilespmem:s6+$0xB000] =	vst v7  }
0x491: {  	v9 =	vperm.xlane v10, v0;
	v7 =	vld [tilespmem:$0x780]  }
0x492: {  	v6 =	vand.u32 $0xF, v6  }
0x493: {  	s10 =	simm.s32 $0x1;
	s1 =	sor.u32 $0xD000, s25;
	[tilespmem:s13+$0xB280] =	vst v9;
	v5 =	vperm.xlane v5, v6  }
0x494: {  	s14 =	sor.u32 s11, s1;
	s6 =	sand.u32 $0x3, s10;
	v9 =	vld [tilespmem:$0x300];
	v8 =	vperm.xlane v8, v2  }
0x495: {  	s6 =	sshll.u32 s6, $0x5;
	[tilespmem:s14+$0x0] =	vst v5  }
0x496: {  	s5 =	sor.u32 $0x1380, s19;
	s6 =	sadd.s32 $0x100, s6;
	v5 =	vld [tilespmem:$0x880];
	v3 =	vperm.xlane v7, v3;
	[tilespmem:s4+$0xB200] =	vst v8  }
0x497: {  	s7 =	sadd.s32 $0x10, s6;
	v7 =	vld [tilespmem:$0x280];
	[dreg:$0xd] =	wrdreg s5  }
0x498: {  	s15 =	sor.u32 $0x300, s7;
	[tilespmem:s5+$0xB000] =	vst v3  }
0x499: {  	v8 =	vperm.xlane v9, v0;
	v3 =	vld [tilespmem:s13+$0x3080];
	[smem:$0x761] =	sst s15  }
0x49a: {  	v9 =	vld [tilespmem:$0x800]  }
0x49b: {  	v4 =	vtrunc.f32 v4;
	[tilespmem:s15+$0xB000] =	vst v8  }
0x49c: {  	v4 =	vcvt.f32.s32 v4;
	s16 =	sor.u32 $0xD080, s25;
	v5 =	vperm.xlane v5, v6;
	v8 =	vld [tilespmem:$0x380]  }
0x49d: {  	s10 =	sor.u32 s11, s16  }
0x49e: {  	v7 =	vperm.xlane v7, v2;
	[tilespmem:s10+$0x0] =	vst v5;
	v5 =	vand.u32 $0xF, v4  }
0x49f: {  	v9 =	vperm.xlane v9, v5  }
0x4a0: {  	s8 =	sor.u32 s29, s1;
	[tilespmem:s4+$0xB280] =	vst v7  }
0x4a1: {  	s17 =	sor.u32 $0x380, s7;
	v4 =	vld [tilespmem:$0x900];
	v8 =	vperm.xlane v8, v0;
	[tilespmem:s8+$0x0] =	vst v9  }
0x4a2: {  	v7 =	vld [tilespmem:$0x300];
	[smem:$0x763] =	sst s17  }
0x4a3: {  	[tilespmem:s17+$0xB000] =	vst v8  }
0x4a4: {  	v8 =	vld [tilespmem:$0x400]  }
0x4a5: {  	v9 =	vld [tilespmem:$0x880]  }
0x4a6: {  	s18 =	sor.u32 $0xD100, s25;
	v4 =	vperm.xlane v4, v6  }
0x4a7: {  	s19 =	sor.u32 s11, s18  }
0x4a8: {  	s22 =	sor.u32 $0x300, s6;
	v7 =	vperm.xlane v7, v2;
	[tilespmem:s19+$0x0] =	vst v4  }
0x4a9: {  	[smem:$0x778] =	sst s22;
	v8 =	vperm.xlane v8, v0  }
0x4aa: {  	v4 =	vld [tilespmem:$0x980];
	[tilespmem:s22+$0xB000] =	vst v7;
	v7 =	vperm.xlane v9, v5  }
0x4ab: {  	s5 =	sor.u32 s29, s16;
	[tilespmem:s13+$0xC000] =	vst v8  }
0x4ac: {  	[tilespmem:s5+$0x0] =	vst v7;
	v8 =	vld [tilespmem:$0x480]  }
0x4ad: {  	v7 =	vld [tilespmem:$0x900];
	_ =	sdelay $0x1  }
0x4ae: {  	s23 =	sor.u32 $0xD180, s25;
	v4 =	vperm.xlane v4, v6  }
0x4af: {  	s2 =	sor.u32 s0, s2;
	s24 =	sor.u32 s11, s23  }
0x4b0: {  	s26 =	sor.u32 $0x380, s2;
	[tilespmem:s24+$0x0] =	vst v4;
	v8 =	vperm.xlane v8, v0  }
0x4b1: {  	v9 =	vld [tilespmem:$0x380];
	[smem:$0x77C] =	sst s26;
	v7 =	vperm.xlane v7, v5  }
0x4b2: {  	s1 =	sor.u32 s29, s18;
	[tilespmem:s13+$0xC080] =	vst v8  }
0x4b3: {  	[tilespmem:s1+$0x0] =	vst v7;
	v8 =	vld [tilespmem:$0x500]  }
0x4b4: {  	v7 =	vld [tilespmem:$0x980];
	_ =	sdelay $0x3  }
0x4b5: {  	v8 =	vperm.xlane v8, v0  }
0x4b6: {  	v7 =	vperm.xlane v7, v5  }
0x4b7: {  	s10 =	sor.u32 s29, s23;
	[tilespmem:s13+$0xC100] =	vst v8  }
0x4b8: {  	[tilespmem:s10+$0x0] =	vst v7;
	v7 =	vld [tilespmem:$0x580]  }
0x4b9: {  	v4 =	vld [tilespmem:$0xA00]  }
0x4ba: {  	v9 =	vperm.xlane v9, v2;
	_ =	sdelay $0x1  }
0x4bb: {  	[tilespmem:s26+$0xB000] =	vst v9  }
0x4bc: {  	v9 =	vld [tilespmem:$0x400];
	v7 =	vperm.xlane v7, v0  }
0x4bd: {  	s16 =	sor.u32 $0xD200, s25;
	v4 =	vperm.xlane v4, v6  }
0x4be: {  	s8 =	sor.u32 s11, s16;
	[tilespmem:s13+$0xC180] =	vst v7  }
0x4bf: {  	[tilespmem:s8+$0x0] =	vst v4;
	v7 =	vld [tilespmem:$0x600]  }
0x4c0: {  	v4 =	vld [tilespmem:$0xA80]  }
0x4c1: {  	v9 =	vperm.xlane v9, v2;
	s10 =	simm.s32 $0x40  }
0x4c2: {  	s5 =	simm.s32 $0x200;
	s28 =	sand.u32 $0x60, s10  }
0x4c3: {  	s30 =	sand.u32 $0xC00, s5;
	[tilespmem:s4+$0xC000] =	vst v9;
	s31 =	sor.u32 $0x10, s28  }
0x4c4: {  	v9 =	vld [tilespmem:$0x480];
	s23 =	sor.u32 s30, s31;
	v7 =	vperm.xlane v7, v0  }
0x4c5: {  	s15 =	sor.u32 $0xD280, s25;
	v4 =	vperm.xlane v4, v6;
	v8 =	vld [tilespmem:s23+$0x3000];
	[smem:$0x759] =	sst s13  }
0x4c6: {  	s14 =	sor.u32 s11, s15;
	[tilespmem:s13+$0xC200] =	vst v7  }
0x4c7: {  	[tilespmem:s14+$0x0] =	vst v4;
	v4 =	vld [tilespmem:$0x680]  }
0x4c8: {  	v7 =	vld [tilespmem:$0xB00]  }
0x4c9: {  	v10 =	vld [tilespmem:$0x0]  }
0x4ca: {  	v8 =	vtrunc.f32 v8  }
0x4cb: {  	v8 =	vcvt.f32.s32 v8  }
0x4cc: {  	v4 =	vperm.xlane v4, v0  }
0x4cd: {  	s14 =	sor.u32 $0xD300, s25;
	v8 =	vand.u32 $0xF, v8;
	v7 =	vperm.xlane v7, v6  }
0x4ce: {  	s17 =	sor.u32 s11, s14;
	v11 =	vperm.xlane v10, v8;
	[tilespmem:s13+$0xC280] =	vst v4  }
0x4cf: {  	[tilespmem:s17+$0x0] =	vst v7;
	v4 =	vld [tilespmem:$0x700]  }
0x4d0: {  	[tilespmem:s23+$0xB000] =	vst v11;
	v7 =	vld [tilespmem:$0xB80]  }
0x4d1: {  	v11 =	vld [tilespmem:$0x80];
	_ =	sdelay $0x2  }
0x4d2: {  	s18 =	sor.u32 $0x1300, s7;
	v4 =	vperm.xlane v4, v0  }
0x4d3: {  	s1 =	sor.u32 s28, s30;
	s13 =	sor.u32 $0xD380, s25;
	[smem:$0x771] =	sst s18;
	v7 =	vperm.xlane v7, v6  }
0x4d4: {  	v11 =	vperm.xlane v11, v8;
	s19 =	sor.u32 s11, s13;
	v12 =	vld [tilespmem:s1+$0x3000];
	[tilespmem:s18+$0xB000] =	vst v4  }
0x4d5: {  	[tilespmem:s19+$0x0] =	vst v7;
	v4 =	vld [tilespmem:$0x780]  }
0x4d6: {  	v9 =	vperm.xlane v9, v2;
	[tilespmem:s23+$0xB080] =	vst v11;
	v7 =	vld [tilespmem:$0xC00]  }
0x4d7: {  	v11 =	vld [tilespmem:$0x100]  }
0x4d8: {  	v13 =	vld [tilespmem:$0xA00];
	[tilespmem:s4+$0xC080] =	vst v9  }
0x4d9: {  	v9 =	vld [tilespmem:$0x500]  }
0x4da: {  	s7 =	sor.u32 $0x1380, s7;
	v0 =	vperm.xlane v4, v0  }
0x4db: {  	s8 =	sor.u32 $0xE000, s25;
	[smem:$0x775] =	sst s7;
	v4 =	vperm.xlane v7, v6  }
0x4dc: {  	s22 =	sor.u32 s11, s8;
	v11 =	vperm.xlane v11, v8;
	v7 =	vtrunc.f32 v12;
	[tilespmem:s7+$0xB000] =	vst v0  }
0x4dd: {  	[tilespmem:s22+$0x0] =	vst v4;
	v0 =	vcvt.f32.s32 v7;
	v4 =	vperm.xlane v13, v5;
	v7 =	vld [tilespmem:$0x800]  }
0x4de: {  	s24 =	sor.u32 s29, s16;
	v9 =	vperm.xlane v9, v2;
	[tilespmem:s23+$0xB100] =	vst v11;
	v11 =	vtrunc.f32 v3;
	v12 =	vld [tilespmem:$0xC80]  }
0x4df: {  	v11 =	vcvt.f32.s32 v11;
	v13 =	vld [tilespmem:$0x180];
	[tilespmem:s24+$0x0] =	vst v4  }
0x4e0: {  	[tilespmem:s4+$0xC100] =	vst v9;
	v3 =	vand.u32 $0xF, v0;
	v9 =	vld [tilespmem:$0xA80]  }
0x4e1: {  	v4 =	vand.u32 $0xF, v11;
	v10 =	vperm.xlane v10, v3  }
0x4e2: {  	s16 =	sor.u32 $0xD000, s20;
	v11 =	vld [tilespmem:$0x580];
	v7 =	vperm.xlane v7, v4  }
0x4e3: {  	s26 =	sor.u32 s12, s16;
	s19 =	sor.u32 $0xE080, s25;
	[tilespmem:s1+$0xB000] =	vst v10;
	v12 =	vperm.xlane v12, v6  }
0x4e4: {  	s0 =	sor.u32 s11, s19;
	v10 =	vld [tilespmem:$0x80];
	[tilespmem:s26+$0x0] =	vst v7;
	v7 =	vperm.xlane v13, v8  }
0x4e5: {  	v0 =	vld [tilespmem:s1+$0x3080];
	[tilespmem:s0+$0x0] =	vst v12;
	v9 =	vperm.xlane v9, v5  }
0x4e6: {  	s17 =	sor.u32 s29, s15;
	v12 =	vld [tilespmem:$0x880];
	[tilespmem:s23+$0xB180] =	vst v7  }
0x4e7: {  	s3 =	sor.u32 $0x1180, s3;
	v13 =	vld [tilespmem:$0xD00];
	v7 =	vperm.xlane v11, v2;
	[tilespmem:s17+$0x0] =	vst v9  }
0x4e8: {  	v11 =	vld [tilespmem:$0x200];
	[dreg:$0x7] =	wrdreg s3  }
0x4e9: {  	v9 =	vperm.xlane v10, v3;
	[tilespmem:s3+$0xB000] =	vst v7;
	v7 =	vld [tilespmem:$0xB00];
	_ =	sdelay $0x1  }
0x4ea: {  	s7 =	sor.u32 $0xD080, s20;
	v10 =	vld [tilespmem:$0x600];
	[tilespmem:s1+$0xB080] =	vst v9;
	v9 =	vperm.xlane v12, v4  }
0x4eb: {  	s18 =	sor.u32 s12, s7;
	s3 =	sor.u32 $0xE100, s25;
	v13 =	vperm.xlane v13, v6  }
0x4ec: {  	s22 =	sor.u32 s11, s3;
	v12 =	vld [tilespmem:$0x100];
	[tilespmem:s18+$0x0] =	vst v9;
	v9 =	vperm.xlane v11, v8  }
0x4ed: {  	[tilespmem:s22+$0x0] =	vst v13;
	v7 =	vperm.xlane v7, v5  }
0x4ee: {  	s14 =	sor.u32 s29, s14;
	v11 =	vld [tilespmem:$0x900];
	[tilespmem:s23+$0xB200] =	vst v9  }
0x4ef: {  	v13 =	vld [tilespmem:$0xD80];
	v9 =	vperm.xlane v10, v2;
	[tilespmem:s14+$0x0] =	vst v7  }
0x4f0: {  	v10 =	vld [tilespmem:$0x280];
	[smem:$0x76B] =	sst s4  }
0x4f1: {  	v7 =	vperm.xlane v12, v3;
	[tilespmem:s4+$0xC200] =	vst v9;
	v9 =	vld [tilespmem:$0xB80]  }
0x4f2: {  	v12 =	vld [tilespmem:$0x680]  }
0x4f3: {  	s22 =	sor.u32 $0xD100, s20;
	[tilespmem:s1+$0xB100] =	vst v7;
	v7 =	vperm.xlane v11, v4  }
0x4f4: {  	s15 =	sor.u32 $0xE180, s25;
	s24 =	sor.u32 s12, s22;
	v11 =	vld [tilespmem:$0x180];
	v13 =	vperm.xlane v13, v6  }
0x4f5: {  	s26 =	sor.u32 s11, s15;
	[tilespmem:s24+$0x0] =	vst v7;
	v7 =	vperm.xlane v10, v8  }
0x4f6: {  	[tilespmem:s26+$0x0] =	vst v13;
	v10 =	vld [tilespmem:$0x980];
	v9 =	vperm.xlane v9, v5  }
0x4f7: {  	s13 =	sor.u32 s29, s13;
	s0 =	sand.u32 $0xFFFFFC00, s5;
	v13 =	vld [tilespmem:$0xE00];
	[tilespmem:s23+$0xB280] =	vst v7;
	v7 =	vperm.xlane v12, v2  }
0x4f8: {  	s26 =	sadd.s32 $0x40, s0;
	v12 =	vld [tilespmem:$0x300];
	[tilespmem:s13+$0x0] =	vst v9  }
0x4f9: {  	s18 =	sor.u32 $0x180, s26;
	v9 =	vperm.xlane v11, v3;
	[tilespmem:s4+$0xC280] =	vst v7;
	v7 =	vld [tilespmem:$0xC00]  }
0x4fa: {  	s17 =	simm.s32 $0x2;
	v11 =	vld [tilespmem:$0x700];
	[dreg:$0x13] =	wrdreg s18  }
0x4fb: {  	s13 =	sand.u32 $0x3, s17;
	s17 =	sor.u32 $0xD180, s20;
	[tilespmem:s18+$0xB000] =	vst v9;
	v9 =	vperm.xlane v10, v4  }
0x4fc: {  	s13 =	sshll.u32 s13, $0x5;
	s24 =	sor.u32 s12, s17  }
0x4fd: {  	v13 =	vperm.xlane v13, v6;
	s0 =	sadd.s32 $0x200, s13;
	s18 =	sor.u32 $0xE200, s25;
	v10 =	vld [tilespmem:$0x200];
	[tilespmem:s24+$0x0] =	vst v9  }
0x4fe: {  	s13 =	sadd.s32 $0x10, s0;
	s4 =	sor.u32 s11, s18;
	v9 =	vld [tilespmem:s23+$0x3080];
	[smem:$0x756] =	sst s0  }
0x4ff: {  	v12 =	vperm.xlane v12, v8;
	s14 =	sor.u32 $0x300, s13;
	[tilespmem:s4+$0x0] =	vst v13;
	v13 =	vld [tilespmem:$0xA00]  }
0x500: {  	v7 =	vperm.xlane v7, v5;
	v14 =	vld [tilespmem:$0xE80];
	[dreg:$0x1f] =	wrdreg s14  }
0x501: {  	s8 =	sor.u32 s29, s8;
	[tilespmem:s14+$0xB000] =	vst v12  }
0x502: {  	s6 =	sor.u32 $0x1300, s6;
	[tilespmem:s8+$0x0] =	vst v7;
	v7 =	vperm.xlane v11, v2;
	v12 =	vld [tilespmem:$0x380]  }
0x503: {  	v10 =	vperm.xlane v10, v3;
	v11 =	vld [tilespmem:$0xC80];
	[dreg:$0x9] =	wrdreg s6  }
0x504: {  	s14 =	sor.u32 $0xD200, s20;
	[tilespmem:s6+$0xB000] =	vst v7;
	v7 =	vperm.xlane v13, v4  }
0x505: {  	s8 =	sor.u32 $0xE280, s25;
	s24 =	sor.u32 s12, s14;
	[tilespmem:s1+$0xB200] =	vst v10;
	v13 =	vld [tilespmem:$0x780];
	v10 =	vperm.xlane v14, v6  }
0x506: {  	s4 =	sor.u32 s11, s8;
	[tilespmem:s24+$0x0] =	vst v7;
	v7 =	vld [tilespmem:$0x280]  }
0x507: {  	s6 =	sor.u32 $0x380, s13;
	v12 =	vperm.xlane v12, v8;
	[tilespmem:s4+$0x0] =	vst v10;
	v10 =	vld [tilespmem:$0xA80]  }
0x508: {  	v11 =	vperm.xlane v11, v5;
	v14 =	vld [tilespmem:$0xF00];
	[dreg:$0x1b] =	wrdreg s6  }
0x509: {  	s24 =	sor.u32 s29, s19;
	[tilespmem:s6+$0xB000] =	vst v12  }
0x50a: {  	s2 =	sor.u32 $0x1380, s2;
	[tilespmem:s24+$0x0] =	vst v11;
	v2 =	vperm.xlane v13, v2;
	v12 =	vld [tilespmem:$0x400]  }
0x50b: {  	v11 =	vld [tilespmem:$0xD00];
	[dreg:$0xb] =	wrdreg s2  }
0x50c: {  	v7 =	vperm.xlane v7, v3;
	[tilespmem:s2+$0xB000] =	vst v2  }
0x50d: {  	s19 =	sor.u32 $0xD280, s20;
	v2 =	vperm.xlane v10, v4;
	v10 =	vld [tilespmem:$0x800]  }
0x50e: {  	v1 =	vtrunc.f32 v1;
	s4 =	sor.u32 s12, s19;
	s2 =	sor.u32 $0xE300, s25;
	[tilespmem:s1+$0xB280] =	vst v7;
	v7 =	vperm.xlane v14, v6  }
0x50f: {  	v1 =	vcvt.f32.s32 v1;
	s24 =	sor.u32 s11, s2;
	[tilespmem:s4+$0x0] =	vst v2;
	v2 =	vld [tilespmem:$0x300]  }
0x510: {  	v12 =	vperm.xlane v12, v8;
	[tilespmem:s24+$0x0] =	vst v7;
	v7 =	vld [tilespmem:$0xB00]  }
0x511: {  	v1 =	vand.u32 $0xF, v1;
	v11 =	vperm.xlane v11, v5;
	v13 =	vld [tilespmem:$0xF80]  }
0x512: {  	s3 =	sor.u32 s29, s3;
	[tilespmem:s23+$0xC000] =	vst v12;
	v10 =	vperm.xlane v10, v1  }
0x513: {  	s4 =	sor.u32 s21, s16;
	v12 =	vld [tilespmem:$0x480];
	[tilespmem:s3+$0x0] =	vst v11  }
0x514: {  	s6 =	sor.u32 $0x300, s0;
	v11 =	vld [tilespmem:$0xD80];
	v2 =	vperm.xlane v2, v3;
	[tilespmem:s4+$0x0] =	vst v10  }
0x515: {  	s16 =	sor.u32 $0xD300, s20;
	v7 =	vperm.xlane v7, v4;
	v10 =	vld [tilespmem:$0x880];
	[dreg:$0x17] =	wrdreg s6  }
0x516: {  	s24 =	sor.u32 s12, s16;
	s3 =	sor.u32 $0xE380, s25;
	[tilespmem:s6+$0xB000] =	vst v2;
	v2 =	vperm.xlane v13, v6  }
0x517: {  	s0 =	sor.u32 s11, s3;
	[tilespmem:s24+$0x0] =	vst v7  }
0x518: {  	v7 =	vperm.xlane v12, v8;
	[tilespmem:s0+$0x0] =	vst v2;
	v2 =	vld [tilespmem:$0xB80]  }
0x519: {  	v11 =	vperm.xlane v11, v5;
	v12 =	vld [tilespmem:s9+$0x3100]  }
0x51a: {  	s4 =	sor.u32 s29, s15;
	v6 =	vld [tilespmem:$0x380];
	[tilespmem:s23+$0xC080] =	vst v7;
	v10 =	vperm.xlane v10, v1  }
0x51b: {  	s15 =	sor.u32 s21, s7;
	v7 =	vld [tilespmem:$0x500];
	[tilespmem:s4+$0x0] =	vst v11  }
0x51c: {  	s24 =	sor.u32 $0xF000, s25;
	s4 =	sor.u32 s10, s5;
	[tilespmem:s15+$0x0] =	vst v10  }
0x51d: {  	s0 =	sor.u32 s11, s24;
	v11 =	vld [tilespmem:$0xE00];
	s15 =	sor.u32 $0xD380, s20;
	v2 =	vperm.xlane v2, v4;
	[smem:$0x757] =	sst s4  }
0x51e: {  	s6 =	sor.u32 s12, s15;
	[tilespmem:s0+$0x0] =	vst v12  }
0x51f: {  	v6 =	vperm.xlane v6, v3;
	s10 =	sor.u32 $0x380, s4;
	v10 =	vld [tilespmem:$0x900];
	[tilespmem:s6+$0x0] =	vst v2  }
0x520: {  	v2 =	vld [tilespmem:s9+$0x3180];
	v7 =	vperm.xlane v7, v8;
	[dreg:$0x15] =	wrdreg s10  }
0x521: {  	s7 =	smov.u32 s21;
	s21 =	simm.s32 $0x60;
	[tilespmem:s10+$0xB000] =	vst v6  }
0x522: {  	s5 =	simm.s32 $0x300;
	s4 =	sand.u32 $0x60, s21;
	v6 =	vld [tilespmem:$0xC00];
	[tilespmem:s23+$0xC100] =	vst v7  }
0x523: {  	s0 =	sand.u32 $0xC00, s5;
	v11 =	vperm.xlane v11, v5;
	s10 =	sor.u32 $0x10, s4;
	v12 =	vld [tilespmem:$0x400];
	[smem:$0x779] =	sst s4  }
0x524: {  	s18 =	sor.u32 s29, s18;
	s5 =	sor.u32 s0, s10;
	v7 =	vld [tilespmem:$0x580];
	[smem:$0x772] =	sst s0  }
0x525: {  	s21 =	sor.u32 $0xF080, s25;
	[tilespmem:s18+$0x0] =	vst v11;
	v11 =	vld [tilespmem:s5+$0x3000]  }
0x526: {  	s6 =	sor.u32 s11, s21  }
0x527: {  	[tilespmem:s6+$0x0] =	vst v2;
	s6 =	sor.u32 $0xE000, s20;
	v14 =	vld [tilespmem:$0x0];
	v2 =	vperm.xlane v6, v4  }
0x528: {  	v13 =	vld [tilespmem:$0xE80];
	s18 =	sor.u32 s12, s6;
	v6 =	vperm.xlane v12, v3  }
0x529: {  	v12 =	vld [tilespmem:s9+$0x3200];
	[tilespmem:s18+$0x0] =	vst v2;
	v2 =	vperm.xlane v7, v8  }
0x52a: {  	v7 =	vperm.xlane v10, v1;
	[tilespmem:s1+$0xC000] =	vst v6;
	v10 =	vld [tilespmem:$0xC80];
	v6 =	vtrunc.f32 v11  }
0x52b: {  	v11 =	vld [tilespmem:$0x480];
	[tilespmem:s23+$0xC180] =	vst v2;
	v2 =	vcvt.f32.s32 v6  }
0x52c: {  	s22 =	sor.u32 s7, s22;
	s18 =	sor.u32 $0xF100, s25;
	v6 =	vld [tilespmem:$0x600]  }
0x52d: {  	s4 =	sor.u32 s4, s0;
	v13 =	vperm.xlane v13, v5;
	[tilespmem:s22+$0x0] =	vst v7;
	s22 =	sor.u32 s11, s18;
	v7 =	vand.u32 $0xF, v2  }
0x52e: {  	s8 =	sor.u32 s29, s8;
	v16 =	vld [tilespmem:s4+$0x3000];
	[tilespmem:s22+$0x0] =	vst v12;
	v12 =	vperm.xlane v14, v7  }
0x52f: {  	s22 =	sor.u32 $0xE080, s20;
	[tilespmem:s8+$0x0] =	vst v13;
	v13 =	vld [tilespmem:$0x980];
	v10 =	vperm.xlane v10, v4  }
0x530: {  	v15 =	vld [tilespmem:s9+$0x3280];
	s0 =	sor.u32 s12, s22;
	v11 =	vperm.xlane v11, v3;
	[tilespmem:s5+$0xB000] =	vst v12  }
0x531: {  	v2 =	vld [tilespmem:$0xF00];
	[tilespmem:s0+$0x0] =	vst v10;
	v6 =	vperm.xlane v6, v8  }
0x532: {  	v10 =	vld [tilespmem:$0x80];
	[tilespmem:s1+$0xC080] =	vst v11  }
0x533: {  	s8 =	sor.u32 $0xF180, s25;
	v11 =	vld [tilespmem:$0xD00];
	[tilespmem:s23+$0xC200] =	vst v6  }
0x534: {  	s0 =	smov.u32 s23;
	v12 =	vperm.xlane v13, v1;
	v13 =	vld [tilespmem:$0x500];
	[smem:$0x781] =	sst s23;
	s23 =	sor.u32 s11, s8  }
0x535: {  	s17 =	sor.u32 s7, s17;
	[tilespmem:s23+$0x0] =	vst v15  }
0x536: {  	[tilespmem:s17+$0x0] =	vst v12  }
0x537: {  	v6 =	vld [tilespmem:$0x680];
	s17 =	sld [smem:$0x74E]  }
0x538: {  	v2 =	vperm.xlane v2, v5  }
0x539: {  	s2 =	sor.u32 s29, s2;
	v10 =	vperm.xlane v10, v7  }
0x53a: {  	[tilespmem:s2+$0x0] =	vst v2;
	v13 =	vperm.xlane v13, v3;
	v12 =	vld [tilespmem:s17+$0x3000]  }
0x53b: {  	s23 =	sor.u32 $0xE100, s20;
	v11 =	vperm.xlane v11, v4;
	[tilespmem:s5+$0xB080] =	vst v10  }
0x53c: {  	v16 =	vtrunc.f32 v16;
	v17 =	vld [tilespmem:$0xF80];
	s17 =	sor.u32 s12, s23;
	[tilespmem:s1+$0xC100] =	vst v13;
	v10 =	vperm.xlane v6, v8  }
0x53d: {  	v16 =	vcvt.f32.s32 v16;
	v15 =	vld [tilespmem:$0xA00];
	[tilespmem:s17+$0x0] =	vst v11;
	s17 =	sor.u32 $0xF200, s25  }
0x53e: {  	[tilespmem:s0+$0xC280] =	vst v10;
	s0 =	sor.u32 s11, s17  }
0x53f: {  	v6 =	vand.u32 $0xF, v16;
	[tilespmem:s0+$0x0] =	vst v12  }
0x540: {  	v14 =	vperm.xlane v14, v6;
	s0 =	sld [smem:$0x74F]  }
0x541: {  	v11 =	vld [tilespmem:$0x100];
	v5 =	vperm.xlane v17, v5  }
0x542: {  	s3 =	sor.u32 s29, s3;
	v13 =	vld [tilespmem:$0xD80];
	v15 =	vperm.xlane v15, v1;
	[tilespmem:s4+$0xB000] =	vst v14  }
0x543: {  	[tilespmem:s3+$0x0] =	vst v5;
	v12 =	vld [tilespmem:s0+$0x3000];
	s0 =	sor.u32 s7, s14  }
0x544: {  	v2 =	vld [tilespmem:s4+$0x3080];
	[tilespmem:s0+$0x0] =	vst v15  }
0x545: {  	v50 =	vld [tilespmem:$0x580];
	s14 =	sld [smem:$0x750]  }
0x546: {  	v10 =	vld [tilespmem:$0x700]  }
0x547: {  	v11 =	vperm.xlane v11, v7;
	s3 =	sor.u32 $0xE180, s20;
	v5 =	vld [tilespmem:$0x80]  }
0x548: {  	v13 =	vperm.xlane v13, v4;
	v14 =	vld [tilespmem:s14+$0x3100];
	[smem:$0x760] =	sst s3  }
0x549: {  	s0 =	sor.u32 s12, s3;
	[tilespmem:s5+$0xB100] =	vst v11  }
0x54a: {  	v16 =	vperm.xlane v50, v3;
	s3 =	sor.u32 $0x1180, s26;
	v15 =	vld [tilespmem:$0xA80];
	[tilespmem:s0+$0x0] =	vst v13  }
0x54b: {  	v11 =	vld [tilespmem:$0x180];
	[dreg:$0x19] =	wrdreg s3  }
0x54c: {  	v10 =	vperm.xlane v10, v8;
	s26 =	sor.u32 $0x1300, s13;
	[tilespmem:s3+$0xB000] =	vst v16;
	v13 =	vld [tilespmem:$0xE00]  }
0x54d: {  	v16 =	vld [tilespmem:$0x600];
	[smem:$0x751] =	sst s26  }
0x54e: {  	s0 =	sor.u32 s29, s24;
	s24 =	sor.u32 $0xF280, s25;
	[tilespmem:s26+$0xB000] =	vst v10  }
0x54f: {  	s3 =	sor.u32 s11, s24;
	[tilespmem:s0+$0x0] =	vst v14  }
0x550: {  	v5 =	vperm.xlane v5, v6;
	[tilespmem:s3+$0x0] =	vst v12  }
0x551: {  	v10 =	vld [tilespmem:$0x780];
	s26 =	sld [smem:$0x752];
	v14 =	vperm.xlane v15, v1  }
0x552: {  	s0 =	sor.u32 s7, s19;
	v15 =	vld [tilespmem:s9+$0x4000];
	[tilespmem:s4+$0xB080] =	vst v5  }
0x553: {  	s2 =	sor.u32 $0xE200, s20;
	v5 =	vperm.xlane v11, v7;
	v11 =	vld [tilespmem:$0x100];
	[tilespmem:s0+$0x0] =	vst v14  }
0x554: {  	v13 =	vperm.xlane v13, v4;
	v12 =	vld [tilespmem:s26+$0x3000];
	[smem:$0x765] =	sst s2  }
0x555: {  	s3 =	sor.u32 s12, s2;
	v16 =	vperm.xlane v16, v3;
	v14 =	vld [tilespmem:$0xB00];
	[tilespmem:s5+$0xB180] =	vst v5  }
0x556: {  	[tilespmem:s3+$0x0] =	vst v13;
	v5 =	vperm.xlane v10, v8;
	v8 =	vld [tilespmem:$0x200]  }
0x557: {  	s13 =	sor.u32 $0x1380, s13;
	[tilespmem:s1+$0xC200] =	vst v16;
	v10 =	vld [tilespmem:$0xE80]  }
0x558: {  	v13 =	vld [tilespmem:$0x680];
	[smem:$0x753] =	sst s13  }
0x559: {  	s19 =	sor.u32 s29, s21;
	s26 =	sor.u32 $0xF300, s25;
	[tilespmem:s13+$0xB000] =	vst v5  }
0x55a: {  	s21 =	sor.u32 s11, s26;
	v5 =	vperm.xlane v11, v6;
	[tilespmem:s19+$0x0] =	vst v12  }
0x55b: {  	[tilespmem:s21+$0x0] =	vst v15;
	v12 =	vperm.xlane v14, v1;
	v14 =	vld [tilespmem:s14+$0x3200]  }
0x55c: {  	s0 =	sor.u32 s7, s16;
	v11 =	vld [tilespmem:$0x800];
	[tilespmem:s4+$0xB100] =	vst v5;
	v8 =	vperm.xlane v8, v7  }
0x55d: {  	s16 =	sor.u32 $0xE280, s20;
	v15 =	vld [tilespmem:s9+$0x4080];
	v5 =	vtrunc.f32 v9;
	v10 =	vperm.xlane v10, v4;
	[tilespmem:s0+$0x0] =	vst v12  }
0x55e: {  	s3 =	sor.u32 s12, s16;
	v9 =	vld [tilespmem:$0x180];
	v5 =	vcvt.f32.s32 v5;
	[tilespmem:s5+$0xB200] =	vst v8  }
0x55f: {  	s13 =	smov.u32 s14;
	s14 =	sor.u32 s29, s18;
	v12 =	vld [tilespmem:$0xB80];
	[tilespmem:s3+$0x0] =	vst v10  }
0x560: {  	v8 =	vperm.xlane v13, v3;
	v5 =	vand.u32 $0xF, v5;
	v10 =	vld [tilespmem:$0x280];
	[tilespmem:s14+$0x0] =	vst v14  }
0x561: {  	s18 =	simm.s32 $0x300;
	v11 =	vperm.xlane v11, v5;
	v13 =	vld [tilespmem:$0xF00];
	s14 =	sor.u32 $0xD000, s30;
	[dreg:$0x5] =	wrdreg s1  }
0x562: {  	s19 =	sand.u32 $0xFFFFFC00, s18;
	s0 =	sor.u32 s31, s14;
	[tilespmem:s1+$0xC280] =	vst v8  }
0x563: {  	[tilespmem:s0+$0x0] =	vst v11;
	s0 =	sadd.s32 $0x60, s19  }
0x564: {  	s21 =	sor.u32 $0xF380, s25;
	v8 =	vld [tilespmem:s13+$0x3280];
	[smem:$0x768] =	sst s0  }
0x565: {  	s1 =	sor.u32 s11, s21;
	v11 =	vld [tilespmem:$0x700]  }
0x566: {  	v9 =	vperm.xlane v9, v6;
	s0 =	sor.u32 $0x180, s0;
	[tilespmem:s1+$0x0] =	vst v15;
	v14 =	vld [tilespmem:$0x880]  }
0x567: {  	v12 =	vperm.xlane v12, v1;
	v15 =	vld [tilespmem:s9+$0x4100];
	[smem:$0x754] =	sst s0  }
0x568: {  	s3 =	sor.u32 s7, s15;
	[tilespmem:s0+$0xB000] =	vst v9  }
0x569: {  	s8 =	sor.u32 s29, s8;
	s18 =	sor.u32 $0xE300, s20;
	[tilespmem:s3+$0x0] =	vst v12;
	v12 =	vperm.xlane v13, v4  }
0x56a: {  	s15 =	sor.u32 s12, s18;
	[tilespmem:s8+$0x0] =	vst v8  }
0x56b: {  	s0 =	sld [smem:$0x755];
	[tilespmem:s15+$0x0] =	vst v12  }
0x56c: {  	v9 =	vld [tilespmem:$0x200];
	s19 =	sld [smem:$0x756]  }
0x56d: {  	v10 =	vperm.xlane v10, v7;
	v8 =	vld [tilespmem:$0xC00];
	_ =	sdelay $0x1  }
0x56e: {  	v11 =	vperm.xlane v11, v3;
	[tilespmem:s5+$0xB280] =	vst v10;
	v13 =	vld [tilespmem:s0+$0x3000];
	s0 =	sor.u32 $0x1300, s19  }
0x56f: {  	s2 =	sor.u32 $0xD080, s30;
	v10 =	vperm.xlane v14, v5;
	v12 =	vld [tilespmem:$0xF80];
	[dreg:$0x1d] =	wrdreg s0  }
0x570: {  	s1 =	sor.u32 s31, s2;
	v9 =	vperm.xlane v9, v6;
	[tilespmem:s0+$0xB000] =	vst v11  }
0x571: {  	s15 =	simm.s32 $0x3;
	v8 =	vperm.xlane v8, v1;
	v11 =	vld [tilespmem:$0x300];
	[tilespmem:s1+$0x0] =	vst v10  }
0x572: {  	s19 =	sand.u32 $0x3, s15;
	s0 =	sor.u32 $0x10000, s25;
	s1 =	sor.u32 s7, s6;
	[tilespmem:s4+$0xB200] =	vst v9;
	v10 =	vld [tilespmem:$0x780]  }
0x573: {  	s3 =	sshll.u32 s19, $0x5;
	s8 =	sor.u32 s11, s0;
	v14 =	vld [tilespmem:$0x900];
	[tilespmem:s1+$0x0] =	vst v8  }
0x574: {  	s15 =	sadd.s32 $0x300, s3;
	v4 =	vperm.xlane v12, v4;
	s3 =	sor.u32 $0xE380, s20;
	v8 =	vld [tilespmem:$0x280];
	[tilespmem:s8+$0x0] =	vst v15  }
0x575: {  	s6 =	sor.u32 s12, s3;
	s8 =	sadd.s32 $0x10, s15;
	v15 =	vld [tilespmem:s9+$0x4180];
	[smem:$0x76A] =	sst s3  }
0x576: {  	s3 =	sor.u32 $0x300, s8;
	v12 =	vld [tilespmem:$0xC80];
	[tilespmem:s6+$0x0] =	vst v4;
	v11 =	vperm.xlane v11, v7  }
0x577: {  	v9 =	vld [tilespmem:s5+$0x3080];
	[smem:$0x758] =	sst s3  }
0x578: {  	s19 =	sld [smem:$0x757];
	[tilespmem:s3+$0xB000] =	vst v11  }
0x579: {  	s1 =	sld [smem:$0x759];
	_ =	sdelay $0x1  }
0x57a: {  	v3 =	vperm.xlane v10, v3;
	s6 =	sor.u32 $0x1380, s19  }
0x57b: {  	v10 =	vld [tilespmem:s1+$0x3100];
	[smem:$0x75A] =	sst s6  }
0x57c: {  	s17 =	sor.u32 s29, s17;
	v4 =	vperm.xlane v14, v5;
	s3 =	sor.u32 $0xD100, s30;
	[tilespmem:s6+$0xB000] =	vst v3  }
0x57d: {  	s6 =	sor.u32 s31, s3;
	[tilespmem:s17+$0x0] =	vst v13  }
0x57e: {  	[tilespmem:s6+$0x0] =	vst v4  }
0x57f: {  	v8 =	vperm.xlane v8, v6;
	v3 =	vld [tilespmem:$0x380];
	s19 =	sld [smem:$0x75B]  }
0x580: {  	v4 =	vld [tilespmem:$0x800]  }
0x581: {  	s17 =	sor.u32 $0xF000, s20;
	s6 =	sor.u32 $0x10080, s25;
	v11 =	vld [tilespmem:$0x980];
	[tilespmem:s4+$0xB280] =	vst v8  }
0x582: {  	v0 =	vtrunc.f32 v0;
	v13 =	vld [tilespmem:s19+$0x3000];
	[smem:$0x77D] =	sst s6;
	s19 =	sor.u32 s12, s17  }
0x583: {  	v0 =	vcvt.f32.s32 v0;
	v8 =	vperm.xlane v12, v1;
	s6 =	sor.u32 s11, s6;
	[tilespmem:s19+$0x0] =	vst v10;
	v10 =	vld [tilespmem:$0x300]  }
0x584: {  	[tilespmem:s6+$0x0] =	vst v15;
	s6 =	sor.u32 s7, s22;
	v12 =	vld [tilespmem:s1+$0x3180]  }
0x585: {  	v0 =	vand.u32 $0xF, v0;
	v3 =	vperm.xlane v3, v7;
	s19 =	sor.u32 $0x380, s8;
	[tilespmem:s6+$0x0] =	vst v8;
	v8 =	vld [tilespmem:s9+$0x4200]  }
0x586: {  	v4 =	vperm.xlane v4, v0;
	v14 =	vld [tilespmem:$0xD00];
	[smem:$0x75C] =	sst s19  }
0x587: {  	s22 =	sor.u32 s28, s14;
	s14 =	sor.u32 $0xD180, s30;
	[tilespmem:s19+$0xB000] =	vst v3;
	v3 =	vperm.xlane v11, v5  }
0x588: {  	s6 =	sor.u32 s31, s14;
	[tilespmem:s22+$0x0] =	vst v4  }
0x589: {  	s19 =	sor.u32 $0xF080, s20;
	v4 =	vld [tilespmem:$0x400];
	[tilespmem:s6+$0x0] =	vst v3;
	s6 =	sor.u32 $0x10100, s25  }
0x58a: {  	s22 =	sor.u32 s12, s19;
	v3 =	vld [tilespmem:$0x880];
	[smem:$0x77F] =	sst s6  }
0x58b: {  	s6 =	sor.u32 s11, s6;
	[tilespmem:s22+$0x0] =	vst v12;
	v11 =	vld [tilespmem:$0xA00]  }
0x58c: {  	v10 =	vperm.xlane v10, v6;
	[tilespmem:s6+$0x0] =	vst v8;
	s22 =	smov.u32 s1;
	v8 =	vld [tilespmem:s1+$0x3200];
	s1 =	sor.u32 $0x300, s15  }
0x58d: {  	v12 =	vld [tilespmem:s9+$0x4280];
	[smem:$0x75D] =	sst s1  }
0x58e: {  	s24 =	sor.u32 s29, s24;
	v14 =	vperm.xlane v14, v1;
	[tilespmem:s1+$0xB000] =	vst v10  }
0x58f: {  	s6 =	sor.u32 s7, s23;
	[tilespmem:s24+$0x0] =	vst v13  }
0x590: {  	s9 =	sor.u32 $0xF100, s20;
	v4 =	vperm.xlane v4, v7;
	[tilespmem:s6+$0x0] =	vst v14;
	v10 =	vld [tilespmem:$0x380]  }
0x591: {  	v13 =	vld [tilespmem:s13+$0x4000];
	[smem:$0x773] =	sst s9  }
0x592: {  	v3 =	vperm.xlane v3, v0;
	s1 =	sor.u32 s12, s9;
	[tilespmem:s5+$0xC000] =	vst v4  }
0x593: {  	s24 =	smov.u32 s13;
	s13 =	sor.u32 s28, s2;
	s2 =	sor.u32 $0xD200, s30;
	v14 =	vld [tilespmem:$0xD80];
	v4 =	vperm.xlane v11, v5;
	[tilespmem:s1+$0x0] =	vst v8  }
0x594: {  	s9 =	smov.u32 s22;
	[tilespmem:s13+$0x0] =	vst v3;
	v3 =	vld [tilespmem:s22+$0x3280];
	s22 =	sor.u32 s31, s2  }
0x595: {  	s6 =	sor.u32 $0x10180, s25;
	v8 =	vld [tilespmem:$0x480];
	[tilespmem:s22+$0x0] =	vst v4  }
0x596: {  	s1 =	sor.u32 s29, s26;
	v4 =	vld [tilespmem:$0x900];
	[smem:$0x783] =	sst s6  }
0x597: {  	s6 =	sor.u32 s11, s6;
	[tilespmem:s1+$0x0] =	vst v13  }
0x598: {  	s23 =	simm.s32 $0x60;
	s26 =	simm.s32 $0x300;
	[tilespmem:s6+$0x0] =	vst v12  }
0x599: {  	s23 =	sor.u32 s23, s26;
	s26 =	sld [smem:$0x75E]  }
0x59a: {  	s22 =	sor.u32 $0xF180, s20;
	v11 =	vld [tilespmem:$0xA80]  }
0x59b: {  	s13 =	sor.u32 $0x380, s23;
	v10 =	vperm.xlane v10, v6;
	v12 =	vld [tilespmem:s24+$0x4080];
	[smem:$0x776] =	sst s22  }
0x59c: {  	v13 =	vld [tilespmem:s26+$0x3000];
	[smem:$0x75F] =	sst s13  }
0x59d: {  	[tilespmem:s13+$0xB000] =	vst v10;
	s13 =	sor.u32 s12, s22  }
0x59e: {  	[tilespmem:s13+$0x0] =	vst v3  }
0x59f: {  	s1 =	sld [smem:$0x760];
	_ =	sdelay $0x1  }
0x5a0: {  	v14 =	vperm.xlane v14, v1  }
0x5a1: {  	v8 =	vperm.xlane v8, v7;
	s1 =	sor.u32 s7, s1  }
0x5a2: {  	v3 =	vld [tilespmem:$0x400];
	[tilespmem:s1+$0x0] =	vst v14  }
0x5a3: {  	s6 =	sor.u32 $0xD280, s30;
	s22 =	sor.u32 s29, s21;
	s1 =	sld [smem:$0x761];
	v14 =	vld [tilespmem:$0xE00];
	[tilespmem:s5+$0xC080] =	vst v8;
	v8 =	vperm.xlane v11, v5  }
0x5a4: {  	s26 =	sor.u32 s31, s6;
	[tilespmem:s22+$0x0] =	vst v12;
	v11 =	vld [tilespmem:$0x500]  }
0x5a5: {  	v4 =	vperm.xlane v4, v0;
	s21 =	sor.u32 $0x10200, s25;
	[tilespmem:s26+$0x0] =	vst v8;
	v8 =	vld [tilespmem:s24+$0x4100]  }
0x5a6: {  	s13 =	sor.u32 s28, s3;
	v10 =	vld [tilespmem:s1+$0x3000];
	[smem:$0x786] =	sst s21  }
0x5a7: {  	s22 =	sor.u32 s11, s21;
	[tilespmem:s13+$0x0] =	vst v4  }
0x5a8: {  	v3 =	vperm.xlane v3, v6;
	s26 =	sor.u32 $0xF200, s20;
	v4 =	vld [tilespmem:$0xB00];
	[tilespmem:s22+$0x0] =	vst v13  }
0x5a9: {  	v12 =	vld [tilespmem:$0x980];
	[smem:$0x77B] =	sst s26  }
0x5aa: {  	s13 =	sor.u32 s29, s0;
	s1 =	sld [smem:$0x762];
	[tilespmem:s4+$0xC000] =	vst v3  }
0x5ab: {  	s3 =	sor.u32 s12, s26;
	[tilespmem:s13+$0x0] =	vst v8  }
0x5ac: {  	[tilespmem:s3+$0x0] =	vst v10  }
0x5ad: {  	v11 =	vperm.xlane v11, v7;
	s21 =	sld [smem:$0x763]  }
0x5ae: {  	v3 =	vld [tilespmem:$0x480];
	s26 =	sld [smem:$0x765]  }
0x5af: {  	v13 =	vld [tilespmem:s1+$0x3000];
	s22 =	sld [smem:$0x764];
	[tilespmem:s5+$0xC100] =	vst v11  }
0x5b0: {  	v14 =	vperm.xlane v14, v1;
	v11 =	vperm.xlane v12, v0;
	v12 =	vld [tilespmem:$0x580]  }
0x5b1: {  	s3 =	sor.u32 $0xD300, s30;
	v4 =	vperm.xlane v4, v5;
	v8 =	vld [tilespmem:s21+$0x3000];
	s0 =	sor.u32 s7, s26  }
0x5b2: {  	v10 =	vld [tilespmem:s22+$0x3000];
	s21 =	sor.u32 s31, s3;
	[tilespmem:s0+$0x0] =	vst v14  }
0x5b3: {  	s13 =	simm.s32 $0x80;
	s22 =	sor.u32 s28, s14;
	v3 =	vperm.xlane v3, v6;
	[tilespmem:s21+$0x0] =	vst v4;
	v4 =	vld [tilespmem:$0xE80]  }
0x5b4: {  	s26 =	simm.s32 $0x400;
	s0 =	sand.u32 $0x60, s13;
	[tilespmem:s22+$0x0] =	vst v11;
	v11 =	vld [tilespmem:$0xB80]  }
0x5b5: {  	s13 =	sand.u32 $0xC00, s26;
	s26 =	sor.u32 $0x10, s0;
	v14 =	vld [tilespmem:$0xA00];
	[tilespmem:s4+$0xC080] =	vst v3  }
0x5b6: {  	s1 =	sor.u32 s13, s26;
	v15 =	vld [tilespmem:$0x500]  }
0x5b7: {  	v3 =	vld [tilespmem:s1+$0x3000];
	[smem:$0x766] =	sst s0  }
0x5b8: {  	s21 =	sor.u32 $0xF280, s20;
	s22 =	sor.u32 s0, s13;
	v12 =	vperm.xlane v12, v7;
	[smem:$0x767] =	sst s13  }
0x5b9: {  	v51 =	vld [tilespmem:s22+$0x3000];
	[smem:$0x780] =	sst s21  }
0x5ba: {  	s14 =	sor.u32 s12, s21;
	s0 =	sor.u32 $0xD380, s30;
	[tilespmem:s5+$0xC180] =	vst v12;
	v11 =	vperm.xlane v11, v5  }
0x5bb: {  	s13 =	sor.u32 s31, s0;
	[tilespmem:s14+$0x0] =	vst v8  }
0x5bc: {  	v52 =	vld [tilespmem:$0x0];
	s14 =	sor.u32 $0x10280, s25;
	v4 =	vperm.xlane v4, v1;
	[tilespmem:s13+$0x0] =	vst v11  }
0x5bd: {  	s16 =	sor.u32 s7, s16;
	v12 =	vld [tilespmem:$0x600];
	v3 =	vtrunc.f32 v3;
	[smem:$0x788] =	sst s14  }
0x5be: {  	s11 =	sor.u32 s11, s14;
	v3 =	vcvt.f32.s32 v3;
	v11 =	vld [tilespmem:s9+$0x4000];
	[tilespmem:s16+$0x0] =	vst v4;
	v4 =	vperm.xlane v15, v6  }
0x5bf: {  	v15 =	vld [tilespmem:$0xC00];
	[tilespmem:s11+$0x0] =	vst v13  }
0x5c0: {  	v14 =	vperm.xlane v14, v0;
	s16 =	sor.u32 $0xF300, s20;
	v13 =	vld [tilespmem:$0xF00];
	v3 =	vand.u32 $0xF, v3;
	[tilespmem:s4+$0xC100] =	vst v4  }
0x5c1: {  	s2 =	sor.u32 s28, s2;
	v8 =	vld [tilespmem:s22+$0x3080];
	v53 =	vperm.xlane v52, v3;
	[smem:$0x784] =	sst s16  }
0x5c2: {  	[tilespmem:s2+$0x0] =	vst v14  }
0x5c3: {  	s21 =	sor.u32 s12, s16;
	v12 =	vperm.xlane v12, v7;
	v4 =	vtrunc.f32 v51;
	v14 =	vld [tilespmem:$0x580];
	[tilespmem:s1+$0xB000] =	vst v53  }
0x5c4: {  	v4 =	vcvt.f32.s32 v4;
	[tilespmem:s21+$0x0] =	vst v11;
	v11 =	vld [tilespmem:$0xA80];
	v15 =	vperm.xlane v15, v5;
	s21 =	sor.u32 $0xE000, s30  }
0x5c5: {  	[tilespmem:s5+$0xC200] =	vst v12;
	v54 =	vld [tilespmem:s9+$0x4080];
	v13 =	vperm.xlane v13, v1;
	s25 =	sor.u32 s31, s21  }
0x5c6: {  	s11 =	sor.u32 s7, s18;
	v4 =	vand.u32 $0xF, v4;
	v18 =	vld [tilespmem:$0x80];
	[tilespmem:s25+$0x0] =	vst v15  }
0x5c7: {  	s13 =	sor.u32 $0xF380, s20;
	v12 =	vperm.xlane v52, v4;
	v15 =	vld [tilespmem:$0x680];
	[tilespmem:s11+$0x0] =	vst v13  }
0x5c8: {  	v13 =	vld [tilespmem:$0xC80];
	[smem:$0x78A] =	sst s13  }
0x5c9: {  	s2 =	sor.u32 s12, s13;
	[tilespmem:s22+$0xB000] =	vst v12  }
0x5ca: {  	[tilespmem:s2+$0x0] =	vst v54  }
0x5cb: {  	s2 =	sld [smem:$0x768];
	_ =	sdelay $0x2  }
0x5cc: {  	v14 =	vperm.xlane v14, v6;
	v55 =	vld [tilespmem:$0xF80];
	s14 =	sor.u32 $0x1180, s2  }
0x5cd: {  	v11 =	vperm.xlane v11, v0;
	v12 =	vld [tilespmem:$0x80];
	[smem:$0x769] =	sst s14  }
0x5ce: {  	s16 =	sor.u32 s28, s6;
	[tilespmem:s14+$0xB000] =	vst v14;
	v14 =	vperm.xlane v18, v3;
	v16 =	vld [tilespmem:s9+$0x4100]  }
0x5cf: {  	[tilespmem:s16+$0x0] =	vst v11;
	v11 =	vld [tilespmem:$0x600]  }
0x5d0: {  	v15 =	vperm.xlane v15, v7;
	v56 =	vld [tilespmem:$0xB00];
	[tilespmem:s1+$0xB080] =	vst v14  }
0x5d1: {  	v14 =	vld [tilespmem:$0x100];
	[dreg:$0xf] =	wrdreg s5  }
0x5d2: {  	s25 =	sor.u32 $0x10000, s20;
	v13 =	vperm.xlane v13, v5;
	s16 =	sor.u32 $0xE080, s30;
	[tilespmem:s5+$0xC280] =	vst v15  }
0x5d3: {  	s18 =	sor.u32 s31, s16;
	[smem:$0x78B] =	sst s25  }
0x5d4: {  	s6 =	sor.u32 s12, s25;
	[tilespmem:s18+$0x0] =	vst v13  }
0x5d5: {  	[tilespmem:s6+$0x0] =	vst v16  }
0x5d6: {  	s2 =	sld [smem:$0x76A];
	_ =	sdelay $0x1  }
0x5d7: {  	v1 =	vperm.xlane v55, v1  }
0x5d8: {  	v12 =	vperm.xlane v12, v4;
	v13 =	vld [tilespmem:$0x700];
	s2 =	sor.u32 s7, s2  }
0x5d9: {  	v15 =	vld [tilespmem:$0xD00];
	[tilespmem:s2+$0x0] =	vst v1;
	v1 =	vperm.xlane v11, v6  }
0x5da: {  	v11 =	vld [tilespmem:s9+$0x4180];
	s25 =	sld [smem:$0x76B];
	[tilespmem:s22+$0xB080] =	vst v12;
	v12 =	vperm.xlane v56, v0  }
0x5db: {  	s11 =	sor.u32 s28, s3;
	v58 =	vld [tilespmem:$0x100];
	[tilespmem:s4+$0xC200] =	vst v1  }
0x5dc: {  	s13 =	sor.u32 $0x10080, s20;
	v14 =	vperm.xlane v14, v3;
	[tilespmem:s11+$0x0] =	vst v12;
	v1 =	vld [tilespmem:$0x680]  }
0x5dd: {  	v57 =	vld [tilespmem:s25+$0x3100];
	[smem:$0x78D] =	sst s13  }
0x5de: {  	s2 =	sor.u32 s12, s13;
	[tilespmem:s1+$0xB100] =	vst v14  }
0x5df: {  	s14 =	sor.u32 $0x1300, s8;
	v12 =	vperm.xlane v13, v7;
	v13 =	vld [tilespmem:$0xB80];
	[tilespmem:s2+$0x0] =	vst v11  }
0x5e0: {  	s13 =	sor.u32 $0xE100, s30;
	v14 =	vperm.xlane v15, v5;
	v11 =	vld [tilespmem:$0x180];
	[smem:$0x76C] =	sst s14  }
0x5e1: {  	s18 =	sor.u32 s31, s13;
	[tilespmem:s14+$0xB000] =	vst v12  }
0x5e2: {  	s3 =	sor.u32 s7, s17;
	[tilespmem:s18+$0x0] =	vst v14  }
0x5e3: {  	v12 =	vld [tilespmem:s9+$0x4200];
	v14 =	vperm.xlane v58, v4;
	[tilespmem:s3+$0x0] =	vst v57  }
0x5e4: {  	v15 =	vld [tilespmem:$0x780];
	s2 =	sld [smem:$0x76D]  }
0x5e5: {  	v59 =	vld [tilespmem:$0xD80];
	[tilespmem:s22+$0xB100] =	vst v14  }
0x5e6: {  	v1 =	vperm.xlane v1, v6;
	v14 =	vld [tilespmem:$0x180]  }
0x5e7: {  	s11 =	sor.u32 $0x10100, s20;
	v60 =	vld [tilespmem:s2+$0x3000];
	[dreg:$0x11] =	wrdreg s4  }
0x5e8: {  	v11 =	vperm.xlane v11, v3;
	[tilespmem:s4+$0xC280] =	vst v1;
	s4 =	sor.u32 s12, s11  }
0x5e9: {  	v1 =	vperm.xlane v13, v0;
	[tilespmem:s4+$0x0] =	vst v12;
	v12 =	vld [tilespmem:$0x700]  }
0x5ea: {  	s5 =	sor.u32 s28, s0;
	[tilespmem:s1+$0xB180] =	vst v11;
	v13 =	vld [tilespmem:s9+$0x4280]  }
0x5eb: {  	s6 =	sor.u32 $0x1380, s8;
	v7 =	vperm.xlane v15, v7;
	[tilespmem:s5+$0x0] =	vst v1;
	v1 =	vld [tilespmem:$0x200]  }
0x5ec: {  	s8 =	simm.s32 $0x400;
	s2 =	sor.u32 $0xE180, s30;
	v11 =	vperm.xlane v59, v5;
	v15 =	vld [tilespmem:$0xC00];
	[smem:$0x76E] =	sst s6  }
0x5ed: {  	s14 =	sor.u32 s31, s2;
	s9 =	sand.u32 $0xFFFFFC00, s8;
	[tilespmem:s6+$0xB000] =	vst v7  }
0x5ee: {  	s0 =	sadd.s32 $0x80, s9;
	[tilespmem:s14+$0x0] =	vst v11  }
0x5ef: {  	[smem:$0x794] =	sst s0  }
0x5f0: {  	s17 =	sor.u32 s7, s19;
	v11 =	vld [tilespmem:$0x800]  }
0x5f1: {  	v7 =	vperm.xlane v14, v4;
	s0 =	sor.u32 $0x180, s0;
	[tilespmem:s17+$0x0] =	vst v60;
	v14 =	vld [tilespmem:$0xE00]  }
0x5f2: {  	v61 =	vld [tilespmem:s25+$0x3200];
	[smem:$0x76F] =	sst s0  }
0x5f3: {  	v9 =	vtrunc.f32 v9;
	s18 =	sor.u32 $0x1300, s15;
	v12 =	vperm.xlane v12, v6;
	[tilespmem:s0+$0xB000] =	vst v7  }
0x5f4: {  	s4 =	sor.u32 $0x10180, s20;
	v7 =	vcvt.f32.s32 v9;
	v9 =	vld [tilespmem:$0x200];
	[smem:$0x770] =	sst s18  }
0x5f5: {  	s19 =	sor.u32 s12, s4;
	v62 =	vperm.xlane v1, v3;
	[tilespmem:s18+$0xB000] =	vst v12  }
0x5f6: {  	[tilespmem:s19+$0x0] =	vst v13  }
0x5f7: {  	s0 =	sld [smem:$0x771];
	[tilespmem:s1+$0xB200] =	vst v62  }
0x5f8: {  	s14 =	sld [smem:$0x772]  }
0x5f9: {  	s17 =	sor.u32 $0xE200, s30;
	v14 =	vperm.xlane v14, v5  }
0x5fa: {  	s6 =	sor.u32 s31, s17;
	v12 =	vperm.xlane v15, v0;
	v1 =	vand.u32 $0xF, v7;
	v13 =	vld [tilespmem:$0x780]  }
0x5fb: {  	v11 =	vperm.xlane v11, v1;
	[tilespmem:s6+$0x0] =	vst v14;
	v7 =	vld [tilespmem:s0+$0x3000];
	s0 =	sor.u32 s28, s21;
	s8 =	sor.u32 $0xD000, s14  }
0x5fc: {  	[tilespmem:s0+$0x0] =	vst v12;
	s5 =	sor.u32 s10, s8  }
0x5fd: {  	[tilespmem:s5+$0x0] =	vst v11  }
0x5fe: {  	s9 =	sld [smem:$0x773]  }
0x5ff: {  	v9 =	vperm.xlane v9, v4;
	v12 =	vld [tilespmem:$0x280]  }
0x600: {  	v6 =	vperm.xlane v13, v6;
	v13 =	vld [tilespmem:$0xE80]  }
0x601: {  	v11 =	vld [tilespmem:$0xC80];
	[tilespmem:s22+$0xB200] =	vst v9;
	s15 =	sor.u32 s7, s9  }
0x602: {  	s19 =	sor.u32 $0x10200, s20;
	v14 =	vld [tilespmem:$0x880];
	[tilespmem:s15+$0x0] =	vst v61  }
0x603: {  	s18 =	sor.u32 $0x1380, s23;
	v15 =	vld [tilespmem:s25+$0x3280];
	[smem:$0x791] =	sst s19  }
0x604: {  	v9 =	vperm.xlane v12, v3;
	v12 =	vld [tilespmem:$0x280];
	[smem:$0x774] =	sst s18  }
0x605: {  	s21 =	sor.u32 s12, s19;
	[tilespmem:s18+$0xB000] =	vst v6  }
0x606: {  	[tilespmem:s21+$0x0] =	vst v7  }
0x607: {  	v6 =	vperm.xlane v11, v0;
	s23 =	sld [smem:$0x775]  }
0x608: {  	s3 =	sor.u32 s28, s16;
	v7 =	vld [tilespmem:$0x800];
	[tilespmem:s1+$0xB280] =	vst v9  }
0x609: {  	s6 =	sor.u32 $0xE280, s30;
	s21 =	sor.u32 $0xD080, s14;
	v9 =	vperm.xlane v14, v1;
	[tilespmem:s3+$0x0] =	vst v6;
	v6 =	vld [tilespmem:$0x300]  }
0x60a: {  	v13 =	vperm.xlane v13, v5;
	s5 =	sor.u32 s10, s21;
	v11 =	vld [tilespmem:s23+$0x3000];
	[smem:$0x796] =	sst s6  }
0x60b: {  	s16 =	sor.u32 s31, s6;
	[tilespmem:s5+$0x0] =	vst v9  }
0x60c: {  	[tilespmem:s16+$0x0] =	vst v13  }
0x60d: {  	s18 =	sld [smem:$0x776];
	_ =	sdelay $0x1  }
0x60e: {  	s23 =	simm.s32 $0x4;
	v9 =	vld [tilespmem:$0xD00]  }
0x60f: {  	v2 =	vtrunc.f32 v2;
	v13 =	vld [tilespmem:$0x900];
	[smem:$0x777] =	sst s23;
	s19 =	sor.u32 s7, s18  }
0x610: {  	v2 =	vcvt.f32.s32 v2;
	s9 =	simm.s32 $0x4;
	[tilespmem:s19+$0x0] =	vst v15  }
0x611: {  	s3 =	sand.u32 $0x3, s9;
	v12 =	vperm.xlane v12, v4;
	s6 =	sld [smem:$0x779]  }
0x612: {  	v2 =	vand.u32 $0xF, v2;
	s5 =	sshll.u32 s3, $0x5;
	s3 =	sor.u32 $0x10280, s20;
	s9 =	sld [smem:$0x778]  }
0x613: {  	v7 =	vperm.xlane v7, v2;
	s15 =	sor.u32 s12, s3;
	v14 =	vld [tilespmem:$0xF00];
	s18 =	sadd.s32 $0x400, s5;
	[tilespmem:s22+$0xB280] =	vst v12  }
0x614: {  	s19 =	sadd.s32 $0x10, s18;
	[tilespmem:s15+$0x0] =	vst v11;
	v12 =	vld [tilespmem:$0x300];
	s8 =	sor.u32 s6, s8  }
0x615: {  	s16 =	sor.u32 $0x300, s19;
	v15 =	vld [tilespmem:s9+$0x3000];
	[tilespmem:s8+$0x0] =	vst v7;
	v7 =	vperm.xlane v6, v3  }
0x616: {  	v9 =	vperm.xlane v9, v0;
	v6 =	vld [tilespmem:s1+$0x3080];
	[smem:$0x77A] =	sst s16  }
0x617: {  	s20 =	sor.u32 s28, s13;
	s23 =	sor.u32 $0xD100, s14;
	v11 =	vperm.xlane v13, v1;
	[tilespmem:s16+$0xB000] =	vst v7  }
0x618: {  	s5 =	sor.u32 s10, s23;
	v13 =	vperm.xlane v14, v5;
	[tilespmem:s20+$0x0] =	vst v9;
	s20 =	sor.u32 $0xE300, s30  }
0x619: {  	[tilespmem:s5+$0x0] =	vst v11;
	s9 =	sor.u32 s31, s20  }
0x61a: {  	[tilespmem:s9+$0x0] =	vst v13  }
0x61b: {  	s0 =	sld [smem:$0x77B];
	_ =	sdelay $0x2  }
0x61c: {  	v7 =	vld [tilespmem:$0x880];
	s12 =	sor.u32 s7, s0  }
0x61d: {  	v9 =	vld [tilespmem:$0x380];
	[tilespmem:s12+$0x0] =	vst v15  }
0x61e: {  	v11 =	vld [tilespmem:$0xD80];
	s5 =	sld [smem:$0x77C]  }
0x61f: {  	v14 =	vld [tilespmem:$0xF80];
	s15 =	sld [smem:$0x77D]  }
0x620: {  	s13 =	sor.u32 $0x300, s18;
	v12 =	vperm.xlane v12, v4;
	v13 =	vld [tilespmem:$0x980]  }
0x621: {  	v15 =	vld [tilespmem:s5+$0x3000];
	[smem:$0x77E] =	sst s13  }
0x622: {  	v7 =	vperm.xlane v7, v2;
	s16 =	sor.u32 s29, s15;
	[tilespmem:s13+$0xB000] =	vst v12  }
0x623: {  	s0 =	sor.u32 s6, s21;
	v9 =	vperm.xlane v9, v3;
	[tilespmem:s16+$0x0] =	vst v10  }
0x624: {  	s8 =	sor.u32 $0x380, s19;
	v5 =	vperm.xlane v14, v5;
	s15 =	sor.u32 $0xE380, s30;
	[tilespmem:s0+$0x0] =	vst v7  }
0x625: {  	v7 =	vperm.xlane v11, v0;
	[tilespmem:s8+$0xB000] =	vst v9;
	s9 =	sor.u32 s31, s15  }
0x626: {  	s2 =	sor.u32 s28, s2;
	s5 =	sor.u32 $0xD180, s14;
	v12 =	vperm.xlane v13, v1;
	[tilespmem:s9+$0x0] =	vst v5  }
0x627: {  	[tilespmem:s2+$0x0] =	vst v7;
	s2 =	sor.u32 s10, s5  }
0x628: {  	v11 =	vld [tilespmem:s24+$0x4200];
	[tilespmem:s2+$0x0] =	vst v12  }
0x629: {  	s0 =	sld [smem:$0x77F];
	_ =	sdelay $0x2  }
0x62a: {  	s12 =	sor.u32 s29, s0  }
0x62b: {  	v10 =	vld [tilespmem:$0x380];
	[tilespmem:s12+$0x0] =	vst v11  }
0x62c: {  	v9 =	vld [tilespmem:$0x900];
	s12 =	sld [smem:$0x780]  }
0x62d: {  	v7 =	vld [tilespmem:$0x400];
	s2 =	sld [smem:$0x781]  }
0x62e: {  	s21 =	simm.s32 $0x400;
	s16 =	simm.s32 $0x80;
	v12 =	vld [tilespmem:$0xE00]  }
0x62f: {  	s13 =	sor.u32 s16, s21;
	v5 =	vld [tilespmem:$0xA00];
	s16 =	sor.u32 s7, s12  }
0x630: {  	s21 =	sor.u32 $0x380, s13;
	v10 =	vperm.xlane v10, v4;
	v11 =	vld [tilespmem:s2+$0x3100];
	[tilespmem:s16+$0x0] =	vst v15  }
0x631: {  	v9 =	vperm.xlane v9, v2;
	v13 =	vld [tilespmem:s24+$0x4280];
	[smem:$0x782] =	sst s21  }
0x632: {  	v7 =	vperm.xlane v7, v3;
	s24 =	sor.u32 s6, s23;
	[tilespmem:s21+$0xB000] =	vst v10  }
0x633: {  	[tilespmem:s24+$0x0] =	vst v9;
	s24 =	sor.u32 $0xF000, s30  }
0x634: {  	v5 =	vperm.xlane v5, v1;
	[tilespmem:s1+$0xC000] =	vst v7;
	s21 =	sor.u32 $0xD200, s14;
	s0 =	sor.u32 s31, s24  }
0x635: {  	v7 =	vperm.xlane v12, v0;
	s12 =	sor.u32 s10, s21;
	[tilespmem:s0+$0x0] =	vst v11  }
0x636: {  	s17 =	sor.u32 s28, s17;
	[tilespmem:s12+$0x0] =	vst v5  }
0x637: {  	[tilespmem:s17+$0x0] =	vst v7  }
0x638: {  	s0 =	sld [smem:$0x783];
	_ =	sdelay $0x2  }
0x639: {  	s16 =	sor.u32 s29, s0  }
0x63a: {  	v10 =	vld [tilespmem:s25+$0x4000];
	[tilespmem:s16+$0x0] =	vst v13  }
0x63b: {  	s23 =	sld [smem:$0x784];
	_ =	sdelay $0x2  }
0x63c: {  	s12 =	sor.u32 s7, s23  }
0x63d: {  	v9 =	vld [tilespmem:$0x400];
	[tilespmem:s12+$0x0] =	vst v10  }
0x63e: {  	v14 =	vld [tilespmem:$0x980];
	s16 =	sld [smem:$0x785]  }
0x63f: {  	v11 =	vld [tilespmem:$0x480];
	s17 =	sld [smem:$0x786]  }
0x640: {  	v5 =	vld [tilespmem:s2+$0x3180];
	s23 =	sld [smem:$0x788]  }
0x641: {  	v12 =	vld [tilespmem:$0xA80]  }
0x642: {  	v13 =	vld [tilespmem:$0xE80];
	s0 =	sor.u32 s29, s17  }
0x643: {  	v9 =	vperm.xlane v9, v4;
	v7 =	vld [tilespmem:s16+$0x3000];
	[smem:$0x787] =	sst s0;
	s0 =	sor.u32 s29, s23  }
0x644: {  	s17 =	sor.u32 $0xF080, s30;
	[smem:$0x789] =	sst s0  }
0x645: {  	s29 =	sld [smem:$0x78A];
	s12 =	sor.u32 s31, s17;
	[tilespmem:s22+$0xC000] =	vst v9  }
0x646: {  	[tilespmem:s12+$0x0] =	vst v5  }
0x647: {  	s23 =	sld [smem:$0x78B]  }
0x648: {  	s16 =	smov.u32 s7;
	s0 =	sor.u32 s7, s29;
	s29 =	sld [smem:$0x78D]  }
0x649: {  	s12 =	sor.u32 s16, s11  }
0x64a: {  	v9 =	vld [tilespmem:s25+$0x4080];
	[smem:$0x78F] =	sst s12;
	s7 =	sor.u32 s16, s23  }
0x64b: {  	[smem:$0x78C] =	sst s7;
	s7 =	sor.u32 s16, s29  }
0x64c: {  	v10 =	vperm.xlane v11, v3;
	s4 =	sor.u32 s16, s4;
	[smem:$0x78E] =	sst s7  }
0x64d: {  	v5 =	vperm.xlane v14, v2;
	v14 =	vld [tilespmem:$0x480];
	[smem:$0x790] =	sst s4  }
0x64e: {  	[tilespmem:s1+$0xC080] =	vst v10  }
0x64f: {  	s12 =	smov.u32 s1;
	s1 =	sld [smem:$0x791];
	_ =	sdelay $0x1  }
0x650: {  	s29 =	sor.u32 s16, s3  }
0x651: {  	v15 =	vld [tilespmem:s2+$0x3200];
	[smem:$0x793] =	sst s29;
	s1 =	sor.u32 s16, s1  }
0x652: {  	s11 =	sor.u32 $0xD280, s14;
	s23 =	sor.u32 s6, s5;
	v10 =	vperm.xlane v12, v1;
	[smem:$0x792] =	sst s1  }
0x653: {  	s1 =	sor.u32 s10, s11;
	[tilespmem:s23+$0x0] =	vst v5  }
0x654: {  	[tilespmem:s1+$0x0] =	vst v10  }
0x655: {  	s4 =	sld [smem:$0x794]  }
0x656: {  	s5 =	sld [smem:$0x796];
	_ =	sdelay $0x1  }
0x657: {  	v5 =	vperm.xlane v13, v0;
	s1 =	sor.u32 $0x1180, s4  }
0x658: {  	s9 =	simm.s32 $0x400;
	v63 =	vld [tilespmem:$0x500];
	s7 =	sor.u32 s28, s5;
	[smem:$0x795] =	sst s1  }
0x659: {  	s13 =	sor.u32 $0x1380, s13;
	s3 =	simm.s32 $0x8;
	s16 =	sor.u32 $0xF100, s30;
	[tilespmem:s7+$0x0] =	vst v5  }
0x65a: {  	s29 =	sor.u32 s28, s16;
	s5 =	sor.u32 s28, s20;
	s20 =	sor.u32 s31, s16;
	v12 =	vld [tilespmem:$0xA00];
	[tilespmem:s0+$0x0] =	vst v9  }
0x65b: {  	s23 =	sor.u32 $0x1300, s18;
	v5 =	vtrunc.f32 v8;
	v11 =	vld [tilespmem:$0xB00];
	[tilespmem:s20+$0x0] =	vst v15;
	s20 =	sor.u32 s6, s21;
	s21 =	sor.u32 s28, s17  }
0x65c: {  	s18 =	sor.u32 s28, s15;
	v10 =	vperm.xlane v14, v4;
	s4 =	sor.u32 s28, s24;
	v5 =	vcvt.f32.s32 v5;
	v9 =	vld [tilespmem:$0xF00];
	[smem:$0x797] =	sst s21  }
0x65d: {  	s24 =	smov.u32 s14;
	s0 =	smov.u32 s2;
	v8 =	vld [tilespmem:s25+$0x4100];
	[smem:$0x798] =	sst s29  }
0x65e: {  	s14 =	sor.u32 s6, s11;
	s11 =	smov.u32 s25;
	v13 =	vperm.xlane v63, v3;
	s25 =	simm.s32 $0xA0;
	v5 =	vand.u32 $0xF, v5;
	[tilespmem:s22+$0xC080] =	vst v10;
	v10 =	vld [tilespmem:s0+$0x3280]  }
.LBB2_6:
0x65f: {  	[smem:$0x76B] =	sst s11  }
0x660: {  	s1 =	sld [smem:$0x787]  }
0x661: {  	s7 =	sand.u32 $0x60, s25;
	s2 =	sld [smem:$0x792]  }
0x662: {  	s29 =	sadd.s32 $0x100, s9;
	s17 =	rddreg [dreg:$0xd];
	s15 =	sor.u32 $0x10, s7  }
0x663: {  	s9 =	sand.u32 $0xC00, s29;
	[smem:$0x742] =	sst s15  }
0x664: {  	s21 =	smov.u32 s9;
	[smem:$0x740] =	sst s9;
	s9 =	sor.u32 s9, s15  }
0x665: {  	v12 =	vperm.xlane v12, v2;
	[tilespmem:s12+$0xC100] =	vst v13;
	s3 =	sadd.s32 $0x2, s3;
	s11 =	smov.u32 s2;
	s2 =	sor.u32 s7, s21  }
0x666: {  	v14 =	vld [tilespmem:$0x500];
	[tilespmem:s1+$0x0] =	vst v7;
	v9 =	vperm.xlane v9, v0;
	[smem:$0x74A] =	sst s3;
	s21 =	sor.u32 s25, s29;
	p0 =	slt.u32 s3, $0x1E  }
0x667: {  	v7 =	vperm.xlane v11, v1;
	[smem:$0x787] =	sst s11;
	s11 =	sor.u32 $0xD300, s24;
	v11 =	vld [tilespmem:s17+$0x3000];
	[tilespmem:s20+$0x0] =	vst v12;
	s3 =	sor.u32 $0x380, s21  }
0x668: {  	v13 =	vld [tilespmem:$0x580];
	s20 =	sor.u32 $0xF180, s30;
	s15 =	sor.u32 s10, s11;
	[smem:$0x743] =	sst s3;
	[tilespmem:s5+$0x0] =	vst v9  }
0x669: {  	v12 =	vld [tilespmem:s9+$0x3000];
	s1 =	sor.u32 s31, s20;
	s5 =	rddreg [dreg:$0x1f];
	[tilespmem:s15+$0x0] =	vst v7  }
0x66a: {  	s11 =	sor.u32 s6, s11;
	v7 =	vld [tilespmem:$0xB80];
	[tilespmem:s1+$0x0] =	vst v10;
	s1 =	sld [smem:$0x75A]  }
0x66b: {  	s3 =	sor.u32 s28, s20;
	v9 =	vld [tilespmem:s5+$0x3000];
	s5 =	smov.u32 s6;
	s6 =	sld [smem:$0x78C]  }
0x66c: {  	[smem:$0x73F] =	sst s3  }
0x66d: {  	s3 =	smov.u32 s1;
	s1 =	sld [smem:$0x774]  }
0x66e: {  	v10 =	vperm.xlane v14, v4;
	v14 =	vld [tilespmem:s2+$0x3000];
	[tilespmem:s6+$0x0] =	vst v8;
	s6 =	rddreg [dreg:$0xb]  }
0x66f: {  	s20 =	smov.u32 s6;
	s6 =	sld [smem:$0x789]  }
0x670: {  	s16 =	smov.u32 s12;
	s21 =	sor.u32 $0x1380, s21;
	[dreg:$0xb] =	wrdreg s3  }
0x671: {  	s3 =	smov.u32 s13;
	v8 =	vld [tilespmem:s2+$0x3080];
	[tilespmem:s22+$0xC100] =	vst v10;
	v10 =	vperm.xlane v13, v3;
	[dreg:$0xd] =	wrdreg s20;
	s20 =	smov.u32 s22  }
0x672: {  	v13 =	vld [tilespmem:$0x0];
	s22 =	sor.u32 $0xF200, s30;
	[tilespmem:s6+$0x0] =	vst v11;
	s6 =	smov.u32 s1;
	s1 =	sld [smem:$0x77A]  }
0x673: {  	[tilespmem:s12+$0xC180] =	vst v10;
	s12 =	sor.u32 $0xD380, s24;
	[smem:$0x75A] =	sst s6;
	s6 =	sor.u32 s28, s22  }
0x674: {  	s13 =	sor.u32 s10, s12;
	s22 =	sor.u32 s31, s22;
	[smem:$0x741] =	sst s6  }
0x675: {  	v7 =	vperm.xlane v7, v1;
	v11 =	vtrunc.f32 v12;
	s6 =	sor.u32 s5, s12;
	s12 =	smov.u32 s21;
	s21 =	sld [smem:$0x758]  }
0x676: {  	v10 =	vcvt.f32.s32 v11;
	v11 =	vld [tilespmem:$0x600];
	[tilespmem:s22+$0x0] =	vst v9;
	[smem:$0x746] =	sst s12  }
0x677: {  	[tilespmem:s13+$0x0] =	vst v7;
	s13 =	rddreg [dreg:$0x1b]  }
0x678: {  	s12 =	rddreg [dreg:$0x7]  }
0x679: {  	v9 =	vtrunc.f32 v14;
	v14 =	vld [tilespmem:s13+$0x3000];
	s13 =	smov.u32 s1;
	s1 =	sld [smem:$0x75C]  }
0x67a: {  	[smem:$0x758] =	sst s13  }
0x67b: {  	s22 =	smov.u32 s21;
	s21 =	sld [smem:$0x793]  }
0x67c: {  	[dreg:$0x1f] =	wrdreg s22  }
0x67d: {  	v12 =	vld [tilespmem:$0x580];
	v7 =	vcvt.f32.s32 v9;
	v9 =	vand.u32 $0xF, v10;
	s13 =	smov.u32 s1;
	s1 =	sld [smem:$0x769]  }
0x67e: {  	v10 =	vld [tilespmem:$0xC00];
	v16 =	vperm.xlane v13, v9;
	s22 =	smov.u32 s21;
	[dreg:$0x1b] =	wrdreg s13  }
0x67f: {  	v17 =	vld [tilespmem:$0xA80];
	v8 =	vtrunc.f32 v8;
	s21 =	smov.u32 s8;
	[smem:$0x789] =	sst s22;
	s22 =	sor.u32 $0xF280, s30  }
0x680: {  	v18 =	vld [tilespmem:$0xF80];
	v15 =	vcvt.f32.s32 v8;
	v8 =	vand.u32 $0xF, v7;
	[tilespmem:s9+$0xB000] =	vst v16;
	v11 =	vperm.xlane v11, v3;
	[smem:$0x75C] =	sst s21;
	s13 =	sor.u32 s31, s22  }
0x681: {  	v13 =	vperm.xlane v13, v8;
	v16 =	vld [tilespmem:$0x80];
	[tilespmem:s13+$0x0] =	vst v14;
	s13 =	sld [smem:$0x795]  }
0x682: {  	v7 =	vld [tilespmem:s12+$0x3000];
	s21 =	rddreg [dreg:$0x19];
	s12 =	smov.u32 s1;
	[tilespmem:s16+$0xC200] =	vst v11  }
0x683: {  	[tilespmem:s2+$0xB000] =	vst v13;
	v10 =	vperm.xlane v10, v1;
	s8 =	sor.u32 s28, s22;
	[dreg:$0x19] =	wrdreg s12;
	s12 =	sor.u32 $0xE000, s24;
	v11 =	vld [tilespmem:s0+$0x4000]  }
0x684: {  	v12 =	vperm.xlane v12, v4;
	v55 =	vld [tilespmem:$0x80];
	s22 =	smov.u32 s21;
	s21 =	smov.u32 s13;
	s13 =	sor.u32 s10, s12  }
0x685: {  	v14 =	vperm.xlane v17, v2;
	v13 =	vld [tilespmem:$0x680];
	[tilespmem:s13+$0x0] =	vst v10  }
0x686: {  	v15 =	vand.u32 $0xF, v15;
	v10 =	vperm.xlane v18, v0;
	[smem:$0x769] =	sst s21;
	[tilespmem:s21+$0xB000] =	vst v12;
	s21 =	sor.u32 $0xF300, s30;
	v12 =	vld [tilespmem:$0xC80]  }
0x687: {  	v0 =	vmovc v2;
	v2 =	vmov v5;
	v5 =	vmov v15;
	v15 =	vperm.xlane v16, v9;
	v56 =	vld [tilespmem:$0x600];
	[tilespmem:s14+$0x0] =	vst v14;
	s13 =	sor.u32 s31, s21  }
0x688: {  	s17 =	sand.u32 $0xFFFFFC00, s29;
	[tilespmem:s13+$0x0] =	vst v11  }
0x689: {  	s17 =	sadd.s32 s17, s25;
	v14 =	vld [tilespmem:$0xB00];
	[tilespmem:s9+$0xB080] =	vst v15  }
0x68a: {  	s15 =	sor.u32 $0x180, s17;
	s17 =	sor.u32 $0x1180, s17;
	[dreg:$0x7] =	wrdreg s22;
	v11 =	vperm.xlane v13, v3;
	v13 =	vld [tilespmem:s0+$0x4080]  }
0x68b: {  	s22 =	smov.u32 s17;
	s17 =	sor.u32 s5, s12;
	s12 =	rddreg [dreg:$0x5];
	[tilespmem:s18+$0x0] =	vst v10;
	v15 =	vperm.xlane v55, v8;
	v57 =	vld [tilespmem:$0x100]  }
0x68c: {  	[smem:$0x744] =	sst s8;
	s8 =	sor.u32 $0xE080, s24;
	[tilespmem:s16+$0xC280] =	vst v11;
	v11 =	vld [tilespmem:s12+$0x3100];
	v10 =	vperm.xlane v12, v1  }
0x68d: {  	[smem:$0x795] =	sst s22;
	s14 =	sor.u32 $0xF380, s30;
	s13 =	sor.u32 s10, s8;
	[tilespmem:s2+$0xB080] =	vst v15;
	v15 =	vld [tilespmem:$0x700]  }
0x68e: {  	s22 =	sor.u32 s28, s21;
	s21 =	sor.u32 s5, s8;
	s8 =	sor.u32 s31, s14;
	v12 =	vperm.xlane v56, v4;
	v58 =	vld [tilespmem:$0x100];
	[tilespmem:s13+$0x0] =	vst v10  }
0x68f: {  	v14 =	vperm.xlane v14, v0;
	v10 =	vld [tilespmem:$0xD00];
	[tilespmem:s8+$0x0] =	vst v13  }
0x690: {  	[tilespmem:s20+$0xC200] =	vst v12;
	v13 =	vperm.xlane v57, v9;
	v12 =	vld [tilespmem:s0+$0x4100]  }
0x691: {  	v59 =	vld [tilespmem:$0x680];
	[tilespmem:s11+$0x0] =	vst v14  }
0x692: {  	[smem:$0x747] =	sst s22;
	[tilespmem:s9+$0xB100] =	vst v13;
	v13 =	vperm.xlane v15, v3  }
0x693: {  	s18 =	sor.u32 s28, s14;
	s22 =	sor.u32 $0x1300, s19;
	s14 =	sor.u32 $0x10000, s30;
	v14 =	vld [tilespmem:$0xB80];
	[tilespmem:s4+$0x0] =	vst v11  }
0x694: {  	[smem:$0x74B] =	sst s18;
	s18 =	sor.u32 $0xE100, s24;
	s4 =	sor.u32 s31, s14;
	v60 =	vld [tilespmem:$0x180];
	[tilespmem:s22+$0xB000] =	vst v13;
	v10 =	vperm.xlane v10, v1  }
0x695: {  	s13 =	sor.u32 s10, s18;
	s8 =	rddreg [dreg:$0x13];
	v15 =	vperm.xlane v58, v8;
	v13 =	vld [tilespmem:$0x780];
	[tilespmem:s4+$0x0] =	vst v12  }
0x696: {  	v11 =	vld [tilespmem:s8+$0x3000];
	[tilespmem:s13+$0x0] =	vst v10  }
0x697: {  	s11 =	sor.u32 s28, s14;
	s14 =	sld [smem:$0x754];
	[tilespmem:s2+$0xB100] =	vst v15;
	v12 =	vperm.xlane v59, v4;
	v10 =	vld [tilespmem:s0+$0x4180]  }
0x698: {  	s1 =	sld [smem:$0x76F];
	v14 =	vperm.xlane v14, v0;
	v61 =	vld [tilespmem:$0x180]  }
0x699: {  	[smem:$0x78C] =	sst s11;
	v15 =	vld [tilespmem:$0xD80];
	v16 =	vperm.xlane v60, v9;
	[tilespmem:s20+$0xC280] =	vst v12  }
0x69a: {  	s11 =	sor.u32 s5, s18;
	s18 =	smov.u32 s14;
	s13 =	sor.u32 $0x10080, s30;
	v12 =	vld [tilespmem:$0x700];
	[tilespmem:s6+$0x0] =	vst v14  }
0x69b: {  	s8 =	smov.u32 s1;
	[dreg:$0x13] =	wrdreg s18;
	s4 =	sor.u32 s31, s13;
	[tilespmem:s9+$0xB180] =	vst v16;
	v13 =	vperm.xlane v13, v3  }
0x69c: {  	s1 =	smov.u32 s15;
	s15 =	sor.u32 $0x1380, s19;
	s18 =	sld [smem:$0x797];
	v3 =	vmov v9;
	v9 =	vld [tilespmem:$0x200];
	[tilespmem:s4+$0x0] =	vst v10  }
0x69d: {  	v14 =	vld [tilespmem:$0xC00];
	[tilespmem:s15+$0xB000] =	vst v13  }
0x69e: {  	s14 =	sor.u32 $0xE180, s24;
	v10 =	vperm.xlane v15, v1;
	v13 =	vld [tilespmem:s0+$0x4200]  }
0x69f: {  	[smem:$0x749] =	sst s23;
	[tilespmem:s18+$0x0] =	vst v11;
	v15 =	vperm.xlane v61, v8;
	s4 =	sor.u32 s10, s14  }
0x6a0: {  	[smem:$0x745] =	sst s20;
	v11 =	vperm.xlane v12, v4;
	v16 =	vld [tilespmem:$0x800];
	[tilespmem:s4+$0x0] =	vst v10  }
0x6a1: {  	v6 =	vtrunc.f32 v6;
	s19 =	sor.u32 $0x10100, s30;
	[smem:$0x754] =	sst s8;
	v10 =	vld [tilespmem:s12+$0x3200];
	[tilespmem:s1+$0xB000] =	vst v15  }
0x6a2: {  	v6 =	vcvt.f32.s32 v6;
	s8 =	sor.u32 s28, s13;
	s13 =	sor.u32 s31, s19;
	s18 =	sld [smem:$0x767];
	v15 =	vld [tilespmem:$0x200];
	v62 =	vperm.xlane v9, v3;
	[tilespmem:s23+$0xB000] =	vst v11  }
0x6a3: {  	s20 =	sor.u32 s5, s14;
	s6 =	rddreg [dreg:$0xf];
	s14 =	smov.u32 s16;
	v12 =	vperm.xlane v14, v0;
	v14 =	vld [tilespmem:$0xE00];
	[tilespmem:s13+$0x0] =	vst v13  }
0x6a4: {  	[dreg:$0xf] =	wrdreg s14;
	v9 =	vand.u32 $0xF, v6;
	v11 =	vld [tilespmem:$0x780];
	[tilespmem:s9+$0xB200] =	vst v62  }
0x6a5: {  	s14 =	sld [smem:$0x766];
	s23 =	sor.u32 $0xD000, s18;
	v6 =	vperm.xlane v16, v9;
	v13 =	vld [tilespmem:s0+$0x4280]  }
0x6a6: {  	s4 =	sor.u32 s28, s19;
	s19 =	sld [smem:$0x798];
	[tilespmem:s17+$0x0] =	vst v12;
	s13 =	sor.u32 s26, s23;
	v63 =	vld [tilespmem:$0x280]  }
0x6a7: {  	[smem:$0x774] =	sst s3;
	[tilespmem:s13+$0x0] =	vst v6;
	v6 =	vld [tilespmem:$0xC80]  }
0x6a8: {  	[smem:$0x76F] =	sst s1;
	s17 =	sor.u32 $0xE200, s24;
	v12 =	vperm.xlane v14, v1  }
0x6a9: {  	s16 =	sor.u32 s14, s23;
	s23 =	smov.u32 s9;
	v14 =	vperm.xlane v15, v8;
	s9 =	sor.u32 s10, s17;
	[tilespmem:s19+$0x0] =	vst v10;
	v15 =	vld [tilespmem:$0x880]  }
0x6aa: {  	v10 =	vperm.xlane v11, v4;
	s19 =	sld [smem:$0x751];
	[tilespmem:s9+$0x0] =	vst v12;
	v11 =	vld [tilespmem:s12+$0x3280]  }
0x6ab: {  	s1 =	smov.u32 s6;
	s6 =	sor.u32 $0x10180, s30;
	v4 =	vmov v8;
	s0 =	sld [smem:$0x76C];
	[tilespmem:s2+$0xB200] =	vst v14;
	v8 =	vld [tilespmem:$0xE80]  }
0x6ac: {  	s13 =	sor.u32 s5, s17;
	s17 =	sor.u32 s31, s6;
	s9 =	sor.u32 s28, s6;
	v14 =	vld [tilespmem:$0x280];
	[tilespmem:s3+$0xB000] =	vst v10;
	v6 =	vperm.xlane v6, v0  }
0x6ad: {  	[smem:$0x748] =	sst s9;
	v10 =	vld [tilespmem:$0x800];
	[tilespmem:s17+$0x0] =	vst v13  }
0x6ae: {  	s9 =	smov.u32 s0;
	v12 =	vperm.xlane v63, v3;
	v13 =	vld [tilespmem:s19+$0x3000];
	[tilespmem:s21+$0x0] =	vst v6;
	s21 =	sld [smem:$0x777]  }
0x6af: {  	[smem:$0x751] =	sst s9;
	s17 =	smov.u32 s22;
	s19 =	sor.u32 $0xD080, s18  }
0x6b0: {  	[smem:$0x76C] =	sst s17;
	[tilespmem:s23+$0xB280] =	vst v12;
	v12 =	vperm.xlane v15, v9;
	s22 =	sor.u32 s14, s19  }
0x6b1: {  	s17 =	sor.u32 s26, s19;
	s19 =	sor.u32 $0x10200, s30;
	s3 =	sadd.s32 $0x1, s21  }
0x6b2: {  	s0 =	sor.u32 $0xE280, s24;
	v8 =	vperm.xlane v8, v1;
	v15 =	vld [tilespmem:$0x300];
	s6 =	sor.u32 s31, s19;
	[tilespmem:s17+$0x0] =	vst v12;
	[smem:$0x777] =	sst s3  }
0x6b3: {  	v12 =	vld [tilespmem:$0x900];
	s21 =	sor.u32 s10, s0;
	s9 =	sand.u32 $0x3, s3;
	[tilespmem:s6+$0x0] =	vst v13;
	s3 =	sld [smem:$0x753]  }
0x6b4: {  	s6 =	sld [smem:$0x76E];
	[tilespmem:s21+$0x0] =	vst v8;
	s21 =	sor.u32 s28, s19  }
0x6b5: {  	[smem:$0x792] =	sst s21  }
0x6b6: {  	s17 =	sor.u32 s5, s0;
	s0 =	sshll.u32 s9, $0x5;
	s21 =	sld [smem:$0x73F]  }
0x6b7: {  	v6 =	vld [tilespmem:$0xD00];
	s0 =	sadd.s32 s0, s29  }
0x6b8: {  	v13 =	vperm.xlane v14, v4;
	v8 =	vld [tilespmem:s3+$0x3000];
	s9 =	smov.u32 s6;
	s19 =	sadd.s32 $0x10, s0;
	s3 =	rddreg [dreg:$0x17]  }
0x6b9: {  	[smem:$0x753] =	sst s9;
	s9 =	smov.u32 s29;
	s29 =	smov.u32 s15;
	[tilespmem:s21+$0x0] =	vst v11  }
0x6ba: {  	v10 =	vperm.xlane v10, v2;
	v14 =	vld [tilespmem:$0xF00];
	s6 =	sor.u32 $0x300, s19;
	[smem:$0x76E] =	sst s29;
	[tilespmem:s2+$0xB280] =	vst v13  }
0x6bb: {  	s15 =	sor.u32 $0x1300, s0;
	s21 =	sor.u32 $0x300, s0;
	v11 =	vperm.xlane v15, v3;
	[smem:$0x77A] =	sst s6;
	v13 =	vld [tilespmem:s3+$0x3000]  }
0x6bc: {  	v15 =	vld [tilespmem:$0x300];
	[tilespmem:s16+$0x0] =	vst v10;
	s16 =	sor.u32 $0x10280, s30;
	s30 =	smov.u32 s24;
	s24 =	smov.u32 s7  }
0x6bd: {  	v10 =	vperm.xlane v6, v0;
	v6 =	vld [tilespmem:s23+$0x3080];
	[tilespmem:s6+$0xB000] =	vst v11;
	s6 =	sld [smem:$0x75D];
	s29 =	sor.u32 s28, s16;
	s0 =	sor.u32 s31, s16  }
0x6be: {  	s28 =	smov.u32 s5;
	s5 =	sor.u32 $0xD100, s18;
	[smem:$0x766] =	sst s24  }
0x6bf: {  	s16 =	smov.u32 s14;
	s3 =	sor.u32 $0xE300, s30;
	s14 =	sld [smem:$0x740]  }
0x6c0: {  	[smem:$0x793] =	sst s29;
	s7 =	sor.u32 s16, s5;
	s29 =	sor.u32 s26, s5  }
0x6c1: {  	v12 =	vperm.xlane v12, v9;
	v11 =	vld [tilespmem:$0x880];
	[tilespmem:s11+$0x0] =	vst v10;
	s5 =	sor.u32 s28, s3;
	s11 =	sor.u32 s10, s3;
	s3 =	sld [smem:$0x742]  }
0x6c2: {  	[tilespmem:s0+$0x0] =	vst v8;
	s0 =	sld [smem:$0x75F]  }
0x6c3: {  	v8 =	vld [tilespmem:$0x380];
	[tilespmem:s29+$0x0] =	vst v12;
	s29 =	sld [smem:$0x741]  }
0x6c4: {  	s24 =	smov.u32 s18;
	v10 =	vperm.xlane v14, v1;
	s18 =	smov.u32 s14;
	s14 =	sld [smem:$0x77E]  }
0x6c5: {  	s31 =	smov.u32 s10;
	s10 =	smov.u32 s26;
	[smem:$0x767] =	sst s18  }
0x6c6: {  	v14 =	vperm.xlane v15, v4;
	v15 =	vld [tilespmem:$0x980];
	[tilespmem:s11+$0x0] =	vst v10;
	s26 =	smov.u32 s3;
	s11 =	smov.u32 s6;
	s3 =	sld [smem:$0x78E]  }
0x6c7: {  	[dreg:$0x17] =	wrdreg s11  }
0x6c8: {  	v12 =	vld [tilespmem:$0xD80];
	[tilespmem:s29+$0x0] =	vst v13;
	s29 =	rddreg [dreg:$0x15]  }
0x6c9: {  	s6 =	smov.u32 s0;
	s11 =	sld [smem:$0x782]  }
0x6ca: {  	[dreg:$0x15] =	wrdreg s6;
	s18 =	smov.u32 s14  }
0x6cb: {  	[smem:$0x75D] =	sst s18  }
0x6cc: {  	v10 =	vld [tilespmem:$0xF80];
	[tilespmem:s21+$0xB000] =	vst v14;
	s18 =	sld [smem:$0x743];
	s14 =	smov.u32 s11  }
0x6cd: {  	v11 =	vperm.xlane v11, v2;
	v13 =	vld [tilespmem:s29+$0x3000];
	[smem:$0x75F] =	sst s14;
	s14 =	smov.u32 s21  }
0x6ce: {  	s6 =	smov.u32 s8;
	s8 =	sor.u32 $0x380, s19;
	v14 =	vld [tilespmem:$0x380];
	v8 =	vperm.xlane v8, v3;
	[tilespmem:s3+$0x0] =	vst v7;
	[smem:$0x77E] =	sst s14  }
0x6cf: {  	v7 =	vperm.xlane v12, v0;
	[tilespmem:s22+$0x0] =	vst v11;
	v12 =	vperm.xlane v15, v9;
	s29 =	smov.u32 s18;
	s14 =	sld [smem:$0x76B];
	s18 =	sor.u32 $0xD180, s24  }
0x6d0: {  	s22 =	sld [smem:$0x744];
	[tilespmem:s8+$0xB000] =	vst v8;
	v8 =	vld [tilespmem:$0x900];
	s0 =	sor.u32 s10, s18  }
0x6d1: {  	v15 =	vld [tilespmem:$0x400];
	[tilespmem:s0+$0x0] =	vst v12  }
0x6d2: {  	v11 =	vld [tilespmem:s14+$0x4200];
	[tilespmem:s20+$0x0] =	vst v7;
	s20 =	sor.u32 $0xE380, s30;
	v7 =	vperm.xlane v10, v1  }
0x6d3: {  	v1 =	vmov v9;
	v10 =	vperm.xlane v14, v4;
	v9 =	vld [tilespmem:$0xE00];
	s21 =	sor.u32 s31, s20;
	[tilespmem:s22+$0x0] =	vst v13  }
0x6d4: {  	[smem:$0x782] =	sst s29;
	v12 =	vld [tilespmem:$0xA00];
	[tilespmem:s21+$0x0] =	vst v7  }
0x6d5: {  	[tilespmem:s29+$0xB000] =	vst v10;
	s29 =	sld [smem:$0x78F]  }
0x6d6: {  	v7 =	vld [tilespmem:s1+$0x3100]  }
0x6d7: {  	v8 =	vperm.xlane v8, v2;
	s22 =	sld [smem:$0x745];
	v10 =	vld [tilespmem:s12+$0x4000]  }
0x6d8: {  	[smem:$0x78E] =	sst s6;
	s6 =	smov.u32 s4;
	v13 =	vld [tilespmem:$0x400];
	[tilespmem:s29+$0x0] =	vst v11  }
0x6d9: {  	v14 =	vperm.xlane v15, v3;
	[smem:$0x78F] =	sst s6;
	[tilespmem:s7+$0x0] =	vst v8  }
0x6da: {  	s3 =	sor.u32 s16, s18;
	s29 =	smov.u32 s22;
	v8 =	vperm.xlane v9, v0;
	v9 =	vld [tilespmem:s14+$0x4280];
	s14 =	rddreg [dreg:$0x11]  }
0x6db: {  	s18 =	sor.u32 s28, s20;
	[tilespmem:s23+$0xC000] =	vst v14;
	s7 =	sor.u32 $0xF000, s30;
	[dreg:$0x11] =	wrdreg s29  }
0x6dc: {  	s21 =	sor.u32 $0xD200, s24;
	v12 =	vperm.xlane v12, v1;
	v11 =	vld [tilespmem:$0x980];
	s0 =	sor.u32 s31, s7;
	[tilespmem:s13+$0x0] =	vst v8;
	s13 =	sld [smem:$0x746]  }
0x6dd: {  	s6 =	sor.u32 s10, s21;
	v14 =	vld [tilespmem:$0x480];
	s20 =	smov.u32 s14;
	[tilespmem:s0+$0x0] =	vst v7;
	s14 =	sld [smem:$0x790]  }
0x6de: {  	s11 =	smov.u32 s12;
	[tilespmem:s6+$0x0] =	vst v12;
	s6 =	sld [smem:$0x747]  }
0x6df: {  	s22 =	smov.u32 s2;
	s4 =	sor.u32 s28, s7;
	[dreg:$0x5] =	wrdreg s20  }
0x6e0: {  	s7 =	sor.u32 $0xF080, s30;
	s20 =	sor.u32 s16, s21;
	v12 =	vperm.xlane v13, v4;
	s21 =	sld [smem:$0x748];
	v7 =	vld [tilespmem:s1+$0x3180]  }
0x6e1: {  	s12 =	sor.u32 s28, s7;
	s0 =	sor.u32 s31, s7;
	s7 =	rddreg [dreg:$0x9];
	v8 =	vld [tilespmem:$0xE80];
	[tilespmem:s6+$0x0] =	vst v10  }
0x6e2: {  	[smem:$0x797] =	sst s12;
	v13 =	vld [tilespmem:$0xA80];
	[tilespmem:s22+$0xC000] =	vst v12  }
0x6e3: {  	s29 =	smov.u32 s21;
	s21 =	sld [smem:$0x770];
	v15 =	vld [tilespmem:s11+$0x4080]  }
0x6e4: {  	s12 =	rddreg [dreg:$0x1d];
	v10 =	vperm.xlane v11, v2;
	v12 =	vperm.xlane v14, v3;
	v11 =	vld [tilespmem:$0x480];
	[tilespmem:s14+$0x0] =	vst v9  }
0x6e5: {  	[smem:$0x790] =	sst s29;
	[tilespmem:s0+$0x0] =	vst v7  }
0x6e6: {  	v7 =	vld [tilespmem:s7+$0x3000];
	s29 =	smov.u32 s21;
	s0 =	sld [smem:$0x749];
	[tilespmem:s23+$0xC080] =	vst v12  }
0x6e7: {  	s25 =	sadd.s32 $0x20, s25;
	v8 =	vperm.xlane v8, v0;
	v9 =	vperm.xlane v13, v1;
	[dreg:$0x1d] =	wrdreg s29;
	v13 =	vld [tilespmem:s1+$0x3200]  }
0x6e8: {  	s14 =	smov.u32 s12;
	s7 =	sor.u32 $0xD280, s24;
	[tilespmem:s3+$0x0] =	vst v10;
	s29 =	sld [smem:$0x74B];
	v14 =	vld [tilespmem:$0x500]  }
.Ltmp6:
0x6e9: {  	v12 =	vld [tilespmem:$0xA00];
	[tilespmem:s17+$0x0] =	vst v8;
	s6 =	smov.u32 s0;
	s0 =	sor.u32 s10, s7;
	(pc) =	sbr.rel @p0 .LBB2_6-.Ltmp6, $4  }
0x6ea: {  	s12 =	smov.u32 s23;
	[dreg:$0x9] =	wrdreg s14;
	s17 =	sor.u32 $0xF100, s30;
	[tilespmem:s0+$0x0] =	vst v9;
	v9 =	vld [tilespmem:$0xF00]  }
0x6eb: {  	s3 =	sld [smem:$0x74A];
	s21 =	sor.u32 s28, s17;
	v10 =	vperm.xlane v11, v4;
	s0 =	sor.u32 s31, s17;
	[tilespmem:s29+$0x0] =	vst v15;
	v11 =	vld [tilespmem:$0xB00]  }
0x6ec: {  	s23 =	smov.u32 s15;
	s14 =	sor.u32 s16, s7;
	[smem:$0x798] =	sst s21;
	v8 =	vld [tilespmem:s11+$0x4100];
	[tilespmem:s0+$0x0] =	vst v13  }
0x6ed: {  	[smem:$0x770] =	sst s6;
	s6 =	smov.u32 s16;
	[tilespmem:s22+$0xC080] =	vst v10;
	s0 =	smov.u32 s1;
	v13 =	vperm.xlane v14, v3;
	v10 =	vld [tilespmem:s1+$0x3280]  }
0x6ee: {  	v14 =	vld [tilespmem:$0x500]  }
0x6ef: {  	[smem:$0x749] =	sst s23  }
0x6f0: {  	[tilespmem:s12+$0xC100] =	vst v13  }
0x6f1: {  	v63 =	vld [tilespmem:$0x580];
	_ =	sdelay $0x1  }
0x6f2: {  	v62 =	vperm.xlane v14, v4;
	_ =	sdelay $0x1  }
0x6f3: {  	[tilespmem:s22+$0xC100] =	vst v62  }
0x6f4: {  	v14 =	vperm.xlane v63, v3;
	v13 =	vld [tilespmem:$0x580];
	_ =	sdelay $0x1  }
0x6f5: {  	[tilespmem:s12+$0xC180] =	vst v14  }
0x6f6: {  	v14 =	vld [tilespmem:$0x600]  }
0x6f7: {  	s15 =	sld [smem:$0x795]  }
0x6f8: {  	v13 =	vperm.xlane v13, v4;
	_ =	sdelay $0x1  }
0x6f9: {  	[tilespmem:s15+$0xB000] =	vst v13  }
0x6fa: {  	v14 =	vperm.xlane v14, v3;
	v13 =	vld [tilespmem:$0x600];
	_ =	sdelay $0x1  }
0x6fb: {  	[tilespmem:s12+$0xC200] =	vst v14  }
0x6fc: {  	v14 =	vld [tilespmem:$0x680];
	_ =	sdelay $0x1  }
0x6fd: {  	v13 =	vperm.xlane v13, v4;
	_ =	sdelay $0x1  }
0x6fe: {  	[tilespmem:s22+$0xC200] =	vst v13  }
0x6ff: {  	v14 =	vperm.xlane v14, v3;
	v13 =	vld [tilespmem:$0x680];
	_ =	sdelay $0x1  }
0x700: {  	[tilespmem:s12+$0xC280] =	vst v14  }
0x701: {  	v14 =	vld [tilespmem:$0x700];
	_ =	sdelay $0x1  }
0x702: {  	v13 =	vperm.xlane v13, v4;
	_ =	sdelay $0x1  }
0x703: {  	[tilespmem:s22+$0xC280] =	vst v13  }
0x704: {  	v14 =	vperm.xlane v14, v3;
	v13 =	vld [tilespmem:$0x700]  }
0x705: {  	s29 =	sor.u32 $0x1300, s19  }
0x706: {  	[tilespmem:s29+$0xB000] =	vst v14  }
0x707: {  	v14 =	vld [tilespmem:$0x780];
	_ =	sdelay $0x1  }
0x708: {  	v13 =	vperm.xlane v13, v4  }
0x709: {  	s1 =	smov.u32 s23  }
0x70a: {  	[tilespmem:s1+$0xB000] =	vst v13  }
0x70b: {  	v15 =	vperm.xlane v14, v3;
	v13 =	vld [tilespmem:$0x780]  }
0x70c: {  	s25 =	sor.u32 $0x1380, s19  }
0x70d: {  	s21 =	sld [smem:$0x767];
	[tilespmem:s25+$0xB000] =	vst v15  }
0x70e: {  	v17 =	vld [tilespmem:$0x800]  }
0x70f: {  	v6 =	vtrunc.f32 v6  }
0x710: {  	v18 =	vcvt.f32.s32 v6;
	v16 =	vperm.xlane v13, v4;
	_ =	sdelay $0x1  }
0x711: {  	v3 =	vand.u32 $0xF, v18;
	[tilespmem:s13+$0xB000] =	vst v16  }
0x712: {  	s1 =	sor.u32 $0xD000, s21;
	v4 =	vperm.xlane v17, v3;
	v19 =	vld [tilespmem:$0x800]  }
0x713: {  	s2 =	sor.u32 s26, s1  }
0x714: {  	[tilespmem:s2+$0x0] =	vst v4  }
0x715: {  	s19 =	sld [smem:$0x766];
	_ =	sdelay $0x1  }
0x716: {  	v20 =	vperm.xlane v19, v5  }
0x717: {  	s13 =	smov.u32 s0;
	v21 =	vld [tilespmem:$0x880];
	s0 =	sor.u32 s19, s1  }
0x718: {  	[tilespmem:s0+$0x0] =	vst v20  }
0x719: {  	v4 =	vld [tilespmem:$0x880];
	_ =	sdelay $0x2  }
0x71a: {  	s3 =	sor.u32 $0xD080, s21;
	v6 =	vperm.xlane v21, v3  }
0x71b: {  	s7 =	sor.u32 s26, s3  }
0x71c: {  	[tilespmem:s7+$0x0] =	vst v6;
	v4 =	vperm.xlane v4, v5  }
0x71d: {  	s0 =	sor.u32 s19, s3;
	v6 =	vld [tilespmem:$0x900]  }
0x71e: {  	[tilespmem:s0+$0x0] =	vst v4  }
0x71f: {  	v4 =	vld [tilespmem:$0x900];
	_ =	sdelay $0x2  }
0x720: {  	s9 =	sor.u32 $0xD100, s21;
	v6 =	vperm.xlane v6, v3  }
0x721: {  	s23 =	smov.u32 s12;
	s12 =	sor.u32 s26, s9  }
0x722: {  	[tilespmem:s12+$0x0] =	vst v6;
	v4 =	vperm.xlane v4, v5  }
0x723: {  	s0 =	sor.u32 s19, s9;
	v6 =	vld [tilespmem:$0x980]  }
0x724: {  	[tilespmem:s0+$0x0] =	vst v4  }
0x725: {  	v4 =	vld [tilespmem:$0x980];
	_ =	sdelay $0x2  }
0x726: {  	s16 =	sor.u32 $0xD180, s21;
	v6 =	vperm.xlane v6, v3  }
0x727: {  	s17 =	sor.u32 s26, s16  }
0x728: {  	[tilespmem:s17+$0x0] =	vst v6;
	v4 =	vperm.xlane v4, v5  }
0x729: {  	s0 =	sor.u32 s19, s16;
	v6 =	vld [tilespmem:$0xA00]  }
0x72a: {  	[tilespmem:s0+$0x0] =	vst v4  }
0x72b: {  	v4 =	vld [tilespmem:$0xA00];
	_ =	sdelay $0x2  }
0x72c: {  	s1 =	sor.u32 $0xD200, s21;
	v6 =	vperm.xlane v6, v3  }
0x72d: {  	v12 =	vperm.xlane v12, v2;
	s3 =	sor.u32 s26, s1  }
0x72e: {  	[tilespmem:s3+$0x0] =	vst v6;
	v4 =	vperm.xlane v4, v5  }
0x72f: {  	[tilespmem:s20+$0x0] =	vst v12;
	s0 =	sor.u32 s19, s1;
	v6 =	vld [tilespmem:$0xA80]  }
0x730: {  	v22 =	vld [tilespmem:$0xA80];
	[tilespmem:s0+$0x0] =	vst v4  }
0x731: {  	v23 =	vld [tilespmem:$0xA80];
	_ =	sdelay $0x2  }
0x732: {  	s7 =	sor.u32 $0xD280, s21;
	v6 =	vperm.xlane v6, v3  }
0x733: {  	s9 =	sor.u32 s26, s7;
	v4 =	vperm.xlane v22, v2  }
0x734: {  	[tilespmem:s9+$0x0] =	vst v6;
	v24 =	vperm.xlane v23, v5  }
0x735: {  	s0 =	sor.u32 s19, s7;
	[tilespmem:s14+$0x0] =	vst v4;
	v25 =	vld [tilespmem:$0xB00]  }
0x736: {  	v26 =	vld [tilespmem:$0xB00];
	[tilespmem:s0+$0x0] =	vst v24  }
0x737: {  	v27 =	vld [tilespmem:$0xB00];
	_ =	sdelay $0x1  }
0x738: {  	v11 =	vperm.xlane v11, v1;
	s12 =	sor.u32 $0xD300, s24  }
0x739: {  	s16 =	sor.u32 $0xD300, s21;
	s14 =	sor.u32 s10, s12;
	v4 =	vperm.xlane v25, v3  }
0x73a: {  	s3 =	sor.u32 s26, s16;
	[tilespmem:s14+$0x0] =	vst v11;
	v6 =	vperm.xlane v26, v2  }
0x73b: {  	v11 =	vld [tilespmem:$0xB80];
	s0 =	sor.u32 s6, s12;
	[tilespmem:s3+$0x0] =	vst v4;
	v28 =	vperm.xlane v27, v5  }
0x73c: {  	s20 =	sor.u32 s19, s16;
	[tilespmem:s0+$0x0] =	vst v6;
	v29 =	vld [tilespmem:$0xB80]  }
0x73d: {  	v30 =	vld [tilespmem:$0xB80];
	[tilespmem:s20+$0x0] =	vst v28  }
0x73e: {  	v31 =	vld [tilespmem:$0xB80];
	_ =	sdelay $0x1  }
0x73f: {  	s1 =	sor.u32 $0xD380, s24;
	v11 =	vperm.xlane v11, v1  }
0x740: {  	s7 =	sor.u32 $0xD380, s21;
	s3 =	sor.u32 s10, s1;
	v6 =	vperm.xlane v29, v3  }
0x741: {  	s9 =	sor.u32 s26, s7;
	[tilespmem:s3+$0x0] =	vst v11;
	v4 =	vperm.xlane v30, v2  }
0x742: {  	s0 =	sor.u32 s6, s1;
	v11 =	vld [tilespmem:$0xC00];
	[tilespmem:s9+$0x0] =	vst v6;
	v32 =	vperm.xlane v31, v5  }
0x743: {  	s12 =	sor.u32 s19, s7;
	[tilespmem:s0+$0x0] =	vst v4;
	v33 =	vld [tilespmem:$0xC00]  }
0x744: {  	v34 =	vld [tilespmem:$0xC00];
	[tilespmem:s12+$0x0] =	vst v32  }
0x745: {  	v35 =	vld [tilespmem:$0xC00];
	_ =	sdelay $0x1  }
0x746: {  	s14 =	sor.u32 $0xE000, s24;
	v11 =	vperm.xlane v11, v1  }
0x747: {  	s16 =	sor.u32 s10, s14;
	s20 =	sor.u32 $0xE000, s21;
	v4 =	vperm.xlane v33, v3  }
0x748: {  	s1 =	sor.u32 s26, s20;
	[tilespmem:s16+$0x0] =	vst v11;
	v6 =	vperm.xlane v34, v2  }
0x749: {  	s0 =	sor.u32 s6, s14;
	v11 =	vld [tilespmem:$0xC80];
	[tilespmem:s1+$0x0] =	vst v4;
	v36 =	vperm.xlane v35, v5  }
0x74a: {  	s7 =	sor.u32 s19, s20;
	[tilespmem:s0+$0x0] =	vst v6;
	v37 =	vld [tilespmem:$0xC80]  }
0x74b: {  	v38 =	vld [tilespmem:$0xC80];
	[tilespmem:s7+$0x0] =	vst v36  }
0x74c: {  	v39 =	vld [tilespmem:$0xC80];
	_ =	sdelay $0x1  }
0x74d: {  	s9 =	sor.u32 $0xE080, s24;
	v11 =	vperm.xlane v11, v1  }
0x74e: {  	s14 =	sor.u32 $0xE080, s21;
	s12 =	sor.u32 s10, s9;
	v6 =	vperm.xlane v37, v3  }
0x74f: {  	s16 =	sor.u32 s26, s14;
	[tilespmem:s12+$0x0] =	vst v11;
	v4 =	vperm.xlane v38, v2  }
0x750: {  	s0 =	sor.u32 s6, s9;
	v11 =	vld [tilespmem:$0xD00];
	[tilespmem:s16+$0x0] =	vst v6;
	v40 =	vperm.xlane v39, v5  }
0x751: {  	s20 =	sor.u32 s19, s14;
	[tilespmem:s0+$0x0] =	vst v4;
	v41 =	vld [tilespmem:$0xD00]  }
0x752: {  	v42 =	vld [tilespmem:$0xD00];
	[tilespmem:s20+$0x0] =	vst v40  }
0x753: {  	v43 =	vld [tilespmem:$0xD00];
	_ =	sdelay $0x1  }
0x754: {  	s1 =	sor.u32 $0xE100, s24;
	v11 =	vperm.xlane v11, v1  }
0x755: {  	s3 =	sor.u32 s10, s1;
	s7 =	sor.u32 $0xE100, s21;
	v4 =	vperm.xlane v41, v3  }
0x756: {  	s9 =	sor.u32 s26, s7;
	[tilespmem:s3+$0x0] =	vst v11;
	v6 =	vperm.xlane v42, v2  }
0x757: {  	s0 =	sor.u32 s6, s1;
	v11 =	vld [tilespmem:$0xD80];
	[tilespmem:s9+$0x0] =	vst v4;
	v44 =	vperm.xlane v43, v5  }
0x758: {  	s12 =	sor.u32 s19, s7;
	[tilespmem:s0+$0x0] =	vst v6;
	v45 =	vld [tilespmem:$0xD80]  }
0x759: {  	v46 =	vld [tilespmem:$0xD80];
	[tilespmem:s12+$0x0] =	vst v44  }
0x75a: {  	v47 =	vld [tilespmem:$0xD80];
	_ =	sdelay $0x1  }
0x75b: {  	s14 =	sor.u32 $0xE180, s24;
	v11 =	vperm.xlane v11, v1  }
0x75c: {  	s16 =	sor.u32 s10, s14;
	s20 =	sor.u32 $0xE180, s21;
	v6 =	vperm.xlane v45, v3  }
0x75d: {  	s1 =	sor.u32 s26, s20;
	[tilespmem:s16+$0x0] =	vst v11;
	v4 =	vperm.xlane v46, v2  }
0x75e: {  	s0 =	sor.u32 s6, s14;
	v11 =	vld [tilespmem:$0xE00];
	[tilespmem:s1+$0x0] =	vst v6;
	v48 =	vperm.xlane v47, v5  }
0x75f: {  	s7 =	sor.u32 s19, s20;
	[tilespmem:s0+$0x0] =	vst v4;
	v49 =	vld [tilespmem:$0xE00]  }
0x760: {  	v50 =	vld [tilespmem:$0xE00];
	[tilespmem:s7+$0x0] =	vst v48  }
0x761: {  	v51 =	vld [tilespmem:$0xE00];
	_ =	sdelay $0x1  }
0x762: {  	s9 =	sor.u32 $0xE200, s24;
	v11 =	vperm.xlane v11, v1  }
0x763: {  	s14 =	sor.u32 $0xE200, s21;
	s12 =	sor.u32 s10, s9;
	v4 =	vperm.xlane v49, v3  }
0x764: {  	s16 =	sor.u32 s26, s14;
	[tilespmem:s12+$0x0] =	vst v11;
	v6 =	vperm.xlane v50, v2  }
0x765: {  	s0 =	sor.u32 s6, s9;
	v11 =	vld [tilespmem:$0xE80];
	[tilespmem:s16+$0x0] =	vst v4;
	v52 =	vperm.xlane v51, v5  }
0x766: {  	s20 =	sor.u32 s19, s14;
	[tilespmem:s0+$0x0] =	vst v6;
	v53 =	vld [tilespmem:$0xE80]  }
0x767: {  	v54 =	vld [tilespmem:$0xE80];
	[tilespmem:s20+$0x0] =	vst v52  }
0x768: {  	v55 =	vld [tilespmem:$0xE80];
	_ =	sdelay $0x1  }
0x769: {  	s1 =	sor.u32 $0xE280, s24;
	v11 =	vperm.xlane v11, v1  }
0x76a: {  	s9 =	sor.u32 $0xE280, s21;
	s7 =	sor.u32 s10, s1;
	v6 =	vperm.xlane v53, v3  }
0x76b: {  	s12 =	sor.u32 s26, s9;
	[tilespmem:s7+$0x0] =	vst v11;
	v4 =	vperm.xlane v54, v2  }
0x76c: {  	s0 =	sor.u32 s6, s1;
	[tilespmem:s12+$0x0] =	vst v6;
	v56 =	vperm.xlane v55, v5  }
0x76d: {  	s14 =	sor.u32 s19, s9;
	v11 =	vld [tilespmem:$0xF00];
	[tilespmem:s0+$0x0] =	vst v4  }
0x76e: {  	[tilespmem:s14+$0x0] =	vst v56  }
0x76f: {  	v57 =	vld [tilespmem:$0xF00];
	s0 =	sld [smem:$0x787]  }
0x770: {  	v58 =	vld [tilespmem:$0xF00]  }
0x771: {  	s2 =	sor.u32 $0xF180, s30;
	v59 =	vld [tilespmem:$0xF00]  }
0x772: {  	s16 =	sor.u32 s31, s2;
	s20 =	sor.u32 $0xE300, s24;
	v60 =	vperm.xlane v11, v1;
	[tilespmem:s0+$0x0] =	vst v7  }
0x773: {  	v9 =	vperm.xlane v9, v0;
	s7 =	sor.u32 s10, s20;
	s1 =	rddreg [dreg:$0xd];
	[tilespmem:s16+$0x0] =	vst v10  }
0x774: {  	s12 =	sor.u32 $0xE300, s21;
	v4 =	vperm.xlane v57, v3;
	s9 =	rddreg [dreg:$0x1f];
	[tilespmem:s7+$0x0] =	vst v60  }
0x775: {  	s17 =	smov.u32 s6;
	v6 =	vperm.xlane v58, v2;
	s14 =	sor.u32 s26, s12;
	[tilespmem:s5+$0x0] =	vst v9  }
0x776: {  	s3 =	sor.u32 s17, s20;
	[tilespmem:s14+$0x0] =	vst v4;
	v63 =	vperm.xlane v59, v5  }
0x777: {  	s0 =	sor.u32 s19, s12;
	[tilespmem:s3+$0x0] =	vst v6  }
0x778: {  	v61 =	vld [tilespmem:s1+$0x3000];
	[tilespmem:s0+$0x0] =	vst v63  }
0x779: {  	v10 =	vld [tilespmem:s9+$0x3000];
	s0 =	sld [smem:$0x78C]  }
0x77a: {  	v7 =	vld [tilespmem:$0xF80]  }
0x77b: {  	v62 =	vld [tilespmem:$0xF80]  }
0x77c: {  	v12 =	vld [tilespmem:$0xF80];
	[tilespmem:s0+$0x0] =	vst v8  }
0x77d: {  	s7 =	sor.u32 $0xF200, s30;
	v13 =	vld [tilespmem:$0xF80];
	s0 =	sld [smem:$0x789]  }
0x77e: {  	s16 =	sor.u32 s31, s7;
	v14 =	vld [tilespmem:$0xF80]  }
0x77f: {  	s20 =	sor.u32 $0xE380, s24;
	v15 =	vperm.xlane v7, v1;
	[tilespmem:s16+$0x0] =	vst v10  }
0x780: {  	s5 =	sor.u32 s10, s20;
	v16 =	vperm.xlane v62, v0;
	[tilespmem:s0+$0x0] =	vst v61  }
0x781: {  	s9 =	sor.u32 $0xE380, s21;
	v18 =	vperm.xlane v12, v3;
	s6 =	rddreg [dreg:$0x1b];
	[tilespmem:s5+$0x0] =	vst v15  }
0x782: {  	s12 =	sor.u32 s26, s9;
	v20 =	vperm.xlane v13, v2;
	[tilespmem:s18+$0x0] =	vst v16  }
0x783: {  	s3 =	sor.u32 s17, s20;
	v22 =	vperm.xlane v14, v5;
	v17 =	vld [tilespmem:s6+$0x3000];
	s5 =	rddreg [dreg:$0xf];
	[tilespmem:s12+$0x0] =	vst v18  }
0x784: {  	s0 =	sor.u32 s19, s9;
	v19 =	vld [tilespmem:s5+$0x3100];
	s12 =	rddreg [dreg:$0x5];
	[tilespmem:s3+$0x0] =	vst v20  }
0x785: {  	[tilespmem:s0+$0x0] =	vst v22;
	v21 =	vld [tilespmem:s12+$0x3100]  }
0x786: {  	s9 =	sor.u32 $0xF280, s30;
	v23 =	vld [tilespmem:s23+$0x3100];
	s16 =	rddreg [dreg:$0x11]  }
0x787: {  	s14 =	sor.u32 s31, s9;
	s3 =	sor.u32 $0xF000, s24;
	v24 =	vld [tilespmem:s16+$0x3100]  }
0x788: {  	s18 =	sor.u32 s10, s3;
	[tilespmem:s14+$0x0] =	vst v17  }
0x789: {  	s20 =	sor.u32 $0xF000, s21;
	v25 =	vld [tilespmem:s22+$0x3100];
	[tilespmem:s18+$0x0] =	vst v19  }
0x78a: {  	s6 =	sor.u32 s26, s20;
	v26 =	vld [tilespmem:s13+$0x4000];
	[tilespmem:s4+$0x0] =	vst v21  }
0x78b: {  	s3 =	sor.u32 s17, s3;
	v27 =	vld [tilespmem:s5+$0x3180];
	s14 =	rddreg [dreg:$0x13];
	[tilespmem:s6+$0x0] =	vst v23  }
0x78c: {  	[tilespmem:s3+$0x0] =	vst v24  }
0x78d: {  	s1 =	sor.u32 $0xF300, s30;
	s0 =	sor.u32 s19, s20;
	s3 =	sld [smem:$0x754]  }
0x78e: {  	s20 =	sor.u32 $0xF080, s24;
	s18 =	sor.u32 s31, s1;
	v2 =	vld [tilespmem:s23+$0x3180];
	[tilespmem:s0+$0x0] =	vst v25  }
0x78f: {  	s4 =	sor.u32 s10, s20;
	v28 =	vld [tilespmem:s14+$0x3000];
	[tilespmem:s18+$0x0] =	vst v26  }
0x790: {  	v3 =	vld [tilespmem:s3+$0x3000];
	s0 =	sld [smem:$0x76F];
	[tilespmem:s4+$0x0] =	vst v27  }
0x791: {  	s6 =	sor.u32 $0xF080, s21;
	v30 =	vld [tilespmem:s13+$0x4080];
	s4 =	sld [smem:$0x797]  }
0x792: {  	s14 =	sor.u32 s26, s6;
	v31 =	vld [tilespmem:s5+$0x3200]  }
0x793: {  	[tilespmem:s14+$0x0] =	vst v2;
	v29 =	vld [tilespmem:s0+$0x3000]  }
0x794: {  	s3 =	sor.u32 s17, s20;
	[tilespmem:s4+$0x0] =	vst v28;
	s4 =	sor.u32 $0xF380, s30  }
0x795: {  	s20 =	sor.u32 $0xF100, s24;
	[tilespmem:s3+$0x0] =	vst v3;
	s18 =	sor.u32 s31, s4  }
0x796: {  	s0 =	sor.u32 s19, s6;
	s6 =	sor.u32 s10, s20;
	[tilespmem:s18+$0x0] =	vst v30  }
0x797: {  	v32 =	vld [tilespmem:s12+$0x3200];
	[tilespmem:s6+$0x0] =	vst v31  }
0x798: {  	v34 =	vld [tilespmem:s16+$0x3200];
	[tilespmem:s0+$0x0] =	vst v29  }
0x799: {  	v33 =	vld [tilespmem:s23+$0x3200];
	s6 =	sld [smem:$0x798]  }
0x79a: {  	v36 =	vld [tilespmem:s13+$0x4100]  }
0x79b: {  	v35 =	vld [tilespmem:s22+$0x3200]  }
0x79c: {  	s14 =	sor.u32 $0xF100, s21;
	s3 =	sor.u32 s17, s20;
	v37 =	vld [tilespmem:s5+$0x3280];
	[tilespmem:s6+$0x0] =	vst v32  }
0x79d: {  	s18 =	sor.u32 s26, s14;
	[tilespmem:s3+$0x0] =	vst v34;
	s3 =	sor.u32 $0x10000, s30;
	v38 =	vld [tilespmem:s12+$0x3280]  }
0x79e: {  	[tilespmem:s18+$0x0] =	vst v33;
	s20 =	sor.u32 s31, s3  }
0x79f: {  	s0 =	sor.u32 s19, s14;
	v39 =	vld [tilespmem:s23+$0x3280];
	s6 =	sor.u32 $0xF180, s24;
	[tilespmem:s20+$0x0] =	vst v36  }
0x7a0: {  	v40 =	vld [tilespmem:s16+$0x3280];
	s14 =	sor.u32 s10, s6;
	[tilespmem:s0+$0x0] =	vst v35  }
0x7a1: {  	s18 =	sor.u32 s28, s2;
	[tilespmem:s14+$0x0] =	vst v37  }
0x7a2: {  	s2 =	sor.u32 $0xF180, s21;
	v41 =	vld [tilespmem:s22+$0x3280];
	[tilespmem:s18+$0x0] =	vst v38  }
0x7a3: {  	s20 =	sor.u32 s26, s2;
	v42 =	vld [tilespmem:s13+$0x4180];
	s0 =	sld [smem:$0x758]  }
0x7a4: {  	s14 =	sor.u32 s17, s6;
	s18 =	rddreg [dreg:$0x17];
	[tilespmem:s20+$0x0] =	vst v39  }
0x7a5: {  	[tilespmem:s14+$0x0] =	vst v40;
	v5 =	vld [tilespmem:s18+$0x3000]  }
0x7a6: {  	s18 =	sor.u32 s19, s2;
	s2 =	sor.u32 $0x10080, s30;
	v43 =	vld [tilespmem:s0+$0x3000];
	s0 =	sld [smem:$0x77A]  }
0x7a7: {  	s20 =	sld [smem:$0x75D];
	s14 =	sor.u32 s31, s2;
	[tilespmem:s18+$0x0] =	vst v41  }
0x7a8: {  	[tilespmem:s14+$0x0] =	vst v42  }
0x7a9: {  	v0 =	vld [tilespmem:s0+$0x3000];
	s0 =	sld [smem:$0x77E];
	_ =	sdelay $0x1  }
0x7aa: {  	s6 =	sor.u32 $0xF200, s24;
	v1 =	vld [tilespmem:s20+$0x3000];
	s20 =	sor.u32 s28, s7  }
0x7ab: {  	s18 =	sor.u32 s10, s6;
	[tilespmem:s20+$0x0] =	vst v5;
	v44 =	vld [tilespmem:s0+$0x3000]  }
0x7ac: {  	v45 =	vld [tilespmem:s13+$0x4200];
	s7 =	sor.u32 $0xF200, s21;
	[tilespmem:s18+$0x0] =	vst v43  }
0x7ad: {  	s14 =	sor.u32 s26, s7;
	s0 =	sld [smem:$0x75C]  }
0x7ae: {  	s6 =	sor.u32 s17, s6;
	s20 =	rddreg [dreg:$0x15];
	[tilespmem:s14+$0x0] =	vst v0  }
0x7af: {  	[tilespmem:s6+$0x0] =	vst v1;
	v0 =	vld [tilespmem:s8+$0x3000];
	s8 =	sor.u32 s19, s7;
	s7 =	sor.u32 $0x10100, s30  }
0x7b0: {  	v5 =	vld [tilespmem:s20+$0x3000];
	s14 =	sld [smem:$0x75F];
	s18 =	sor.u32 s31, s7;
	[tilespmem:s8+$0x0] =	vst v44  }
0x7b1: {  	v46 =	vld [tilespmem:s0+$0x3000];
	[tilespmem:s18+$0x0] =	vst v45  }
0x7b2: {  	s0 =	sld [smem:$0x782]  }
0x7b3: {  	v1 =	vld [tilespmem:s14+$0x3000]  }
0x7b4: {  	s9 =	sor.u32 s28, s9;
	s20 =	sor.u32 $0xF280, s24;
	v3 =	vld [tilespmem:s13+$0x4280]  }
0x7b5: {  	s8 =	sor.u32 s10, s20;
	s13 =	sor.u32 $0xF280, s21;
	[tilespmem:s9+$0x0] =	vst v5;
	v2 =	vld [tilespmem:s0+$0x3000]  }
0x7b6: {  	s14 =	sor.u32 s26, s13;
	[tilespmem:s8+$0x0] =	vst v46  }
0x7b7: {  	s18 =	sor.u32 s17, s20;
	[tilespmem:s14+$0x0] =	vst v0;
	s0 =	sor.u32 $0x10180, s30  }
0x7b8: {  	s8 =	sor.u32 s31, s0;
	[tilespmem:s18+$0x0] =	vst v1  }
0x7b9: {  	s20 =	sor.u32 s19, s13;
	v4 =	vld [tilespmem:s5+$0x4000];
	[tilespmem:s8+$0x0] =	vst v3  }
0x7ba: {  	v47 =	vld [tilespmem:s12+$0x4000];
	[tilespmem:s20+$0x0] =	vst v2  }
0x7bb: {  	v48 =	vld [tilespmem:s23+$0x4000];
	s14 =	sld [smem:$0x751]  }
0x7bc: {  	s9 =	sor.u32 $0xF300, s24;
	v49 =	vld [tilespmem:s16+$0x4000]  }
0x7bd: {  	s13 =	sor.u32 s10, s9;
	v50 =	vld [tilespmem:s22+$0x4000]  }
0x7be: {  	s18 =	sor.u32 s28, s1;
	s20 =	sor.u32 $0xF300, s21;
	[tilespmem:s13+$0x0] =	vst v4;
	v51 =	vld [tilespmem:s14+$0x3000]  }
0x7bf: {  	[tilespmem:s18+$0x0] =	vst v47;
	s1 =	sor.u32 s26, s20  }
0x7c0: {  	s9 =	sor.u32 s17, s9;
	[tilespmem:s1+$0x0] =	vst v48  }
0x7c1: {  	s8 =	sor.u32 $0x10200, s30;
	s13 =	sor.u32 s19, s20;
	[tilespmem:s9+$0x0] =	vst v49  }
0x7c2: {  	v52 =	vld [tilespmem:s5+$0x4080];
	s14 =	sor.u32 s31, s8;
	[tilespmem:s13+$0x0] =	vst v50  }
0x7c3: {  	v53 =	vld [tilespmem:s12+$0x4080];
	[tilespmem:s14+$0x0] =	vst v51  }
0x7c4: {  	v54 =	vld [tilespmem:s23+$0x4080];
	s20 =	sld [smem:$0x753]  }
0x7c5: {  	s9 =	sor.u32 $0xF380, s24;
	v55 =	vld [tilespmem:s16+$0x4080]  }
0x7c6: {  	s18 =	sor.u32 s10, s9;
	v56 =	vld [tilespmem:s22+$0x4080]  }
0x7c7: {  	s4 =	sor.u32 s28, s4;
	s13 =	sor.u32 $0xF380, s21;
	[tilespmem:s18+$0x0] =	vst v52;
	v5 =	vld [tilespmem:s20+$0x3000]  }
0x7c8: {  	s14 =	sor.u32 s26, s13;
	[tilespmem:s4+$0x0] =	vst v53;
	v0 =	vld [tilespmem:s5+$0x4100]  }
0x7c9: {  	[tilespmem:s14+$0x0] =	vst v54;
	s18 =	sor.u32 s17, s9;
	v1 =	vld [tilespmem:s12+$0x4100]  }
0x7ca: {  	s6 =	sor.u32 s19, s13;
	s4 =	sor.u32 $0x10280, s30;
	[tilespmem:s18+$0x0] =	vst v55;
	v2 =	vld [tilespmem:s23+$0x4100]  }
0x7cb: {  	s30 =	sor.u32 $0x10000, s24;
	[tilespmem:s6+$0x0] =	vst v56;
	v3 =	vld [tilespmem:s16+$0x4100];
	s20 =	sor.u32 s31, s4  }
0x7cc: {  	v4 =	vld [tilespmem:s22+$0x4100];
	s31 =	sor.u32 s10, s30;
	[tilespmem:s20+$0x0] =	vst v5  }
0x7cd: {  	s3 =	sor.u32 s28, s3;
	s14 =	sor.u32 $0x10000, s21;
	s13 =	rddreg [dreg:$0x7];
	[tilespmem:s31+$0x0] =	vst v0  }
0x7ce: {  	s18 =	sor.u32 s26, s14;
	[tilespmem:s3+$0x0] =	vst v1  }
0x7cf: {  	s30 =	sor.u32 s17, s30;
	s20 =	rddreg [dreg:$0x19];
	[tilespmem:s18+$0x0] =	vst v2  }
0x7d0: {  	s31 =	sor.u32 s19, s14;
	v57 =	vld [tilespmem:s13+$0x3000];
	[tilespmem:s30+$0x0] =	vst v3  }
0x7d1: {  	v0 =	vld [tilespmem:s5+$0x4180];
	s6 =	sld [smem:$0x769];
	[tilespmem:s31+$0x0] =	vst v4  }
0x7d2: {  	v1 =	vld [tilespmem:s20+$0x3000];
	s13 =	sld [smem:$0x78E]  }
0x7d3: {  	v2 =	vld [tilespmem:s23+$0x4180]  }
0x7d4: {  	s9 =	sor.u32 $0x10080, s24;
	v4 =	vld [tilespmem:s15+$0x3000]  }
0x7d5: {  	s14 =	sor.u32 s10, s9;
	v3 =	vld [tilespmem:s6+$0x3000];
	[tilespmem:s13+$0x0] =	vst v57  }
0x7d6: {  	s2 =	sor.u32 s28, s2;
	s15 =	sor.u32 $0x10080, s21;
	[tilespmem:s14+$0x0] =	vst v0  }
0x7d7: {  	s18 =	sor.u32 s26, s15;
	[tilespmem:s2+$0x0] =	vst v1;
	v59 =	vld [tilespmem:s5+$0x4200]  }
0x7d8: {  	s30 =	sor.u32 s19, s15;
	[tilespmem:s18+$0x0] =	vst v2;
	v60 =	vld [tilespmem:s12+$0x4200]  }
0x7d9: {  	s20 =	sor.u32 s17, s9;
	v58 =	vld [tilespmem:s11+$0x4200];
	[tilespmem:s30+$0x0] =	vst v4  }
0x7da: {  	s31 =	sor.u32 $0x10100, s24;
	v63 =	vld [tilespmem:s22+$0x4200];
	[tilespmem:s20+$0x0] =	vst v3  }
0x7db: {  	s6 =	sor.u32 s10, s31;
	v61 =	vld [tilespmem:s23+$0x4200];
	s1 =	sld [smem:$0x78F]  }
0x7dc: {  	s7 =	sor.u32 s28, s7;
	v62 =	vld [tilespmem:s16+$0x4200];
	[tilespmem:s6+$0x0] =	vst v59  }
0x7dd: {  	s9 =	sor.u32 $0x10100, s21;
	[tilespmem:s7+$0x0] =	vst v60  }
0x7de: {  	s13 =	sor.u32 s19, s9;
	[tilespmem:s1+$0x0] =	vst v58  }
0x7df: {  	[tilespmem:s13+$0x0] =	vst v63;
	v5 =	vld [tilespmem:s11+$0x4280];
	s11 =	sor.u32 s26, s9  }
0x7e0: {  	s2 =	sor.u32 s17, s31;
	[tilespmem:s11+$0x0] =	vst v61  }
0x7e1: {  	v1 =	vld [tilespmem:s5+$0x4280];
	[tilespmem:s2+$0x0] =	vst v62  }
0x7e2: {  	v2 =	vld [tilespmem:s12+$0x4280];
	s2 =	sld [smem:$0x790]  }
0x7e3: {  	v3 =	vld [tilespmem:s23+$0x4280]  }
0x7e4: {  	s14 =	sor.u32 $0x10180, s24;
	v4 =	vld [tilespmem:s16+$0x4280]  }
0x7e5: {  	s15 =	sor.u32 s10, s14;
	v0 =	vld [tilespmem:s22+$0x4280];
	[tilespmem:s2+$0x0] =	vst v5  }
0x7e6: {  	s0 =	sor.u32 s28, s0;
	s16 =	sor.u32 $0x10180, s21;
	s3 =	rddreg [dreg:$0x9];
	[tilespmem:s15+$0x0] =	vst v1  }
0x7e7: {  	s20 =	sor.u32 s26, s16;
	s18 =	sld [smem:$0x76C];
	[tilespmem:s0+$0x0] =	vst v2  }
0x7e8: {  	s23 =	sor.u32 s17, s14;
	v5 =	vld [tilespmem:s3+$0x3000];
	s22 =	rddreg [dreg:$0x1d];
	[tilespmem:s20+$0x0] =	vst v3  }
0x7e9: {  	[tilespmem:s23+$0x0] =	vst v4;
	v3 =	vld [tilespmem:s29+$0x3000];
	s29 =	sor.u32 s19, s16  }
0x7ea: {  	s30 =	sld [smem:$0x770];
	[tilespmem:s29+$0x0] =	vst v0  }
0x7eb: {  	s5 =	sld [smem:$0x792];
	_ =	sdelay $0x2  }
0x7ec: {  	v1 =	vld [tilespmem:s18+$0x3000];
	[tilespmem:s5+$0x0] =	vst v5  }
0x7ed: {  	v2 =	vld [tilespmem:s22+$0x3000];
	s1 =	sld [smem:$0x749];
	_ =	sdelay $0x1  }
0x7ee: {  	s31 =	sor.u32 $0x10200, s24;
	v4 =	vld [tilespmem:s30+$0x3000]  }
0x7ef: {  	s6 =	sor.u32 s10, s31;
	v0 =	vld [tilespmem:s1+$0x3000]  }
0x7f0: {  	s9 =	sor.u32 s28, s8;
	s11 =	sor.u32 $0x10200, s21;
	s7 =	rddreg [dreg:$0xb];
	[tilespmem:s6+$0x0] =	vst v1  }
0x7f1: {  	s13 =	sor.u32 s26, s11;
	s12 =	sld [smem:$0x76E];
	[tilespmem:s9+$0x0] =	vst v2  }
0x7f2: {  	s0 =	sor.u32 s17, s31;
	s14 =	sld [smem:$0x75A];
	[tilespmem:s13+$0x0] =	vst v3  }
0x7f3: {  	s15 =	sor.u32 s19, s11;
	v5 =	vld [tilespmem:s7+$0x3000];
	[tilespmem:s0+$0x0] =	vst v4  }
0x7f4: {  	s16 =	sld [smem:$0x774];
	v1 =	vld [tilespmem:s12+$0x3000];
	[tilespmem:s15+$0x0] =	vst v0  }
0x7f5: {  	v2 =	vld [tilespmem:s14+$0x3000];
	s20 =	sld [smem:$0x793]  }
0x7f6: {  	v3 =	vld [tilespmem:s25+$0x3000]  }
0x7f7: {  	s18 =	sor.u32 $0x10280, s24;
	v4 =	vld [tilespmem:s16+$0x3000]  }
0x7f8: {  	s22 =	sor.u32 s10, s18;
	[tilespmem:s20+$0x0] =	vst v5  }
0x7f9: {  	s23 =	sor.u32 s28, s4;
	s24 =	sor.u32 $0x10280, s21;
	s1 =	sld [smem:$0x746];
	[tilespmem:s22+$0x0] =	vst v1  }
0x7fa: {  	s25 =	sor.u32 s26, s24;
	[tilespmem:s23+$0x0] =	vst v2  }
0x7fb: {  	s0 =	sor.u32 s17, s18;
	[tilespmem:s25+$0x0] =	vst v3  }
0x7fc: {  	[tilespmem:s0+$0x0] =	vst v4;
	v0 =	vld [tilespmem:s1+$0x3000]  }
0x7fd: {  	s0 =	sld [smem:$0x74C];
	_ =	sdelay $0x1  }
0x7fe: {  	s28 =	simm.s32 $0xC35000  }
0x7ff: {  	s26 =	rddreg [dreg:$0x2];
	s1 =	sor.u32 s19, s24;
	s0 =	sshll.u32 s0, $0x9  }
0x800: {  	s29 =	simm.s32 $0x1000;
	s30 =	simm.s32 $0xB000;
	s0 =	sadd.s32 s26, s0;
	[tilespmem:s1+$0x0] =	vst v0  }
0x801: {  	[hbm4b:s0+s29] =	stream.strided.scatter [tilespmem:s30], [sflag:$0x4], $0x6000, s28, s29, $0x38;
	[tilespmem:$0x11000] =	vst v63  }
0x802: {  	s31 =	sld [smem:$0x7F3]  }
0x803: {  	s0 =	sld [smem:$0x7FC]  }
0x804: {  	s1 =	sld [smem:$0x74D]  }
.Ltmp7:
0x805: {  	_ = 	snop;
	(pc) =	sbr.rel .LBB2_8-.Ltmp7, $4  }
0x806: {  	p0 =	sgt.u32 s31, $0xBD4  }
0x807: {  	s0 =	sadd.s32 @!p0 s1, s0  }
0x808: {  	s1 =	simm.s32 @!p0 $0x1000;
	s2 =	simm.s32 @!p0 $0xC35000;
	s3 =	simm.s32 @!p0 $0x3000  }
0x809: {  	[tilespmem:s3], [sflag:$0x2] =	stream.strided.gather @!p0 [hbm4b:s0+s1], $0x2000, s2, s1, $0x38;
	[tilespmem:$0x11000] =	vst v63  }
.LBB2_10:
0x80a: {  	_ =	sfence.sel $0x180000  }
0x80b: {  	[bflag:$0x0] =	sbarrier.arrive $0xFFFF  }
0x80c: {  	_ =	strace $0x90000047  }
0x80d: {  	s0 =	stileid.u32;
	[bflag:$0x2] =	sbarrier.arrive $0xFFFF  }
0x80e: {  	p0 =	sne.s32 s0, $0x0;
	s0 =	rddreg [dreg:$0x3]  }
0x80f: {  	s0 =	sadd.s32 @!p0 $0x100000, s0  }
0x810: {  	[sflag:s0] =	ssyncadd.tile.s32 @!p0 $0x1;
	_ =	shalt  }
.Lfunc_end2:
_tile_overlayer_lowered:
.L_overlay_start_2:
0x811: {  	(tag) =	ssettag $0x2  }
0x812: {  	s0 =	rddreg [dreg:$0x0];
	s2 =	stileid.u32  }
0x813: {  	s1 =	rddreg [dreg:$0x1];
	p0 =	sne.s32 s2, $0x0  }
0x814: {  	s3 =	rddreg [dreg:$0x2];
	[bflag:$0x3] =	sbarrier.arrive $0xFFFF;
	s2 =	simm.s32 @!p0 $0x1C05  }
0x815: {  	[timem:s3], [sflag:s2] =	dma.local @!p0 [hbm:s0], s1  }
0x816: {  	s0 =	simm.s32 @!p0 $0x5  }
0x817: {  	_ =	swait.ge @!p0 [sflag:s0], s1  }
0x818: {  	s1 =	ssub.s32 @!p0 $0x0, s1;
	[sflag:s0] =	ssyncset.done @!p0 $0x0  }
0x819: {  	[sflag:s0] =	ssyncadd.s32 @!p0 s1  }
0x81a: {  	[bflag:$0x3] =	sbarrier.arrive $0xFFFF  }
0x81b: {  	_ =	shalt  }

</sc_bundles>
